<compile_context>
chip_gen: v7x
topology: tpu7x:2x2x1
jax: 0.10.2.dev20260603
libtpu: 0.0.44.dev20260713+nightly
codegen_flags: <defaults>
</compile_context>

<pallas_src>
import functools

import jax
import jax.numpy as jnp
from jax import lax
from jax.experimental import pallas as pl
from jax.experimental.pallas import tpu as pltpu
from jax.experimental.pallas import tpu_sc as plsc

N_NODES = 10000
N_EDGES = 320000
NC, NS = 2, 16
NW = NC * NS
LANES = 16

R_MAIN = 624
R_LAST = N_NODES - R_MAIN * (NS - 1)
EDGES_PER_TILE = N_EDGES // NW
K_CHUNK = 128
N_FULL = EDGES_PER_TILE // K_CHUNK
K_TAIL = EDGES_PER_TILE - N_FULL * K_CHUNK


def _sc_mesh():
    return plsc.VectorSubcoreMesh(
        core_axis_name="c", subcore_axis_name="s",
        num_cores=NC, num_subcores=NS)


def _make_deg_kernel():
    CH = 2000
    NCH = EDGES_PER_TILE // CH

    @functools.partial(
        pl.kernel,
        out_type=jax.ShapeDtypeStruct((NW, N_NODES), jnp.float32),
        mesh=_sc_mesh(),
        compiler_params=pltpu.CompilerParams(needs_layout_passes=False),
        scratch_types=[
            pltpu.VMEM((N_NODES,), jnp.float32),
            pltpu.VMEM((CH,), jnp.int32),
        ],
    )
    def deg_kernel(ei_hbm, degp_hbm, deg_v, idx_v):
        cid = lax.axis_index("c")
        sid = lax.axis_index("s")
        wid = cid * NS + sid

        def zero_body(j, carry):
            deg_v[pl.ds(j * LANES, LANES)] = jnp.zeros((LANES,), jnp.float32)
            return carry
        lax.fori_loop(0, N_NODES // LANES, zero_body, 0)

        base0 = wid * EDGES_PER_TILE
        ones = jnp.ones((LANES,), jnp.float32)

        def ch_body(c, carry):
            pltpu.sync_copy(ei_hbm.at[pl.ds(N_EDGES + base0 + c * CH, CH)], idx_v)

            def v_body(j, inner):
                v = idx_v[pl.ds(j * LANES, LANES)]
                plsc.addupdate_scatter(deg_v, [v], ones)
                return inner
            lax.fori_loop(0, CH // LANES, v_body, 0)
            return carry
        lax.fori_loop(0, NCH, ch_body, 0)

        pltpu.sync_copy(deg_v, degp_hbm.at[wid])

    return deg_kernel


def _make_scatter_kernel(F):
    K = K_CHUNK
    CPT = 78
    E_MAIN = NW * CPT * K
    XCH = (N_EDGES - E_MAIN) // K

    @functools.partial(
        pl.kernel,
        out_type=jax.ShapeDtypeStruct((NC, N_NODES, F), jnp.float32),
        mesh=_sc_mesh(),
        compiler_params=pltpu.CompilerParams(
            needs_layout_passes=False,
            use_tc_tiling_on_sc=False),
        scratch_types=[
            pltpu.VMEM_SHARED((N_NODES, F), jnp.float32),
            pltpu.VMEM((3, K), jnp.int32),
            pltpu.VMEM((3, K), jnp.int32),
            pltpu.VMEM((3, K, F), jnp.float32),
            pltpu.SemaphoreType.DMA,
            pltpu.SemaphoreType.DMA,
            pltpu.SemaphoreType.DMA,
            pltpu.SemaphoreType.DMA,
            pltpu.SemaphoreType.DMA,
            pltpu.SemaphoreType.DMA,
            pltpu.SemaphoreType.DMA,
            pltpu.SemaphoreType.DMA,
            pltpu.SemaphoreType.DMA,
            pltpu.SemaphoreType.DMA,
            pltpu.SemaphoreType.DMA,
            pltpu.SemaphoreType.DMA,
        ],
    )
    def scatter_kernel(g_hbm, z_hbm, ei_hbm, out_hbm,
                       acc, sidx, didx, rows,
                       sg0, sg1, sg2, ss0, ss1, ss2,
                       si0, si1, si2, sd0, sd1, sd2):
        semg = (sg0, sg1, sg2)
        sems = (ss0, ss1, ss2)
        semis = (si0, si1, si2)
        semid = (sd0, sd1, sd2)
        cid = lax.axis_index("c")
        sid = lax.axis_index("s")
        wid = cid * NS + sid
        base0 = wid * (CPT * K)

        def striped(fn):
            @pl.when(sid < NS - 1)
            def _():
                fn(sid * R_MAIN, R_MAIN)

            @pl.when(sid == NS - 1)
            def _():
                fn((NS - 1) * R_MAIN, R_LAST)

        def init_stripe(off, size):
            @pl.when(cid == 0)
            def _():
                pltpu.sync_copy(g_hbm.at[pl.ds(off, size)],
                                acc.at[pl.ds(off, size)])

            @pl.when(cid != 0)
            def _():
                pltpu.sync_copy(z_hbm.at[pl.ds(off, size)],
                                acc.at[pl.ds(off, size)])

        striped(init_stripe)

        def istart_s(j, b):
            pltpu.async_copy(ei_hbm.at[pl.ds(base0 + j * K, K)],
                             sidx.at[b], semis[b])

        def iwait_s(j, b):
            pltpu.make_async_copy(ei_hbm.at[pl.ds(base0 + j * K, K)],
                                  sidx.at[b], semis[b]).wait()

        def istart_d(j, b):
            pltpu.async_copy(ei_hbm.at[pl.ds(N_EDGES + base0 + j * K, K)],
                             didx.at[b], semid[b])

        def iwait_d(j, b):
            pltpu.make_async_copy(ei_hbm.at[pl.ds(N_EDGES + base0 + j * K, K)],
                                  didx.at[b], semid[b]).wait()

        def gstart(bi, br):
            pltpu.async_copy(g_hbm.at[sidx.at[bi]], rows.at[br], semg[br])

        def gwait(bi, br):
            pltpu.make_async_copy(g_hbm.at[sidx.at[bi]],
                                  rows.at[br], semg[br]).wait()

        def sstart(bi, br):
            pltpu.async_copy(rows.at[br], acc.at[didx.at[bi]],
                             sems[br], add=True)

        def swait(bi, br):
            pltpu.make_async_copy(rows.at[br], acc.at[didx.at[bi]],
                                  sems[br]).wait()

        plsc.subcore_barrier()

        for b in range(3):
            istart_s(b, b)
        for b in range(2):
            istart_d(b, b)
        iwait_s(0, 0)
        gstart(0, 0)
        iwait_s(1, 1)
        gstart(1, 1)

        def step(j, s3):
            gwait(s3, s3)
            iwait_d(j, s3)
            sstart(s3, s3)

            @pl.when(j >= 1)
            def _():
                swait((s3 + 2) % 3, (s3 + 2) % 3)

            @pl.when(j + 2 < CPT)
            def _():
                istart_d(j + 2, (s3 + 2) % 3)

            @pl.when(j + 3 < CPT)
            def _():
                istart_s(j + 3, s3)

            @pl.when(j + 2 < CPT)
            def _():
                iwait_s(j + 2, (s3 + 2) % 3)
                gstart((s3 + 2) % 3, (s3 + 2) % 3)

        def group(gi, carry):
            j0 = gi * 3
            for b in range(3):
                step(j0 + b, b)
            return carry
        lax.fori_loop(0, CPT // 3, group, 0)

        swait(2, 2)

        @pl.when(wid < XCH)
        def _():
            jx = (E_MAIN - base0) // K + wid
            istart_s(jx, 0)
            istart_d(jx, 0)
            iwait_s(jx, 0)
            iwait_d(jx, 0)
            pltpu.async_copy(g_hbm.at[sidx.at[0]], rows.at[0], semg[0]).wait()
            pltpu.sync_copy(rows.at[0], acc.at[didx.at[0]], add=True)

        plsc.subcore_barrier()

        def write_stripe(off, size):
            pltpu.sync_copy(acc.at[pl.ds(off, size)],
                            out_hbm.at[cid, pl.ds(off, size)])

        striped(write_stripe)

    return scatter_kernel


def _make_scatter16_kernel():
    F = 16
    K = 256
    CPT = 39
    E_MAIN = NW * CPT * K
    XCH = (N_EDGES - E_MAIN) // K

    @functools.partial(
        pl.kernel,
        out_type=jax.ShapeDtypeStruct((NC, N_NODES, F), jnp.float32),
        mesh=_sc_mesh(),
        compiler_params=pltpu.CompilerParams(
            needs_layout_passes=False,
            use_tc_tiling_on_sc=False),
        scratch_types=[
            pltpu.VMEM_SHARED((N_NODES, F), jnp.float32),
            pltpu.VMEM((CPT * K,), jnp.int32),
            pltpu.VMEM((CPT * K,), jnp.int32),
            pltpu.VMEM((K,), jnp.int32),
            pltpu.VMEM((K,), jnp.int32),
            pltpu.VMEM((3, K, F), jnp.float32),
            pltpu.SemaphoreType.DMA,
            pltpu.SemaphoreType.DMA,
            pltpu.SemaphoreType.DMA,
            pltpu.SemaphoreType.DMA,
            pltpu.SemaphoreType.DMA,
            pltpu.SemaphoreType.DMA,
            pltpu.SemaphoreType.DMA,
        ],
    )
    def scatter16_kernel(g_hbm, z_hbm, ei_hbm, out_hbm,
                         acc, sidx_all, didx_all, sidx_x, didx_x, rows,
                         sg0, sg1, sg2, ss0, ss1, ss2, six):
        semg = (sg0, sg1, sg2)
        sems = (ss0, ss1, ss2)
        cid = lax.axis_index("c")
        sid = lax.axis_index("s")
        wid = cid * NS + sid
        base0 = wid * (CPT * K)

        idx_s = pltpu.async_copy(ei_hbm.at[pl.ds(base0, CPT * K)],
                                 sidx_all, sg0)
        idx_d = pltpu.async_copy(ei_hbm.at[pl.ds(N_EDGES + base0, CPT * K)],
                                 didx_all, sg1)

        def striped(fn):
            @pl.when(sid < NS - 1)
            def _():
                fn(sid * R_MAIN, R_MAIN)

            @pl.when(sid == NS - 1)
            def _():
                fn((NS - 1) * R_MAIN, R_LAST)

        def init_stripe(off, size):
            @pl.when(cid == 0)
            def _():
                pltpu.sync_copy(g_hbm.at[pl.ds(off, size)],
                                acc.at[pl.ds(off, size)])

            @pl.when(cid != 0)
            def _():
                pltpu.sync_copy(z_hbm.at[pl.ds(off, size)],
                                acc.at[pl.ds(off, size)])

        striped(init_stripe)
        idx_s.wait()
        idx_d.wait()
        plsc.subcore_barrier()

        def gstart(j, br):
            pltpu.async_copy(g_hbm.at[sidx_all.at[pl.ds(j * K, K)]],
                             rows.at[br], semg[br])

        def gwait(j, br):
            pltpu.make_async_copy(g_hbm.at[sidx_all.at[pl.ds(j * K, K)]],
                                  rows.at[br], semg[br]).wait()

        def sstart(j, br):
            pltpu.async_copy(rows.at[br],
                             acc.at[didx_all.at[pl.ds(j * K, K)]],
                             sems[br], add=True)

        def swait(j, br):
            pltpu.make_async_copy(rows.at[br],
                                  acc.at[didx_all.at[pl.ds(j * K, K)]],
                                  sems[br]).wait()

        gstart(0, 0)
        gstart(1, 1)

        def step(j, s3):
            gwait(j, s3)
            sstart(j, s3)

            @pl.when(j >= 1)
            def _():
                swait(j - 1, (s3 + 2) % 3)

            @pl.when(j + 2 < CPT)
            def _():
                gstart(j + 2, (s3 + 2) % 3)

        def group(gi, carry):
            j0 = gi * 3
            for b in range(3):
                step(j0 + b, b)
            return carry
        lax.fori_loop(0, CPT // 3, group, 0)

        swait(CPT - 1, (CPT - 1) % 3)

        @pl.when(wid < XCH)
        def _():
            bx = E_MAIN + wid * K
            pltpu.sync_copy(ei_hbm.at[pl.ds(bx, K)], sidx_x)
            pltpu.sync_copy(ei_hbm.at[pl.ds(N_EDGES + bx, K)], didx_x)
            pltpu.async_copy(g_hbm.at[sidx_x], rows.at[0], six).wait()
            pltpu.sync_copy(rows.at[0], acc.at[didx_x], add=True)

        plsc.subcore_barrier()

        def write_stripe(off, size):
            pltpu.sync_copy(acc.at[pl.ds(off, size)],
                            out_hbm.at[cid, pl.ds(off, size)])

        striped(write_stripe)

    return scatter16_kernel


_RB = 2000
_NRB = N_NODES // _RB


def _dinv_body(degp_ref, dinv_ref):
    deg = jnp.sum(degp_ref[...], axis=0) + 1.0
    dinv_ref[...] = lax.rsqrt(deg)[:, None]


def _dinv_kernel(degp):
    return pl.pallas_call(
        _dinv_body,
        out_shape=jax.ShapeDtypeStruct((N_NODES, 1), jnp.float32),
        grid=(1,),
        in_specs=[pl.BlockSpec((NW, N_NODES), lambda i: (0, 0))],
        out_specs=pl.BlockSpec((N_NODES, 1), lambda i: (0, 0)),
    )(degp)


def _mm_first_body(x_ref, w_ref, dinv_ref, o_ref):
    dinv = dinv_ref[...]
    h = jnp.dot(x_ref[...], w_ref[...], preferred_element_type=jnp.float32)
    o_ref[...] = dinv * h


def _mm_first(x, W, dinv):
    return pl.pallas_call(
        _mm_first_body,
        out_shape=jax.ShapeDtypeStruct((N_NODES, W.shape[1]), jnp.float32),
        grid=(_NRB,),
        in_specs=[
            pl.BlockSpec((_RB, 128), lambda i: (i, 0)),
            pl.BlockSpec(W.shape, lambda i: (0, 0)),
            pl.BlockSpec((_RB, 1), lambda i: (i, 0)),
        ],
        out_specs=pl.BlockSpec((_RB, W.shape[1]), lambda i: (i, 0)),
    )(x, W, dinv)


def _mm_mid_body(p_ref, dinv_ref, b_ref, w_ref, o_ref):
    dinv = dinv_ref[...]
    s = p_ref[0] + p_ref[1]
    xin = jnp.maximum(dinv * s + b_ref[...], 0.0)
    h = jnp.dot(xin, w_ref[...], preferred_element_type=jnp.float32)
    o_ref[...] = dinv * h


def _mm_mid(p, dinv, b, W):
    Fo = W.shape[1]
    return pl.pallas_call(
        _mm_mid_body,
        out_shape=jax.ShapeDtypeStruct((N_NODES, Fo), jnp.float32),
        grid=(_NRB,),
        in_specs=[
            pl.BlockSpec((NC, _RB, 128), lambda i: (0, i, 0)),
            pl.BlockSpec((_RB, 1), lambda i: (i, 0)),
            pl.BlockSpec((1, 128), lambda i: (0, 0)),
            pl.BlockSpec(W.shape, lambda i: (0, 0)),
        ],
        out_specs=pl.BlockSpec((_RB, Fo), lambda i: (i, 0)),
    )(p, dinv, b, W)


def _final_body(p_ref, dinv_ref, b_ref, o_ref):
    dinv = dinv_ref[...]
    s = p_ref[0] + p_ref[1]
    o_ref[...] = jnp.maximum(dinv * s + b_ref[...], 0.0)


def _final(p, dinv, b3):
    Fo = p.shape[2]
    return pl.pallas_call(
        _final_body,
        out_shape=jax.ShapeDtypeStruct((N_NODES, Fo), jnp.float32),
        grid=(_NRB,),
        in_specs=[
            pl.BlockSpec((NC, _RB, Fo), lambda i: (0, i, 0)),
            pl.BlockSpec((_RB, 1), lambda i: (i, 0)),
            pl.BlockSpec((1, Fo), lambda i: (0, 0)),
        ],
        out_specs=pl.BlockSpec((_RB, Fo), lambda i: (i, 0)),
    )(p, dinv, b3)


def kernel(x, edge_index, W1, b1, W2, b2, W3, b3):
    ei = edge_index.astype(jnp.int32).reshape(-1)
    z128 = jnp.zeros((N_NODES, 128), jnp.float32)
    z16 = jnp.zeros((N_NODES, 16), jnp.float32)
    b1r = b1.reshape(1, 128)
    b2r = b2.reshape(1, 128)
    b3r = b3.reshape(1, 16)

    deg_k = _make_deg_kernel()
    scat128 = _make_scatter_kernel(128)
    scat16 = _make_scatter16_kernel()

    degp = deg_k(ei)
    dinv = _dinv_kernel(degp)

    g1 = _mm_first(x, W1, dinv)
    p1 = scat128(g1, z128, ei)
    g2 = _mm_mid(p1, dinv, b1r, W2)
    p2 = scat128(g2, z128, ei)
    g3 = _mm_mid(p2, dinv, b2r, W3)
    p3 = scat16(g3, z16, ei)
    return _final(p3, dinv, b3r)

# --- scband reference (transcript-rebuilt; emitter-appended) ---
"""Pipeline reference for scband-gcn-layer-18451179504149 (READ-ONLY COPY).

The authoritative reference and input builder live on the scoring server;
editing this copy changes nothing except your own understanding.
"""

import jax, jax.numpy as jnp
import numpy as np

N_NODES = 10000
N_EDGES = 320000
D_FEAT = 128
HIDDEN = 128
N_CLASSES = 16


def glorot(key, shape):
    fan_in, fan_out = shape[0], shape[1]
    limit = jnp.sqrt(6.0 / (fan_in + fan_out))
    return jax.random.uniform(key, shape, minval=-limit, maxval=limit, dtype=jnp.float32)


def setup_inputs(seed: int = 0) -> dict:
    key = jax.random.key(seed)
    ks = jax.random.split(key, 8)
    x = jax.random.normal(ks[0], (N_NODES, D_FEAT), dtype=jnp.float32)
    edge_index = jax.random.randint(ks[1], (2, N_EDGES), 0, N_NODES, dtype=jnp.int64 if jax.config.jax_enable_x64 else jnp.int32)
    W1 = glorot(ks[2], (D_FEAT, HIDDEN))
    b1 = jnp.zeros((HIDDEN,), dtype=jnp.float32)
    W2 = glorot(ks[3], (HIDDEN, HIDDEN))
    b2 = jnp.zeros((HIDDEN,), dtype=jnp.float32)
    W3 = glorot(ks[4], (HIDDEN, N_CLASSES))
    b3 = jnp.zeros((N_CLASSES,), dtype=jnp.float32)
    return {"x": x, "edge_index": edge_index, "W1": W1, "b1": b1, "W2": W2, "b2": b2, "W3": W3, "b3": b3}


def gcn_conv(x, edge_index, W, b):
    # GCNConv: add self-loops, symmetric normalization, x' = D^-1/2 A_hat D^-1/2 (x W) + b
    num_nodes = x.shape[0]
    loop = jnp.arange(num_nodes, dtype=edge_index.dtype)
    src = jnp.concatenate([edge_index[0], loop])
    dst = jnp.concatenate([edge_index[1], loop])
    deg = jnp.zeros((num_nodes,), dtype=jnp.float32).at[dst].add(1.0)
    dinv = jnp.where(deg > 0, jax.lax.rsqrt(deg), 0.0)
    norm = dinv[src] * dinv[dst]
    h = x @ W
    msg = h[src] * norm[:, None]
    out = jnp.zeros((num_nodes, W.shape[1]), dtype=jnp.float32).at[dst].add(msg)
    return out + b


def reference(x, edge_index, W1, b1, W2, b2, W3, b3):
    h = gcn_conv(x, edge_index, W1, b1)
    h = jax.nn.relu(h)
    h = gcn_conv(h, edge_index, W2, b2)
    h = jax.nn.relu(h)
    h = gcn_conv(h, edge_index, W3, b3)
    h = jax.nn.relu(h)
    return h

if __name__ == "__main__":
    import jax
    _d = setup_inputs()
    print(jax.jit(kernel)(*tuple(_d.values())))

</pallas_src>

<mosaic_0001>
#map = affine_map<(d0, d1) -> (0, 0)>
#map1 = affine_map<(d0, d1) -> (0)>
#map2 = affine_map<(d0, d1) -> (0, 0, 0)>
module attributes {stable_mosaic.version = 14 : i64} {
  func.func @scatter_kernel(%arg0: i32, %arg1: i32, %arg2: memref<10000x128xf32, #tpu.memory_space<hbm>>, %arg3: memref<10000x128xf32, #tpu.memory_space<hbm>>, %arg4: memref<640000xi32, #tpu.memory_space<hbm>>, %arg5: memref<2x10000x128xf32, #tpu.memory_space<hbm>>, %arg6: memref<10000x128xf32, #tpu.memory_space<vmem_shared>>, %arg7: memref<3x128xi32, #tpu.memory_space<vmem>>, %arg8: memref<3x128xi32, #tpu.memory_space<vmem>>, %arg9: memref<3x128x128xf32, #tpu.memory_space<vmem>>, %arg10: memref<!tpu.dma_semaphore, #tpu.memory_space<semaphore_mem>>, %arg11: memref<!tpu.dma_semaphore, #tpu.memory_space<semaphore_mem>>, %arg12: memref<!tpu.dma_semaphore, #tpu.memory_space<semaphore_mem>>, %arg13: memref<!tpu.dma_semaphore, #tpu.memory_space<semaphore_mem>>, %arg14: memref<!tpu.dma_semaphore, #tpu.memory_space<semaphore_mem>>, %arg15: memref<!tpu.dma_semaphore, #tpu.memory_space<semaphore_mem>>, %arg16: memref<!tpu.dma_semaphore, #tpu.memory_space<semaphore_mem>>, %arg17: memref<!tpu.dma_semaphore, #tpu.memory_space<semaphore_mem>>, %arg18: memref<!tpu.dma_semaphore, #tpu.memory_space<semaphore_mem>>, %arg19: memref<!tpu.dma_semaphore, #tpu.memory_space<semaphore_mem>>, %arg20: memref<!tpu.dma_semaphore, #tpu.memory_space<semaphore_mem>>, %arg21: memref<!tpu.dma_semaphore, #tpu.memory_space<semaphore_mem>>) attributes {dimension_semantics = [#tpu.dimension_semantics<core_parallel>, #tpu.dimension_semantics<subcore_parallel>], iteration_bounds = array<i64: 2, 16>, scalar_prefetch = 0 : i64, scratch_operands = 16 : i64, tpu.core_type = #tpu.core_type<sc_vector_subcore>, window_params = [{transform_indices = #map}, {transform_indices = #map}, {transform_indices = #map1}, {transform_indices = #map2}]} {
    %mul3A = arith.constant 16 : i32
    %mul3A_0 = arith.muli %arg0, %mul3A : i32
    %add3A = arith.addi %mul3A_0, %arg1 : i32
    %mul3A_1 = arith.constant 9984 : i32
    %mul3A_2 = arith.muli %add3A, %mul3A_1 : i32
    %lt3A = arith.constant 15 : i32
    %lt3A_3 = arith.cmpi slt, %arg1, %lt3A : i32
    %convert_element_type3A = arith.extui %lt3A_3 : i1 to i32
    %cond3A = arith.constant 0 : i32
    %cond3A_4 = arith.cmpi ne, %convert_element_type3A, %cond3A : i32
    scf.if %cond3A_4 {
      %mul3A_145 = arith.constant 624 : i32
      %mul3A_146 = arith.muli %arg1, %mul3A_145 : i32
      %eq3A_147 = arith.constant 0 : i32
      %eq3A_148 = arith.cmpi eq, %arg0, %eq3A_147 : i32
      %convert_element_type3A_149 = arith.extui %eq3A_148 : i1 to i32
      %cond3A_150 = arith.constant 0 : i32
      %cond3A_151 = arith.cmpi ne, %convert_element_type3A_149, %cond3A_150 : i32
      scf.if %cond3A_151 {
        "tpu.region"() ({
          %run_scoped3A = tpu.sem_alloc : memref<!tpu.dma_semaphore, #tpu.memory_space<semaphore_mem>>
          %dma_start3A_156 = arith.constant 0 : i32
          %dma_start3A_157 = tpu.memref_slice %arg6[%mul3A_146, %dma_start3A_156] : memref<10000x128xf32, #tpu.memory_space<vmem_shared>> -> memref<624x128xf32, #tpu.memory_space<vmem_shared>>
          %dma_start3A_158 = arith.constant 0 : i32
          %dma_start3A_159 = tpu.memref_slice %arg2[%mul3A_146, %dma_start3A_158] : memref<10000x128xf32, #tpu.memory_space<hbm>> -> memref<624x128xf32, #tpu.memory_space<hbm>>
          tpu.enqueue_dma source(%dma_start3A_159 : memref<624x128xf32, #tpu.memory_space<hbm>>) target(%dma_start3A_157 : memref<624x128xf32, #tpu.memory_space<vmem_shared>>) target_semaphore(%run_scoped3A : memref<!tpu.dma_semaphore, #tpu.memory_space<semaphore_mem>>)
          %dma_wait3A_160 = arith.constant 0 : i32
          %dma_wait3A_161 = tpu.memref_slice %arg6[%mul3A_146, %dma_wait3A_160] : memref<10000x128xf32, #tpu.memory_space<vmem_shared>> -> memref<624x128xf32, #tpu.memory_space<vmem_shared>>
          %dma_wait3A_162 = arith.constant 0 : i32
          %dma_wait3A_163 = tpu.memref_slice %arg2[%mul3A_146, %dma_wait3A_162] : memref<10000x128xf32, #tpu.memory_space<hbm>> -> memref<624x128xf32, #tpu.memory_space<hbm>>
          tpu.wait_dma2 semaphore(%run_scoped3A : memref<!tpu.dma_semaphore, #tpu.memory_space<semaphore_mem>>) src(%dma_wait3A_163 : memref<624x128xf32, #tpu.memory_space<hbm>>) dst(%dma_wait3A_161 : memref<624x128xf32, #tpu.memory_space<vmem_shared>>)
          tpu.yield
        }) : () -> ()
      } else {
      }
      %ne3A = arith.constant 0 : i32
      %ne3A_152 = arith.cmpi ne, %arg0, %ne3A : i32
      %convert_element_type3A_153 = arith.extui %ne3A_152 : i1 to i32
      %cond3A_154 = arith.constant 0 : i32
      %cond3A_155 = arith.cmpi ne, %convert_element_type3A_153, %cond3A_154 : i32
      scf.if %cond3A_155 {
        "tpu.region"() ({
          %run_scoped3A = tpu.sem_alloc : memref<!tpu.dma_semaphore, #tpu.memory_space<semaphore_mem>>
          %dma_start3A_156 = arith.constant 0 : i32
          %dma_start3A_157 = tpu.memref_slice %arg6[%mul3A_146, %dma_start3A_156] : memref<10000x128xf32, #tpu.memory_space<vmem_shared>> -> memref<624x128xf32, #tpu.memory_space<vmem_shared>>
          %dma_start3A_158 = arith.constant 0 : i32
          %dma_start3A_159 = tpu.memref_slice %arg3[%mul3A_146, %dma_start3A_158] : memref<10000x128xf32, #tpu.memory_space<hbm>> -> memref<624x128xf32, #tpu.memory_space<hbm>>
          tpu.enqueue_dma source(%dma_start3A_159 : memref<624x128xf32, #tpu.memory_space<hbm>>) target(%dma_start3A_157 : memref<624x128xf32, #tpu.memory_space<vmem_shared>>) target_semaphore(%run_scoped3A : memref<!tpu.dma_semaphore, #tpu.memory_space<semaphore_mem>>)
          %dma_wait3A_160 = arith.constant 0 : i32
          %dma_wait3A_161 = tpu.memref_slice %arg6[%mul3A_146, %dma_wait3A_160] : memref<10000x128xf32, #tpu.memory_space<vmem_shared>> -> memref<624x128xf32, #tpu.memory_space<vmem_shared>>
          %dma_wait3A_162 = arith.constant 0 : i32
          %dma_wait3A_163 = tpu.memref_slice %arg3[%mul3A_146, %dma_wait3A_162] : memref<10000x128xf32, #tpu.memory_space<hbm>> -> memref<624x128xf32, #tpu.memory_space<hbm>>
          tpu.wait_dma2 semaphore(%run_scoped3A : memref<!tpu.dma_semaphore, #tpu.memory_space<semaphore_mem>>) src(%dma_wait3A_163 : memref<624x128xf32, #tpu.memory_space<hbm>>) dst(%dma_wait3A_161 : memref<624x128xf32, #tpu.memory_space<vmem_shared>>)
          tpu.yield
        }) : () -> ()
      } else {
      }
    } else {
    }
    %eq3A = arith.constant 15 : i32
    %eq3A_5 = arith.cmpi eq, %arg1, %eq3A : i32
    %convert_element_type3A_6 = arith.extui %eq3A_5 : i1 to i32
    %cond3A_7 = arith.constant 0 : i32
    %cond3A_8 = arith.cmpi ne, %convert_element_type3A_6, %cond3A_7 : i32
    scf.if %cond3A_8 {
      %eq3A_145 = arith.constant 0 : i32
      %eq3A_146 = arith.cmpi eq, %arg0, %eq3A_145 : i32
      %convert_element_type3A_147 = arith.extui %eq3A_146 : i1 to i32
      %cond3A_148 = arith.constant 0 : i32
      %cond3A_149 = arith.cmpi ne, %convert_element_type3A_147, %cond3A_148 : i32
      scf.if %cond3A_149 {
        "tpu.region"() ({
          %run_scoped3A = tpu.sem_alloc : memref<!tpu.dma_semaphore, #tpu.memory_space<semaphore_mem>>
          %dma_start3A_154 = arith.constant 9360 : i32
          %dma_start3A_155 = arith.constant 0 : i32
          %dma_start3A_156 = tpu.memref_slice %arg6[%dma_start3A_154, %dma_start3A_155] : memref<10000x128xf32, #tpu.memory_space<vmem_shared>> -> memref<640x128xf32, #tpu.memory_space<vmem_shared>>
          %dma_start3A_157 = arith.constant 9360 : i32
          %dma_start3A_158 = arith.constant 0 : i32
          %dma_start3A_159 = tpu.memref_slice %arg2[%dma_start3A_157, %dma_start3A_158] : memref<10000x128xf32, #tpu.memory_space<hbm>> -> memref<640x128xf32, #tpu.memory_space<hbm>>
          tpu.enqueue_dma source(%dma_start3A_159 : memref<640x128xf32, #tpu.memory_space<hbm>>) target(%dma_start3A_156 : memref<640x128xf32, #tpu.memory_space<vmem_shared>>) target_semaphore(%run_scoped3A : memref<!tpu.dma_semaphore, #tpu.memory_space<semaphore_mem>>)
          %dma_wait3A_160 = arith.constant 9360 : i32
          %dma_wait3A_161 = arith.constant 0 : i32
          %dma_wait3A_162 = tpu.memref_slice %arg6[%dma_wait3A_160, %dma_wait3A_161] : memref<10000x128xf32, #tpu.memory_space<vmem_shared>> -> memref<640x128xf32, #tpu.memory_space<vmem_shared>>
          %dma_wait3A_163 = arith.constant 9360 : i32
          %dma_wait3A_164 = arith.constant 0 : i32
          %dma_wait3A_165 = tpu.memref_slice %arg2[%dma_wait3A_163, %dma_wait3A_164] : memref<10000x128xf32, #tpu.memory_space<hbm>> -> memref<640x128xf32, #tpu.memory_space<hbm>>
          tpu.wait_dma2 semaphore(%run_scoped3A : memref<!tpu.dma_semaphore, #tpu.memory_space<semaphore_mem>>) src(%dma_wait3A_165 : memref<640x128xf32, #tpu.memory_space<hbm>>) dst(%dma_wait3A_162 : memref<640x128xf32, #tpu.memory_space<vmem_shared>>)
          tpu.yield
        }) : () -> ()
      } else {
      }
      %ne3A = arith.constant 0 : i32
      %ne3A_150 = arith.cmpi ne, %arg0, %ne3A : i32
      %convert_element_type3A_151 = arith.extui %ne3A_150 : i1 to i32
      %cond3A_152 = arith.constant 0 : i32
      %cond3A_153 = arith.cmpi ne, %convert_element_type3A_151, %cond3A_152 : i32
      scf.if %cond3A_153 {
        "tpu.region"() ({
          %run_scoped3A = tpu.sem_alloc : memref<!tpu.dma_semaphore, #tpu.memory_space<semaphore_mem>>
          %dma_start3A_154 = arith.constant 9360 : i32
          %dma_start3A_155 = arith.constant 0 : i32
          %dma_start3A_156 = tpu.memref_slice %arg6[%dma_start3A_154, %dma_start3A_155] : memref<10000x128xf32, #tpu.memory_space<vmem_shared>> -> memref<640x128xf32, #tpu.memory_space<vmem_shared>>
          %dma_start3A_157 = arith.constant 9360 : i32
          %dma_start3A_158 = arith.constant 0 : i32
          %dma_start3A_159 = tpu.memref_slice %arg3[%dma_start3A_157, %dma_start3A_158] : memref<10000x128xf32, #tpu.memory_space<hbm>> -> memref<640x128xf32, #tpu.memory_space<hbm>>
          tpu.enqueue_dma source(%dma_start3A_159 : memref<640x128xf32, #tpu.memory_space<hbm>>) target(%dma_start3A_156 : memref<640x128xf32, #tpu.memory_space<vmem_shared>>) target_semaphore(%run_scoped3A : memref<!tpu.dma_semaphore, #tpu.memory_space<semaphore_mem>>)
          %dma_wait3A_160 = arith.constant 9360 : i32
          %dma_wait3A_161 = arith.constant 0 : i32
          %dma_wait3A_162 = tpu.memref_slice %arg6[%dma_wait3A_160, %dma_wait3A_161] : memref<10000x128xf32, #tpu.memory_space<vmem_shared>> -> memref<640x128xf32, #tpu.memory_space<vmem_shared>>
          %dma_wait3A_163 = arith.constant 9360 : i32
          %dma_wait3A_164 = arith.constant 0 : i32
          %dma_wait3A_165 = tpu.memref_slice %arg3[%dma_wait3A_163, %dma_wait3A_164] : memref<10000x128xf32, #tpu.memory_space<hbm>> -> memref<640x128xf32, #tpu.memory_space<hbm>>
          tpu.wait_dma2 semaphore(%run_scoped3A : memref<!tpu.dma_semaphore, #tpu.memory_space<semaphore_mem>>) src(%dma_wait3A_165 : memref<640x128xf32, #tpu.memory_space<hbm>>) dst(%dma_wait3A_162 : memref<640x128xf32, #tpu.memory_space<vmem_shared>>)
          tpu.yield
        }) : () -> ()
      } else {
      }
    } else {
    }
    %barrier3A = arith.constant 0 : index
    tpu.barrier barrier_id(%barrier3A)
    %add3A_9 = arith.constant 0 : i32
    %add3A_10 = arith.addi %mul3A_2, %add3A_9 : i32
    %dma_start3A = arith.constant 0 : i32
    %dma_start3A_11 = arith.constant 0 : i32
    %dma_start3A_12 = tpu.memref_slice %arg7[%dma_start3A, %dma_start3A_11] : memref<3x128xi32, #tpu.memory_space<vmem>> -> memref<1x128xi32, #tpu.memory_space<vmem>>
    %dma_start3A_13 = tpu.memref_squeeze %dma_start3A_12 : memref<1x128xi32, #tpu.memory_space<vmem>> -> memref<128xi32, #tpu.memory_space<vmem>>
    %dma_start3A_14 = tpu.memref_slice %arg4[%add3A_10] : memref<640000xi32, #tpu.memory_space<hbm>> -> memref<128xi32, #tpu.memory_space<hbm>>
    %dma_start3A_15 = arith.constant 0 : i32
    %dma_start3A_16 = tpu.memref_slice %arg7[%dma_start3A, %dma_start3A_15] : memref<3x128xi32, #tpu.memory_space<vmem>> -> memref<1x128xi32, #tpu.memory_space<vmem>>
    %dma_start3A_17 = tpu.memref_squeeze %dma_start3A_16 : memref<1x128xi32, #tpu.memory_space<vmem>> -> memref<128xi32, #tpu.memory_space<vmem>>
    %dma_start3A_18 = tpu.memref_slice %arg4[%add3A_10] : memref<640000xi32, #tpu.memory_space<hbm>> -> memref<128xi32, #tpu.memory_space<hbm>>
    tpu.enqueue_dma source(%dma_start3A_18 : memref<128xi32, #tpu.memory_space<hbm>>) target(%dma_start3A_17 : memref<128xi32, #tpu.memory_space<vmem>>) target_semaphore(%arg16 : memref<!tpu.dma_semaphore, #tpu.memory_space<semaphore_mem>>)
    %add3A_19 = arith.constant 128 : i32
    %add3A_20 = arith.addi %mul3A_2, %add3A_19 : i32
    %dma_start3A_21 = arith.constant 1 : i32
    %dma_start3A_22 = arith.constant 0 : i32
    %dma_start3A_23 = tpu.memref_slice %arg7[%dma_start3A_21, %dma_start3A_22] : memref<3x128xi32, #tpu.memory_space<vmem>> -> memref<1x128xi32, #tpu.memory_space<vmem>>
    %dma_start3A_24 = tpu.memref_squeeze %dma_start3A_23 : memref<1x128xi32, #tpu.memory_space<vmem>> -> memref<128xi32, #tpu.memory_space<vmem>>
    %dma_start3A_25 = tpu.memref_slice %arg4[%add3A_20] : memref<640000xi32, #tpu.memory_space<hbm>> -> memref<128xi32, #tpu.memory_space<hbm>>
    %dma_start3A_26 = arith.constant 0 : i32
    %dma_start3A_27 = tpu.memref_slice %arg7[%dma_start3A_21, %dma_start3A_26] : memref<3x128xi32, #tpu.memory_space<vmem>> -> memref<1x128xi32, #tpu.memory_space<vmem>>
    %dma_start3A_28 = tpu.memref_squeeze %dma_start3A_27 : memref<1x128xi32, #tpu.memory_space<vmem>> -> memref<128xi32, #tpu.memory_space<vmem>>
    %dma_start3A_29 = tpu.memref_slice %arg4[%add3A_20] : memref<640000xi32, #tpu.memory_space<hbm>> -> memref<128xi32, #tpu.memory_space<hbm>>
    tpu.enqueue_dma source(%dma_start3A_29 : memref<128xi32, #tpu.memory_space<hbm>>) target(%dma_start3A_28 : memref<128xi32, #tpu.memory_space<vmem>>) target_semaphore(%arg17 : memref<!tpu.dma_semaphore, #tpu.memory_space<semaphore_mem>>)
    %add3A_30 = arith.constant 256 : i32
    %add3A_31 = arith.addi %mul3A_2, %add3A_30 : i32
    %dma_start3A_32 = arith.constant 2 : i32
    %dma_start3A_33 = arith.constant 0 : i32
    %dma_start3A_34 = tpu.memref_slice %arg7[%dma_start3A_32, %dma_start3A_33] : memref<3x128xi32, #tpu.memory_space<vmem>> -> memref<1x128xi32, #tpu.memory_space<vmem>>
    %dma_start3A_35 = tpu.memref_squeeze %dma_start3A_34 : memref<1x128xi32, #tpu.memory_space<vmem>> -> memref<128xi32, #tpu.memory_space<vmem>>
    %dma_start3A_36 = tpu.memref_slice %arg4[%add3A_31] : memref<640000xi32, #tpu.memory_space<hbm>> -> memref<128xi32, #tpu.memory_space<hbm>>
    %dma_start3A_37 = arith.constant 0 : i32
    %dma_start3A_38 = tpu.memref_slice %arg7[%dma_start3A_32, %dma_start3A_37] : memref<3x128xi32, #tpu.memory_space<vmem>> -> memref<1x128xi32, #tpu.memory_space<vmem>>
    %dma_start3A_39 = tpu.memref_squeeze %dma_start3A_38 : memref<1x128xi32, #tpu.memory_space<vmem>> -> memref<128xi32, #tpu.memory_space<vmem>>
    %dma_start3A_40 = tpu.memref_slice %arg4[%add3A_31] : memref<640000xi32, #tpu.memory_space<hbm>> -> memref<128xi32, #tpu.memory_space<hbm>>
    tpu.enqueue_dma source(%dma_start3A_40 : memref<128xi32, #tpu.memory_space<hbm>>) target(%dma_start3A_39 : memref<128xi32, #tpu.memory_space<vmem>>) target_semaphore(%arg18 : memref<!tpu.dma_semaphore, #tpu.memory_space<semaphore_mem>>)
    %add3A_41 = arith.constant 320000 : i32
    %add3A_42 = arith.addi %add3A_41, %mul3A_2 : i32
    %add3A_43 = arith.constant 0 : i32
    %add3A_44 = arith.addi %add3A_42, %add3A_43 : i32
    %dma_start3A_45 = arith.constant 0 : i32
    %dma_start3A_46 = arith.constant 0 : i32
    %dma_start3A_47 = tpu.memref_slice %arg8[%dma_start3A_45, %dma_start3A_46] : memref<3x128xi32, #tpu.memory_space<vmem>> -> memref<1x128xi32, #tpu.memory_space<vmem>>
    %dma_start3A_48 = tpu.memref_squeeze %dma_start3A_47 : memref<1x128xi32, #tpu.memory_space<vmem>> -> memref<128xi32, #tpu.memory_space<vmem>>
    %dma_start3A_49 = tpu.memref_slice %arg4[%add3A_44] : memref<640000xi32, #tpu.memory_space<hbm>> -> memref<128xi32, #tpu.memory_space<hbm>>
    %dma_start3A_50 = arith.constant 0 : i32
    %dma_start3A_51 = tpu.memref_slice %arg8[%dma_start3A_45, %dma_start3A_50] : memref<3x128xi32, #tpu.memory_space<vmem>> -> memref<1x128xi32, #tpu.memory_space<vmem>>
    %dma_start3A_52 = tpu.memref_squeeze %dma_start3A_51 : memref<1x128xi32, #tpu.memory_space<vmem>> -> memref<128xi32, #tpu.memory_space<vmem>>
    %dma_start3A_53 = tpu.memref_slice %arg4[%add3A_44] : memref<640000xi32, #tpu.memory_space<hbm>> -> memref<128xi32, #tpu.memory_space<hbm>>
    tpu.enqueue_dma source(%dma_start3A_53 : memref<128xi32, #tpu.memory_space<hbm>>) target(%dma_start3A_52 : memref<128xi32, #tpu.memory_space<vmem>>) target_semaphore(%arg19 : memref<!tpu.dma_semaphore, #tpu.memory_space<semaphore_mem>>)
    %add3A_54 = arith.constant 320000 : i32
    %add3A_55 = arith.addi %add3A_54, %mul3A_2 : i32
    %add3A_56 = arith.constant 128 : i32
    %add3A_57 = arith.addi %add3A_55, %add3A_56 : i32
    %dma_start3A_58 = arith.constant 1 : i32
    %dma_start3A_59 = arith.constant 0 : i32
    %dma_start3A_60 = tpu.memref_slice %arg8[%dma_start3A_58, %dma_start3A_59] : memref<3x128xi32, #tpu.memory_space<vmem>> -> memref<1x128xi32, #tpu.memory_space<vmem>>
    %dma_start3A_61 = tpu.memref_squeeze %dma_start3A_60 : memref<1x128xi32, #tpu.memory_space<vmem>> -> memref<128xi32, #tpu.memory_space<vmem>>
    %dma_start3A_62 = tpu.memref_slice %arg4[%add3A_57] : memref<640000xi32, #tpu.memory_space<hbm>> -> memref<128xi32, #tpu.memory_space<hbm>>
    %dma_start3A_63 = arith.constant 0 : i32
    %dma_start3A_64 = tpu.memref_slice %arg8[%dma_start3A_58, %dma_start3A_63] : memref<3x128xi32, #tpu.memory_space<vmem>> -> memref<1x128xi32, #tpu.memory_space<vmem>>
    %dma_start3A_65 = tpu.memref_squeeze %dma_start3A_64 : memref<1x128xi32, #tpu.memory_space<vmem>> -> memref<128xi32, #tpu.memory_space<vmem>>
    %dma_start3A_66 = tpu.memref_slice %arg4[%add3A_57] : memref<640000xi32, #tpu.memory_space<hbm>> -> memref<128xi32, #tpu.memory_space<hbm>>
    tpu.enqueue_dma source(%dma_start3A_66 : memref<128xi32, #tpu.memory_space<hbm>>) target(%dma_start3A_65 : memref<128xi32, #tpu.memory_space<vmem>>) target_semaphore(%arg20 : memref<!tpu.dma_semaphore, #tpu.memory_space<semaphore_mem>>)
    %add3A_67 = arith.constant 0 : i32
    %add3A_68 = arith.addi %mul3A_2, %add3A_67 : i32
    %dma_wait3A = arith.constant 0 : i32
    %dma_wait3A_69 = arith.constant 0 : i32
    %dma_wait3A_70 = tpu.memref_slice %arg7[%dma_wait3A, %dma_wait3A_69] : memref<3x128xi32, #tpu.memory_space<vmem>> -> memref<1x128xi32, #tpu.memory_space<vmem>>
    %dma_wait3A_71 = tpu.memref_squeeze %dma_wait3A_70 : memref<1x128xi32, #tpu.memory_space<vmem>> -> memref<128xi32, #tpu.memory_space<vmem>>
    %dma_wait3A_72 = tpu.memref_slice %arg4[%add3A_68] : memref<640000xi32, #tpu.memory_space<hbm>> -> memref<128xi32, #tpu.memory_space<hbm>>
    %dma_wait3A_73 = arith.constant 0 : i32
    %dma_wait3A_74 = tpu.memref_slice %arg7[%dma_wait3A, %dma_wait3A_73] : memref<3x128xi32, #tpu.memory_space<vmem>> -> memref<1x128xi32, #tpu.memory_space<vmem>>
    %dma_wait3A_75 = tpu.memref_squeeze %dma_wait3A_74 : memref<1x128xi32, #tpu.memory_space<vmem>> -> memref<128xi32, #tpu.memory_space<vmem>>
    %dma_wait3A_76 = tpu.memref_slice %arg4[%add3A_68] : memref<640000xi32, #tpu.memory_space<hbm>> -> memref<128xi32, #tpu.memory_space<hbm>>
    tpu.wait_dma2 semaphore(%arg16 : memref<!tpu.dma_semaphore, #tpu.memory_space<semaphore_mem>>) src(%dma_wait3A_76 : memref<128xi32, #tpu.memory_space<hbm>>) dst(%dma_wait3A_75 : memref<128xi32, #tpu.memory_space<vmem>>)
    %dma_start3A_77 = arith.constant 0 : i32
    %dma_start3A_78 = arith.constant 0 : i32
    %dma_start3A_79 = arith.constant 0 : i32
    %dma_start3A_80 = arith.constant 0 : i32
    %dma_start3A_81 = tpu.memref_slice %arg9[%dma_start3A_78, %dma_start3A_79, %dma_start3A_80] : memref<3x128x128xf32, #tpu.memory_space<vmem>> -> memref<1x128x128xf32, #tpu.memory_space<vmem>>
    %dma_start3A_82 = tpu.memref_squeeze %dma_start3A_81 : memref<1x128x128xf32, #tpu.memory_space<vmem>> -> memref<128x128xf32, #tpu.memory_space<vmem>>
    %dma_start3A_83 = arith.constant 0 : i32
    %dma_start3A_84 = tpu.memref_slice %arg7[%dma_start3A_77, %dma_start3A_83] : memref<3x128xi32, #tpu.memory_space<vmem>> -> memref<1x128xi32, #tpu.memory_space<vmem>>
    %dma_start3A_85 = tpu.memref_squeeze %dma_start3A_84 : memref<1x128xi32, #tpu.memory_space<vmem>> -> memref<128xi32, #tpu.memory_space<vmem>>
    %dma_start3A_86 = arith.constant 0 : i32
    %dma_start3A_87 = arith.constant 0 : i32
    %dma_start3A_88 = tpu.memref_slice %arg2[%dma_start3A_86, %dma_start3A_87] : memref<10000x128xf32, #tpu.memory_space<hbm>> -> memref<10000x128xf32, #tpu.memory_space<hbm>>
    tpu.enqueue_indirect_dma source(%dma_start3A_88 : memref<10000x128xf32, #tpu.memory_space<hbm>>) target(%dma_start3A_82 : memref<128x128xf32, #tpu.memory_space<vmem>>) offsets(%dma_start3A_85 : memref<128xi32, #tpu.memory_space<vmem>>) semaphore(%arg10 : memref<!tpu.dma_semaphore, #tpu.memory_space<semaphore_mem>>)
    %add3A_89 = arith.constant 128 : i32
    %add3A_90 = arith.addi %mul3A_2, %add3A_89 : i32
    %dma_wait3A_91 = arith.constant 1 : i32
    %dma_wait3A_92 = arith.constant 0 : i32
    %dma_wait3A_93 = tpu.memref_slice %arg7[%dma_wait3A_91, %dma_wait3A_92] : memref<3x128xi32, #tpu.memory_space<vmem>> -> memref<1x128xi32, #tpu.memory_space<vmem>>
    %dma_wait3A_94 = tpu.memref_squeeze %dma_wait3A_93 : memref<1x128xi32, #tpu.memory_space<vmem>> -> memref<128xi32, #tpu.memory_space<vmem>>
    %dma_wait3A_95 = tpu.memref_slice %arg4[%add3A_90] : memref<640000xi32, #tpu.memory_space<hbm>> -> memref<128xi32, #tpu.memory_space<hbm>>
    %dma_wait3A_96 = arith.constant 0 : i32
    %dma_wait3A_97 = tpu.memref_slice %arg7[%dma_wait3A_91, %dma_wait3A_96] : memref<3x128xi32, #tpu.memory_space<vmem>> -> memref<1x128xi32, #tpu.memory_space<vmem>>
    %dma_wait3A_98 = tpu.memref_squeeze %dma_wait3A_97 : memref<1x128xi32, #tpu.memory_space<vmem>> -> memref<128xi32, #tpu.memory_space<vmem>>
    %dma_wait3A_99 = tpu.memref_slice %arg4[%add3A_90] : memref<640000xi32, #tpu.memory_space<hbm>> -> memref<128xi32, #tpu.memory_space<hbm>>
    tpu.wait_dma2 semaphore(%arg17 : memref<!tpu.dma_semaphore, #tpu.memory_space<semaphore_mem>>) src(%dma_wait3A_99 : memref<128xi32, #tpu.memory_space<hbm>>) dst(%dma_wait3A_98 : memref<128xi32, #tpu.memory_space<vmem>>)
    %dma_start3A_100 = arith.constant 1 : i32
    %dma_start3A_101 = arith.constant 1 : i32
    %dma_start3A_102 = arith.constant 0 : i32
    %dma_start3A_103 = arith.constant 0 : i32
    %dma_start3A_104 = tpu.memref_slice %arg9[%dma_start3A_101, %dma_start3A_102, %dma_start3A_103] : memref<3x128x128xf32, #tpu.memory_space<vmem>> -> memref<1x128x128xf32, #tpu.memory_space<vmem>>
    %dma_start3A_105 = tpu.memref_squeeze %dma_start3A_104 : memref<1x128x128xf32, #tpu.memory_space<vmem>> -> memref<128x128xf32, #tpu.memory_space<vmem>>
    %dma_start3A_106 = arith.constant 0 : i32
    %dma_start3A_107 = tpu.memref_slice %arg7[%dma_start3A_100, %dma_start3A_106] : memref<3x128xi32, #tpu.memory_space<vmem>> -> memref<1x128xi32, #tpu.memory_space<vmem>>
    %dma_start3A_108 = tpu.memref_squeeze %dma_start3A_107 : memref<1x128xi32, #tpu.memory_space<vmem>> -> memref<128xi32, #tpu.memory_space<vmem>>
    %dma_start3A_109 = arith.constant 0 : i32
    %dma_start3A_110 = arith.constant 0 : i32
    %dma_start3A_111 = tpu.memref_slice %arg2[%dma_start3A_109, %dma_start3A_110] : memref<10000x128xf32, #tpu.memory_space<hbm>> -> memref<10000x128xf32, #tpu.memory_space<hbm>>
    tpu.enqueue_indirect_dma source(%dma_start3A_111 : memref<10000x128xf32, #tpu.memory_space<hbm>>) target(%dma_start3A_105 : memref<128x128xf32, #tpu.memory_space<vmem>>) offsets(%dma_start3A_108 : memref<128xi32, #tpu.memory_space<vmem>>) semaphore(%arg11 : memref<!tpu.dma_semaphore, #tpu.memory_space<semaphore_mem>>)
    %scan3A = arith.constant 0 : i32
    %scan3A_112 = arith.constant 0 : i32
    %scan3A_113 = arith.constant 26 : i32
    %scan3A_114 = arith.addi %scan3A_112, %scan3A_113 : i32
    %scan3A_115 = arith.constant 1 : i32
    scf.for %scan3A_145 = %scan3A_112 to %scan3A_114 step %scan3A_115  : i32 {
      %mul3A_146 = arith.constant 3 : i32
      %mul3A_147 = arith.muli %scan3A_145, %mul3A_146 : i32
      %add3A_148 = arith.constant 0 : i32
      %add3A_149 = arith.addi %mul3A_147, %add3A_148 : i32
      %dma_wait3A_150 = arith.constant 0 : i32
      %dma_wait3A_151 = arith.constant 0 : i32
      %dma_wait3A_152 = arith.constant 0 : i32
      %dma_wait3A_153 = arith.constant 0 : i32
      %dma_wait3A_154 = tpu.memref_slice %arg9[%dma_wait3A_151, %dma_wait3A_152, %dma_wait3A_153] : memref<3x128x128xf32, #tpu.memory_space<vmem>> -> memref<1x128x128xf32, #tpu.memory_space<vmem>>
      %dma_wait3A_155 = tpu.memref_squeeze %dma_wait3A_154 : memref<1x128x128xf32, #tpu.memory_space<vmem>> -> memref<128x128xf32, #tpu.memory_space<vmem>>
      %dma_wait3A_156 = arith.constant 0 : i32
      %dma_wait3A_157 = tpu.memref_slice %arg7[%dma_wait3A_150, %dma_wait3A_156] : memref<3x128xi32, #tpu.memory_space<vmem>> -> memref<1x128xi32, #tpu.memory_space<vmem>>
      %dma_wait3A_158 = tpu.memref_squeeze %dma_wait3A_157 : memref<1x128xi32, #tpu.memory_space<vmem>> -> memref<128xi32, #tpu.memory_space<vmem>>
      %dma_wait3A_159 = arith.constant 0 : i32
      %dma_wait3A_160 = arith.constant 0 : i32
      %dma_wait3A_161 = tpu.memref_slice %arg2[%dma_wait3A_159, %dma_wait3A_160] : memref<10000x128xf32, #tpu.memory_space<hbm>> -> memref<10000x128xf32, #tpu.memory_space<hbm>>
      tpu.wait_indirect_dma semaphore(%arg10 : memref<!tpu.dma_semaphore, #tpu.memory_space<semaphore_mem>>) src(%dma_wait3A_161 : memref<10000x128xf32, #tpu.memory_space<hbm>>) dst(%dma_wait3A_155 : memref<128x128xf32, #tpu.memory_space<vmem>>)
      %add3A_162 = arith.constant 320000 : i32
      %add3A_163 = arith.addi %add3A_162, %mul3A_2 : i32
      %mul3A_164 = arith.constant 128 : i32
      %mul3A_165 = arith.muli %add3A_149, %mul3A_164 : i32
      %add3A_166 = arith.addi %add3A_163, %mul3A_165 : i32
      %dma_wait3A_167 = arith.constant 0 : i32
      %dma_wait3A_168 = arith.constant 0 : i32
      %dma_wait3A_169 = tpu.memref_slice %arg8[%dma_wait3A_167, %dma_wait3A_168] : memref<3x128xi32, #tpu.memory_space<vmem>> -> memref<1x128xi32, #tpu.memory_space<vmem>>
      %dma_wait3A_170 = tpu.memref_squeeze %dma_wait3A_169 : memref<1x128xi32, #tpu.memory_space<vmem>> -> memref<128xi32, #tpu.memory_space<vmem>>
      %dma_wait3A_171 = tpu.memref_slice %arg4[%add3A_166] : memref<640000xi32, #tpu.memory_space<hbm>> -> memref<128xi32, #tpu.memory_space<hbm>>
      %dma_wait3A_172 = arith.constant 0 : i32
      %dma_wait3A_173 = tpu.memref_slice %arg8[%dma_wait3A_167, %dma_wait3A_172] : memref<3x128xi32, #tpu.memory_space<vmem>> -> memref<1x128xi32, #tpu.memory_space<vmem>>
      %dma_wait3A_174 = tpu.memref_squeeze %dma_wait3A_173 : memref<1x128xi32, #tpu.memory_space<vmem>> -> memref<128xi32, #tpu.memory_space<vmem>>
      %dma_wait3A_175 = tpu.memref_slice %arg4[%add3A_166] : memref<640000xi32, #tpu.memory_space<hbm>> -> memref<128xi32, #tpu.memory_space<hbm>>
      tpu.wait_dma2 semaphore(%arg19 : memref<!tpu.dma_semaphore, #tpu.memory_space<semaphore_mem>>) src(%dma_wait3A_175 : memref<128xi32, #tpu.memory_space<hbm>>) dst(%dma_wait3A_174 : memref<128xi32, #tpu.memory_space<vmem>>)
      %dma_start3A_176 = arith.constant 0 : i32
      %dma_start3A_177 = arith.constant 0 : i32
      %dma_start3A_178 = arith.constant 0 : i32
      %dma_start3A_179 = arith.constant 0 : i32
      %dma_start3A_180 = tpu.memref_slice %arg9[%dma_start3A_176, %dma_start3A_178, %dma_start3A_179] : memref<3x128x128xf32, #tpu.memory_space<vmem>> -> memref<1x128x128xf32, #tpu.memory_space<vmem>>
      %dma_start3A_181 = tpu.memref_squeeze %dma_start3A_180 : memref<1x128x128xf32, #tpu.memory_space<vmem>> -> memref<128x128xf32, #tpu.memory_space<vmem>>
      %dma_start3A_182 = arith.constant 0 : i32
      %dma_start3A_183 = tpu.memref_slice %arg8[%dma_start3A_177, %dma_start3A_182] : memref<3x128xi32, #tpu.memory_space<vmem>> -> memref<1x128xi32, #tpu.memory_space<vmem>>
      %dma_start3A_184 = tpu.memref_squeeze %dma_start3A_183 : memref<1x128xi32, #tpu.memory_space<vmem>> -> memref<128xi32, #tpu.memory_space<vmem>>
      %dma_start3A_185 = arith.constant 0 : i32
      %dma_start3A_186 = arith.constant 0 : i32
      %dma_start3A_187 = tpu.memref_slice %arg6[%dma_start3A_185, %dma_start3A_186] : memref<10000x128xf32, #tpu.memory_space<vmem_shared>> -> memref<10000x128xf32, #tpu.memory_space<vmem_shared>>
      tpu.enqueue_indirect_dma source(%dma_start3A_181 : memref<128x128xf32, #tpu.memory_space<vmem>>) target(%dma_start3A_187 : memref<10000x128xf32, #tpu.memory_space<vmem_shared>>) offsets(%dma_start3A_184 : memref<128xi32, #tpu.memory_space<vmem>>) semaphore(%arg13 : memref<!tpu.dma_semaphore, #tpu.memory_space<semaphore_mem>>) {add = true}
      %ge3A = arith.constant 1 : i32
      %ge3A_188 = arith.cmpi sge, %add3A_149, %ge3A : i32
      %convert_element_type3A_189 = arith.extui %ge3A_188 : i1 to i32
      %cond3A_190 = arith.constant 0 : i32
      %cond3A_191 = arith.cmpi ne, %convert_element_type3A_189, %cond3A_190 : i32
      scf.if %cond3A_191 {
        %dma_wait3A_345 = arith.constant 2 : i32
        %dma_wait3A_346 = arith.constant 2 : i32
        %dma_wait3A_347 = arith.constant 0 : i32
        %dma_wait3A_348 = arith.constant 0 : i32
        %dma_wait3A_349 = tpu.memref_slice %arg9[%dma_wait3A_345, %dma_wait3A_347, %dma_wait3A_348] : memref<3x128x128xf32, #tpu.memory_space<vmem>> -> memref<1x128x128xf32, #tpu.memory_space<vmem>>
        %dma_wait3A_350 = tpu.memref_squeeze %dma_wait3A_349 : memref<1x128x128xf32, #tpu.memory_space<vmem>> -> memref<128x128xf32, #tpu.memory_space<vmem>>
        %dma_wait3A_351 = arith.constant 0 : i32
        %dma_wait3A_352 = tpu.memref_slice %arg8[%dma_wait3A_346, %dma_wait3A_351] : memref<3x128xi32, #tpu.memory_space<vmem>> -> memref<1x128xi32, #tpu.memory_space<vmem>>
        %dma_wait3A_353 = tpu.memref_squeeze %dma_wait3A_352 : memref<1x128xi32, #tpu.memory_space<vmem>> -> memref<128xi32, #tpu.memory_space<vmem>>
        %dma_wait3A_354 = arith.constant 0 : i32
        %dma_wait3A_355 = arith.constant 0 : i32
        %dma_wait3A_356 = tpu.memref_slice %arg6[%dma_wait3A_354, %dma_wait3A_355] : memref<10000x128xf32, #tpu.memory_space<vmem_shared>> -> memref<10000x128xf32, #tpu.memory_space<vmem_shared>>
        tpu.wait_indirect_dma semaphore(%arg15 : memref<!tpu.dma_semaphore, #tpu.memory_space<semaphore_mem>>) src(%dma_wait3A_350 : memref<128x128xf32, #tpu.memory_space<vmem>>) dst(%dma_wait3A_356 : memref<10000x128xf32, #tpu.memory_space<vmem_shared>>)
      } else {
      }
      %add3A_192 = arith.constant 2 : i32
      %add3A_193 = arith.addi %add3A_149, %add3A_192 : i32
      %lt3A_194 = arith.constant 78 : i32
      %lt3A_195 = arith.cmpi slt, %add3A_193, %lt3A_194 : i32
      %convert_element_type3A_196 = arith.extui %lt3A_195 : i1 to i32
      %cond3A_197 = arith.constant 0 : i32
      %cond3A_198 = arith.cmpi ne, %convert_element_type3A_196, %cond3A_197 : i32
      scf.if %cond3A_198 {
        %add3A_345 = arith.constant 2 : i32
        %add3A_346 = arith.addi %add3A_149, %add3A_345 : i32
        %add3A_347 = arith.constant 320000 : i32
        %add3A_348 = arith.addi %add3A_347, %mul3A_2 : i32
        %mul3A_349 = arith.constant 128 : i32
        %mul3A_350 = arith.muli %add3A_346, %mul3A_349 : i32
        %add3A_351 = arith.addi %add3A_348, %mul3A_350 : i32
        %dma_start3A_352 = arith.constant 2 : i32
        %dma_start3A_353 = arith.constant 0 : i32
        %dma_start3A_354 = tpu.memref_slice %arg8[%dma_start3A_352, %dma_start3A_353] : memref<3x128xi32, #tpu.memory_space<vmem>> -> memref<1x128xi32, #tpu.memory_space<vmem>>
        %dma_start3A_355 = tpu.memref_squeeze %dma_start3A_354 : memref<1x128xi32, #tpu.memory_space<vmem>> -> memref<128xi32, #tpu.memory_space<vmem>>
        %dma_start3A_356 = tpu.memref_slice %arg4[%add3A_351] : memref<640000xi32, #tpu.memory_space<hbm>> -> memref<128xi32, #tpu.memory_space<hbm>>
        %dma_start3A_357 = arith.constant 0 : i32
        %dma_start3A_358 = tpu.memref_slice %arg8[%dma_start3A_352, %dma_start3A_357] : memref<3x128xi32, #tpu.memory_space<vmem>> -> memref<1x128xi32, #tpu.memory_space<vmem>>
        %dma_start3A_359 = tpu.memref_squeeze %dma_start3A_358 : memref<1x128xi32, #tpu.memory_space<vmem>> -> memref<128xi32, #tpu.memory_space<vmem>>
        %dma_start3A_360 = tpu.memref_slice %arg4[%add3A_351] : memref<640000xi32, #tpu.memory_space<hbm>> -> memref<128xi32, #tpu.memory_space<hbm>>
        tpu.enqueue_dma source(%dma_start3A_360 : memref<128xi32, #tpu.memory_space<hbm>>) target(%dma_start3A_359 : memref<128xi32, #tpu.memory_space<vmem>>) target_semaphore(%arg21 : memref<!tpu.dma_semaphore, #tpu.memory_space<semaphore_mem>>)
      } else {
      }
      %add3A_199 = arith.constant 3 : i32
      %add3A_200 = arith.addi %add3A_149, %add3A_199 : i32
      %lt3A_201 = arith.constant 78 : i32
      %lt3A_202 = arith.cmpi slt, %add3A_200, %lt3A_201 : i32
      %convert_element_type3A_203 = arith.extui %lt3A_202 : i1 to i32
      %cond3A_204 = arith.constant 0 : i32
      %cond3A_205 = arith.cmpi ne, %convert_element_type3A_203, %cond3A_204 : i32
      scf.if %cond3A_205 {
        %add3A_345 = arith.constant 3 : i32
        %add3A_346 = arith.addi %add3A_149, %add3A_345 : i32
        %mul3A_347 = arith.constant 128 : i32
        %mul3A_348 = arith.muli %add3A_346, %mul3A_347 : i32
        %add3A_349 = arith.addi %mul3A_2, %mul3A_348 : i32
        %dma_start3A_350 = arith.constant 0 : i32
        %dma_start3A_351 = arith.constant 0 : i32
        %dma_start3A_352 = tpu.memref_slice %arg7[%dma_start3A_350, %dma_start3A_351] : memref<3x128xi32, #tpu.memory_space<vmem>> -> memref<1x128xi32, #tpu.memory_space<vmem>>
        %dma_start3A_353 = tpu.memref_squeeze %dma_start3A_352 : memref<1x128xi32, #tpu.memory_space<vmem>> -> memref<128xi32, #tpu.memory_space<vmem>>
        %dma_start3A_354 = tpu.memref_slice %arg4[%add3A_349] : memref<640000xi32, #tpu.memory_space<hbm>> -> memref<128xi32, #tpu.memory_space<hbm>>
        %dma_start3A_355 = arith.constant 0 : i32
        %dma_start3A_356 = tpu.memref_slice %arg7[%dma_start3A_350, %dma_start3A_355] : memref<3x128xi32, #tpu.memory_space<vmem>> -> memref<1x128xi32, #tpu.memory_space<vmem>>
        %dma_start3A_357 = tpu.memref_squeeze %dma_start3A_356 : memref<1x128xi32, #tpu.memory_space<vmem>> -> memref<128xi32, #tpu.memory_space<vmem>>
        %dma_start3A_358 = tpu.memref_slice %arg4[%add3A_349] : memref<640000xi32, #tpu.memory_space<hbm>> -> memref<128xi32, #tpu.memory_space<hbm>>
        tpu.enqueue_dma source(%dma_start3A_358 : memref<128xi32, #tpu.memory_space<hbm>>) target(%dma_start3A_357 : memref<128xi32, #tpu.memory_space<vmem>>) target_semaphore(%arg16 : memref<!tpu.dma_semaphore, #tpu.memory_space<semaphore_mem>>)
      } else {
      }
      %add3A_206 = arith.constant 2 : i32
      %add3A_207 = arith.addi %add3A_149, %add3A_206 : i32
      %lt3A_208 = arith.constant 78 : i32
      %lt3A_209 = arith.cmpi slt, %add3A_207, %lt3A_208 : i32
      %convert_element_type3A_210 = arith.extui %lt3A_209 : i1 to i32
      %cond3A_211 = arith.constant 0 : i32
      %cond3A_212 = arith.cmpi ne, %convert_element_type3A_210, %cond3A_211 : i32
      scf.if %cond3A_212 {
        %add3A_345 = arith.constant 2 : i32
        %add3A_346 = arith.addi %add3A_149, %add3A_345 : i32
        %mul3A_347 = arith.constant 128 : i32
        %mul3A_348 = arith.muli %add3A_346, %mul3A_347 : i32
        %add3A_349 = arith.addi %mul3A_2, %mul3A_348 : i32
        %dma_wait3A_350 = arith.constant 2 : i32
        %dma_wait3A_351 = arith.constant 0 : i32
        %dma_wait3A_352 = tpu.memref_slice %arg7[%dma_wait3A_350, %dma_wait3A_351] : memref<3x128xi32, #tpu.memory_space<vmem>> -> memref<1x128xi32, #tpu.memory_space<vmem>>
        %dma_wait3A_353 = tpu.memref_squeeze %dma_wait3A_352 : memref<1x128xi32, #tpu.memory_space<vmem>> -> memref<128xi32, #tpu.memory_space<vmem>>
        %dma_wait3A_354 = tpu.memref_slice %arg4[%add3A_349] : memref<640000xi32, #tpu.memory_space<hbm>> -> memref<128xi32, #tpu.memory_space<hbm>>
        %dma_wait3A_355 = arith.constant 0 : i32
        %dma_wait3A_356 = tpu.memref_slice %arg7[%dma_wait3A_350, %dma_wait3A_355] : memref<3x128xi32, #tpu.memory_space<vmem>> -> memref<1x128xi32, #tpu.memory_space<vmem>>
        %dma_wait3A_357 = tpu.memref_squeeze %dma_wait3A_356 : memref<1x128xi32, #tpu.memory_space<vmem>> -> memref<128xi32, #tpu.memory_space<vmem>>
        %dma_wait3A_358 = tpu.memref_slice %arg4[%add3A_349] : memref<640000xi32, #tpu.memory_space<hbm>> -> memref<128xi32, #tpu.memory_space<hbm>>
        tpu.wait_dma2 semaphore(%arg18 : memref<!tpu.dma_semaphore, #tpu.memory_space<semaphore_mem>>) src(%dma_wait3A_358 : memref<128xi32, #tpu.memory_space<hbm>>) dst(%dma_wait3A_357 : memref<128xi32, #tpu.memory_space<vmem>>)
        %dma_start3A_359 = arith.constant 2 : i32
        %dma_start3A_360 = arith.constant 2 : i32
        %dma_start3A_361 = arith.constant 0 : i32
        %dma_start3A_362 = arith.constant 0 : i32
        %dma_start3A_363 = tpu.memref_slice %arg9[%dma_start3A_360, %dma_start3A_361, %dma_start3A_362] : memref<3x128x128xf32, #tpu.memory_space<vmem>> -> memref<1x128x128xf32, #tpu.memory_space<vmem>>
        %dma_start3A_364 = tpu.memref_squeeze %dma_start3A_363 : memref<1x128x128xf32, #tpu.memory_space<vmem>> -> memref<128x128xf32, #tpu.memory_space<vmem>>
        %dma_start3A_365 = arith.constant 0 : i32
        %dma_start3A_366 = tpu.memref_slice %arg7[%dma_start3A_359, %dma_start3A_365] : memref<3x128xi32, #tpu.memory_space<vmem>> -> memref<1x128xi32, #tpu.memory_space<vmem>>
        %dma_start3A_367 = tpu.memref_squeeze %dma_start3A_366 : memref<1x128xi32, #tpu.memory_space<vmem>> -> memref<128xi32, #tpu.memory_space<vmem>>
        %dma_start3A_368 = arith.constant 0 : i32
        %dma_start3A_369 = arith.constant 0 : i32
        %dma_start3A_370 = tpu.memref_slice %arg2[%dma_start3A_368, %dma_start3A_369] : memref<10000x128xf32, #tpu.memory_space<hbm>> -> memref<10000x128xf32, #tpu.memory_space<hbm>>
        tpu.enqueue_indirect_dma source(%dma_start3A_370 : memref<10000x128xf32, #tpu.memory_space<hbm>>) target(%dma_start3A_364 : memref<128x128xf32, #tpu.memory_space<vmem>>) offsets(%dma_start3A_367 : memref<128xi32, #tpu.memory_space<vmem>>) semaphore(%arg12 : memref<!tpu.dma_semaphore, #tpu.memory_space<semaphore_mem>>)
      } else {
      }
      %add3A_213 = arith.constant 1 : i32
      %add3A_214 = arith.addi %mul3A_147, %add3A_213 : i32
      %dma_wait3A_215 = arith.constant 1 : i32
      %dma_wait3A_216 = arith.constant 1 : i32
      %dma_wait3A_217 = arith.constant 0 : i32
      %dma_wait3A_218 = arith.constant 0 : i32
      %dma_wait3A_219 = tpu.memref_slice %arg9[%dma_wait3A_216, %dma_wait3A_217, %dma_wait3A_218] : memref<3x128x128xf32, #tpu.memory_space<vmem>> -> memref<1x128x128xf32, #tpu.memory_space<vmem>>
      %dma_wait3A_220 = tpu.memref_squeeze %dma_wait3A_219 : memref<1x128x128xf32, #tpu.memory_space<vmem>> -> memref<128x128xf32, #tpu.memory_space<vmem>>
      %dma_wait3A_221 = arith.constant 0 : i32
      %dma_wait3A_222 = tpu.memref_slice %arg7[%dma_wait3A_215, %dma_wait3A_221] : memref<3x128xi32, #tpu.memory_space<vmem>> -> memref<1x128xi32, #tpu.memory_space<vmem>>
      %dma_wait3A_223 = tpu.memref_squeeze %dma_wait3A_222 : memref<1x128xi32, #tpu.memory_space<vmem>> -> memref<128xi32, #tpu.memory_space<vmem>>
      %dma_wait3A_224 = arith.constant 0 : i32
      %dma_wait3A_225 = arith.constant 0 : i32
      %dma_wait3A_226 = tpu.memref_slice %arg2[%dma_wait3A_224, %dma_wait3A_225] : memref<10000x128xf32, #tpu.memory_space<hbm>> -> memref<10000x128xf32, #tpu.memory_space<hbm>>
      tpu.wait_indirect_dma semaphore(%arg11 : memref<!tpu.dma_semaphore, #tpu.memory_space<semaphore_mem>>) src(%dma_wait3A_226 : memref<10000x128xf32, #tpu.memory_space<hbm>>) dst(%dma_wait3A_220 : memref<128x128xf32, #tpu.memory_space<vmem>>)
      %add3A_227 = arith.constant 320000 : i32
      %add3A_228 = arith.addi %add3A_227, %mul3A_2 : i32
      %mul3A_229 = arith.constant 128 : i32
      %mul3A_230 = arith.muli %add3A_214, %mul3A_229 : i32
      %add3A_231 = arith.addi %add3A_228, %mul3A_230 : i32
      %dma_wait3A_232 = arith.constant 1 : i32
      %dma_wait3A_233 = arith.constant 0 : i32
      %dma_wait3A_234 = tpu.memref_slice %arg8[%dma_wait3A_232, %dma_wait3A_233] : memref<3x128xi32, #tpu.memory_space<vmem>> -> memref<1x128xi32, #tpu.memory_space<vmem>>
      %dma_wait3A_235 = tpu.memref_squeeze %dma_wait3A_234 : memref<1x128xi32, #tpu.memory_space<vmem>> -> memref<128xi32, #tpu.memory_space<vmem>>
      %dma_wait3A_236 = tpu.memref_slice %arg4[%add3A_231] : memref<640000xi32, #tpu.memory_space<hbm>> -> memref<128xi32, #tpu.memory_space<hbm>>
      %dma_wait3A_237 = arith.constant 0 : i32
      %dma_wait3A_238 = tpu.memref_slice %arg8[%dma_wait3A_232, %dma_wait3A_237] : memref<3x128xi32, #tpu.memory_space<vmem>> -> memref<1x128xi32, #tpu.memory_space<vmem>>
      %dma_wait3A_239 = tpu.memref_squeeze %dma_wait3A_238 : memref<1x128xi32, #tpu.memory_space<vmem>> -> memref<128xi32, #tpu.memory_space<vmem>>
      %dma_wait3A_240 = tpu.memref_slice %arg4[%add3A_231] : memref<640000xi32, #tpu.memory_space<hbm>> -> memref<128xi32, #tpu.memory_space<hbm>>
      tpu.wait_dma2 semaphore(%arg20 : memref<!tpu.dma_semaphore, #tpu.memory_space<semaphore_mem>>) src(%dma_wait3A_240 : memref<128xi32, #tpu.memory_space<hbm>>) dst(%dma_wait3A_239 : memref<128xi32, #tpu.memory_space<vmem>>)
      %dma_start3A_241 = arith.constant 1 : i32
      %dma_start3A_242 = arith.constant 1 : i32
      %dma_start3A_243 = arith.constant 0 : i32
      %dma_start3A_244 = arith.constant 0 : i32
      %dma_start3A_245 = tpu.memref_slice %arg9[%dma_start3A_241, %dma_start3A_243, %dma_start3A_244] : memref<3x128x128xf32, #tpu.memory_space<vmem>> -> memref<1x128x128xf32, #tpu.memory_space<vmem>>
      %dma_start3A_246 = tpu.memref_squeeze %dma_start3A_245 : memref<1x128x128xf32, #tpu.memory_space<vmem>> -> memref<128x128xf32, #tpu.memory_space<vmem>>
      %dma_start3A_247 = arith.constant 0 : i32
      %dma_start3A_248 = tpu.memref_slice %arg8[%dma_start3A_242, %dma_start3A_247] : memref<3x128xi32, #tpu.memory_space<vmem>> -> memref<1x128xi32, #tpu.memory_space<vmem>>
      %dma_start3A_249 = tpu.memref_squeeze %dma_start3A_248 : memref<1x128xi32, #tpu.memory_space<vmem>> -> memref<128xi32, #tpu.memory_space<vmem>>
      %dma_start3A_250 = arith.constant 0 : i32
      %dma_start3A_251 = arith.constant 0 : i32
      %dma_start3A_252 = tpu.memref_slice %arg6[%dma_start3A_250, %dma_start3A_251] : memref<10000x128xf32, #tpu.memory_space<vmem_shared>> -> memref<10000x128xf32, #tpu.memory_space<vmem_shared>>
      tpu.enqueue_indirect_dma source(%dma_start3A_246 : memref<128x128xf32, #tpu.memory_space<vmem>>) target(%dma_start3A_252 : memref<10000x128xf32, #tpu.memory_space<vmem_shared>>) offsets(%dma_start3A_249 : memref<128xi32, #tpu.memory_space<vmem>>) semaphore(%arg14 : memref<!tpu.dma_semaphore, #tpu.memory_space<semaphore_mem>>) {add = true}
      %ge3A_253 = arith.constant 1 : i32
      %ge3A_254 = arith.cmpi sge, %add3A_214, %ge3A_253 : i32
      %convert_element_type3A_255 = arith.extui %ge3A_254 : i1 to i32
      %cond3A_256 = arith.constant 0 : i32
      %cond3A_257 = arith.cmpi ne, %convert_element_type3A_255, %cond3A_256 : i32
      scf.if %cond3A_257 {
        %dma_wait3A_345 = arith.constant 0 : i32
        %dma_wait3A_346 = arith.constant 0 : i32
        %dma_wait3A_347 = arith.constant 0 : i32
        %dma_wait3A_348 = arith.constant 0 : i32
        %dma_wait3A_349 = tpu.memref_slice %arg9[%dma_wait3A_345, %dma_wait3A_347, %dma_wait3A_348] : memref<3x128x128xf32, #tpu.memory_space<vmem>> -> memref<1x128x128xf32, #tpu.memory_space<vmem>>
        %dma_wait3A_350 = tpu.memref_squeeze %dma_wait3A_349 : memref<1x128x128xf32, #tpu.memory_space<vmem>> -> memref<128x128xf32, #tpu.memory_space<vmem>>
        %dma_wait3A_351 = arith.constant 0 : i32
        %dma_wait3A_352 = tpu.memref_slice %arg8[%dma_wait3A_346, %dma_wait3A_351] : memref<3x128xi32, #tpu.memory_space<vmem>> -> memref<1x128xi32, #tpu.memory_space<vmem>>
        %dma_wait3A_353 = tpu.memref_squeeze %dma_wait3A_352 : memref<1x128xi32, #tpu.memory_space<vmem>> -> memref<128xi32, #tpu.memory_space<vmem>>
        %dma_wait3A_354 = arith.constant 0 : i32
        %dma_wait3A_355 = arith.constant 0 : i32
        %dma_wait3A_356 = tpu.memref_slice %arg6[%dma_wait3A_354, %dma_wait3A_355] : memref<10000x128xf32, #tpu.memory_space<vmem_shared>> -> memref<10000x128xf32, #tpu.memory_space<vmem_shared>>
        tpu.wait_indirect_dma semaphore(%arg13 : memref<!tpu.dma_semaphore, #tpu.memory_space<semaphore_mem>>) src(%dma_wait3A_350 : memref<128x128xf32, #tpu.memory_space<vmem>>) dst(%dma_wait3A_356 : memref<10000x128xf32, #tpu.memory_space<vmem_shared>>)
      } else {
      }
      %add3A_258 = arith.constant 2 : i32
      %add3A_259 = arith.addi %add3A_214, %add3A_258 : i32
      %lt3A_260 = arith.constant 78 : i32
      %lt3A_261 = arith.cmpi slt, %add3A_259, %lt3A_260 : i32
      %convert_element_type3A_262 = arith.extui %lt3A_261 : i1 to i32
      %cond3A_263 = arith.constant 0 : i32
      %cond3A_264 = arith.cmpi ne, %convert_element_type3A_262, %cond3A_263 : i32
      scf.if %cond3A_264 {
        %add3A_345 = arith.constant 2 : i32
        %add3A_346 = arith.addi %add3A_214, %add3A_345 : i32
        %add3A_347 = arith.constant 320000 : i32
        %add3A_348 = arith.addi %add3A_347, %mul3A_2 : i32
        %mul3A_349 = arith.constant 128 : i32
        %mul3A_350 = arith.muli %add3A_346, %mul3A_349 : i32
        %add3A_351 = arith.addi %add3A_348, %mul3A_350 : i32
        %dma_start3A_352 = arith.constant 0 : i32
        %dma_start3A_353 = arith.constant 0 : i32
        %dma_start3A_354 = tpu.memref_slice %arg8[%dma_start3A_352, %dma_start3A_353] : memref<3x128xi32, #tpu.memory_space<vmem>> -> memref<1x128xi32, #tpu.memory_space<vmem>>
        %dma_start3A_355 = tpu.memref_squeeze %dma_start3A_354 : memref<1x128xi32, #tpu.memory_space<vmem>> -> memref<128xi32, #tpu.memory_space<vmem>>
        %dma_start3A_356 = tpu.memref_slice %arg4[%add3A_351] : memref<640000xi32, #tpu.memory_space<hbm>> -> memref<128xi32, #tpu.memory_space<hbm>>
        %dma_start3A_357 = arith.constant 0 : i32
        %dma_start3A_358 = tpu.memref_slice %arg8[%dma_start3A_352, %dma_start3A_357] : memref<3x128xi32, #tpu.memory_space<vmem>> -> memref<1x128xi32, #tpu.memory_space<vmem>>
        %dma_start3A_359 = tpu.memref_squeeze %dma_start3A_358 : memref<1x128xi32, #tpu.memory_space<vmem>> -> memref<128xi32, #tpu.memory_space<vmem>>
        %dma_start3A_360 = tpu.memref_slice %arg4[%add3A_351] : memref<640000xi32, #tpu.memory_space<hbm>> -> memref<128xi32, #tpu.memory_space<hbm>>
        tpu.enqueue_dma source(%dma_start3A_360 : memref<128xi32, #tpu.memory_space<hbm>>) target(%dma_start3A_359 : memref<128xi32, #tpu.memory_space<vmem>>) target_semaphore(%arg19 : memref<!tpu.dma_semaphore, #tpu.memory_space<semaphore_mem>>)
      } else {
      }
      %add3A_265 = arith.constant 3 : i32
      %add3A_266 = arith.addi %add3A_214, %add3A_265 : i32
      %lt3A_267 = arith.constant 78 : i32
      %lt3A_268 = arith.cmpi slt, %add3A_266, %lt3A_267 : i32
      %convert_element_type3A_269 = arith.extui %lt3A_268 : i1 to i32
      %cond3A_270 = arith.constant 0 : i32
      %cond3A_271 = arith.cmpi ne, %convert_element_type3A_269, %cond3A_270 : i32
      scf.if %cond3A_271 {
        %add3A_345 = arith.constant 3 : i32
        %add3A_346 = arith.addi %add3A_214, %add3A_345 : i32
        %mul3A_347 = arith.constant 128 : i32
        %mul3A_348 = arith.muli %add3A_346, %mul3A_347 : i32
        %add3A_349 = arith.addi %mul3A_2, %mul3A_348 : i32
        %dma_start3A_350 = arith.constant 1 : i32
        %dma_start3A_351 = arith.constant 0 : i32
        %dma_start3A_352 = tpu.memref_slice %arg7[%dma_start3A_350, %dma_start3A_351] : memref<3x128xi32, #tpu.memory_space<vmem>> -> memref<1x128xi32, #tpu.memory_space<vmem>>
        %dma_start3A_353 = tpu.memref_squeeze %dma_start3A_352 : memref<1x128xi32, #tpu.memory_space<vmem>> -> memref<128xi32, #tpu.memory_space<vmem>>
        %dma_start3A_354 = tpu.memref_slice %arg4[%add3A_349] : memref<640000xi32, #tpu.memory_space<hbm>> -> memref<128xi32, #tpu.memory_space<hbm>>
        %dma_start3A_355 = arith.constant 0 : i32
        %dma_start3A_356 = tpu.memref_slice %arg7[%dma_start3A_350, %dma_start3A_355] : memref<3x128xi32, #tpu.memory_space<vmem>> -> memref<1x128xi32, #tpu.memory_space<vmem>>
        %dma_start3A_357 = tpu.memref_squeeze %dma_start3A_356 : memref<1x128xi32, #tpu.memory_space<vmem>> -> memref<128xi32, #tpu.memory_space<vmem>>
        %dma_start3A_358 = tpu.memref_slice %arg4[%add3A_349] : memref<640000xi32, #tpu.memory_space<hbm>> -> memref<128xi32, #tpu.memory_space<hbm>>
        tpu.enqueue_dma source(%dma_start3A_358 : memref<128xi32, #tpu.memory_space<hbm>>) target(%dma_start3A_357 : memref<128xi32, #tpu.memory_space<vmem>>) target_semaphore(%arg17 : memref<!tpu.dma_semaphore, #tpu.memory_space<semaphore_mem>>)
      } else {
      }
      %add3A_272 = arith.constant 2 : i32
      %add3A_273 = arith.addi %add3A_214, %add3A_272 : i32
      %lt3A_274 = arith.constant 78 : i32
      %lt3A_275 = arith.cmpi slt, %add3A_273, %lt3A_274 : i32
      %convert_element_type3A_276 = arith.extui %lt3A_275 : i1 to i32
      %cond3A_277 = arith.constant 0 : i32
      %cond3A_278 = arith.cmpi ne, %convert_element_type3A_276, %cond3A_277 : i32
      scf.if %cond3A_278 {
        %add3A_345 = arith.constant 2 : i32
        %add3A_346 = arith.addi %add3A_214, %add3A_345 : i32
        %mul3A_347 = arith.constant 128 : i32
        %mul3A_348 = arith.muli %add3A_346, %mul3A_347 : i32
        %add3A_349 = arith.addi %mul3A_2, %mul3A_348 : i32
        %dma_wait3A_350 = arith.constant 0 : i32
        %dma_wait3A_351 = arith.constant 0 : i32
        %dma_wait3A_352 = tpu.memref_slice %arg7[%dma_wait3A_350, %dma_wait3A_351] : memref<3x128xi32, #tpu.memory_space<vmem>> -> memref<1x128xi32, #tpu.memory_space<vmem>>
        %dma_wait3A_353 = tpu.memref_squeeze %dma_wait3A_352 : memref<1x128xi32, #tpu.memory_space<vmem>> -> memref<128xi32, #tpu.memory_space<vmem>>
        %dma_wait3A_354 = tpu.memref_slice %arg4[%add3A_349] : memref<640000xi32, #tpu.memory_space<hbm>> -> memref<128xi32, #tpu.memory_space<hbm>>
        %dma_wait3A_355 = arith.constant 0 : i32
        %dma_wait3A_356 = tpu.memref_slice %arg7[%dma_wait3A_350, %dma_wait3A_355] : memref<3x128xi32, #tpu.memory_space<vmem>> -> memref<1x128xi32, #tpu.memory_space<vmem>>
        %dma_wait3A_357 = tpu.memref_squeeze %dma_wait3A_356 : memref<1x128xi32, #tpu.memory_space<vmem>> -> memref<128xi32, #tpu.memory_space<vmem>>
        %dma_wait3A_358 = tpu.memref_slice %arg4[%add3A_349] : memref<640000xi32, #tpu.memory_space<hbm>> -> memref<128xi32, #tpu.memory_space<hbm>>
        tpu.wait_dma2 semaphore(%arg16 : memref<!tpu.dma_semaphore, #tpu.memory_space<semaphore_mem>>) src(%dma_wait3A_358 : memref<128xi32, #tpu.memory_space<hbm>>) dst(%dma_wait3A_357 : memref<128xi32, #tpu.memory_space<vmem>>)
        %dma_start3A_359 = arith.constant 0 : i32
        %dma_start3A_360 = arith.constant 0 : i32
        %dma_start3A_361 = arith.constant 0 : i32
        %dma_start3A_362 = arith.constant 0 : i32
        %dma_start3A_363 = tpu.memref_slice %arg9[%dma_start3A_360, %dma_start3A_361, %dma_start3A_362] : memref<3x128x128xf32, #tpu.memory_space<vmem>> -> memref<1x128x128xf32, #tpu.memory_space<vmem>>
        %dma_start3A_364 = tpu.memref_squeeze %dma_start3A_363 : memref<1x128x128xf32, #tpu.memory_space<vmem>> -> memref<128x128xf32, #tpu.memory_space<vmem>>
        %dma_start3A_365 = arith.constant 0 : i32
        %dma_start3A_366 = tpu.memref_slice %arg7[%dma_start3A_359, %dma_start3A_365] : memref<3x128xi32, #tpu.memory_space<vmem>> -> memref<1x128xi32, #tpu.memory_space<vmem>>
        %dma_start3A_367 = tpu.memref_squeeze %dma_start3A_366 : memref<1x128xi32, #tpu.memory_space<vmem>> -> memref<128xi32, #tpu.memory_space<vmem>>
        %dma_start3A_368 = arith.constant 0 : i32
        %dma_start3A_369 = arith.constant 0 : i32
        %dma_start3A_370 = tpu.memref_slice %arg2[%dma_start3A_368, %dma_start3A_369] : memref<10000x128xf32, #tpu.memory_space<hbm>> -> memref<10000x128xf32, #tpu.memory_space<hbm>>
        tpu.enqueue_indirect_dma source(%dma_start3A_370 : memref<10000x128xf32, #tpu.memory_space<hbm>>) target(%dma_start3A_364 : memref<128x128xf32, #tpu.memory_space<vmem>>) offsets(%dma_start3A_367 : memref<128xi32, #tpu.memory_space<vmem>>) semaphore(%arg10 : memref<!tpu.dma_semaphore, #tpu.memory_space<semaphore_mem>>)
      } else {
      }
      %add3A_279 = arith.constant 2 : i32
      %add3A_280 = arith.addi %mul3A_147, %add3A_279 : i32
      %dma_wait3A_281 = arith.constant 2 : i32
      %dma_wait3A_282 = arith.constant 2 : i32
      %dma_wait3A_283 = arith.constant 0 : i32
      %dma_wait3A_284 = arith.constant 0 : i32
      %dma_wait3A_285 = tpu.memref_slice %arg9[%dma_wait3A_282, %dma_wait3A_283, %dma_wait3A_284] : memref<3x128x128xf32, #tpu.memory_space<vmem>> -> memref<1x128x128xf32, #tpu.memory_space<vmem>>
      %dma_wait3A_286 = tpu.memref_squeeze %dma_wait3A_285 : memref<1x128x128xf32, #tpu.memory_space<vmem>> -> memref<128x128xf32, #tpu.memory_space<vmem>>
      %dma_wait3A_287 = arith.constant 0 : i32
      %dma_wait3A_288 = tpu.memref_slice %arg7[%dma_wait3A_281, %dma_wait3A_287] : memref<3x128xi32, #tpu.memory_space<vmem>> -> memref<1x128xi32, #tpu.memory_space<vmem>>
      %dma_wait3A_289 = tpu.memref_squeeze %dma_wait3A_288 : memref<1x128xi32, #tpu.memory_space<vmem>> -> memref<128xi32, #tpu.memory_space<vmem>>
      %dma_wait3A_290 = arith.constant 0 : i32
      %dma_wait3A_291 = arith.constant 0 : i32
      %dma_wait3A_292 = tpu.memref_slice %arg2[%dma_wait3A_290, %dma_wait3A_291] : memref<10000x128xf32, #tpu.memory_space<hbm>> -> memref<10000x128xf32, #tpu.memory_space<hbm>>
      tpu.wait_indirect_dma semaphore(%arg12 : memref<!tpu.dma_semaphore, #tpu.memory_space<semaphore_mem>>) src(%dma_wait3A_292 : memref<10000x128xf32, #tpu.memory_space<hbm>>) dst(%dma_wait3A_286 : memref<128x128xf32, #tpu.memory_space<vmem>>)
      %add3A_293 = arith.constant 320000 : i32
      %add3A_294 = arith.addi %add3A_293, %mul3A_2 : i32
      %mul3A_295 = arith.constant 128 : i32
      %mul3A_296 = arith.muli %add3A_280, %mul3A_295 : i32
      %add3A_297 = arith.addi %add3A_294, %mul3A_296 : i32
      %dma_wait3A_298 = arith.constant 2 : i32
      %dma_wait3A_299 = arith.constant 0 : i32
      %dma_wait3A_300 = tpu.memref_slice %arg8[%dma_wait3A_298, %dma_wait3A_299] : memref<3x128xi32, #tpu.memory_space<vmem>> -> memref<1x128xi32, #tpu.memory_space<vmem>>
      %dma_wait3A_301 = tpu.memref_squeeze %dma_wait3A_300 : memref<1x128xi32, #tpu.memory_space<vmem>> -> memref<128xi32, #tpu.memory_space<vmem>>
      %dma_wait3A_302 = tpu.memref_slice %arg4[%add3A_297] : memref<640000xi32, #tpu.memory_space<hbm>> -> memref<128xi32, #tpu.memory_space<hbm>>
      %dma_wait3A_303 = arith.constant 0 : i32
      %dma_wait3A_304 = tpu.memref_slice %arg8[%dma_wait3A_298, %dma_wait3A_303] : memref<3x128xi32, #tpu.memory_space<vmem>> -> memref<1x128xi32, #tpu.memory_space<vmem>>
      %dma_wait3A_305 = tpu.memref_squeeze %dma_wait3A_304 : memref<1x128xi32, #tpu.memory_space<vmem>> -> memref<128xi32, #tpu.memory_space<vmem>>
      %dma_wait3A_306 = tpu.memref_slice %arg4[%add3A_297] : memref<640000xi32, #tpu.memory_space<hbm>> -> memref<128xi32, #tpu.memory_space<hbm>>
      tpu.wait_dma2 semaphore(%arg21 : memref<!tpu.dma_semaphore, #tpu.memory_space<semaphore_mem>>) src(%dma_wait3A_306 : memref<128xi32, #tpu.memory_space<hbm>>) dst(%dma_wait3A_305 : memref<128xi32, #tpu.memory_space<vmem>>)
      %dma_start3A_307 = arith.constant 2 : i32
      %dma_start3A_308 = arith.constant 2 : i32
      %dma_start3A_309 = arith.constant 0 : i32
      %dma_start3A_310 = arith.constant 0 : i32
      %dma_start3A_311 = tpu.memref_slice %arg9[%dma_start3A_307, %dma_start3A_309, %dma_start3A_310] : memref<3x128x128xf32, #tpu.memory_space<vmem>> -> memref<1x128x128xf32, #tpu.memory_space<vmem>>
      %dma_start3A_312 = tpu.memref_squeeze %dma_start3A_311 : memref<1x128x128xf32, #tpu.memory_space<vmem>> -> memref<128x128xf32, #tpu.memory_space<vmem>>
      %dma_start3A_313 = arith.constant 0 : i32
      %dma_start3A_314 = tpu.memref_slice %arg8[%dma_start3A_308, %dma_start3A_313] : memref<3x128xi32, #tpu.memory_space<vmem>> -> memref<1x128xi32, #tpu.memory_space<vmem>>
      %dma_start3A_315 = tpu.memref_squeeze %dma_start3A_314 : memref<1x128xi32, #tpu.memory_space<vmem>> -> memref<128xi32, #tpu.memory_space<vmem>>
      %dma_start3A_316 = arith.constant 0 : i32
      %dma_start3A_317 = arith.constant 0 : i32
      %dma_start3A_318 = tpu.memref_slice %arg6[%dma_start3A_316, %dma_start3A_317] : memref<10000x128xf32, #tpu.memory_space<vmem_shared>> -> memref<10000x128xf32, #tpu.memory_space<vmem_shared>>
      tpu.enqueue_indirect_dma source(%dma_start3A_312 : memref<128x128xf32, #tpu.memory_space<vmem>>) target(%dma_start3A_318 : memref<10000x128xf32, #tpu.memory_space<vmem_shared>>) offsets(%dma_start3A_315 : memref<128xi32, #tpu.memory_space<vmem>>) semaphore(%arg15 : memref<!tpu.dma_semaphore, #tpu.memory_space<semaphore_mem>>) {add = true}
      %ge3A_319 = arith.constant 1 : i32
      %ge3A_320 = arith.cmpi sge, %add3A_280, %ge3A_319 : i32
      %convert_element_type3A_321 = arith.extui %ge3A_320 : i1 to i32
      %cond3A_322 = arith.constant 0 : i32
      %cond3A_323 = arith.cmpi ne, %convert_element_type3A_321, %cond3A_322 : i32
      scf.if %cond3A_323 {
        %dma_wait3A_345 = arith.constant 1 : i32
        %dma_wait3A_346 = arith.constant 1 : i32
        %dma_wait3A_347 = arith.constant 0 : i32
        %dma_wait3A_348 = arith.constant 0 : i32
        %dma_wait3A_349 = tpu.memref_slice %arg9[%dma_wait3A_345, %dma_wait3A_347, %dma_wait3A_348] : memref<3x128x128xf32, #tpu.memory_space<vmem>> -> memref<1x128x128xf32, #tpu.memory_space<vmem>>
        %dma_wait3A_350 = tpu.memref_squeeze %dma_wait3A_349 : memref<1x128x128xf32, #tpu.memory_space<vmem>> -> memref<128x128xf32, #tpu.memory_space<vmem>>
        %dma_wait3A_351 = arith.constant 0 : i32
        %dma_wait3A_352 = tpu.memref_slice %arg8[%dma_wait3A_346, %dma_wait3A_351] : memref<3x128xi32, #tpu.memory_space<vmem>> -> memref<1x128xi32, #tpu.memory_space<vmem>>
        %dma_wait3A_353 = tpu.memref_squeeze %dma_wait3A_352 : memref<1x128xi32, #tpu.memory_space<vmem>> -> memref<128xi32, #tpu.memory_space<vmem>>
        %dma_wait3A_354 = arith.constant 0 : i32
        %dma_wait3A_355 = arith.constant 0 : i32
        %dma_wait3A_356 = tpu.memref_slice %arg6[%dma_wait3A_354, %dma_wait3A_355] : memref<10000x128xf32, #tpu.memory_space<vmem_shared>> -> memref<10000x128xf32, #tpu.memory_space<vmem_shared>>
        tpu.wait_indirect_dma semaphore(%arg14 : memref<!tpu.dma_semaphore, #tpu.memory_space<semaphore_mem>>) src(%dma_wait3A_350 : memref<128x128xf32, #tpu.memory_space<vmem>>) dst(%dma_wait3A_356 : memref<10000x128xf32, #tpu.memory_space<vmem_shared>>)
      } else {
      }
      %add3A_324 = arith.constant 2 : i32
      %add3A_325 = arith.addi %add3A_280, %add3A_324 : i32
      %lt3A_326 = arith.constant 78 : i32
      %lt3A_327 = arith.cmpi slt, %add3A_325, %lt3A_326 : i32
      %convert_element_type3A_328 = arith.extui %lt3A_327 : i1 to i32
      %cond3A_329 = arith.constant 0 : i32
      %cond3A_330 = arith.cmpi ne, %convert_element_type3A_328, %cond3A_329 : i32
      scf.if %cond3A_330 {
        %add3A_345 = arith.constant 2 : i32
        %add3A_346 = arith.addi %add3A_280, %add3A_345 : i32
        %add3A_347 = arith.constant 320000 : i32
        %add3A_348 = arith.addi %add3A_347, %mul3A_2 : i32
        %mul3A_349 = arith.constant 128 : i32
        %mul3A_350 = arith.muli %add3A_346, %mul3A_349 : i32
        %add3A_351 = arith.addi %add3A_348, %mul3A_350 : i32
        %dma_start3A_352 = arith.constant 1 : i32
        %dma_start3A_353 = arith.constant 0 : i32
        %dma_start3A_354 = tpu.memref_slice %arg8[%dma_start3A_352, %dma_start3A_353] : memref<3x128xi32, #tpu.memory_space<vmem>> -> memref<1x128xi32, #tpu.memory_space<vmem>>
        %dma_start3A_355 = tpu.memref_squeeze %dma_start3A_354 : memref<1x128xi32, #tpu.memory_space<vmem>> -> memref<128xi32, #tpu.memory_space<vmem>>
        %dma_start3A_356 = tpu.memref_slice %arg4[%add3A_351] : memref<640000xi32, #tpu.memory_space<hbm>> -> memref<128xi32, #tpu.memory_space<hbm>>
        %dma_start3A_357 = arith.constant 0 : i32
        %dma_start3A_358 = tpu.memref_slice %arg8[%dma_start3A_352, %dma_start3A_357] : memref<3x128xi32, #tpu.memory_space<vmem>> -> memref<1x128xi32, #tpu.memory_space<vmem>>
        %dma_start3A_359 = tpu.memref_squeeze %dma_start3A_358 : memref<1x128xi32, #tpu.memory_space<vmem>> -> memref<128xi32, #tpu.memory_space<vmem>>
        %dma_start3A_360 = tpu.memref_slice %arg4[%add3A_351] : memref<640000xi32, #tpu.memory_space<hbm>> -> memref<128xi32, #tpu.memory_space<hbm>>
        tpu.enqueue_dma source(%dma_start3A_360 : memref<128xi32, #tpu.memory_space<hbm>>) target(%dma_start3A_359 : memref<128xi32, #tpu.memory_space<vmem>>) target_semaphore(%arg20 : memref<!tpu.dma_semaphore, #tpu.memory_space<semaphore_mem>>)
      } else {
      }
      %add3A_331 = arith.constant 3 : i32
      %add3A_332 = arith.addi %add3A_280, %add3A_331 : i32
      %lt3A_333 = arith.constant 78 : i32
      %lt3A_334 = arith.cmpi slt, %add3A_332, %lt3A_333 : i32
      %convert_element_type3A_335 = arith.extui %lt3A_334 : i1 to i32
      %cond3A_336 = arith.constant 0 : i32
      %cond3A_337 = arith.cmpi ne, %convert_element_type3A_335, %cond3A_336 : i32
      scf.if %cond3A_337 {
        %add3A_345 = arith.constant 3 : i32
        %add3A_346 = arith.addi %add3A_280, %add3A_345 : i32
        %mul3A_347 = arith.constant 128 : i32
        %mul3A_348 = arith.muli %add3A_346, %mul3A_347 : i32
        %add3A_349 = arith.addi %mul3A_2, %mul3A_348 : i32
        %dma_start3A_350 = arith.constant 2 : i32
        %dma_start3A_351 = arith.constant 0 : i32
        %dma_start3A_352 = tpu.memref_slice %arg7[%dma_start3A_350, %dma_start3A_351] : memref<3x128xi32, #tpu.memory_space<vmem>> -> memref<1x128xi32, #tpu.memory_space<vmem>>
        %dma_start3A_353 = tpu.memref_squeeze %dma_start3A_352 : memref<1x128xi32, #tpu.memory_space<vmem>> -> memref<128xi32, #tpu.memory_space<vmem>>
        %dma_start3A_354 = tpu.memref_slice %arg4[%add3A_349] : memref<640000xi32, #tpu.memory_space<hbm>> -> memref<128xi32, #tpu.memory_space<hbm>>
        %dma_start3A_355 = arith.constant 0 : i32
        %dma_start3A_356 = tpu.memref_slice %arg7[%dma_start3A_350, %dma_start3A_355] : memref<3x128xi32, #tpu.memory_space<vmem>> -> memref<1x128xi32, #tpu.memory_space<vmem>>
        %dma_start3A_357 = tpu.memref_squeeze %dma_start3A_356 : memref<1x128xi32, #tpu.memory_space<vmem>> -> memref<128xi32, #tpu.memory_space<vmem>>
        %dma_start3A_358 = tpu.memref_slice %arg4[%add3A_349] : memref<640000xi32, #tpu.memory_space<hbm>> -> memref<128xi32, #tpu.memory_space<hbm>>
        tpu.enqueue_dma source(%dma_start3A_358 : memref<128xi32, #tpu.memory_space<hbm>>) target(%dma_start3A_357 : memref<128xi32, #tpu.memory_space<vmem>>) target_semaphore(%arg18 : memref<!tpu.dma_semaphore, #tpu.memory_space<semaphore_mem>>)
      } else {
      }
      %add3A_338 = arith.constant 2 : i32
      %add3A_339 = arith.addi %add3A_280, %add3A_338 : i32
      %lt3A_340 = arith.constant 78 : i32
      %lt3A_341 = arith.cmpi slt, %add3A_339, %lt3A_340 : i32
      %convert_element_type3A_342 = arith.extui %lt3A_341 : i1 to i32
      %cond3A_343 = arith.constant 0 : i32
      %cond3A_344 = arith.cmpi ne, %convert_element_type3A_342, %cond3A_343 : i32
      scf.if %cond3A_344 {
        %add3A_345 = arith.constant 2 : i32
        %add3A_346 = arith.addi %add3A_280, %add3A_345 : i32
        %mul3A_347 = arith.constant 128 : i32
        %mul3A_348 = arith.muli %add3A_346, %mul3A_347 : i32
        %add3A_349 = arith.addi %mul3A_2, %mul3A_348 : i32
        %dma_wait3A_350 = arith.constant 1 : i32
        %dma_wait3A_351 = arith.constant 0 : i32
        %dma_wait3A_352 = tpu.memref_slice %arg7[%dma_wait3A_350, %dma_wait3A_351] : memref<3x128xi32, #tpu.memory_space<vmem>> -> memref<1x128xi32, #tpu.memory_space<vmem>>
        %dma_wait3A_353 = tpu.memref_squeeze %dma_wait3A_352 : memref<1x128xi32, #tpu.memory_space<vmem>> -> memref<128xi32, #tpu.memory_space<vmem>>
        %dma_wait3A_354 = tpu.memref_slice %arg4[%add3A_349] : memref<640000xi32, #tpu.memory_space<hbm>> -> memref<128xi32, #tpu.memory_space<hbm>>
        %dma_wait3A_355 = arith.constant 0 : i32
        %dma_wait3A_356 = tpu.memref_slice %arg7[%dma_wait3A_350, %dma_wait3A_355] : memref<3x128xi32, #tpu.memory_space<vmem>> -> memref<1x128xi32, #tpu.memory_space<vmem>>
        %dma_wait3A_357 = tpu.memref_squeeze %dma_wait3A_356 : memref<1x128xi32, #tpu.memory_space<vmem>> -> memref<128xi32, #tpu.memory_space<vmem>>
        %dma_wait3A_358 = tpu.memref_slice %arg4[%add3A_349] : memref<640000xi32, #tpu.memory_space<hbm>> -> memref<128xi32, #tpu.memory_space<hbm>>
        tpu.wait_dma2 semaphore(%arg17 : memref<!tpu.dma_semaphore, #tpu.memory_space<semaphore_mem>>) src(%dma_wait3A_358 : memref<128xi32, #tpu.memory_space<hbm>>) dst(%dma_wait3A_357 : memref<128xi32, #tpu.memory_space<vmem>>)
        %dma_start3A_359 = arith.constant 1 : i32
        %dma_start3A_360 = arith.constant 1 : i32
        %dma_start3A_361 = arith.constant 0 : i32
        %dma_start3A_362 = arith.constant 0 : i32
        %dma_start3A_363 = tpu.memref_slice %arg9[%dma_start3A_360, %dma_start3A_361, %dma_start3A_362] : memref<3x128x128xf32, #tpu.memory_space<vmem>> -> memref<1x128x128xf32, #tpu.memory_space<vmem>>
        %dma_start3A_364 = tpu.memref_squeeze %dma_start3A_363 : memref<1x128x128xf32, #tpu.memory_space<vmem>> -> memref<128x128xf32, #tpu.memory_space<vmem>>
        %dma_start3A_365 = arith.constant 0 : i32
        %dma_start3A_366 = tpu.memref_slice %arg7[%dma_start3A_359, %dma_start3A_365] : memref<3x128xi32, #tpu.memory_space<vmem>> -> memref<1x128xi32, #tpu.memory_space<vmem>>
        %dma_start3A_367 = tpu.memref_squeeze %dma_start3A_366 : memref<1x128xi32, #tpu.memory_space<vmem>> -> memref<128xi32, #tpu.memory_space<vmem>>
        %dma_start3A_368 = arith.constant 0 : i32
        %dma_start3A_369 = arith.constant 0 : i32
        %dma_start3A_370 = tpu.memref_slice %arg2[%dma_start3A_368, %dma_start3A_369] : memref<10000x128xf32, #tpu.memory_space<hbm>> -> memref<10000x128xf32, #tpu.memory_space<hbm>>
        tpu.enqueue_indirect_dma source(%dma_start3A_370 : memref<10000x128xf32, #tpu.memory_space<hbm>>) target(%dma_start3A_364 : memref<128x128xf32, #tpu.memory_space<vmem>>) offsets(%dma_start3A_367 : memref<128xi32, #tpu.memory_space<vmem>>) semaphore(%arg11 : memref<!tpu.dma_semaphore, #tpu.memory_space<semaphore_mem>>)
      } else {
      }
    }
    %scan3A_116 = arith.constant 26 : i32
    %dma_wait3A_117 = arith.constant 2 : i32
    %dma_wait3A_118 = arith.constant 2 : i32
    %dma_wait3A_119 = arith.constant 0 : i32
    %dma_wait3A_120 = arith.constant 0 : i32
    %dma_wait3A_121 = tpu.memref_slice %arg9[%dma_wait3A_117, %dma_wait3A_119, %dma_wait3A_120] : memref<3x128x128xf32, #tpu.memory_space<vmem>> -> memref<1x128x128xf32, #tpu.memory_space<vmem>>
    %dma_wait3A_122 = tpu.memref_squeeze %dma_wait3A_121 : memref<1x128x128xf32, #tpu.memory_space<vmem>> -> memref<128x128xf32, #tpu.memory_space<vmem>>
    %dma_wait3A_123 = arith.constant 0 : i32
    %dma_wait3A_124 = tpu.memref_slice %arg8[%dma_wait3A_118, %dma_wait3A_123] : memref<3x128xi32, #tpu.memory_space<vmem>> -> memref<1x128xi32, #tpu.memory_space<vmem>>
    %dma_wait3A_125 = tpu.memref_squeeze %dma_wait3A_124 : memref<1x128xi32, #tpu.memory_space<vmem>> -> memref<128xi32, #tpu.memory_space<vmem>>
    %dma_wait3A_126 = arith.constant 0 : i32
    %dma_wait3A_127 = arith.constant 0 : i32
    %dma_wait3A_128 = tpu.memref_slice %arg6[%dma_wait3A_126, %dma_wait3A_127] : memref<10000x128xf32, #tpu.memory_space<vmem_shared>> -> memref<10000x128xf32, #tpu.memory_space<vmem_shared>>
    tpu.wait_indirect_dma semaphore(%arg15 : memref<!tpu.dma_semaphore, #tpu.memory_space<semaphore_mem>>) src(%dma_wait3A_122 : memref<128x128xf32, #tpu.memory_space<vmem>>) dst(%dma_wait3A_128 : memref<10000x128xf32, #tpu.memory_space<vmem_shared>>)
    %lt3A_129 = arith.constant 4 : i32
    %lt3A_130 = arith.cmpi slt, %add3A, %lt3A_129 : i32
    %convert_element_type3A_131 = arith.extui %lt3A_130 : i1 to i32
    %cond3A_132 = arith.constant 0 : i32
    %cond3A_133 = arith.cmpi ne, %convert_element_type3A_131, %cond3A_132 : i32
    scf.if %cond3A_133 {
      %sub3A = arith.constant 319488 : i32
      %sub3A_145 = arith.subi %sub3A, %mul3A_2 : i32
      %jit3A = arith.constant 128 : i32
      %div3A = arith.divsi %sub3A_145, %jit3A : i32
      %sign3A = arith.constant 0 : i32
      %sign3A_146 = arith.cmpi sgt, %sub3A_145, %sign3A : i32
      %sign3A_147 = arith.extui %sign3A_146 : i1 to i32
      %sign3A_148 = arith.constant 0 : i32
      %sign3A_149 = arith.cmpi slt, %sub3A_145, %sign3A_148 : i32
      %sign3A_150 = arith.extui %sign3A_149 : i1 to i32
      %sign3A_151 = arith.subi %sign3A_147, %sign3A_150 : i32
      %sign3A_152 = arith.constant 0 : i32
      %sign3A_153 = arith.cmpi sgt, %jit3A, %sign3A_152 : i32
      %sign3A_154 = arith.extui %sign3A_153 : i1 to i32
      %sign3A_155 = arith.constant 0 : i32
      %sign3A_156 = arith.cmpi slt, %jit3A, %sign3A_155 : i32
      %sign3A_157 = arith.extui %sign3A_156 : i1 to i32
      %sign3A_158 = arith.subi %sign3A_154, %sign3A_157 : i32
      %ne3A = arith.cmpi ne, %sign3A_151, %sign3A_158 : i32
      %rem3A = arith.remsi %sub3A_145, %jit3A : i32
      %ne3A_159 = arith.constant 0 : i32
      %ne3A_160 = arith.cmpi ne, %rem3A, %ne3A_159 : i32
      %and3A = arith.andi %ne3A, %ne3A_160 : i1
      %sub3A_161 = arith.constant 1 : i32
      %sub3A_162 = arith.subi %div3A, %sub3A_161 : i32
      %select_n3A = arith.select %and3A, %sub3A_162, %div3A : i32
      %add3A_163 = arith.addi %select_n3A, %add3A : i32
      %mul3A_164 = arith.constant 128 : i32
      %mul3A_165 = arith.muli %add3A_163, %mul3A_164 : i32
      %add3A_166 = arith.addi %mul3A_2, %mul3A_165 : i32
      %dma_start3A_167 = arith.constant 0 : i32
      %dma_start3A_168 = arith.constant 0 : i32
      %dma_start3A_169 = tpu.memref_slice %arg7[%dma_start3A_167, %dma_start3A_168] : memref<3x128xi32, #tpu.memory_space<vmem>> -> memref<1x128xi32, #tpu.memory_space<vmem>>
      %dma_start3A_170 = tpu.memref_squeeze %dma_start3A_169 : memref<1x128xi32, #tpu.memory_space<vmem>> -> memref<128xi32, #tpu.memory_space<vmem>>
      %dma_start3A_171 = tpu.memref_slice %arg4[%add3A_166] : memref<640000xi32, #tpu.memory_space<hbm>> -> memref<128xi32, #tpu.memory_space<hbm>>
      %dma_start3A_172 = arith.constant 0 : i32
      %dma_start3A_173 = tpu.memref_slice %arg7[%dma_start3A_167, %dma_start3A_172] : memref<3x128xi32, #tpu.memory_space<vmem>> -> memref<1x128xi32, #tpu.memory_space<vmem>>
      %dma_start3A_174 = tpu.memref_squeeze %dma_start3A_173 : memref<1x128xi32, #tpu.memory_space<vmem>> -> memref<128xi32, #tpu.memory_space<vmem>>
      %dma_start3A_175 = tpu.memref_slice %arg4[%add3A_166] : memref<640000xi32, #tpu.memory_space<hbm>> -> memref<128xi32, #tpu.memory_space<hbm>>
      tpu.enqueue_dma source(%dma_start3A_175 : memref<128xi32, #tpu.memory_space<hbm>>) target(%dma_start3A_174 : memref<128xi32, #tpu.memory_space<vmem>>) target_semaphore(%arg16 : memref<!tpu.dma_semaphore, #tpu.memory_space<semaphore_mem>>)
      %add3A_176 = arith.constant 320000 : i32
      %add3A_177 = arith.addi %add3A_176, %mul3A_2 : i32
      %mul3A_178 = arith.constant 128 : i32
      %mul3A_179 = arith.muli %add3A_163, %mul3A_178 : i32
      %add3A_180 = arith.addi %add3A_177, %mul3A_179 : i32
      %dma_start3A_181 = arith.constant 0 : i32
      %dma_start3A_182 = arith.constant 0 : i32
      %dma_start3A_183 = tpu.memref_slice %arg8[%dma_start3A_181, %dma_start3A_182] : memref<3x128xi32, #tpu.memory_space<vmem>> -> memref<1x128xi32, #tpu.memory_space<vmem>>
      %dma_start3A_184 = tpu.memref_squeeze %dma_start3A_183 : memref<1x128xi32, #tpu.memory_space<vmem>> -> memref<128xi32, #tpu.memory_space<vmem>>
      %dma_start3A_185 = tpu.memref_slice %arg4[%add3A_180] : memref<640000xi32, #tpu.memory_space<hbm>> -> memref<128xi32, #tpu.memory_space<hbm>>
      %dma_start3A_186 = arith.constant 0 : i32
      %dma_start3A_187 = tpu.memref_slice %arg8[%dma_start3A_181, %dma_start3A_186] : memref<3x128xi32, #tpu.memory_space<vmem>> -> memref<1x128xi32, #tpu.memory_space<vmem>>
      %dma_start3A_188 = tpu.memref_squeeze %dma_start3A_187 : memref<1x128xi32, #tpu.memory_space<vmem>> -> memref<128xi32, #tpu.memory_space<vmem>>
      %dma_start3A_189 = tpu.memref_slice %arg4[%add3A_180] : memref<640000xi32, #tpu.memory_space<hbm>> -> memref<128xi32, #tpu.memory_space<hbm>>
      tpu.enqueue_dma source(%dma_start3A_189 : memref<128xi32, #tpu.memory_space<hbm>>) target(%dma_start3A_188 : memref<128xi32, #tpu.memory_space<vmem>>) target_semaphore(%arg19 : memref<!tpu.dma_semaphore, #tpu.memory_space<semaphore_mem>>)
      %mul3A_190 = arith.constant 128 : i32
      %mul3A_191 = arith.muli %add3A_163, %mul3A_190 : i32
      %add3A_192 = arith.addi %mul3A_2, %mul3A_191 : i32
      %dma_wait3A_193 = arith.constant 0 : i32
      %dma_wait3A_194 = arith.constant 0 : i32
      %dma_wait3A_195 = tpu.memref_slice %arg7[%dma_wait3A_193, %dma_wait3A_194] : memref<3x128xi32, #tpu.memory_space<vmem>> -> memref<1x128xi32, #tpu.memory_space<vmem>>
      %dma_wait3A_196 = tpu.memref_squeeze %dma_wait3A_195 : memref<1x128xi32, #tpu.memory_space<vmem>> -> memref<128xi32, #tpu.memory_space<vmem>>
      %dma_wait3A_197 = tpu.memref_slice %arg4[%add3A_192] : memref<640000xi32, #tpu.memory_space<hbm>> -> memref<128xi32, #tpu.memory_space<hbm>>
      %dma_wait3A_198 = arith.constant 0 : i32
      %dma_wait3A_199 = tpu.memref_slice %arg7[%dma_wait3A_193, %dma_wait3A_198] : memref<3x128xi32, #tpu.memory_space<vmem>> -> memref<1x128xi32, #tpu.memory_space<vmem>>
      %dma_wait3A_200 = tpu.memref_squeeze %dma_wait3A_199 : memref<1x128xi32, #tpu.memory_space<vmem>> -> memref<128xi32, #tpu.memory_space<vmem>>
      %dma_wait3A_201 = tpu.memref_slice %arg4[%add3A_192] : memref<640000xi32, #tpu.memory_space<hbm>> -> memref<128xi32, #tpu.memory_space<hbm>>
      tpu.wait_dma2 semaphore(%arg16 : memref<!tpu.dma_semaphore, #tpu.memory_space<semaphore_mem>>) src(%dma_wait3A_201 : memref<128xi32, #tpu.memory_space<hbm>>) dst(%dma_wait3A_200 : memref<128xi32, #tpu.memory_space<vmem>>)
      %add3A_202 = arith.constant 320000 : i32
      %add3A_203 = arith.addi %add3A_202, %mul3A_2 : i32
      %mul3A_204 = arith.constant 128 : i32
      %mul3A_205 = arith.muli %add3A_163, %mul3A_204 : i32
      %add3A_206 = arith.addi %add3A_203, %mul3A_205 : i32
      %dma_wait3A_207 = arith.constant 0 : i32
      %dma_wait3A_208 = arith.constant 0 : i32
      %dma_wait3A_209 = tpu.memref_slice %arg8[%dma_wait3A_207, %dma_wait3A_208] : memref<3x128xi32, #tpu.memory_space<vmem>> -> memref<1x128xi32, #tpu.memory_space<vmem>>
      %dma_wait3A_210 = tpu.memref_squeeze %dma_wait3A_209 : memref<1x128xi32, #tpu.memory_space<vmem>> -> memref<128xi32, #tpu.memory_space<vmem>>
      %dma_wait3A_211 = tpu.memref_slice %arg4[%add3A_206] : memref<640000xi32, #tpu.memory_space<hbm>> -> memref<128xi32, #tpu.memory_space<hbm>>
      %dma_wait3A_212 = arith.constant 0 : i32
      %dma_wait3A_213 = tpu.memref_slice %arg8[%dma_wait3A_207, %dma_wait3A_212] : memref<3x128xi32, #tpu.memory_space<vmem>> -> memref<1x128xi32, #tpu.memory_space<vmem>>
      %dma_wait3A_214 = tpu.memref_squeeze %dma_wait3A_213 : memref<1x128xi32, #tpu.memory_space<vmem>> -> memref<128xi32, #tpu.memory_space<vmem>>
      %dma_wait3A_215 = tpu.memref_slice %arg4[%add3A_206] : memref<640000xi32, #tpu.memory_space<hbm>> -> memref<128xi32, #tpu.memory_space<hbm>>
      tpu.wait_dma2 semaphore(%arg19 : memref<!tpu.dma_semaphore, #tpu.memory_space<semaphore_mem>>) src(%dma_wait3A_215 : memref<128xi32, #tpu.memory_space<hbm>>) dst(%dma_wait3A_214 : memref<128xi32, #tpu.memory_space<vmem>>)
      %dma_start3A_216 = arith.constant 0 : i32
      %dma_start3A_217 = arith.constant 0 : i32
      %dma_start3A_218 = arith.constant 0 : i32
      %dma_start3A_219 = arith.constant 0 : i32
      %dma_start3A_220 = tpu.memref_slice %arg9[%dma_start3A_217, %dma_start3A_218, %dma_start3A_219] : memref<3x128x128xf32, #tpu.memory_space<vmem>> -> memref<1x128x128xf32, #tpu.memory_space<vmem>>
      %dma_start3A_221 = tpu.memref_squeeze %dma_start3A_220 : memref<1x128x128xf32, #tpu.memory_space<vmem>> -> memref<128x128xf32, #tpu.memory_space<vmem>>
      %dma_start3A_222 = arith.constant 0 : i32
      %dma_start3A_223 = tpu.memref_slice %arg7[%dma_start3A_216, %dma_start3A_222] : memref<3x128xi32, #tpu.memory_space<vmem>> -> memref<1x128xi32, #tpu.memory_space<vmem>>
      %dma_start3A_224 = tpu.memref_squeeze %dma_start3A_223 : memref<1x128xi32, #tpu.memory_space<vmem>> -> memref<128xi32, #tpu.memory_space<vmem>>
      %dma_start3A_225 = arith.constant 0 : i32
      %dma_start3A_226 = arith.constant 0 : i32
      %dma_start3A_227 = tpu.memref_slice %arg2[%dma_start3A_225, %dma_start3A_226] : memref<10000x128xf32, #tpu.memory_space<hbm>> -> memref<10000x128xf32, #tpu.memory_space<hbm>>
      tpu.enqueue_indirect_dma source(%dma_start3A_227 : memref<10000x128xf32, #tpu.memory_space<hbm>>) target(%dma_start3A_221 : memref<128x128xf32, #tpu.memory_space<vmem>>) offsets(%dma_start3A_224 : memref<128xi32, #tpu.memory_space<vmem>>) semaphore(%arg10 : memref<!tpu.dma_semaphore, #tpu.memory_space<semaphore_mem>>)
      %dma_wait3A_228 = arith.constant 0 : i32
      %dma_wait3A_229 = arith.constant 0 : i32
      %dma_wait3A_230 = arith.constant 0 : i32
      %dma_wait3A_231 = arith.constant 0 : i32
      %dma_wait3A_232 = tpu.memref_slice %arg9[%dma_wait3A_229, %dma_wait3A_230, %dma_wait3A_231] : memref<3x128x128xf32, #tpu.memory_space<vmem>> -> memref<1x128x128xf32, #tpu.memory_space<vmem>>
      %dma_wait3A_233 = tpu.memref_squeeze %dma_wait3A_232 : memref<1x128x128xf32, #tpu.memory_space<vmem>> -> memref<128x128xf32, #tpu.memory_space<vmem>>
      %dma_wait3A_234 = arith.constant 0 : i32
      %dma_wait3A_235 = tpu.memref_slice %arg7[%dma_wait3A_228, %dma_wait3A_234] : memref<3x128xi32, #tpu.memory_space<vmem>> -> memref<1x128xi32, #tpu.memory_space<vmem>>
      %dma_wait3A_236 = tpu.memref_squeeze %dma_wait3A_235 : memref<1x128xi32, #tpu.memory_space<vmem>> -> memref<128xi32, #tpu.memory_space<vmem>>
      %dma_wait3A_237 = arith.constant 0 : i32
      %dma_wait3A_238 = arith.constant 0 : i32
      %dma_wait3A_239 = tpu.memref_slice %arg2[%dma_wait3A_237, %dma_wait3A_238] : memref<10000x128xf32, #tpu.memory_space<hbm>> -> memref<10000x128xf32, #tpu.memory_space<hbm>>
      tpu.wait_indirect_dma semaphore(%arg10 : memref<!tpu.dma_semaphore, #tpu.memory_space<semaphore_mem>>) src(%dma_wait3A_239 : memref<10000x128xf32, #tpu.memory_space<hbm>>) dst(%dma_wait3A_233 : memref<128x128xf32, #tpu.memory_space<vmem>>)
      %run_scoped3A = arith.constant 0 : i32
      %run_scoped3A_240 = arith.constant 0 : i32
      "tpu.region"() ({
        %run_scoped3A_241 = tpu.sem_alloc : memref<!tpu.dma_semaphore, #tpu.memory_space<semaphore_mem>>
        %dma_start3A_242 = arith.constant 0 : i32
        %dma_start3A_243 = arith.constant 0 : i32
        %dma_start3A_244 = tpu.memref_slice %arg9[%run_scoped3A, %dma_start3A_242, %dma_start3A_243] : memref<3x128x128xf32, #tpu.memory_space<vmem>> -> memref<1x128x128xf32, #tpu.memory_space<vmem>>
        %dma_start3A_245 = tpu.memref_squeeze %dma_start3A_244 : memref<1x128x128xf32, #tpu.memory_space<vmem>> -> memref<128x128xf32, #tpu.memory_space<vmem>>
        %dma_start3A_246 = arith.constant 0 : i32
        %dma_start3A_247 = tpu.memref_slice %arg8[%run_scoped3A_240, %dma_start3A_246] : memref<3x128xi32, #tpu.memory_space<vmem>> -> memref<1x128xi32, #tpu.memory_space<vmem>>
        %dma_start3A_248 = tpu.memref_squeeze %dma_start3A_247 : memref<1x128xi32, #tpu.memory_space<vmem>> -> memref<128xi32, #tpu.memory_space<vmem>>
        %dma_start3A_249 = arith.constant 0 : i32
        %dma_start3A_250 = arith.constant 0 : i32
        %dma_start3A_251 = tpu.memref_slice %arg6[%dma_start3A_249, %dma_start3A_250] : memref<10000x128xf32, #tpu.memory_space<vmem_shared>> -> memref<10000x128xf32, #tpu.memory_space<vmem_shared>>
        tpu.enqueue_indirect_dma source(%dma_start3A_245 : memref<128x128xf32, #tpu.memory_space<vmem>>) target(%dma_start3A_251 : memref<10000x128xf32, #tpu.memory_space<vmem_shared>>) offsets(%dma_start3A_248 : memref<128xi32, #tpu.memory_space<vmem>>) semaphore(%run_scoped3A_241 : memref<!tpu.dma_semaphore, #tpu.memory_space<semaphore_mem>>) {add = true}
        %dma_wait3A_252 = arith.constant 0 : i32
        %dma_wait3A_253 = arith.constant 0 : i32
        %dma_wait3A_254 = tpu.memref_slice %arg9[%run_scoped3A, %dma_wait3A_252, %dma_wait3A_253] : memref<3x128x128xf32, #tpu.memory_space<vmem>> -> memref<1x128x128xf32, #tpu.memory_space<vmem>>
        %dma_wait3A_255 = tpu.memref_squeeze %dma_wait3A_254 : memref<1x128x128xf32, #tpu.memory_space<vmem>> -> memref<128x128xf32, #tpu.memory_space<vmem>>
        %dma_wait3A_256 = arith.constant 0 : i32
        %dma_wait3A_257 = tpu.memref_slice %arg8[%run_scoped3A_240, %dma_wait3A_256] : memref<3x128xi32, #tpu.memory_space<vmem>> -> memref<1x128xi32, #tpu.memory_space<vmem>>
        %dma_wait3A_258 = tpu.memref_squeeze %dma_wait3A_257 : memref<1x128xi32, #tpu.memory_space<vmem>> -> memref<128xi32, #tpu.memory_space<vmem>>
        %dma_wait3A_259 = arith.constant 0 : i32
        %dma_wait3A_260 = arith.constant 0 : i32
        %dma_wait3A_261 = tpu.memref_slice %arg6[%dma_wait3A_259, %dma_wait3A_260] : memref<10000x128xf32, #tpu.memory_space<vmem_shared>> -> memref<10000x128xf32, #tpu.memory_space<vmem_shared>>
        tpu.wait_indirect_dma semaphore(%run_scoped3A_241 : memref<!tpu.dma_semaphore, #tpu.memory_space<semaphore_mem>>) src(%dma_wait3A_255 : memref<128x128xf32, #tpu.memory_space<vmem>>) dst(%dma_wait3A_261 : memref<10000x128xf32, #tpu.memory_space<vmem_shared>>)
        tpu.yield
      }) : () -> ()
    } else {
    }
    %barrier3A_134 = arith.constant 0 : index
    tpu.barrier barrier_id(%barrier3A_134)
    %lt3A_135 = arith.constant 15 : i32
    %lt3A_136 = arith.cmpi slt, %arg1, %lt3A_135 : i32
    %convert_element_type3A_137 = arith.extui %lt3A_136 : i1 to i32
    %cond3A_138 = arith.constant 0 : i32
    %cond3A_139 = arith.cmpi ne, %convert_element_type3A_137, %cond3A_138 : i32
    scf.if %cond3A_139 {
      %mul3A_145 = arith.constant 624 : i32
      %mul3A_146 = arith.muli %arg1, %mul3A_145 : i32
      "tpu.region"() ({
        %run_scoped3A = tpu.sem_alloc : memref<!tpu.dma_semaphore, #tpu.memory_space<semaphore_mem>>
        %dma_start3A_147 = arith.constant 0 : i32
        %dma_start3A_148 = tpu.memref_slice %arg5[%arg0, %mul3A_146, %dma_start3A_147] : memref<2x10000x128xf32, #tpu.memory_space<hbm>> -> memref<1x624x128xf32, #tpu.memory_space<hbm>>
        %dma_start3A_149 = tpu.memref_squeeze %dma_start3A_148 : memref<1x624x128xf32, #tpu.memory_space<hbm>> -> memref<624x128xf32, #tpu.memory_space<hbm>>
        %dma_start3A_150 = arith.constant 0 : i32
        %dma_start3A_151 = tpu.memref_slice %arg6[%mul3A_146, %dma_start3A_150] : memref<10000x128xf32, #tpu.memory_space<vmem_shared>> -> memref<624x128xf32, #tpu.memory_space<vmem_shared>>
        tpu.enqueue_dma source(%dma_start3A_151 : memref<624x128xf32, #tpu.memory_space<vmem_shared>>) target(%dma_start3A_149 : memref<624x128xf32, #tpu.memory_space<hbm>>) target_semaphore(%run_scoped3A : memref<!tpu.dma_semaphore, #tpu.memory_space<semaphore_mem>>)
        %dma_wait3A_152 = arith.constant 0 : i32
        %dma_wait3A_153 = tpu.memref_slice %arg5[%arg0, %mul3A_146, %dma_wait3A_152] : memref<2x10000x128xf32, #tpu.memory_space<hbm>> -> memref<1x624x128xf32, #tpu.memory_space<hbm>>
        %dma_wait3A_154 = tpu.memref_squeeze %dma_wait3A_153 : memref<1x624x128xf32, #tpu.memory_space<hbm>> -> memref<624x128xf32, #tpu.memory_space<hbm>>
        %dma_wait3A_155 = arith.constant 0 : i32
        %dma_wait3A_156 = tpu.memref_slice %arg6[%mul3A_146, %dma_wait3A_155] : memref<10000x128xf32, #tpu.memory_space<vmem_shared>> -> memref<624x128xf32, #tpu.memory_space<vmem_shared>>
        tpu.wait_dma2 semaphore(%run_scoped3A : memref<!tpu.dma_semaphore, #tpu.memory_space<semaphore_mem>>) src(%dma_wait3A_156 : memref<624x128xf32, #tpu.memory_space<vmem_shared>>) dst(%dma_wait3A_154 : memref<624x128xf32, #tpu.memory_space<hbm>>)
        tpu.yield
      }) : () -> ()
    } else {
    }
    %eq3A_140 = arith.constant 15 : i32
    %eq3A_141 = arith.cmpi eq, %arg1, %eq3A_140 : i32
    %convert_element_type3A_142 = arith.extui %eq3A_141 : i1 to i32
    %cond3A_143 = arith.constant 0 : i32
    %cond3A_144 = arith.cmpi ne, %convert_element_type3A_142, %cond3A_143 : i32
    scf.if %cond3A_144 {
      "tpu.region"() ({
        %run_scoped3A = tpu.sem_alloc : memref<!tpu.dma_semaphore, #tpu.memory_space<semaphore_mem>>
        %dma_start3A_145 = arith.constant 9360 : i32
        %dma_start3A_146 = arith.constant 0 : i32
        %dma_start3A_147 = tpu.memref_slice %arg5[%arg0, %dma_start3A_145, %dma_start3A_146] : memref<2x10000x128xf32, #tpu.memory_space<hbm>> -> memref<1x640x128xf32, #tpu.memory_space<hbm>>
        %dma_start3A_148 = tpu.memref_squeeze %dma_start3A_147 : memref<1x640x128xf32, #tpu.memory_space<hbm>> -> memref<640x128xf32, #tpu.memory_space<hbm>>
        %dma_start3A_149 = arith.constant 9360 : i32
        %dma_start3A_150 = arith.constant 0 : i32
        %dma_start3A_151 = tpu.memref_slice %arg6[%dma_start3A_149, %dma_start3A_150] : memref<10000x128xf32, #tpu.memory_space<vmem_shared>> -> memref<640x128xf32, #tpu.memory_space<vmem_shared>>
        tpu.enqueue_dma source(%dma_start3A_151 : memref<640x128xf32, #tpu.memory_space<vmem_shared>>) target(%dma_start3A_148 : memref<640x128xf32, #tpu.memory_space<hbm>>) target_semaphore(%run_scoped3A : memref<!tpu.dma_semaphore, #tpu.memory_space<semaphore_mem>>)
        %dma_wait3A_152 = arith.constant 9360 : i32
        %dma_wait3A_153 = arith.constant 0 : i32
        %dma_wait3A_154 = tpu.memref_slice %arg5[%arg0, %dma_wait3A_152, %dma_wait3A_153] : memref<2x10000x128xf32, #tpu.memory_space<hbm>> -> memref<1x640x128xf32, #tpu.memory_space<hbm>>
        %dma_wait3A_155 = tpu.memref_squeeze %dma_wait3A_154 : memref<1x640x128xf32, #tpu.memory_space<hbm>> -> memref<640x128xf32, #tpu.memory_space<hbm>>
        %dma_wait3A_156 = arith.constant 9360 : i32
        %dma_wait3A_157 = arith.constant 0 : i32
        %dma_wait3A_158 = tpu.memref_slice %arg6[%dma_wait3A_156, %dma_wait3A_157] : memref<10000x128xf32, #tpu.memory_space<vmem_shared>> -> memref<640x128xf32, #tpu.memory_space<vmem_shared>>
        tpu.wait_dma2 semaphore(%run_scoped3A : memref<!tpu.dma_semaphore, #tpu.memory_space<semaphore_mem>>) src(%dma_wait3A_158 : memref<640x128xf32, #tpu.memory_space<vmem_shared>>) dst(%dma_wait3A_155 : memref<640x128xf32, #tpu.memory_space<hbm>>)
        tpu.yield
      }) : () -> ()
    } else {
    }
    return
  }
}

#map = affine_map<(d0, d1) -> (0, 0)>
#map1 = affine_map<(d0, d1) -> (0)>
#map2 = affine_map<(d0, d1) -> (0, 0, 0)>
module attributes {stable_mosaic.version = 14 : i64} {
  func.func @scatter16_kernel(%arg0: i32, %arg1: i32, %arg2: memref<10000x16xf32, #tpu.memory_space<hbm>>, %arg3: memref<10000x16xf32, #tpu.memory_space<hbm>>, %arg4: memref<640000xi32, #tpu.memory_space<hbm>>, %arg5: memref<2x10000x16xf32, #tpu.memory_space<hbm>>, %arg6: memref<10000x16xf32, #tpu.memory_space<vmem_shared>>, %arg7: memref<9984xi32, #tpu.memory_space<vmem>>, %arg8: memref<9984xi32, #tpu.memory_space<vmem>>, %arg9: memref<256xi32, #tpu.memory_space<vmem>>, %arg10: memref<256xi32, #tpu.memory_space<vmem>>, %arg11: memref<3x256x16xf32, #tpu.memory_space<vmem>>, %arg12: memref<!tpu.dma_semaphore, #tpu.memory_space<semaphore_mem>>, %arg13: memref<!tpu.dma_semaphore, #tpu.memory_space<semaphore_mem>>, %arg14: memref<!tpu.dma_semaphore, #tpu.memory_space<semaphore_mem>>, %arg15: memref<!tpu.dma_semaphore, #tpu.memory_space<semaphore_mem>>, %arg16: memref<!tpu.dma_semaphore, #tpu.memory_space<semaphore_mem>>, %arg17: memref<!tpu.dma_semaphore, #tpu.memory_space<semaphore_mem>>, %arg18: memref<!tpu.dma_semaphore, #tpu.memory_space<semaphore_mem>>) attributes {dimension_semantics = [#tpu.dimension_semantics<core_parallel>, #tpu.dimension_semantics<subcore_parallel>], iteration_bounds = array<i64: 2, 16>, scalar_prefetch = 0 : i64, scratch_operands = 13 : i64, tpu.core_type = #tpu.core_type<sc_vector_subcore>, window_params = [{transform_indices = #map}, {transform_indices = #map}, {transform_indices = #map1}, {transform_indices = #map2}]} {
    %mul3A = arith.constant 16 : i32
    %mul3A_0 = arith.muli %arg0, %mul3A : i32
    %add3A = arith.addi %mul3A_0, %arg1 : i32
    %mul3A_1 = arith.constant 9984 : i32
    %mul3A_2 = arith.muli %add3A, %mul3A_1 : i32
    %dma_start3A = tpu.memref_slice %arg4[%mul3A_2] : memref<640000xi32, #tpu.memory_space<hbm>> -> memref<9984xi32, #tpu.memory_space<hbm>>
    %dma_start3A_3 = tpu.memref_slice %arg4[%mul3A_2] : memref<640000xi32, #tpu.memory_space<hbm>> -> memref<9984xi32, #tpu.memory_space<hbm>>
    tpu.enqueue_dma source(%dma_start3A_3 : memref<9984xi32, #tpu.memory_space<hbm>>) target(%arg7 : memref<9984xi32, #tpu.memory_space<vmem>>) target_semaphore(%arg12 : memref<!tpu.dma_semaphore, #tpu.memory_space<semaphore_mem>>)
    %add3A_4 = arith.constant 320000 : i32
    %add3A_5 = arith.addi %add3A_4, %mul3A_2 : i32
    %dma_start3A_6 = tpu.memref_slice %arg4[%add3A_5] : memref<640000xi32, #tpu.memory_space<hbm>> -> memref<9984xi32, #tpu.memory_space<hbm>>
    %dma_start3A_7 = tpu.memref_slice %arg4[%add3A_5] : memref<640000xi32, #tpu.memory_space<hbm>> -> memref<9984xi32, #tpu.memory_space<hbm>>
    tpu.enqueue_dma source(%dma_start3A_7 : memref<9984xi32, #tpu.memory_space<hbm>>) target(%arg8 : memref<9984xi32, #tpu.memory_space<vmem>>) target_semaphore(%arg13 : memref<!tpu.dma_semaphore, #tpu.memory_space<semaphore_mem>>)
    %lt3A = arith.constant 15 : i32
    %lt3A_8 = arith.cmpi slt, %arg1, %lt3A : i32
    %convert_element_type3A = arith.extui %lt3A_8 : i1 to i32
    %cond3A = arith.constant 0 : i32
    %cond3A_9 = arith.cmpi ne, %convert_element_type3A, %cond3A : i32
    scf.if %cond3A_9 {
      %mul3A_68 = arith.constant 624 : i32
      %mul3A_69 = arith.muli %arg1, %mul3A_68 : i32
      %eq3A_70 = arith.constant 0 : i32
      %eq3A_71 = arith.cmpi eq, %arg0, %eq3A_70 : i32
      %convert_element_type3A_72 = arith.extui %eq3A_71 : i1 to i32
      %cond3A_73 = arith.constant 0 : i32
      %cond3A_74 = arith.cmpi ne, %convert_element_type3A_72, %cond3A_73 : i32
      scf.if %cond3A_74 {
        "tpu.region"() ({
          %run_scoped3A = tpu.sem_alloc : memref<!tpu.dma_semaphore, #tpu.memory_space<semaphore_mem>>
          %dma_start3A_79 = arith.constant 0 : i32
          %dma_start3A_80 = tpu.memref_slice %arg6[%mul3A_69, %dma_start3A_79] : memref<10000x16xf32, #tpu.memory_space<vmem_shared>> -> memref<624x16xf32, #tpu.memory_space<vmem_shared>>
          %dma_start3A_81 = arith.constant 0 : i32
          %dma_start3A_82 = tpu.memref_slice %arg2[%mul3A_69, %dma_start3A_81] : memref<10000x16xf32, #tpu.memory_space<hbm>> -> memref<624x16xf32, #tpu.memory_space<hbm>>
          tpu.enqueue_dma source(%dma_start3A_82 : memref<624x16xf32, #tpu.memory_space<hbm>>) target(%dma_start3A_80 : memref<624x16xf32, #tpu.memory_space<vmem_shared>>) target_semaphore(%run_scoped3A : memref<!tpu.dma_semaphore, #tpu.memory_space<semaphore_mem>>)
          %dma_wait3A_83 = arith.constant 0 : i32
          %dma_wait3A_84 = tpu.memref_slice %arg6[%mul3A_69, %dma_wait3A_83] : memref<10000x16xf32, #tpu.memory_space<vmem_shared>> -> memref<624x16xf32, #tpu.memory_space<vmem_shared>>
          %dma_wait3A_85 = arith.constant 0 : i32
          %dma_wait3A_86 = tpu.memref_slice %arg2[%mul3A_69, %dma_wait3A_85] : memref<10000x16xf32, #tpu.memory_space<hbm>> -> memref<624x16xf32, #tpu.memory_space<hbm>>
          tpu.wait_dma2 semaphore(%run_scoped3A : memref<!tpu.dma_semaphore, #tpu.memory_space<semaphore_mem>>) src(%dma_wait3A_86 : memref<624x16xf32, #tpu.memory_space<hbm>>) dst(%dma_wait3A_84 : memref<624x16xf32, #tpu.memory_space<vmem_shared>>)
          tpu.yield
        }) : () -> ()
      } else {
      }
      %ne3A = arith.constant 0 : i32
      %ne3A_75 = arith.cmpi ne, %arg0, %ne3A : i32
      %convert_element_type3A_76 = arith.extui %ne3A_75 : i1 to i32
      %cond3A_77 = arith.constant 0 : i32
      %cond3A_78 = arith.cmpi ne, %convert_element_type3A_76, %cond3A_77 : i32
      scf.if %cond3A_78 {
        "tpu.region"() ({
          %run_scoped3A = tpu.sem_alloc : memref<!tpu.dma_semaphore, #tpu.memory_space<semaphore_mem>>
          %dma_start3A_79 = arith.constant 0 : i32
          %dma_start3A_80 = tpu.memref_slice %arg6[%mul3A_69, %dma_start3A_79] : memref<10000x16xf32, #tpu.memory_space<vmem_shared>> -> memref<624x16xf32, #tpu.memory_space<vmem_shared>>
          %dma_start3A_81 = arith.constant 0 : i32
          %dma_start3A_82 = tpu.memref_slice %arg3[%mul3A_69, %dma_start3A_81] : memref<10000x16xf32, #tpu.memory_space<hbm>> -> memref<624x16xf32, #tpu.memory_space<hbm>>
          tpu.enqueue_dma source(%dma_start3A_82 : memref<624x16xf32, #tpu.memory_space<hbm>>) target(%dma_start3A_80 : memref<624x16xf32, #tpu.memory_space<vmem_shared>>) target_semaphore(%run_scoped3A : memref<!tpu.dma_semaphore, #tpu.memory_space<semaphore_mem>>)
          %dma_wait3A_83 = arith.constant 0 : i32
          %dma_wait3A_84 = tpu.memref_slice %arg6[%mul3A_69, %dma_wait3A_83] : memref<10000x16xf32, #tpu.memory_space<vmem_shared>> -> memref<624x16xf32, #tpu.memory_space<vmem_shared>>
          %dma_wait3A_85 = arith.constant 0 : i32
          %dma_wait3A_86 = tpu.memref_slice %arg3[%mul3A_69, %dma_wait3A_85] : memref<10000x16xf32, #tpu.memory_space<hbm>> -> memref<624x16xf32, #tpu.memory_space<hbm>>
          tpu.wait_dma2 semaphore(%run_scoped3A : memref<!tpu.dma_semaphore, #tpu.memory_space<semaphore_mem>>) src(%dma_wait3A_86 : memref<624x16xf32, #tpu.memory_space<hbm>>) dst(%dma_wait3A_84 : memref<624x16xf32, #tpu.memory_space<vmem_shared>>)
          tpu.yield
        }) : () -> ()
      } else {
      }
    } else {
    }
    %eq3A = arith.constant 15 : i32
    %eq3A_10 = arith.cmpi eq, %arg1, %eq3A : i32
    %convert_element_type3A_11 = arith.extui %eq3A_10 : i1 to i32
    %cond3A_12 = arith.constant 0 : i32
    %cond3A_13 = arith.cmpi ne, %convert_element_type3A_11, %cond3A_12 : i32
    scf.if %cond3A_13 {
      %eq3A_68 = arith.constant 0 : i32
      %eq3A_69 = arith.cmpi eq, %arg0, %eq3A_68 : i32
      %convert_element_type3A_70 = arith.extui %eq3A_69 : i1 to i32
      %cond3A_71 = arith.constant 0 : i32
      %cond3A_72 = arith.cmpi ne, %convert_element_type3A_70, %cond3A_71 : i32
      scf.if %cond3A_72 {
        "tpu.region"() ({
          %run_scoped3A = tpu.sem_alloc : memref<!tpu.dma_semaphore, #tpu.memory_space<semaphore_mem>>
          %dma_start3A_77 = arith.constant 9360 : i32
          %dma_start3A_78 = arith.constant 0 : i32
          %dma_start3A_79 = tpu.memref_slice %arg6[%dma_start3A_77, %dma_start3A_78] : memref<10000x16xf32, #tpu.memory_space<vmem_shared>> -> memref<640x16xf32, #tpu.memory_space<vmem_shared>>
          %dma_start3A_80 = arith.constant 9360 : i32
          %dma_start3A_81 = arith.constant 0 : i32
          %dma_start3A_82 = tpu.memref_slice %arg2[%dma_start3A_80, %dma_start3A_81] : memref<10000x16xf32, #tpu.memory_space<hbm>> -> memref<640x16xf32, #tpu.memory_space<hbm>>
          tpu.enqueue_dma source(%dma_start3A_82 : memref<640x16xf32, #tpu.memory_space<hbm>>) target(%dma_start3A_79 : memref<640x16xf32, #tpu.memory_space<vmem_shared>>) target_semaphore(%run_scoped3A : memref<!tpu.dma_semaphore, #tpu.memory_space<semaphore_mem>>)
          %dma_wait3A_83 = arith.constant 9360 : i32
          %dma_wait3A_84 = arith.constant 0 : i32
          %dma_wait3A_85 = tpu.memref_slice %arg6[%dma_wait3A_83, %dma_wait3A_84] : memref<10000x16xf32, #tpu.memory_space<vmem_shared>> -> memref<640x16xf32, #tpu.memory_space<vmem_shared>>
          %dma_wait3A_86 = arith.constant 9360 : i32
          %dma_wait3A_87 = arith.constant 0 : i32
          %dma_wait3A_88 = tpu.memref_slice %arg2[%dma_wait3A_86, %dma_wait3A_87] : memref<10000x16xf32, #tpu.memory_space<hbm>> -> memref<640x16xf32, #tpu.memory_space<hbm>>
          tpu.wait_dma2 semaphore(%run_scoped3A : memref<!tpu.dma_semaphore, #tpu.memory_space<semaphore_mem>>) src(%dma_wait3A_88 : memref<640x16xf32, #tpu.memory_space<hbm>>) dst(%dma_wait3A_85 : memref<640x16xf32, #tpu.memory_space<vmem_shared>>)
          tpu.yield
        }) : () -> ()
      } else {
      }
      %ne3A = arith.constant 0 : i32
      %ne3A_73 = arith.cmpi ne, %arg0, %ne3A : i32
      %convert_element_type3A_74 = arith.extui %ne3A_73 : i1 to i32
      %cond3A_75 = arith.constant 0 : i32
      %cond3A_76 = arith.cmpi ne, %convert_element_type3A_74, %cond3A_75 : i32
      scf.if %cond3A_76 {
        "tpu.region"() ({
          %run_scoped3A = tpu.sem_alloc : memref<!tpu.dma_semaphore, #tpu.memory_space<semaphore_mem>>
          %dma_start3A_77 = arith.constant 9360 : i32
          %dma_start3A_78 = arith.constant 0 : i32
          %dma_start3A_79 = tpu.memref_slice %arg6[%dma_start3A_77, %dma_start3A_78] : memref<10000x16xf32, #tpu.memory_space<vmem_shared>> -> memref<640x16xf32, #tpu.memory_space<vmem_shared>>
          %dma_start3A_80 = arith.constant 9360 : i32
          %dma_start3A_81 = arith.constant 0 : i32
          %dma_start3A_82 = tpu.memref_slice %arg3[%dma_start3A_80, %dma_start3A_81] : memref<10000x16xf32, #tpu.memory_space<hbm>> -> memref<640x16xf32, #tpu.memory_space<hbm>>
          tpu.enqueue_dma source(%dma_start3A_82 : memref<640x16xf32, #tpu.memory_space<hbm>>) target(%dma_start3A_79 : memref<640x16xf32, #tpu.memory_space<vmem_shared>>) target_semaphore(%run_scoped3A : memref<!tpu.dma_semaphore, #tpu.memory_space<semaphore_mem>>)
          %dma_wait3A_83 = arith.constant 9360 : i32
          %dma_wait3A_84 = arith.constant 0 : i32
          %dma_wait3A_85 = tpu.memref_slice %arg6[%dma_wait3A_83, %dma_wait3A_84] : memref<10000x16xf32, #tpu.memory_space<vmem_shared>> -> memref<640x16xf32, #tpu.memory_space<vmem_shared>>
          %dma_wait3A_86 = arith.constant 9360 : i32
          %dma_wait3A_87 = arith.constant 0 : i32
          %dma_wait3A_88 = tpu.memref_slice %arg3[%dma_wait3A_86, %dma_wait3A_87] : memref<10000x16xf32, #tpu.memory_space<hbm>> -> memref<640x16xf32, #tpu.memory_space<hbm>>
          tpu.wait_dma2 semaphore(%run_scoped3A : memref<!tpu.dma_semaphore, #tpu.memory_space<semaphore_mem>>) src(%dma_wait3A_88 : memref<640x16xf32, #tpu.memory_space<hbm>>) dst(%dma_wait3A_85 : memref<640x16xf32, #tpu.memory_space<vmem_shared>>)
          tpu.yield
        }) : () -> ()
      } else {
      }
    } else {
    }
    %dma_wait3A = tpu.memref_slice %arg4[%mul3A_2] : memref<640000xi32, #tpu.memory_space<hbm>> -> memref<9984xi32, #tpu.memory_space<hbm>>
    %dma_wait3A_14 = tpu.memref_slice %arg4[%mul3A_2] : memref<640000xi32, #tpu.memory_space<hbm>> -> memref<9984xi32, #tpu.memory_space<hbm>>
    tpu.wait_dma2 semaphore(%arg12 : memref<!tpu.dma_semaphore, #tpu.memory_space<semaphore_mem>>) src(%dma_wait3A_14 : memref<9984xi32, #tpu.memory_space<hbm>>) dst(%arg7 : memref<9984xi32, #tpu.memory_space<vmem>>)
    %dma_wait3A_15 = tpu.memref_slice %arg4[%add3A_5] : memref<640000xi32, #tpu.memory_space<hbm>> -> memref<9984xi32, #tpu.memory_space<hbm>>
    %dma_wait3A_16 = tpu.memref_slice %arg4[%add3A_5] : memref<640000xi32, #tpu.memory_space<hbm>> -> memref<9984xi32, #tpu.memory_space<hbm>>
    tpu.wait_dma2 semaphore(%arg13 : memref<!tpu.dma_semaphore, #tpu.memory_space<semaphore_mem>>) src(%dma_wait3A_16 : memref<9984xi32, #tpu.memory_space<hbm>>) dst(%arg8 : memref<9984xi32, #tpu.memory_space<vmem>>)
    %barrier3A = arith.constant 0 : index
    tpu.barrier barrier_id(%barrier3A)
    %dma_start3A_17 = arith.constant 0 : i32
    %dma_start3A_18 = arith.constant 0 : i32
    %dma_start3A_19 = arith.constant 0 : i32
    %dma_start3A_20 = tpu.memref_slice %arg11[%dma_start3A_17, %dma_start3A_18, %dma_start3A_19] : memref<3x256x16xf32, #tpu.memory_space<vmem>> -> memref<1x256x16xf32, #tpu.memory_space<vmem>>
    %dma_start3A_21 = tpu.memref_squeeze %dma_start3A_20 : memref<1x256x16xf32, #tpu.memory_space<vmem>> -> memref<256x16xf32, #tpu.memory_space<vmem>>
    %dma_start3A_22 = arith.constant 0 : i32
    %dma_start3A_23 = tpu.memref_slice %arg7[%dma_start3A_22] : memref<9984xi32, #tpu.memory_space<vmem>> -> memref<256xi32, #tpu.memory_space<vmem>>
    %dma_start3A_24 = arith.constant 0 : i32
    %dma_start3A_25 = arith.constant 0 : i32
    %dma_start3A_26 = tpu.memref_slice %arg2[%dma_start3A_24, %dma_start3A_25] : memref<10000x16xf32, #tpu.memory_space<hbm>> -> memref<10000x16xf32, #tpu.memory_space<hbm>>
    tpu.enqueue_indirect_dma source(%dma_start3A_26 : memref<10000x16xf32, #tpu.memory_space<hbm>>) target(%dma_start3A_21 : memref<256x16xf32, #tpu.memory_space<vmem>>) offsets(%dma_start3A_23 : memref<256xi32, #tpu.memory_space<vmem>>) semaphore(%arg12 : memref<!tpu.dma_semaphore, #tpu.memory_space<semaphore_mem>>)
    %dma_start3A_27 = arith.constant 1 : i32
    %dma_start3A_28 = arith.constant 0 : i32
    %dma_start3A_29 = arith.constant 0 : i32
    %dma_start3A_30 = tpu.memref_slice %arg11[%dma_start3A_27, %dma_start3A_28, %dma_start3A_29] : memref<3x256x16xf32, #tpu.memory_space<vmem>> -> memref<1x256x16xf32, #tpu.memory_space<vmem>>
    %dma_start3A_31 = tpu.memref_squeeze %dma_start3A_30 : memref<1x256x16xf32, #tpu.memory_space<vmem>> -> memref<256x16xf32, #tpu.memory_space<vmem>>
    %dma_start3A_32 = arith.constant 256 : i32
    %dma_start3A_33 = tpu.memref_slice %arg7[%dma_start3A_32] : memref<9984xi32, #tpu.memory_space<vmem>> -> memref<256xi32, #tpu.memory_space<vmem>>
    %dma_start3A_34 = arith.constant 0 : i32
    %dma_start3A_35 = arith.constant 0 : i32
    %dma_start3A_36 = tpu.memref_slice %arg2[%dma_start3A_34, %dma_start3A_35] : memref<10000x16xf32, #tpu.memory_space<hbm>> -> memref<10000x16xf32, #tpu.memory_space<hbm>>
    tpu.enqueue_indirect_dma source(%dma_start3A_36 : memref<10000x16xf32, #tpu.memory_space<hbm>>) target(%dma_start3A_31 : memref<256x16xf32, #tpu.memory_space<vmem>>) offsets(%dma_start3A_33 : memref<256xi32, #tpu.memory_space<vmem>>) semaphore(%arg13 : memref<!tpu.dma_semaphore, #tpu.memory_space<semaphore_mem>>)
    %scan3A = arith.constant 0 : i32
    %scan3A_37 = arith.constant 0 : i32
    %scan3A_38 = arith.constant 13 : i32
    %scan3A_39 = arith.addi %scan3A_37, %scan3A_38 : i32
    %scan3A_40 = arith.constant 1 : i32
    scf.for %scan3A_68 = %scan3A_37 to %scan3A_39 step %scan3A_40  : i32 {
      %mul3A_69 = arith.constant 3 : i32
      %mul3A_70 = arith.muli %scan3A_68, %mul3A_69 : i32
      %add3A_71 = arith.constant 0 : i32
      %add3A_72 = arith.addi %mul3A_70, %add3A_71 : i32
      %mul3A_73 = arith.constant 256 : i32
      %mul3A_74 = arith.muli %add3A_72, %mul3A_73 : i32
      %dma_wait3A_75 = arith.constant 0 : i32
      %dma_wait3A_76 = arith.constant 0 : i32
      %dma_wait3A_77 = arith.constant 0 : i32
      %dma_wait3A_78 = tpu.memref_slice %arg11[%dma_wait3A_75, %dma_wait3A_76, %dma_wait3A_77] : memref<3x256x16xf32, #tpu.memory_space<vmem>> -> memref<1x256x16xf32, #tpu.memory_space<vmem>>
      %dma_wait3A_79 = tpu.memref_squeeze %dma_wait3A_78 : memref<1x256x16xf32, #tpu.memory_space<vmem>> -> memref<256x16xf32, #tpu.memory_space<vmem>>
      %dma_wait3A_80 = tpu.memref_slice %arg7[%mul3A_74] : memref<9984xi32, #tpu.memory_space<vmem>> -> memref<256xi32, #tpu.memory_space<vmem>>
      %dma_wait3A_81 = arith.constant 0 : i32
      %dma_wait3A_82 = arith.constant 0 : i32
      %dma_wait3A_83 = tpu.memref_slice %arg2[%dma_wait3A_81, %dma_wait3A_82] : memref<10000x16xf32, #tpu.memory_space<hbm>> -> memref<10000x16xf32, #tpu.memory_space<hbm>>
      tpu.wait_indirect_dma semaphore(%arg12 : memref<!tpu.dma_semaphore, #tpu.memory_space<semaphore_mem>>) src(%dma_wait3A_83 : memref<10000x16xf32, #tpu.memory_space<hbm>>) dst(%dma_wait3A_79 : memref<256x16xf32, #tpu.memory_space<vmem>>)
      %mul3A_84 = arith.constant 256 : i32
      %mul3A_85 = arith.muli %add3A_72, %mul3A_84 : i32
      %dma_start3A_86 = arith.constant 0 : i32
      %dma_start3A_87 = arith.constant 0 : i32
      %dma_start3A_88 = arith.constant 0 : i32
      %dma_start3A_89 = tpu.memref_slice %arg11[%dma_start3A_86, %dma_start3A_87, %dma_start3A_88] : memref<3x256x16xf32, #tpu.memory_space<vmem>> -> memref<1x256x16xf32, #tpu.memory_space<vmem>>
      %dma_start3A_90 = tpu.memref_squeeze %dma_start3A_89 : memref<1x256x16xf32, #tpu.memory_space<vmem>> -> memref<256x16xf32, #tpu.memory_space<vmem>>
      %dma_start3A_91 = tpu.memref_slice %arg8[%mul3A_85] : memref<9984xi32, #tpu.memory_space<vmem>> -> memref<256xi32, #tpu.memory_space<vmem>>
      %dma_start3A_92 = arith.constant 0 : i32
      %dma_start3A_93 = arith.constant 0 : i32
      %dma_start3A_94 = tpu.memref_slice %arg6[%dma_start3A_92, %dma_start3A_93] : memref<10000x16xf32, #tpu.memory_space<vmem_shared>> -> memref<10000x16xf32, #tpu.memory_space<vmem_shared>>
      tpu.enqueue_indirect_dma source(%dma_start3A_90 : memref<256x16xf32, #tpu.memory_space<vmem>>) target(%dma_start3A_94 : memref<10000x16xf32, #tpu.memory_space<vmem_shared>>) offsets(%dma_start3A_91 : memref<256xi32, #tpu.memory_space<vmem>>) semaphore(%arg15 : memref<!tpu.dma_semaphore, #tpu.memory_space<semaphore_mem>>) {add = true}
      %ge3A = arith.constant 1 : i32
      %ge3A_95 = arith.cmpi sge, %add3A_72, %ge3A : i32
      %convert_element_type3A_96 = arith.extui %ge3A_95 : i1 to i32
      %cond3A_97 = arith.constant 0 : i32
      %cond3A_98 = arith.cmpi ne, %convert_element_type3A_96, %cond3A_97 : i32
      scf.if %cond3A_98 {
        %sub3A = arith.constant 1 : i32
        %sub3A_178 = arith.subi %add3A_72, %sub3A : i32
        %mul3A_179 = arith.constant 256 : i32
        %mul3A_180 = arith.muli %sub3A_178, %mul3A_179 : i32
        %dma_wait3A_181 = arith.constant 2 : i32
        %dma_wait3A_182 = arith.constant 0 : i32
        %dma_wait3A_183 = arith.constant 0 : i32
        %dma_wait3A_184 = tpu.memref_slice %arg11[%dma_wait3A_181, %dma_wait3A_182, %dma_wait3A_183] : memref<3x256x16xf32, #tpu.memory_space<vmem>> -> memref<1x256x16xf32, #tpu.memory_space<vmem>>
        %dma_wait3A_185 = tpu.memref_squeeze %dma_wait3A_184 : memref<1x256x16xf32, #tpu.memory_space<vmem>> -> memref<256x16xf32, #tpu.memory_space<vmem>>
        %dma_wait3A_186 = tpu.memref_slice %arg8[%mul3A_180] : memref<9984xi32, #tpu.memory_space<vmem>> -> memref<256xi32, #tpu.memory_space<vmem>>
        %dma_wait3A_187 = arith.constant 0 : i32
        %dma_wait3A_188 = arith.constant 0 : i32
        %dma_wait3A_189 = tpu.memref_slice %arg6[%dma_wait3A_187, %dma_wait3A_188] : memref<10000x16xf32, #tpu.memory_space<vmem_shared>> -> memref<10000x16xf32, #tpu.memory_space<vmem_shared>>
        tpu.wait_indirect_dma semaphore(%arg17 : memref<!tpu.dma_semaphore, #tpu.memory_space<semaphore_mem>>) src(%dma_wait3A_185 : memref<256x16xf32, #tpu.memory_space<vmem>>) dst(%dma_wait3A_189 : memref<10000x16xf32, #tpu.memory_space<vmem_shared>>)
      } else {
      }
      %add3A_99 = arith.constant 2 : i32
      %add3A_100 = arith.addi %add3A_72, %add3A_99 : i32
      %lt3A_101 = arith.constant 39 : i32
      %lt3A_102 = arith.cmpi slt, %add3A_100, %lt3A_101 : i32
      %convert_element_type3A_103 = arith.extui %lt3A_102 : i1 to i32
      %cond3A_104 = arith.constant 0 : i32
      %cond3A_105 = arith.cmpi ne, %convert_element_type3A_103, %cond3A_104 : i32
      scf.if %cond3A_105 {
        %add3A_178 = arith.constant 2 : i32
        %add3A_179 = arith.addi %add3A_72, %add3A_178 : i32
        %mul3A_180 = arith.constant 256 : i32
        %mul3A_181 = arith.muli %add3A_179, %mul3A_180 : i32
        %dma_start3A_182 = arith.constant 2 : i32
        %dma_start3A_183 = arith.constant 0 : i32
        %dma_start3A_184 = arith.constant 0 : i32
        %dma_start3A_185 = tpu.memref_slice %arg11[%dma_start3A_182, %dma_start3A_183, %dma_start3A_184] : memref<3x256x16xf32, #tpu.memory_space<vmem>> -> memref<1x256x16xf32, #tpu.memory_space<vmem>>
        %dma_start3A_186 = tpu.memref_squeeze %dma_start3A_185 : memref<1x256x16xf32, #tpu.memory_space<vmem>> -> memref<256x16xf32, #tpu.memory_space<vmem>>
        %dma_start3A_187 = tpu.memref_slice %arg7[%mul3A_181] : memref<9984xi32, #tpu.memory_space<vmem>> -> memref<256xi32, #tpu.memory_space<vmem>>
        %dma_start3A_188 = arith.constant 0 : i32
        %dma_start3A_189 = arith.constant 0 : i32
        %dma_start3A_190 = tpu.memref_slice %arg2[%dma_start3A_188, %dma_start3A_189] : memref<10000x16xf32, #tpu.memory_space<hbm>> -> memref<10000x16xf32, #tpu.memory_space<hbm>>
        tpu.enqueue_indirect_dma source(%dma_start3A_190 : memref<10000x16xf32, #tpu.memory_space<hbm>>) target(%dma_start3A_186 : memref<256x16xf32, #tpu.memory_space<vmem>>) offsets(%dma_start3A_187 : memref<256xi32, #tpu.memory_space<vmem>>) semaphore(%arg14 : memref<!tpu.dma_semaphore, #tpu.memory_space<semaphore_mem>>)
      } else {
      }
      %add3A_106 = arith.constant 1 : i32
      %add3A_107 = arith.addi %mul3A_70, %add3A_106 : i32
      %mul3A_108 = arith.constant 256 : i32
      %mul3A_109 = arith.muli %add3A_107, %mul3A_108 : i32
      %dma_wait3A_110 = arith.constant 1 : i32
      %dma_wait3A_111 = arith.constant 0 : i32
      %dma_wait3A_112 = arith.constant 0 : i32
      %dma_wait3A_113 = tpu.memref_slice %arg11[%dma_wait3A_110, %dma_wait3A_111, %dma_wait3A_112] : memref<3x256x16xf32, #tpu.memory_space<vmem>> -> memref<1x256x16xf32, #tpu.memory_space<vmem>>
      %dma_wait3A_114 = tpu.memref_squeeze %dma_wait3A_113 : memref<1x256x16xf32, #tpu.memory_space<vmem>> -> memref<256x16xf32, #tpu.memory_space<vmem>>
      %dma_wait3A_115 = tpu.memref_slice %arg7[%mul3A_109] : memref<9984xi32, #tpu.memory_space<vmem>> -> memref<256xi32, #tpu.memory_space<vmem>>
      %dma_wait3A_116 = arith.constant 0 : i32
      %dma_wait3A_117 = arith.constant 0 : i32
      %dma_wait3A_118 = tpu.memref_slice %arg2[%dma_wait3A_116, %dma_wait3A_117] : memref<10000x16xf32, #tpu.memory_space<hbm>> -> memref<10000x16xf32, #tpu.memory_space<hbm>>
      tpu.wait_indirect_dma semaphore(%arg13 : memref<!tpu.dma_semaphore, #tpu.memory_space<semaphore_mem>>) src(%dma_wait3A_118 : memref<10000x16xf32, #tpu.memory_space<hbm>>) dst(%dma_wait3A_114 : memref<256x16xf32, #tpu.memory_space<vmem>>)
      %mul3A_119 = arith.constant 256 : i32
      %mul3A_120 = arith.muli %add3A_107, %mul3A_119 : i32
      %dma_start3A_121 = arith.constant 1 : i32
      %dma_start3A_122 = arith.constant 0 : i32
      %dma_start3A_123 = arith.constant 0 : i32
      %dma_start3A_124 = tpu.memref_slice %arg11[%dma_start3A_121, %dma_start3A_122, %dma_start3A_123] : memref<3x256x16xf32, #tpu.memory_space<vmem>> -> memref<1x256x16xf32, #tpu.memory_space<vmem>>
      %dma_start3A_125 = tpu.memref_squeeze %dma_start3A_124 : memref<1x256x16xf32, #tpu.memory_space<vmem>> -> memref<256x16xf32, #tpu.memory_space<vmem>>
      %dma_start3A_126 = tpu.memref_slice %arg8[%mul3A_120] : memref<9984xi32, #tpu.memory_space<vmem>> -> memref<256xi32, #tpu.memory_space<vmem>>
      %dma_start3A_127 = arith.constant 0 : i32
      %dma_start3A_128 = arith.constant 0 : i32
      %dma_start3A_129 = tpu.memref_slice %arg6[%dma_start3A_127, %dma_start3A_128] : memref<10000x16xf32, #tpu.memory_space<vmem_shared>> -> memref<10000x16xf32, #tpu.memory_space<vmem_shared>>
      tpu.enqueue_indirect_dma source(%dma_start3A_125 : memref<256x16xf32, #tpu.memory_space<vmem>>) target(%dma_start3A_129 : memref<10000x16xf32, #tpu.memory_space<vmem_shared>>) offsets(%dma_start3A_126 : memref<256xi32, #tpu.memory_space<vmem>>) semaphore(%arg16 : memref<!tpu.dma_semaphore, #tpu.memory_space<semaphore_mem>>) {add = true}
      %ge3A_130 = arith.constant 1 : i32
      %ge3A_131 = arith.cmpi sge, %add3A_107, %ge3A_130 : i32
      %convert_element_type3A_132 = arith.extui %ge3A_131 : i1 to i32
      %cond3A_133 = arith.constant 0 : i32
      %cond3A_134 = arith.cmpi ne, %convert_element_type3A_132, %cond3A_133 : i32
      scf.if %cond3A_134 {
        %sub3A = arith.constant 1 : i32
        %sub3A_178 = arith.subi %add3A_107, %sub3A : i32
        %mul3A_179 = arith.constant 256 : i32
        %mul3A_180 = arith.muli %sub3A_178, %mul3A_179 : i32
        %dma_wait3A_181 = arith.constant 0 : i32
        %dma_wait3A_182 = arith.constant 0 : i32
        %dma_wait3A_183 = arith.constant 0 : i32
        %dma_wait3A_184 = tpu.memref_slice %arg11[%dma_wait3A_181, %dma_wait3A_182, %dma_wait3A_183] : memref<3x256x16xf32, #tpu.memory_space<vmem>> -> memref<1x256x16xf32, #tpu.memory_space<vmem>>
        %dma_wait3A_185 = tpu.memref_squeeze %dma_wait3A_184 : memref<1x256x16xf32, #tpu.memory_space<vmem>> -> memref<256x16xf32, #tpu.memory_space<vmem>>
        %dma_wait3A_186 = tpu.memref_slice %arg8[%mul3A_180] : memref<9984xi32, #tpu.memory_space<vmem>> -> memref<256xi32, #tpu.memory_space<vmem>>
        %dma_wait3A_187 = arith.constant 0 : i32
        %dma_wait3A_188 = arith.constant 0 : i32
        %dma_wait3A_189 = tpu.memref_slice %arg6[%dma_wait3A_187, %dma_wait3A_188] : memref<10000x16xf32, #tpu.memory_space<vmem_shared>> -> memref<10000x16xf32, #tpu.memory_space<vmem_shared>>
        tpu.wait_indirect_dma semaphore(%arg15 : memref<!tpu.dma_semaphore, #tpu.memory_space<semaphore_mem>>) src(%dma_wait3A_185 : memref<256x16xf32, #tpu.memory_space<vmem>>) dst(%dma_wait3A_189 : memref<10000x16xf32, #tpu.memory_space<vmem_shared>>)
      } else {
      }
      %add3A_135 = arith.constant 2 : i32
      %add3A_136 = arith.addi %add3A_107, %add3A_135 : i32
      %lt3A_137 = arith.constant 39 : i32
      %lt3A_138 = arith.cmpi slt, %add3A_136, %lt3A_137 : i32
      %convert_element_type3A_139 = arith.extui %lt3A_138 : i1 to i32
      %cond3A_140 = arith.constant 0 : i32
      %cond3A_141 = arith.cmpi ne, %convert_element_type3A_139, %cond3A_140 : i32
      scf.if %cond3A_141 {
        %add3A_178 = arith.constant 2 : i32
        %add3A_179 = arith.addi %add3A_107, %add3A_178 : i32
        %mul3A_180 = arith.constant 256 : i32
        %mul3A_181 = arith.muli %add3A_179, %mul3A_180 : i32
        %dma_start3A_182 = arith.constant 0 : i32
        %dma_start3A_183 = arith.constant 0 : i32
        %dma_start3A_184 = arith.constant 0 : i32
        %dma_start3A_185 = tpu.memref_slice %arg11[%dma_start3A_182, %dma_start3A_183, %dma_start3A_184] : memref<3x256x16xf32, #tpu.memory_space<vmem>> -> memref<1x256x16xf32, #tpu.memory_space<vmem>>
        %dma_start3A_186 = tpu.memref_squeeze %dma_start3A_185 : memref<1x256x16xf32, #tpu.memory_space<vmem>> -> memref<256x16xf32, #tpu.memory_space<vmem>>
        %dma_start3A_187 = tpu.memref_slice %arg7[%mul3A_181] : memref<9984xi32, #tpu.memory_space<vmem>> -> memref<256xi32, #tpu.memory_space<vmem>>
        %dma_start3A_188 = arith.constant 0 : i32
        %dma_start3A_189 = arith.constant 0 : i32
        %dma_start3A_190 = tpu.memref_slice %arg2[%dma_start3A_188, %dma_start3A_189] : memref<10000x16xf32, #tpu.memory_space<hbm>> -> memref<10000x16xf32, #tpu.memory_space<hbm>>
        tpu.enqueue_indirect_dma source(%dma_start3A_190 : memref<10000x16xf32, #tpu.memory_space<hbm>>) target(%dma_start3A_186 : memref<256x16xf32, #tpu.memory_space<vmem>>) offsets(%dma_start3A_187 : memref<256xi32, #tpu.memory_space<vmem>>) semaphore(%arg12 : memref<!tpu.dma_semaphore, #tpu.memory_space<semaphore_mem>>)
      } else {
      }
      %add3A_142 = arith.constant 2 : i32
      %add3A_143 = arith.addi %mul3A_70, %add3A_142 : i32
      %mul3A_144 = arith.constant 256 : i32
      %mul3A_145 = arith.muli %add3A_143, %mul3A_144 : i32
      %dma_wait3A_146 = arith.constant 2 : i32
      %dma_wait3A_147 = arith.constant 0 : i32
      %dma_wait3A_148 = arith.constant 0 : i32
      %dma_wait3A_149 = tpu.memref_slice %arg11[%dma_wait3A_146, %dma_wait3A_147, %dma_wait3A_148] : memref<3x256x16xf32, #tpu.memory_space<vmem>> -> memref<1x256x16xf32, #tpu.memory_space<vmem>>
      %dma_wait3A_150 = tpu.memref_squeeze %dma_wait3A_149 : memref<1x256x16xf32, #tpu.memory_space<vmem>> -> memref<256x16xf32, #tpu.memory_space<vmem>>
      %dma_wait3A_151 = tpu.memref_slice %arg7[%mul3A_145] : memref<9984xi32, #tpu.memory_space<vmem>> -> memref<256xi32, #tpu.memory_space<vmem>>
      %dma_wait3A_152 = arith.constant 0 : i32
      %dma_wait3A_153 = arith.constant 0 : i32
      %dma_wait3A_154 = tpu.memref_slice %arg2[%dma_wait3A_152, %dma_wait3A_153] : memref<10000x16xf32, #tpu.memory_space<hbm>> -> memref<10000x16xf32, #tpu.memory_space<hbm>>
      tpu.wait_indirect_dma semaphore(%arg14 : memref<!tpu.dma_semaphore, #tpu.memory_space<semaphore_mem>>) src(%dma_wait3A_154 : memref<10000x16xf32, #tpu.memory_space<hbm>>) dst(%dma_wait3A_150 : memref<256x16xf32, #tpu.memory_space<vmem>>)
      %mul3A_155 = arith.constant 256 : i32
      %mul3A_156 = arith.muli %add3A_143, %mul3A_155 : i32
      %dma_start3A_157 = arith.constant 2 : i32
      %dma_start3A_158 = arith.constant 0 : i32
      %dma_start3A_159 = arith.constant 0 : i32
      %dma_start3A_160 = tpu.memref_slice %arg11[%dma_start3A_157, %dma_start3A_158, %dma_start3A_159] : memref<3x256x16xf32, #tpu.memory_space<vmem>> -> memref<1x256x16xf32, #tpu.memory_space<vmem>>
      %dma_start3A_161 = tpu.memref_squeeze %dma_start3A_160 : memref<1x256x16xf32, #tpu.memory_space<vmem>> -> memref<256x16xf32, #tpu.memory_space<vmem>>
      %dma_start3A_162 = tpu.memref_slice %arg8[%mul3A_156] : memref<9984xi32, #tpu.memory_space<vmem>> -> memref<256xi32, #tpu.memory_space<vmem>>
      %dma_start3A_163 = arith.constant 0 : i32
      %dma_start3A_164 = arith.constant 0 : i32
      %dma_start3A_165 = tpu.memref_slice %arg6[%dma_start3A_163, %dma_start3A_164] : memref<10000x16xf32, #tpu.memory_space<vmem_shared>> -> memref<10000x16xf32, #tpu.memory_space<vmem_shared>>
      tpu.enqueue_indirect_dma source(%dma_start3A_161 : memref<256x16xf32, #tpu.memory_space<vmem>>) target(%dma_start3A_165 : memref<10000x16xf32, #tpu.memory_space<vmem_shared>>) offsets(%dma_start3A_162 : memref<256xi32, #tpu.memory_space<vmem>>) semaphore(%arg17 : memref<!tpu.dma_semaphore, #tpu.memory_space<semaphore_mem>>) {add = true}
      %ge3A_166 = arith.constant 1 : i32
      %ge3A_167 = arith.cmpi sge, %add3A_143, %ge3A_166 : i32
      %convert_element_type3A_168 = arith.extui %ge3A_167 : i1 to i32
      %cond3A_169 = arith.constant 0 : i32
      %cond3A_170 = arith.cmpi ne, %convert_element_type3A_168, %cond3A_169 : i32
      scf.if %cond3A_170 {
        %sub3A = arith.constant 1 : i32
        %sub3A_178 = arith.subi %add3A_143, %sub3A : i32
        %mul3A_179 = arith.constant 256 : i32
        %mul3A_180 = arith.muli %sub3A_178, %mul3A_179 : i32
        %dma_wait3A_181 = arith.constant 1 : i32
        %dma_wait3A_182 = arith.constant 0 : i32
        %dma_wait3A_183 = arith.constant 0 : i32
        %dma_wait3A_184 = tpu.memref_slice %arg11[%dma_wait3A_181, %dma_wait3A_182, %dma_wait3A_183] : memref<3x256x16xf32, #tpu.memory_space<vmem>> -> memref<1x256x16xf32, #tpu.memory_space<vmem>>
        %dma_wait3A_185 = tpu.memref_squeeze %dma_wait3A_184 : memref<1x256x16xf32, #tpu.memory_space<vmem>> -> memref<256x16xf32, #tpu.memory_space<vmem>>
        %dma_wait3A_186 = tpu.memref_slice %arg8[%mul3A_180] : memref<9984xi32, #tpu.memory_space<vmem>> -> memref<256xi32, #tpu.memory_space<vmem>>
        %dma_wait3A_187 = arith.constant 0 : i32
        %dma_wait3A_188 = arith.constant 0 : i32
        %dma_wait3A_189 = tpu.memref_slice %arg6[%dma_wait3A_187, %dma_wait3A_188] : memref<10000x16xf32, #tpu.memory_space<vmem_shared>> -> memref<10000x16xf32, #tpu.memory_space<vmem_shared>>
        tpu.wait_indirect_dma semaphore(%arg16 : memref<!tpu.dma_semaphore, #tpu.memory_space<semaphore_mem>>) src(%dma_wait3A_185 : memref<256x16xf32, #tpu.memory_space<vmem>>) dst(%dma_wait3A_189 : memref<10000x16xf32, #tpu.memory_space<vmem_shared>>)
      } else {
      }
      %add3A_171 = arith.constant 2 : i32
      %add3A_172 = arith.addi %add3A_143, %add3A_171 : i32
      %lt3A_173 = arith.constant 39 : i32
      %lt3A_174 = arith.cmpi slt, %add3A_172, %lt3A_173 : i32
      %convert_element_type3A_175 = arith.extui %lt3A_174 : i1 to i32
      %cond3A_176 = arith.constant 0 : i32
      %cond3A_177 = arith.cmpi ne, %convert_element_type3A_175, %cond3A_176 : i32
      scf.if %cond3A_177 {
        %add3A_178 = arith.constant 2 : i32
        %add3A_179 = arith.addi %add3A_143, %add3A_178 : i32
        %mul3A_180 = arith.constant 256 : i32
        %mul3A_181 = arith.muli %add3A_179, %mul3A_180 : i32
        %dma_start3A_182 = arith.constant 1 : i32
        %dma_start3A_183 = arith.constant 0 : i32
        %dma_start3A_184 = arith.constant 0 : i32
        %dma_start3A_185 = tpu.memref_slice %arg11[%dma_start3A_182, %dma_start3A_183, %dma_start3A_184] : memref<3x256x16xf32, #tpu.memory_space<vmem>> -> memref<1x256x16xf32, #tpu.memory_space<vmem>>
        %dma_start3A_186 = tpu.memref_squeeze %dma_start3A_185 : memref<1x256x16xf32, #tpu.memory_space<vmem>> -> memref<256x16xf32, #tpu.memory_space<vmem>>
        %dma_start3A_187 = tpu.memref_slice %arg7[%mul3A_181] : memref<9984xi32, #tpu.memory_space<vmem>> -> memref<256xi32, #tpu.memory_space<vmem>>
        %dma_start3A_188 = arith.constant 0 : i32
        %dma_start3A_189 = arith.constant 0 : i32
        %dma_start3A_190 = tpu.memref_slice %arg2[%dma_start3A_188, %dma_start3A_189] : memref<10000x16xf32, #tpu.memory_space<hbm>> -> memref<10000x16xf32, #tpu.memory_space<hbm>>
        tpu.enqueue_indirect_dma source(%dma_start3A_190 : memref<10000x16xf32, #tpu.memory_space<hbm>>) target(%dma_start3A_186 : memref<256x16xf32, #tpu.memory_space<vmem>>) offsets(%dma_start3A_187 : memref<256xi32, #tpu.memory_space<vmem>>) semaphore(%arg13 : memref<!tpu.dma_semaphore, #tpu.memory_space<semaphore_mem>>)
      } else {
      }
    }
    %scan3A_41 = arith.constant 13 : i32
    %dma_wait3A_42 = arith.constant 2 : i32
    %dma_wait3A_43 = arith.constant 0 : i32
    %dma_wait3A_44 = arith.constant 0 : i32
    %dma_wait3A_45 = tpu.memref_slice %arg11[%dma_wait3A_42, %dma_wait3A_43, %dma_wait3A_44] : memref<3x256x16xf32, #tpu.memory_space<vmem>> -> memref<1x256x16xf32, #tpu.memory_space<vmem>>
    %dma_wait3A_46 = tpu.memref_squeeze %dma_wait3A_45 : memref<1x256x16xf32, #tpu.memory_space<vmem>> -> memref<256x16xf32, #tpu.memory_space<vmem>>
    %dma_wait3A_47 = arith.constant 9728 : i32
    %dma_wait3A_48 = tpu.memref_slice %arg8[%dma_wait3A_47] : memref<9984xi32, #tpu.memory_space<vmem>> -> memref<256xi32, #tpu.memory_space<vmem>>
    %dma_wait3A_49 = arith.constant 0 : i32
    %dma_wait3A_50 = arith.constant 0 : i32
    %dma_wait3A_51 = tpu.memref_slice %arg6[%dma_wait3A_49, %dma_wait3A_50] : memref<10000x16xf32, #tpu.memory_space<vmem_shared>> -> memref<10000x16xf32, #tpu.memory_space<vmem_shared>>
    tpu.wait_indirect_dma semaphore(%arg17 : memref<!tpu.dma_semaphore, #tpu.memory_space<semaphore_mem>>) src(%dma_wait3A_46 : memref<256x16xf32, #tpu.memory_space<vmem>>) dst(%dma_wait3A_51 : memref<10000x16xf32, #tpu.memory_space<vmem_shared>>)
    %lt3A_52 = arith.constant 2 : i32
    %lt3A_53 = arith.cmpi slt, %add3A, %lt3A_52 : i32
    %convert_element_type3A_54 = arith.extui %lt3A_53 : i1 to i32
    %cond3A_55 = arith.constant 0 : i32
    %cond3A_56 = arith.cmpi ne, %convert_element_type3A_54, %cond3A_55 : i32
    scf.if %cond3A_56 {
      %mul3A_68 = arith.constant 256 : i32
      %mul3A_69 = arith.muli %add3A, %mul3A_68 : i32
      %add3A_70 = arith.constant 319488 : i32
      %add3A_71 = arith.addi %add3A_70, %mul3A_69 : i32
      "tpu.region"() ({
        %run_scoped3A_90 = tpu.sem_alloc : memref<!tpu.dma_semaphore, #tpu.memory_space<semaphore_mem>>
        %dma_start3A_91 = tpu.memref_slice %arg4[%add3A_71] : memref<640000xi32, #tpu.memory_space<hbm>> -> memref<256xi32, #tpu.memory_space<hbm>>
        %dma_start3A_92 = tpu.memref_slice %arg4[%add3A_71] : memref<640000xi32, #tpu.memory_space<hbm>> -> memref<256xi32, #tpu.memory_space<hbm>>
        tpu.enqueue_dma source(%dma_start3A_92 : memref<256xi32, #tpu.memory_space<hbm>>) target(%arg9 : memref<256xi32, #tpu.memory_space<vmem>>) target_semaphore(%run_scoped3A_90 : memref<!tpu.dma_semaphore, #tpu.memory_space<semaphore_mem>>)
        %dma_wait3A_93 = tpu.memref_slice %arg4[%add3A_71] : memref<640000xi32, #tpu.memory_space<hbm>> -> memref<256xi32, #tpu.memory_space<hbm>>
        %dma_wait3A_94 = tpu.memref_slice %arg4[%add3A_71] : memref<640000xi32, #tpu.memory_space<hbm>> -> memref<256xi32, #tpu.memory_space<hbm>>
        tpu.wait_dma2 semaphore(%run_scoped3A_90 : memref<!tpu.dma_semaphore, #tpu.memory_space<semaphore_mem>>) src(%dma_wait3A_94 : memref<256xi32, #tpu.memory_space<hbm>>) dst(%arg9 : memref<256xi32, #tpu.memory_space<vmem>>)
        tpu.yield
      }) : () -> ()
      %add3A_72 = arith.constant 320000 : i32
      %add3A_73 = arith.addi %add3A_72, %add3A_71 : i32
      "tpu.region"() ({
        %run_scoped3A_90 = tpu.sem_alloc : memref<!tpu.dma_semaphore, #tpu.memory_space<semaphore_mem>>
        %dma_start3A_91 = tpu.memref_slice %arg4[%add3A_73] : memref<640000xi32, #tpu.memory_space<hbm>> -> memref<256xi32, #tpu.memory_space<hbm>>
        %dma_start3A_92 = tpu.memref_slice %arg4[%add3A_73] : memref<640000xi32, #tpu.memory_space<hbm>> -> memref<256xi32, #tpu.memory_space<hbm>>
        tpu.enqueue_dma source(%dma_start3A_92 : memref<256xi32, #tpu.memory_space<hbm>>) target(%arg10 : memref<256xi32, #tpu.memory_space<vmem>>) target_semaphore(%run_scoped3A_90 : memref<!tpu.dma_semaphore, #tpu.memory_space<semaphore_mem>>)
        %dma_wait3A_93 = tpu.memref_slice %arg4[%add3A_73] : memref<640000xi32, #tpu.memory_space<hbm>> -> memref<256xi32, #tpu.memory_space<hbm>>
        %dma_wait3A_94 = tpu.memref_slice %arg4[%add3A_73] : memref<640000xi32, #tpu.memory_space<hbm>> -> memref<256xi32, #tpu.memory_space<hbm>>
        tpu.wait_dma2 semaphore(%run_scoped3A_90 : memref<!tpu.dma_semaphore, #tpu.memory_space<semaphore_mem>>) src(%dma_wait3A_94 : memref<256xi32, #tpu.memory_space<hbm>>) dst(%arg10 : memref<256xi32, #tpu.memory_space<vmem>>)
        tpu.yield
      }) : () -> ()
      %dma_start3A_74 = arith.constant 0 : i32
      %dma_start3A_75 = arith.constant 0 : i32
      %dma_start3A_76 = arith.constant 0 : i32
      %dma_start3A_77 = tpu.memref_slice %arg11[%dma_start3A_74, %dma_start3A_75, %dma_start3A_76] : memref<3x256x16xf32, #tpu.memory_space<vmem>> -> memref<1x256x16xf32, #tpu.memory_space<vmem>>
      %dma_start3A_78 = tpu.memref_squeeze %dma_start3A_77 : memref<1x256x16xf32, #tpu.memory_space<vmem>> -> memref<256x16xf32, #tpu.memory_space<vmem>>
      %dma_start3A_79 = arith.constant 0 : i32
      %dma_start3A_80 = arith.constant 0 : i32
      %dma_start3A_81 = tpu.memref_slice %arg2[%dma_start3A_79, %dma_start3A_80] : memref<10000x16xf32, #tpu.memory_space<hbm>> -> memref<10000x16xf32, #tpu.memory_space<hbm>>
      tpu.enqueue_indirect_dma source(%dma_start3A_81 : memref<10000x16xf32, #tpu.memory_space<hbm>>) target(%dma_start3A_78 : memref<256x16xf32, #tpu.memory_space<vmem>>) offsets(%arg9 : memref<256xi32, #tpu.memory_space<vmem>>) semaphore(%arg18 : memref<!tpu.dma_semaphore, #tpu.memory_space<semaphore_mem>>)
      %dma_wait3A_82 = arith.constant 0 : i32
      %dma_wait3A_83 = arith.constant 0 : i32
      %dma_wait3A_84 = arith.constant 0 : i32
      %dma_wait3A_85 = tpu.memref_slice %arg11[%dma_wait3A_82, %dma_wait3A_83, %dma_wait3A_84] : memref<3x256x16xf32, #tpu.memory_space<vmem>> -> memref<1x256x16xf32, #tpu.memory_space<vmem>>
      %dma_wait3A_86 = tpu.memref_squeeze %dma_wait3A_85 : memref<1x256x16xf32, #tpu.memory_space<vmem>> -> memref<256x16xf32, #tpu.memory_space<vmem>>
      %dma_wait3A_87 = arith.constant 0 : i32
      %dma_wait3A_88 = arith.constant 0 : i32
      %dma_wait3A_89 = tpu.memref_slice %arg2[%dma_wait3A_87, %dma_wait3A_88] : memref<10000x16xf32, #tpu.memory_space<hbm>> -> memref<10000x16xf32, #tpu.memory_space<hbm>>
      tpu.wait_indirect_dma semaphore(%arg18 : memref<!tpu.dma_semaphore, #tpu.memory_space<semaphore_mem>>) src(%dma_wait3A_89 : memref<10000x16xf32, #tpu.memory_space<hbm>>) dst(%dma_wait3A_86 : memref<256x16xf32, #tpu.memory_space<vmem>>)
      %run_scoped3A = arith.constant 0 : i32
      "tpu.region"() ({
        %run_scoped3A_90 = tpu.sem_alloc : memref<!tpu.dma_semaphore, #tpu.memory_space<semaphore_mem>>
        %dma_start3A_91 = arith.constant 0 : i32
        %dma_start3A_92 = arith.constant 0 : i32
        %dma_start3A_93 = tpu.memref_slice %arg11[%run_scoped3A, %dma_start3A_91, %dma_start3A_92] : memref<3x256x16xf32, #tpu.memory_space<vmem>> -> memref<1x256x16xf32, #tpu.memory_space<vmem>>
        %dma_start3A_94 = tpu.memref_squeeze %dma_start3A_93 : memref<1x256x16xf32, #tpu.memory_space<vmem>> -> memref<256x16xf32, #tpu.memory_space<vmem>>
        %dma_start3A_95 = arith.constant 0 : i32
        %dma_start3A_96 = arith.constant 0 : i32
        %dma_start3A_97 = tpu.memref_slice %arg6[%dma_start3A_95, %dma_start3A_96] : memref<10000x16xf32, #tpu.memory_space<vmem_shared>> -> memref<10000x16xf32, #tpu.memory_space<vmem_shared>>
        tpu.enqueue_indirect_dma source(%dma_start3A_94 : memref<256x16xf32, #tpu.memory_space<vmem>>) target(%dma_start3A_97 : memref<10000x16xf32, #tpu.memory_space<vmem_shared>>) offsets(%arg10 : memref<256xi32, #tpu.memory_space<vmem>>) semaphore(%run_scoped3A_90 : memref<!tpu.dma_semaphore, #tpu.memory_space<semaphore_mem>>) {add = true}
        %dma_wait3A_98 = arith.constant 0 : i32
        %dma_wait3A_99 = arith.constant 0 : i32
        %dma_wait3A_100 = tpu.memref_slice %arg11[%run_scoped3A, %dma_wait3A_98, %dma_wait3A_99] : memref<3x256x16xf32, #tpu.memory_space<vmem>> -> memref<1x256x16xf32, #tpu.memory_space<vmem>>
        %dma_wait3A_101 = tpu.memref_squeeze %dma_wait3A_100 : memref<1x256x16xf32, #tpu.memory_space<vmem>> -> memref<256x16xf32, #tpu.memory_space<vmem>>
        %dma_wait3A_102 = arith.constant 0 : i32
        %dma_wait3A_103 = arith.constant 0 : i32
        %dma_wait3A_104 = tpu.memref_slice %arg6[%dma_wait3A_102, %dma_wait3A_103] : memref<10000x16xf32, #tpu.memory_space<vmem_shared>> -> memref<10000x16xf32, #tpu.memory_space<vmem_shared>>
        tpu.wait_indirect_dma semaphore(%run_scoped3A_90 : memref<!tpu.dma_semaphore, #tpu.memory_space<semaphore_mem>>) src(%dma_wait3A_101 : memref<256x16xf32, #tpu.memory_space<vmem>>) dst(%dma_wait3A_104 : memref<10000x16xf32, #tpu.memory_space<vmem_shared>>)
        tpu.yield
      }) : () -> ()
    } else {
    }
    %barrier3A_57 = arith.constant 0 : index
    tpu.barrier barrier_id(%barrier3A_57)
    %lt3A_58 = arith.constant 15 : i32
    %lt3A_59 = arith.cmpi slt, %arg1, %lt3A_58 : i32
    %convert_element_type3A_60 = arith.extui %lt3A_59 : i1 to i32
    %cond3A_61 = arith.constant 0 : i32
    %cond3A_62 = arith.cmpi ne, %convert_element_type3A_60, %cond3A_61 : i32
    scf.if %cond3A_62 {
      %mul3A_68 = arith.constant 624 : i32
      %mul3A_69 = arith.muli %arg1, %mul3A_68 : i32
      "tpu.region"() ({
        %run_scoped3A = tpu.sem_alloc : memref<!tpu.dma_semaphore, #tpu.memory_space<semaphore_mem>>
        %dma_start3A_70 = arith.constant 0 : i32
        %dma_start3A_71 = tpu.memref_slice %arg5[%arg0, %mul3A_69, %dma_start3A_70] : memref<2x10000x16xf32, #tpu.memory_space<hbm>> -> memref<1x624x16xf32, #tpu.memory_space<hbm>>
        %dma_start3A_72 = tpu.memref_squeeze %dma_start3A_71 : memref<1x624x16xf32, #tpu.memory_space<hbm>> -> memref<624x16xf32, #tpu.memory_space<hbm>>
        %dma_start3A_73 = arith.constant 0 : i32
        %dma_start3A_74 = tpu.memref_slice %arg6[%mul3A_69, %dma_start3A_73] : memref<10000x16xf32, #tpu.memory_space<vmem_shared>> -> memref<624x16xf32, #tpu.memory_space<vmem_shared>>
        tpu.enqueue_dma source(%dma_start3A_74 : memref<624x16xf32, #tpu.memory_space<vmem_shared>>) target(%dma_start3A_72 : memref<624x16xf32, #tpu.memory_space<hbm>>) target_semaphore(%run_scoped3A : memref<!tpu.dma_semaphore, #tpu.memory_space<semaphore_mem>>)
        %dma_wait3A_75 = arith.constant 0 : i32
        %dma_wait3A_76 = tpu.memref_slice %arg5[%arg0, %mul3A_69, %dma_wait3A_75] : memref<2x10000x16xf32, #tpu.memory_space<hbm>> -> memref<1x624x16xf32, #tpu.memory_space<hbm>>
        %dma_wait3A_77 = tpu.memref_squeeze %dma_wait3A_76 : memref<1x624x16xf32, #tpu.memory_space<hbm>> -> memref<624x16xf32, #tpu.memory_space<hbm>>
        %dma_wait3A_78 = arith.constant 0 : i32
        %dma_wait3A_79 = tpu.memref_slice %arg6[%mul3A_69, %dma_wait3A_78] : memref<10000x16xf32, #tpu.memory_space<vmem_shared>> -> memref<624x16xf32, #tpu.memory_space<vmem_shared>>
        tpu.wait_dma2 semaphore(%run_scoped3A : memref<!tpu.dma_semaphore, #tpu.memory_space<semaphore_mem>>) src(%dma_wait3A_79 : memref<624x16xf32, #tpu.memory_space<vmem_shared>>) dst(%dma_wait3A_77 : memref<624x16xf32, #tpu.memory_space<hbm>>)
        tpu.yield
      }) : () -> ()
    } else {
    }
    %eq3A_63 = arith.constant 15 : i32
    %eq3A_64 = arith.cmpi eq, %arg1, %eq3A_63 : i32
    %convert_element_type3A_65 = arith.extui %eq3A_64 : i1 to i32
    %cond3A_66 = arith.constant 0 : i32
    %cond3A_67 = arith.cmpi ne, %convert_element_type3A_65, %cond3A_66 : i32
    scf.if %cond3A_67 {
      "tpu.region"() ({
        %run_scoped3A = tpu.sem_alloc : memref<!tpu.dma_semaphore, #tpu.memory_space<semaphore_mem>>
        %dma_start3A_68 = arith.constant 9360 : i32
        %dma_start3A_69 = arith.constant 0 : i32
        %dma_start3A_70 = tpu.memref_slice %arg5[%arg0, %dma_start3A_68, %dma_start3A_69] : memref<2x10000x16xf32, #tpu.memory_space<hbm>> -> memref<1x640x16xf32, #tpu.memory_space<hbm>>
        %dma_start3A_71 = tpu.memref_squeeze %dma_start3A_70 : memref<1x640x16xf32, #tpu.memory_space<hbm>> -> memref<640x16xf32, #tpu.memory_space<hbm>>
        %dma_start3A_72 = arith.constant 9360 : i32
        %dma_start3A_73 = arith.constant 0 : i32
        %dma_start3A_74 = tpu.memref_slice %arg6[%dma_start3A_72, %dma_start3A_73] : memref<10000x16xf32, #tpu.memory_space<vmem_shared>> -> memref<640x16xf32, #tpu.memory_space<vmem_shared>>
        tpu.enqueue_dma source(%dma_start3A_74 : memref<640x16xf32, #tpu.memory_space<vmem_shared>>) target(%dma_start3A_71 : memref<640x16xf32, #tpu.memory_space<hbm>>) target_semaphore(%run_scoped3A : memref<!tpu.dma_semaphore, #tpu.memory_space<semaphore_mem>>)
        %dma_wait3A_75 = arith.constant 9360 : i32
        %dma_wait3A_76 = arith.constant 0 : i32
        %dma_wait3A_77 = tpu.memref_slice %arg5[%arg0, %dma_wait3A_75, %dma_wait3A_76] : memref<2x10000x16xf32, #tpu.memory_space<hbm>> -> memref<1x640x16xf32, #tpu.memory_space<hbm>>
        %dma_wait3A_78 = tpu.memref_squeeze %dma_wait3A_77 : memref<1x640x16xf32, #tpu.memory_space<hbm>> -> memref<640x16xf32, #tpu.memory_space<hbm>>
        %dma_wait3A_79 = arith.constant 9360 : i32
        %dma_wait3A_80 = arith.constant 0 : i32
        %dma_wait3A_81 = tpu.memref_slice %arg6[%dma_wait3A_79, %dma_wait3A_80] : memref<10000x16xf32, #tpu.memory_space<vmem_shared>> -> memref<640x16xf32, #tpu.memory_space<vmem_shared>>
        tpu.wait_dma2 semaphore(%run_scoped3A : memref<!tpu.dma_semaphore, #tpu.memory_space<semaphore_mem>>) src(%dma_wait3A_81 : memref<640x16xf32, #tpu.memory_space<vmem_shared>>) dst(%dma_wait3A_78 : memref<640x16xf32, #tpu.memory_space<hbm>>)
        tpu.yield
      }) : () -> ()
    } else {
    }
    return
  }
}

#map = affine_map<(d0, d1) -> (0, 0)>
#map1 = affine_map<(d0, d1) -> (0)>
#map2 = affine_map<(d0, d1) -> (0, 0, 0)>
module attributes {stable_mosaic.version = 14 : i64} {
  func.func @scatter_kernel(%arg0: i32, %arg1: i32, %arg2: memref<10000x128xf32, #tpu.memory_space<hbm>>, %arg3: memref<10000x128xf32, #tpu.memory_space<hbm>>, %arg4: memref<640000xi32, #tpu.memory_space<hbm>>, %arg5: memref<2x10000x128xf32, #tpu.memory_space<hbm>>, %arg6: memref<10000x128xf32, #tpu.memory_space<vmem_shared>>, %arg7: memref<3x128xi32, #tpu.memory_space<vmem>>, %arg8: memref<3x128xi32, #tpu.memory_space<vmem>>, %arg9: memref<3x128x128xf32, #tpu.memory_space<vmem>>, %arg10: memref<!tpu.dma_semaphore, #tpu.memory_space<semaphore_mem>>, %arg11: memref<!tpu.dma_semaphore, #tpu.memory_space<semaphore_mem>>, %arg12: memref<!tpu.dma_semaphore, #tpu.memory_space<semaphore_mem>>, %arg13: memref<!tpu.dma_semaphore, #tpu.memory_space<semaphore_mem>>, %arg14: memref<!tpu.dma_semaphore, #tpu.memory_space<semaphore_mem>>, %arg15: memref<!tpu.dma_semaphore, #tpu.memory_space<semaphore_mem>>, %arg16: memref<!tpu.dma_semaphore, #tpu.memory_space<semaphore_mem>>, %arg17: memref<!tpu.dma_semaphore, #tpu.memory_space<semaphore_mem>>, %arg18: memref<!tpu.dma_semaphore, #tpu.memory_space<semaphore_mem>>, %arg19: memref<!tpu.dma_semaphore, #tpu.memory_space<semaphore_mem>>, %arg20: memref<!tpu.dma_semaphore, #tpu.memory_space<semaphore_mem>>, %arg21: memref<!tpu.dma_semaphore, #tpu.memory_space<semaphore_mem>>) attributes {dimension_semantics = [#tpu.dimension_semantics<core_parallel>, #tpu.dimension_semantics<subcore_parallel>], iteration_bounds = array<i64: 2, 16>, scalar_prefetch = 0 : i64, scratch_operands = 16 : i64, tpu.core_type = #tpu.core_type<sc_vector_subcore>, window_params = [{transform_indices = #map}, {transform_indices = #map}, {transform_indices = #map1}, {transform_indices = #map2}]} {
    %mul3A = arith.constant 16 : i32
    %mul3A_0 = arith.muli %arg0, %mul3A : i32
    %add3A = arith.addi %mul3A_0, %arg1 : i32
    %mul3A_1 = arith.constant 9984 : i32
    %mul3A_2 = arith.muli %add3A, %mul3A_1 : i32
    %lt3A = arith.constant 15 : i32
    %lt3A_3 = arith.cmpi slt, %arg1, %lt3A : i32
    %convert_element_type3A = arith.extui %lt3A_3 : i1 to i32
    %cond3A = arith.constant 0 : i32
    %cond3A_4 = arith.cmpi ne, %convert_element_type3A, %cond3A : i32
    scf.if %cond3A_4 {
      %mul3A_145 = arith.constant 624 : i32
      %mul3A_146 = arith.muli %arg1, %mul3A_145 : i32
      %eq3A_147 = arith.constant 0 : i32
      %eq3A_148 = arith.cmpi eq, %arg0, %eq3A_147 : i32
      %convert_element_type3A_149 = arith.extui %eq3A_148 : i1 to i32
      %cond3A_150 = arith.constant 0 : i32
      %cond3A_151 = arith.cmpi ne, %convert_element_type3A_149, %cond3A_150 : i32
      scf.if %cond3A_151 {
        "tpu.region"() ({
          %run_scoped3A = tpu.sem_alloc : memref<!tpu.dma_semaphore, #tpu.memory_space<semaphore_mem>>
          %dma_start3A_156 = arith.constant 0 : i32
          %dma_start3A_157 = tpu.memref_slice %arg6[%mul3A_146, %dma_start3A_156] : memref<10000x128xf32, #tpu.memory_space<vmem_shared>> -> memref<624x128xf32, #tpu.memory_space<vmem_shared>>
          %dma_start3A_158 = arith.constant 0 : i32
          %dma_start3A_159 = tpu.memref_slice %arg2[%mul3A_146, %dma_start3A_158] : memref<10000x128xf32, #tpu.memory_space<hbm>> -> memref<624x128xf32, #tpu.memory_space<hbm>>
          tpu.enqueue_dma source(%dma_start3A_159 : memref<624x128xf32, #tpu.memory_space<hbm>>) target(%dma_start3A_157 : memref<624x128xf32, #tpu.memory_space<vmem_shared>>) target_semaphore(%run_scoped3A : memref<!tpu.dma_semaphore, #tpu.memory_space<semaphore_mem>>)
          %dma_wait3A_160 = arith.constant 0 : i32
          %dma_wait3A_161 = tpu.memref_slice %arg6[%mul3A_146, %dma_wait3A_160] : memref<10000x128xf32, #tpu.memory_space<vmem_shared>> -> memref<624x128xf32, #tpu.memory_space<vmem_shared>>
          %dma_wait3A_162 = arith.constant 0 : i32
          %dma_wait3A_163 = tpu.memref_slice %arg2[%mul3A_146, %dma_wait3A_162] : memref<10000x128xf32, #tpu.memory_space<hbm>> -> memref<624x128xf32, #tpu.memory_space<hbm>>
          tpu.wait_dma2 semaphore(%run_scoped3A : memref<!tpu.dma_semaphore, #tpu.memory_space<semaphore_mem>>) src(%dma_wait3A_163 : memref<624x128xf32, #tpu.memory_space<hbm>>) dst(%dma_wait3A_161 : memref<624x128xf32, #tpu.memory_space<vmem_shared>>)
          tpu.yield
        }) : () -> ()
      } else {
      }
      %ne3A = arith.constant 0 : i32
      %ne3A_152 = arith.cmpi ne, %arg0, %ne3A : i32
      %convert_element_type3A_153 = arith.extui %ne3A_152 : i1 to i32
      %cond3A_154 = arith.constant 0 : i32
      %cond3A_155 = arith.cmpi ne, %convert_element_type3A_153, %cond3A_154 : i32
      scf.if %cond3A_155 {
        "tpu.region"() ({
          %run_scoped3A = tpu.sem_alloc : memref<!tpu.dma_semaphore, #tpu.memory_space<semaphore_mem>>
          %dma_start3A_156 = arith.constant 0 : i32
          %dma_start3A_157 = tpu.memref_slice %arg6[%mul3A_146, %dma_start3A_156] : memref<10000x128xf32, #tpu.memory_space<vmem_shared>> -> memref<624x128xf32, #tpu.memory_space<vmem_shared>>
          %dma_start3A_158 = arith.constant 0 : i32
          %dma_start3A_159 = tpu.memref_slice %arg3[%mul3A_146, %dma_start3A_158] : memref<10000x128xf32, #tpu.memory_space<hbm>> -> memref<624x128xf32, #tpu.memory_space<hbm>>
          tpu.enqueue_dma source(%dma_start3A_159 : memref<624x128xf32, #tpu.memory_space<hbm>>) target(%dma_start3A_157 : memref<624x128xf32, #tpu.memory_space<vmem_shared>>) target_semaphore(%run_scoped3A : memref<!tpu.dma_semaphore, #tpu.memory_space<semaphore_mem>>)
          %dma_wait3A_160 = arith.constant 0 : i32
          %dma_wait3A_161 = tpu.memref_slice %arg6[%mul3A_146, %dma_wait3A_160] : memref<10000x128xf32, #tpu.memory_space<vmem_shared>> -> memref<624x128xf32, #tpu.memory_space<vmem_shared>>
          %dma_wait3A_162 = arith.constant 0 : i32
          %dma_wait3A_163 = tpu.memref_slice %arg3[%mul3A_146, %dma_wait3A_162] : memref<10000x128xf32, #tpu.memory_space<hbm>> -> memref<624x128xf32, #tpu.memory_space<hbm>>
          tpu.wait_dma2 semaphore(%run_scoped3A : memref<!tpu.dma_semaphore, #tpu.memory_space<semaphore_mem>>) src(%dma_wait3A_163 : memref<624x128xf32, #tpu.memory_space<hbm>>) dst(%dma_wait3A_161 : memref<624x128xf32, #tpu.memory_space<vmem_shared>>)
          tpu.yield
        }) : () -> ()
      } else {
      }
    } else {
    }
    %eq3A = arith.constant 15 : i32
    %eq3A_5 = arith.cmpi eq, %arg1, %eq3A : i32
    %convert_element_type3A_6 = arith.extui %eq3A_5 : i1 to i32
    %cond3A_7 = arith.constant 0 : i32
    %cond3A_8 = arith.cmpi ne, %convert_element_type3A_6, %cond3A_7 : i32
    scf.if %cond3A_8 {
      %eq3A_145 = arith.constant 0 : i32
      %eq3A_146 = arith.cmpi eq, %arg0, %eq3A_145 : i32
      %convert_element_type3A_147 = arith.extui %eq3A_146 : i1 to i32
      %cond3A_148 = arith.constant 0 : i32
      %cond3A_149 = arith.cmpi ne, %convert_element_type3A_147, %cond3A_148 : i32
      scf.if %cond3A_149 {
        "tpu.region"() ({
          %run_scoped3A = tpu.sem_alloc : memref<!tpu.dma_semaphore, #tpu.memory_space<semaphore_mem>>
          %dma_start3A_154 = arith.constant 9360 : i32
          %dma_start3A_155 = arith.constant 0 : i32
          %dma_start3A_156 = tpu.memref_slice %arg6[%dma_start3A_154, %dma_start3A_155] : memref<10000x128xf32, #tpu.memory_space<vmem_shared>> -> memref<640x128xf32, #tpu.memory_space<vmem_shared>>
          %dma_start3A_157 = arith.constant 9360 : i32
          %dma_start3A_158 = arith.constant 0 : i32
          %dma_start3A_159 = tpu.memref_slice %arg2[%dma_start3A_157, %dma_start3A_158] : memref<10000x128xf32, #tpu.memory_space<hbm>> -> memref<640x128xf32, #tpu.memory_space<hbm>>
          tpu.enqueue_dma source(%dma_start3A_159 : memref<640x128xf32, #tpu.memory_space<hbm>>) target(%dma_start3A_156 : memref<640x128xf32, #tpu.memory_space<vmem_shared>>) target_semaphore(%run_scoped3A : memref<!tpu.dma_semaphore, #tpu.memory_space<semaphore_mem>>)
          %dma_wait3A_160 = arith.constant 9360 : i32
          %dma_wait3A_161 = arith.constant 0 : i32
          %dma_wait3A_162 = tpu.memref_slice %arg6[%dma_wait3A_160, %dma_wait3A_161] : memref<10000x128xf32, #tpu.memory_space<vmem_shared>> -> memref<640x128xf32, #tpu.memory_space<vmem_shared>>
          %dma_wait3A_163 = arith.constant 9360 : i32
          %dma_wait3A_164 = arith.constant 0 : i32
          %dma_wait3A_165 = tpu.memref_slice %arg2[%dma_wait3A_163, %dma_wait3A_164] : memref<10000x128xf32, #tpu.memory_space<hbm>> -> memref<640x128xf32, #tpu.memory_space<hbm>>
          tpu.wait_dma2 semaphore(%run_scoped3A : memref<!tpu.dma_semaphore, #tpu.memory_space<semaphore_mem>>) src(%dma_wait3A_165 : memref<640x128xf32, #tpu.memory_space<hbm>>) dst(%dma_wait3A_162 : memref<640x128xf32, #tpu.memory_space<vmem_shared>>)
          tpu.yield
        }) : () -> ()
      } else {
      }
      %ne3A = arith.constant 0 : i32
      %ne3A_150 = arith.cmpi ne, %arg0, %ne3A : i32
      %convert_element_type3A_151 = arith.extui %ne3A_150 : i1 to i32
      %cond3A_152 = arith.constant 0 : i32
      %cond3A_153 = arith.cmpi ne, %convert_element_type3A_151, %cond3A_152 : i32
      scf.if %cond3A_153 {
        "tpu.region"() ({
          %run_scoped3A = tpu.sem_alloc : memref<!tpu.dma_semaphore, #tpu.memory_space<semaphore_mem>>
          %dma_start3A_154 = arith.constant 9360 : i32
          %dma_start3A_155 = arith.constant 0 : i32
          %dma_start3A_156 = tpu.memref_slice %arg6[%dma_start3A_154, %dma_start3A_155] : memref<10000x128xf32, #tpu.memory_space<vmem_shared>> -> memref<640x128xf32, #tpu.memory_space<vmem_shared>>
          %dma_start3A_157 = arith.constant 9360 : i32
          %dma_start3A_158 = arith.constant 0 : i32
          %dma_start3A_159 = tpu.memref_slice %arg3[%dma_start3A_157, %dma_start3A_158] : memref<10000x128xf32, #tpu.memory_space<hbm>> -> memref<640x128xf32, #tpu.memory_space<hbm>>
          tpu.enqueue_dma source(%dma_start3A_159 : memref<640x128xf32, #tpu.memory_space<hbm>>) target(%dma_start3A_156 : memref<640x128xf32, #tpu.memory_space<vmem_shared>>) target_semaphore(%run_scoped3A : memref<!tpu.dma_semaphore, #tpu.memory_space<semaphore_mem>>)
          %dma_wait3A_160 = arith.constant 9360 : i32
          %dma_wait3A_161 = arith.constant 0 : i32
          %dma_wait3A_162 = tpu.memref_slice %arg6[%dma_wait3A_160, %dma_wait3A_161] : memref<10000x128xf32, #tpu.memory_space<vmem_shared>> -> memref<640x128xf32, #tpu.memory_space<vmem_shared>>
          %dma_wait3A_163 = arith.constant 9360 : i32
          %dma_wait3A_164 = arith.constant 0 : i32
          %dma_wait3A_165 = tpu.memref_slice %arg3[%dma_wait3A_163, %dma_wait3A_164] : memref<10000x128xf32, #tpu.memory_space<hbm>> -> memref<640x128xf32, #tpu.memory_space<hbm>>
          tpu.wait_dma2 semaphore(%run_scoped3A : memref<!tpu.dma_semaphore, #tpu.memory_space<semaphore_mem>>) src(%dma_wait3A_165 : memref<640x128xf32, #tpu.memory_space<hbm>>) dst(%dma_wait3A_162 : memref<640x128xf32, #tpu.memory_space<vmem_shared>>)
          tpu.yield
        }) : () -> ()
      } else {
      }
    } else {
    }
    %barrier3A = arith.constant 0 : index
    tpu.barrier barrier_id(%barrier3A)
    %add3A_9 = arith.constant 0 : i32
    %add3A_10 = arith.addi %mul3A_2, %add3A_9 : i32
    %dma_start3A = arith.constant 0 : i32
    %dma_start3A_11 = arith.constant 0 : i32
    %dma_start3A_12 = tpu.memref_slice %arg7[%dma_start3A, %dma_start3A_11] : memref<3x128xi32, #tpu.memory_space<vmem>> -> memref<1x128xi32, #tpu.memory_space<vmem>>
    %dma_start3A_13 = tpu.memref_squeeze %dma_start3A_12 : memref<1x128xi32, #tpu.memory_space<vmem>> -> memref<128xi32, #tpu.memory_space<vmem>>
    %dma_start3A_14 = tpu.memref_slice %arg4[%add3A_10] : memref<640000xi32, #tpu.memory_space<hbm>> -> memref<128xi32, #tpu.memory_space<hbm>>
    %dma_start3A_15 = arith.constant 0 : i32
    %dma_start3A_16 = tpu.memref_slice %arg7[%dma_start3A, %dma_start3A_15] : memref<3x128xi32, #tpu.memory_space<vmem>> -> memref<1x128xi32, #tpu.memory_space<vmem>>
    %dma_start3A_17 = tpu.memref_squeeze %dma_start3A_16 : memref<1x128xi32, #tpu.memory_space<vmem>> -> memref<128xi32, #tpu.memory_space<vmem>>
    %dma_start3A_18 = tpu.memref_slice %arg4[%add3A_10] : memref<640000xi32, #tpu.memory_space<hbm>> -> memref<128xi32, #tpu.memory_space<hbm>>
    tpu.enqueue_dma source(%dma_start3A_18 : memref<128xi32, #tpu.memory_space<hbm>>) target(%dma_start3A_17 : memref<128xi32, #tpu.memory_space<vmem>>) target_semaphore(%arg16 : memref<!tpu.dma_semaphore, #tpu.memory_space<semaphore_mem>>)
    %add3A_19 = arith.constant 128 : i32
    %add3A_20 = arith.addi %mul3A_2, %add3A_19 : i32
    %dma_start3A_21 = arith.constant 1 : i32
    %dma_start3A_22 = arith.constant 0 : i32
    %dma_start3A_23 = tpu.memref_slice %arg7[%dma_start3A_21, %dma_start3A_22] : memref<3x128xi32, #tpu.memory_space<vmem>> -> memref<1x128xi32, #tpu.memory_space<vmem>>
    %dma_start3A_24 = tpu.memref_squeeze %dma_start3A_23 : memref<1x128xi32, #tpu.memory_space<vmem>> -> memref<128xi32, #tpu.memory_space<vmem>>
    %dma_start3A_25 = tpu.memref_slice %arg4[%add3A_20] : memref<640000xi32, #tpu.memory_space<hbm>> -> memref<128xi32, #tpu.memory_space<hbm>>
    %dma_start3A_26 = arith.constant 0 : i32
    %dma_start3A_27 = tpu.memref_slice %arg7[%dma_start3A_21, %dma_start3A_26] : memref<3x128xi32, #tpu.memory_space<vmem>> -> memref<1x128xi32, #tpu.memory_space<vmem>>
    %dma_start3A_28 = tpu.memref_squeeze %dma_start3A_27 : memref<1x128xi32, #tpu.memory_space<vmem>> -> memref<128xi32, #tpu.memory_space<vmem>>
    %dma_start3A_29 = tpu.memref_slice %arg4[%add3A_20] : memref<640000xi32, #tpu.memory_space<hbm>> -> memref<128xi32, #tpu.memory_space<hbm>>
    tpu.enqueue_dma source(%dma_start3A_29 : memref<128xi32, #tpu.memory_space<hbm>>) target(%dma_start3A_28 : memref<128xi32, #tpu.memory_space<vmem>>) target_semaphore(%arg17 : memref<!tpu.dma_semaphore, #tpu.memory_space<semaphore_mem>>)
    %add3A_30 = arith.constant 256 : i32
    %add3A_31 = arith.addi %mul3A_2, %add3A_30 : i32
    %dma_start3A_32 = arith.constant 2 : i32
    %dma_start3A_33 = arith.constant 0 : i32
    %dma_start3A_34 = tpu.memref_slice %arg7[%dma_start3A_32, %dma_start3A_33] : memref<3x128xi32, #tpu.memory_space<vmem>> -> memref<1x128xi32, #tpu.memory_space<vmem>>
    %dma_start3A_35 = tpu.memref_squeeze %dma_start3A_34 : memref<1x128xi32, #tpu.memory_space<vmem>> -> memref<128xi32, #tpu.memory_space<vmem>>
    %dma_start3A_36 = tpu.memref_slice %arg4[%add3A_31] : memref<640000xi32, #tpu.memory_space<hbm>> -> memref<128xi32, #tpu.memory_space<hbm>>
    %dma_start3A_37 = arith.constant 0 : i32
    %dma_start3A_38 = tpu.memref_slice %arg7[%dma_start3A_32, %dma_start3A_37] : memref<3x128xi32, #tpu.memory_space<vmem>> -> memref<1x128xi32, #tpu.memory_space<vmem>>
    %dma_start3A_39 = tpu.memref_squeeze %dma_start3A_38 : memref<1x128xi32, #tpu.memory_space<vmem>> -> memref<128xi32, #tpu.memory_space<vmem>>
    %dma_start3A_40 = tpu.memref_slice %arg4[%add3A_31] : memref<640000xi32, #tpu.memory_space<hbm>> -> memref<128xi32, #tpu.memory_space<hbm>>
    tpu.enqueue_dma source(%dma_start3A_40 : memref<128xi32, #tpu.memory_space<hbm>>) target(%dma_start3A_39 : memref<128xi32, #tpu.memory_space<vmem>>) target_semaphore(%arg18 : memref<!tpu.dma_semaphore, #tpu.memory_space<semaphore_mem>>)
    %add3A_41 = arith.constant 320000 : i32
    %add3A_42 = arith.addi %add3A_41, %mul3A_2 : i32
    %add3A_43 = arith.constant 0 : i32
    %add3A_44 = arith.addi %add3A_42, %add3A_43 : i32
    %dma_start3A_45 = arith.constant 0 : i32
    %dma_start3A_46 = arith.constant 0 : i32
    %dma_start3A_47 = tpu.memref_slice %arg8[%dma_start3A_45, %dma_start3A_46] : memref<3x128xi32, #tpu.memory_space<vmem>> -> memref<1x128xi32, #tpu.memory_space<vmem>>
    %dma_start3A_48 = tpu.memref_squeeze %dma_start3A_47 : memref<1x128xi32, #tpu.memory_space<vmem>> -> memref<128xi32, #tpu.memory_space<vmem>>
    %dma_start3A_49 = tpu.memref_slice %arg4[%add3A_44] : memref<640000xi32, #tpu.memory_space<hbm>> -> memref<128xi32, #tpu.memory_space<hbm>>
    %dma_start3A_50 = arith.constant 0 : i32
    %dma_start3A_51 = tpu.memref_slice %arg8[%dma_start3A_45, %dma_start3A_50] : memref<3x128xi32, #tpu.memory_space<vmem>> -> memref<1x128xi32, #tpu.memory_space<vmem>>
    %dma_start3A_52 = tpu.memref_squeeze %dma_start3A_51 : memref<1x128xi32, #tpu.memory_space<vmem>> -> memref<128xi32, #tpu.memory_space<vmem>>
    %dma_start3A_53 = tpu.memref_slice %arg4[%add3A_44] : memref<640000xi32, #tpu.memory_space<hbm>> -> memref<128xi32, #tpu.memory_space<hbm>>
    tpu.enqueue_dma source(%dma_start3A_53 : memref<128xi32, #tpu.memory_space<hbm>>) target(%dma_start3A_52 : memref<128xi32, #tpu.memory_space<vmem>>) target_semaphore(%arg19 : memref<!tpu.dma_semaphore, #tpu.memory_space<semaphore_mem>>)
    %add3A_54 = arith.constant 320000 : i32
    %add3A_55 = arith.addi %add3A_54, %mul3A_2 : i32
    %add3A_56 = arith.constant 128 : i32
    %add3A_57 = arith.addi %add3A_55, %add3A_56 : i32
    %dma_start3A_58 = arith.constant 1 : i32
    %dma_start3A_59 = arith.constant 0 : i32
    %dma_start3A_60 = tpu.memref_slice %arg8[%dma_start3A_58, %dma_start3A_59] : memref<3x128xi32, #tpu.memory_space<vmem>> -> memref<1x128xi32, #tpu.memory_space<vmem>>
    %dma_start3A_61 = tpu.memref_squeeze %dma_start3A_60 : memref<1x128xi32, #tpu.memory_space<vmem>> -> memref<128xi32, #tpu.memory_space<vmem>>
    %dma_start3A_62 = tpu.memref_slice %arg4[%add3A_57] : memref<640000xi32, #tpu.memory_space<hbm>> -> memref<128xi32, #tpu.memory_space<hbm>>
    %dma_start3A_63 = arith.constant 0 : i32
    %dma_start3A_64 = tpu.memref_slice %arg8[%dma_start3A_58, %dma_start3A_63] : memref<3x128xi32, #tpu.memory_space<vmem>> -> memref<1x128xi32, #tpu.memory_space<vmem>>
    %dma_start3A_65 = tpu.memref_squeeze %dma_start3A_64 : memref<1x128xi32, #tpu.memory_space<vmem>> -> memref<128xi32, #tpu.memory_space<vmem>>
    %dma_start3A_66 = tpu.memref_slice %arg4[%add3A_57] : memref<640000xi32, #tpu.memory_space<hbm>> -> memref<128xi32, #tpu.memory_space<hbm>>
    tpu.enqueue_dma source(%dma_start3A_66 : memref<128xi32, #tpu.memory_space<hbm>>) target(%dma_start3A_65 : memref<128xi32, #tpu.memory_space<vmem>>) target_semaphore(%arg20 : memref<!tpu.dma_semaphore, #tpu.memory_space<semaphore_mem>>)
    %add3A_67 = arith.constant 0 : i32
    %add3A_68 = arith.addi %mul3A_2, %add3A_67 : i32
    %dma_wait3A = arith.constant 0 : i32
    %dma_wait3A_69 = arith.constant 0 : i32
    %dma_wait3A_70 = tpu.memref_slice %arg7[%dma_wait3A, %dma_wait3A_69] : memref<3x128xi32, #tpu.memory_space<vmem>> -> memref<1x128xi32, #tpu.memory_space<vmem>>
    %dma_wait3A_71 = tpu.memref_squeeze %dma_wait3A_70 : memref<1x128xi32, #tpu.memory_space<vmem>> -> memref<128xi32, #tpu.memory_space<vmem>>
    %dma_wait3A_72 = tpu.memref_slice %arg4[%add3A_68] : memref<640000xi32, #tpu.memory_space<hbm>> -> memref<128xi32, #tpu.memory_space<hbm>>
    %dma_wait3A_73 = arith.constant 0 : i32
    %dma_wait3A_74 = tpu.memref_slice %arg7[%dma_wait3A, %dma_wait3A_73] : memref<3x128xi32, #tpu.memory_space<vmem>> -> memref<1x128xi32, #tpu.memory_space<vmem>>
    %dma_wait3A_75 = tpu.memref_squeeze %dma_wait3A_74 : memref<1x128xi32, #tpu.memory_space<vmem>> -> memref<128xi32, #tpu.memory_space<vmem>>
    %dma_wait3A_76 = tpu.memref_slice %arg4[%add3A_68] : memref<640000xi32, #tpu.memory_space<hbm>> -> memref<128xi32, #tpu.memory_space<hbm>>
    tpu.wait_dma2 semaphore(%arg16 : memref<!tpu.dma_semaphore, #tpu.memory_space<semaphore_mem>>) src(%dma_wait3A_76 : memref<128xi32, #tpu.memory_space<hbm>>) dst(%dma_wait3A_75 : memref<128xi32, #tpu.memory_space<vmem>>)
    %dma_start3A_77 = arith.constant 0 : i32
    %dma_start3A_78 = arith.constant 0 : i32
    %dma_start3A_79 = arith.constant 0 : i32
    %dma_start3A_80 = arith.constant 0 : i32
    %dma_start3A_81 = tpu.memref_slice %arg9[%dma_start3A_78, %dma_start3A_79, %dma_start3A_80] : memref<3x128x128xf32, #tpu.memory_space<vmem>> -> memref<1x128x128xf32, #tpu.memory_space<vmem>>
    %dma_start3A_82 = tpu.memref_squeeze %dma_start3A_81 : memref<1x128x128xf32, #tpu.memory_space<vmem>> -> memref<128x128xf32, #tpu.memory_space<vmem>>
    %dma_start3A_83 = arith.constant 0 : i32
    %dma_start3A_84 = tpu.memref_slice %arg7[%dma_start3A_77, %dma_start3A_83] : memref<3x128xi32, #tpu.memory_space<vmem>> -> memref<1x128xi32, #tpu.memory_space<vmem>>
    %dma_start3A_85 = tpu.memref_squeeze %dma_start3A_84 : memref<1x128xi32, #tpu.memory_space<vmem>> -> memref<128xi32, #tpu.memory_space<vmem>>
    %dma_start3A_86 = arith.constant 0 : i32
    %dma_start3A_87 = arith.constant 0 : i32
    %dma_start3A_88 = tpu.memref_slice %arg2[%dma_start3A_86, %dma_start3A_87] : memref<10000x128xf32, #tpu.memory_space<hbm>> -> memref<10000x128xf32, #tpu.memory_space<hbm>>
    tpu.enqueue_indirect_dma source(%dma_start3A_88 : memref<10000x128xf32, #tpu.memory_space<hbm>>) target(%dma_start3A_82 : memref<128x128xf32, #tpu.memory_space<vmem>>) offsets(%dma_start3A_85 : memref<128xi32, #tpu.memory_space<vmem>>) semaphore(%arg10 : memref<!tpu.dma_semaphore, #tpu.memory_space<semaphore_mem>>)
    %add3A_89 = arith.constant 128 : i32
    %add3A_90 = arith.addi %mul3A_2, %add3A_89 : i32
    %dma_wait3A_91 = arith.constant 1 : i32
    %dma_wait3A_92 = arith.constant 0 : i32
    %dma_wait3A_93 = tpu.memref_slice %arg7[%dma_wait3A_91, %dma_wait3A_92] : memref<3x128xi32, #tpu.memory_space<vmem>> -> memref<1x128xi32, #tpu.memory_space<vmem>>
    %dma_wait3A_94 = tpu.memref_squeeze %dma_wait3A_93 : memref<1x128xi32, #tpu.memory_space<vmem>> -> memref<128xi32, #tpu.memory_space<vmem>>
    %dma_wait3A_95 = tpu.memref_slice %arg4[%add3A_90] : memref<640000xi32, #tpu.memory_space<hbm>> -> memref<128xi32, #tpu.memory_space<hbm>>
    %dma_wait3A_96 = arith.constant 0 : i32
    %dma_wait3A_97 = tpu.memref_slice %arg7[%dma_wait3A_91, %dma_wait3A_96] : memref<3x128xi32, #tpu.memory_space<vmem>> -> memref<1x128xi32, #tpu.memory_space<vmem>>
    %dma_wait3A_98 = tpu.memref_squeeze %dma_wait3A_97 : memref<1x128xi32, #tpu.memory_space<vmem>> -> memref<128xi32, #tpu.memory_space<vmem>>
    %dma_wait3A_99 = tpu.memref_slice %arg4[%add3A_90] : memref<640000xi32, #tpu.memory_space<hbm>> -> memref<128xi32, #tpu.memory_space<hbm>>
    tpu.wait_dma2 semaphore(%arg17 : memref<!tpu.dma_semaphore, #tpu.memory_space<semaphore_mem>>) src(%dma_wait3A_99 : memref<128xi32, #tpu.memory_space<hbm>>) dst(%dma_wait3A_98 : memref<128xi32, #tpu.memory_space<vmem>>)
    %dma_start3A_100 = arith.constant 1 : i32
    %dma_start3A_101 = arith.constant 1 : i32
    %dma_start3A_102 = arith.constant 0 : i32
    %dma_start3A_103 = arith.constant 0 : i32
    %dma_start3A_104 = tpu.memref_slice %arg9[%dma_start3A_101, %dma_start3A_102, %dma_start3A_103] : memref<3x128x128xf32, #tpu.memory_space<vmem>> -> memref<1x128x128xf32, #tpu.memory_space<vmem>>
    %dma_start3A_105 = tpu.memref_squeeze %dma_start3A_104 : memref<1x128x128xf32, #tpu.memory_space<vmem>> -> memref<128x128xf32, #tpu.memory_space<vmem>>
    %dma_start3A_106 = arith.constant 0 : i32
    %dma_start3A_107 = tpu.memref_slice %arg7[%dma_start3A_100, %dma_start3A_106] : memref<3x128xi32, #tpu.memory_space<vmem>> -> memref<1x128xi32, #tpu.memory_space<vmem>>
    %dma_start3A_108 = tpu.memref_squeeze %dma_start3A_107 : memref<1x128xi32, #tpu.memory_space<vmem>> -> memref<128xi32, #tpu.memory_space<vmem>>
    %dma_start3A_109 = arith.constant 0 : i32
    %dma_start3A_110 = arith.constant 0 : i32
    %dma_start3A_111 = tpu.memref_slice %arg2[%dma_start3A_109, %dma_start3A_110] : memref<10000x128xf32, #tpu.memory_space<hbm>> -> memref<10000x128xf32, #tpu.memory_space<hbm>>
    tpu.enqueue_indirect_dma source(%dma_start3A_111 : memref<10000x128xf32, #tpu.memory_space<hbm>>) target(%dma_start3A_105 : memref<128x128xf32, #tpu.memory_space<vmem>>) offsets(%dma_start3A_108 : memref<128xi32, #tpu.memory_space<vmem>>) semaphore(%arg11 : memref<!tpu.dma_semaphore, #tpu.memory_space<semaphore_mem>>)
    %scan3A = arith.constant 0 : i32
    %scan3A_112 = arith.constant 0 : i32
    %scan3A_113 = arith.constant 26 : i32
    %scan3A_114 = arith.addi %scan3A_112, %scan3A_113 : i32
    %scan3A_115 = arith.constant 1 : i32
    scf.for %scan3A_145 = %scan3A_112 to %scan3A_114 step %scan3A_115  : i32 {
      %mul3A_146 = arith.constant 3 : i32
      %mul3A_147 = arith.muli %scan3A_145, %mul3A_146 : i32
      %add3A_148 = arith.constant 0 : i32
      %add3A_149 = arith.addi %mul3A_147, %add3A_148 : i32
      %dma_wait3A_150 = arith.constant 0 : i32
      %dma_wait3A_151 = arith.constant 0 : i32
      %dma_wait3A_152 = arith.constant 0 : i32
      %dma_wait3A_153 = arith.constant 0 : i32
      %dma_wait3A_154 = tpu.memref_slice %arg9[%dma_wait3A_151, %dma_wait3A_152, %dma_wait3A_153] : memref<3x128x128xf32, #tpu.memory_space<vmem>> -> memref<1x128x128xf32, #tpu.memory_space<vmem>>
      %dma_wait3A_155 = tpu.memref_squeeze %dma_wait3A_154 : memref<1x128x128xf32, #tpu.memory_space<vmem>> -> memref<128x128xf32, #tpu.memory_space<vmem>>
      %dma_wait3A_156 = arith.constant 0 : i32
      %dma_wait3A_157 = tpu.memref_slice %arg7[%dma_wait3A_150, %dma_wait3A_156] : memref<3x128xi32, #tpu.memory_space<vmem>> -> memref<1x128xi32, #tpu.memory_space<vmem>>
      %dma_wait3A_158 = tpu.memref_squeeze %dma_wait3A_157 : memref<1x128xi32, #tpu.memory_space<vmem>> -> memref<128xi32, #tpu.memory_space<vmem>>
      %dma_wait3A_159 = arith.constant 0 : i32
      %dma_wait3A_160 = arith.constant 0 : i32
      %dma_wait3A_161 = tpu.memref_slice %arg2[%dma_wait3A_159, %dma_wait3A_160] : memref<10000x128xf32, #tpu.memory_space<hbm>> -> memref<10000x128xf32, #tpu.memory_space<hbm>>
      tpu.wait_indirect_dma semaphore(%arg10 : memref<!tpu.dma_semaphore, #tpu.memory_space<semaphore_mem>>) src(%dma_wait3A_161 : memref<10000x128xf32, #tpu.memory_space<hbm>>) dst(%dma_wait3A_155 : memref<128x128xf32, #tpu.memory_space<vmem>>)
      %add3A_162 = arith.constant 320000 : i32
      %add3A_163 = arith.addi %add3A_162, %mul3A_2 : i32
      %mul3A_164 = arith.constant 128 : i32
      %mul3A_165 = arith.muli %add3A_149, %mul3A_164 : i32
      %add3A_166 = arith.addi %add3A_163, %mul3A_165 : i32
      %dma_wait3A_167 = arith.constant 0 : i32
      %dma_wait3A_168 = arith.constant 0 : i32
      %dma_wait3A_169 = tpu.memref_slice %arg8[%dma_wait3A_167, %dma_wait3A_168] : memref<3x128xi32, #tpu.memory_space<vmem>> -> memref<1x128xi32, #tpu.memory_space<vmem>>
      %dma_wait3A_170 = tpu.memref_squeeze %dma_wait3A_169 : memref<1x128xi32, #tpu.memory_space<vmem>> -> memref<128xi32, #tpu.memory_space<vmem>>
      %dma_wait3A_171 = tpu.memref_slice %arg4[%add3A_166] : memref<640000xi32, #tpu.memory_space<hbm>> -> memref<128xi32, #tpu.memory_space<hbm>>
      %dma_wait3A_172 = arith.constant 0 : i32
      %dma_wait3A_173 = tpu.memref_slice %arg8[%dma_wait3A_167, %dma_wait3A_172] : memref<3x128xi32, #tpu.memory_space<vmem>> -> memref<1x128xi32, #tpu.memory_space<vmem>>
      %dma_wait3A_174 = tpu.memref_squeeze %dma_wait3A_173 : memref<1x128xi32, #tpu.memory_space<vmem>> -> memref<128xi32, #tpu.memory_space<vmem>>
      %dma_wait3A_175 = tpu.memref_slice %arg4[%add3A_166] : memref<640000xi32, #tpu.memory_space<hbm>> -> memref<128xi32, #tpu.memory_space<hbm>>
      tpu.wait_dma2 semaphore(%arg19 : memref<!tpu.dma_semaphore, #tpu.memory_space<semaphore_mem>>) src(%dma_wait3A_175 : memref<128xi32, #tpu.memory_space<hbm>>) dst(%dma_wait3A_174 : memref<128xi32, #tpu.memory_space<vmem>>)
      %dma_start3A_176 = arith.constant 0 : i32
      %dma_start3A_177 = arith.constant 0 : i32
      %dma_start3A_178 = arith.constant 0 : i32
      %dma_start3A_179 = arith.constant 0 : i32
      %dma_start3A_180 = tpu.memref_slice %arg9[%dma_start3A_176, %dma_start3A_178, %dma_start3A_179] : memref<3x128x128xf32, #tpu.memory_space<vmem>> -> memref<1x128x128xf32, #tpu.memory_space<vmem>>
      %dma_start3A_181 = tpu.memref_squeeze %dma_start3A_180 : memref<1x128x128xf32, #tpu.memory_space<vmem>> -> memref<128x128xf32, #tpu.memory_space<vmem>>
      %dma_start3A_182 = arith.constant 0 : i32
      %dma_start3A_183 = tpu.memref_slice %arg8[%dma_start3A_177, %dma_start3A_182] : memref<3x128xi32, #tpu.memory_space<vmem>> -> memref<1x128xi32, #tpu.memory_space<vmem>>
      %dma_start3A_184 = tpu.memref_squeeze %dma_start3A_183 : memref<1x128xi32, #tpu.memory_space<vmem>> -> memref<128xi32, #tpu.memory_space<vmem>>
      %dma_start3A_185 = arith.constant 0 : i32
      %dma_start3A_186 = arith.constant 0 : i32
      %dma_start3A_187 = tpu.memref_slice %arg6[%dma_start3A_185, %dma_start3A_186] : memref<10000x128xf32, #tpu.memory_space<vmem_shared>> -> memref<10000x128xf32, #tpu.memory_space<vmem_shared>>
      tpu.enqueue_indirect_dma source(%dma_start3A_181 : memref<128x128xf32, #tpu.memory_space<vmem>>) target(%dma_start3A_187 : memref<10000x128xf32, #tpu.memory_space<vmem_shared>>) offsets(%dma_start3A_184 : memref<128xi32, #tpu.memory_space<vmem>>) semaphore(%arg13 : memref<!tpu.dma_semaphore, #tpu.memory_space<semaphore_mem>>) {add = true}
      %ge3A = arith.constant 1 : i32
      %ge3A_188 = arith.cmpi sge, %add3A_149, %ge3A : i32
      %convert_element_type3A_189 = arith.extui %ge3A_188 : i1 to i32
      %cond3A_190 = arith.constant 0 : i32
      %cond3A_191 = arith.cmpi ne, %convert_element_type3A_189, %cond3A_190 : i32
      scf.if %cond3A_191 {
        %dma_wait3A_345 = arith.constant 2 : i32
        %dma_wait3A_346 = arith.constant 2 : i32
        %dma_wait3A_347 = arith.constant 0 : i32
        %dma_wait3A_348 = arith.constant 0 : i32
        %dma_wait3A_349 = tpu.memref_slice %arg9[%dma_wait3A_345, %dma_wait3A_347, %dma_wait3A_348] : memref<3x128x128xf32, #tpu.memory_space<vmem>> -> memref<1x128x128xf32, #tpu.memory_space<vmem>>
        %dma_wait3A_350 = tpu.memref_squeeze %dma_wait3A_349 : memref<1x128x128xf32, #tpu.memory_space<vmem>> -> memref<128x128xf32, #tpu.memory_space<vmem>>
        %dma_wait3A_351 = arith.constant 0 : i32
        %dma_wait3A_352 = tpu.memref_slice %arg8[%dma_wait3A_346, %dma_wait3A_351] : memref<3x128xi32, #tpu.memory_space<vmem>> -> memref<1x128xi32, #tpu.memory_space<vmem>>
        %dma_wait3A_353 = tpu.memref_squeeze %dma_wait3A_352 : memref<1x128xi32, #tpu.memory_space<vmem>> -> memref<128xi32, #tpu.memory_space<vmem>>
        %dma_wait3A_354 = arith.constant 0 : i32
        %dma_wait3A_355 = arith.constant 0 : i32
        %dma_wait3A_356 = tpu.memref_slice %arg6[%dma_wait3A_354, %dma_wait3A_355] : memref<10000x128xf32, #tpu.memory_space<vmem_shared>> -> memref<10000x128xf32, #tpu.memory_space<vmem_shared>>
        tpu.wait_indirect_dma semaphore(%arg15 : memref<!tpu.dma_semaphore, #tpu.memory_space<semaphore_mem>>) src(%dma_wait3A_350 : memref<128x128xf32, #tpu.memory_space<vmem>>) dst(%dma_wait3A_356 : memref<10000x128xf32, #tpu.memory_space<vmem_shared>>)
      } else {
      }
      %add3A_192 = arith.constant 2 : i32
      %add3A_193 = arith.addi %add3A_149, %add3A_192 : i32
      %lt3A_194 = arith.constant 78 : i32
      %lt3A_195 = arith.cmpi slt, %add3A_193, %lt3A_194 : i32
      %convert_element_type3A_196 = arith.extui %lt3A_195 : i1 to i32
      %cond3A_197 = arith.constant 0 : i32
      %cond3A_198 = arith.cmpi ne, %convert_element_type3A_196, %cond3A_197 : i32
      scf.if %cond3A_198 {
        %add3A_345 = arith.constant 2 : i32
        %add3A_346 = arith.addi %add3A_149, %add3A_345 : i32
        %add3A_347 = arith.constant 320000 : i32
        %add3A_348 = arith.addi %add3A_347, %mul3A_2 : i32
        %mul3A_349 = arith.constant 128 : i32
        %mul3A_350 = arith.muli %add3A_346, %mul3A_349 : i32
        %add3A_351 = arith.addi %add3A_348, %mul3A_350 : i32
        %dma_start3A_352 = arith.constant 2 : i32
        %dma_start3A_353 = arith.constant 0 : i32
        %dma_start3A_354 = tpu.memref_slice %arg8[%dma_start3A_352, %dma_start3A_353] : memref<3x128xi32, #tpu.memory_space<vmem>> -> memref<1x128xi32, #tpu.memory_space<vmem>>
        %dma_start3A_355 = tpu.memref_squeeze %dma_start3A_354 : memref<1x128xi32, #tpu.memory_space<vmem>> -> memref<128xi32, #tpu.memory_space<vmem>>
        %dma_start3A_356 = tpu.memref_slice %arg4[%add3A_351] : memref<640000xi32, #tpu.memory_space<hbm>> -> memref<128xi32, #tpu.memory_space<hbm>>
        %dma_start3A_357 = arith.constant 0 : i32
        %dma_start3A_358 = tpu.memref_slice %arg8[%dma_start3A_352, %dma_start3A_357] : memref<3x128xi32, #tpu.memory_space<vmem>> -> memref<1x128xi32, #tpu.memory_space<vmem>>
        %dma_start3A_359 = tpu.memref_squeeze %dma_start3A_358 : memref<1x128xi32, #tpu.memory_space<vmem>> -> memref<128xi32, #tpu.memory_space<vmem>>
        %dma_start3A_360 = tpu.memref_slice %arg4[%add3A_351] : memref<640000xi32, #tpu.memory_space<hbm>> -> memref<128xi32, #tpu.memory_space<hbm>>
        tpu.enqueue_dma source(%dma_start3A_360 : memref<128xi32, #tpu.memory_space<hbm>>) target(%dma_start3A_359 : memref<128xi32, #tpu.memory_space<vmem>>) target_semaphore(%arg21 : memref<!tpu.dma_semaphore, #tpu.memory_space<semaphore_mem>>)
      } else {
      }
      %add3A_199 = arith.constant 3 : i32
      %add3A_200 = arith.addi %add3A_149, %add3A_199 : i32
      %lt3A_201 = arith.constant 78 : i32
      %lt3A_202 = arith.cmpi slt, %add3A_200, %lt3A_201 : i32
      %convert_element_type3A_203 = arith.extui %lt3A_202 : i1 to i32
      %cond3A_204 = arith.constant 0 : i32
      %cond3A_205 = arith.cmpi ne, %convert_element_type3A_203, %cond3A_204 : i32
      scf.if %cond3A_205 {
        %add3A_345 = arith.constant 3 : i32
        %add3A_346 = arith.addi %add3A_149, %add3A_345 : i32
        %mul3A_347 = arith.constant 128 : i32
        %mul3A_348 = arith.muli %add3A_346, %mul3A_347 : i32
        %add3A_349 = arith.addi %mul3A_2, %mul3A_348 : i32
        %dma_start3A_350 = arith.constant 0 : i32
        %dma_start3A_351 = arith.constant 0 : i32
        %dma_start3A_352 = tpu.memref_slice %arg7[%dma_start3A_350, %dma_start3A_351] : memref<3x128xi32, #tpu.memory_space<vmem>> -> memref<1x128xi32, #tpu.memory_space<vmem>>
        %dma_start3A_353 = tpu.memref_squeeze %dma_start3A_352 : memref<1x128xi32, #tpu.memory_space<vmem>> -> memref<128xi32, #tpu.memory_space<vmem>>
        %dma_start3A_354 = tpu.memref_slice %arg4[%add3A_349] : memref<640000xi32, #tpu.memory_space<hbm>> -> memref<128xi32, #tpu.memory_space<hbm>>
        %dma_start3A_355 = arith.constant 0 : i32
        %dma_start3A_356 = tpu.memref_slice %arg7[%dma_start3A_350, %dma_start3A_355] : memref<3x128xi32, #tpu.memory_space<vmem>> -> memref<1x128xi32, #tpu.memory_space<vmem>>
        %dma_start3A_357 = tpu.memref_squeeze %dma_start3A_356 : memref<1x128xi32, #tpu.memory_space<vmem>> -> memref<128xi32, #tpu.memory_space<vmem>>
        %dma_start3A_358 = tpu.memref_slice %arg4[%add3A_349] : memref<640000xi32, #tpu.memory_space<hbm>> -> memref<128xi32, #tpu.memory_space<hbm>>
        tpu.enqueue_dma source(%dma_start3A_358 : memref<128xi32, #tpu.memory_space<hbm>>) target(%dma_start3A_357 : memref<128xi32, #tpu.memory_space<vmem>>) target_semaphore(%arg16 : memref<!tpu.dma_semaphore, #tpu.memory_space<semaphore_mem>>)
      } else {
      }
      %add3A_206 = arith.constant 2 : i32
      %add3A_207 = arith.addi %add3A_149, %add3A_206 : i32
      %lt3A_208 = arith.constant 78 : i32
      %lt3A_209 = arith.cmpi slt, %add3A_207, %lt3A_208 : i32
      %convert_element_type3A_210 = arith.extui %lt3A_209 : i1 to i32
      %cond3A_211 = arith.constant 0 : i32
      %cond3A_212 = arith.cmpi ne, %convert_element_type3A_210, %cond3A_211 : i32
      scf.if %cond3A_212 {
        %add3A_345 = arith.constant 2 : i32
        %add3A_346 = arith.addi %add3A_149, %add3A_345 : i32
        %mul3A_347 = arith.constant 128 : i32
        %mul3A_348 = arith.muli %add3A_346, %mul3A_347 : i32
        %add3A_349 = arith.addi %mul3A_2, %mul3A_348 : i32
        %dma_wait3A_350 = arith.constant 2 : i32
        %dma_wait3A_351 = arith.constant 0 : i32
        %dma_wait3A_352 = tpu.memref_slice %arg7[%dma_wait3A_350, %dma_wait3A_351] : memref<3x128xi32, #tpu.memory_space<vmem>> -> memref<1x128xi32, #tpu.memory_space<vmem>>
        %dma_wait3A_353 = tpu.memref_squeeze %dma_wait3A_352 : memref<1x128xi32, #tpu.memory_space<vmem>> -> memref<128xi32, #tpu.memory_space<vmem>>
        %dma_wait3A_354 = tpu.memref_slice %arg4[%add3A_349] : memref<640000xi32, #tpu.memory_space<hbm>> -> memref<128xi32, #tpu.memory_space<hbm>>
        %dma_wait3A_355 = arith.constant 0 : i32
        %dma_wait3A_356 = tpu.memref_slice %arg7[%dma_wait3A_350, %dma_wait3A_355] : memref<3x128xi32, #tpu.memory_space<vmem>> -> memref<1x128xi32, #tpu.memory_space<vmem>>
        %dma_wait3A_357 = tpu.memref_squeeze %dma_wait3A_356 : memref<1x128xi32, #tpu.memory_space<vmem>> -> memref<128xi32, #tpu.memory_space<vmem>>
        %dma_wait3A_358 = tpu.memref_slice %arg4[%add3A_349] : memref<640000xi32, #tpu.memory_space<hbm>> -> memref<128xi32, #tpu.memory_space<hbm>>
        tpu.wait_dma2 semaphore(%arg18 : memref<!tpu.dma_semaphore, #tpu.memory_space<semaphore_mem>>) src(%dma_wait3A_358 : memref<128xi32, #tpu.memory_space<hbm>>) dst(%dma_wait3A_357 : memref<128xi32, #tpu.memory_space<vmem>>)
        %dma_start3A_359 = arith.constant 2 : i32
        %dma_start3A_360 = arith.constant 2 : i32
        %dma_start3A_361 = arith.constant 0 : i32
        %dma_start3A_362 = arith.constant 0 : i32
        %dma_start3A_363 = tpu.memref_slice %arg9[%dma_start3A_360, %dma_start3A_361, %dma_start3A_362] : memref<3x128x128xf32, #tpu.memory_space<vmem>> -> memref<1x128x128xf32, #tpu.memory_space<vmem>>
        %dma_start3A_364 = tpu.memref_squeeze %dma_start3A_363 : memref<1x128x128xf32, #tpu.memory_space<vmem>> -> memref<128x128xf32, #tpu.memory_space<vmem>>
        %dma_start3A_365 = arith.constant 0 : i32
        %dma_start3A_366 = tpu.memref_slice %arg7[%dma_start3A_359, %dma_start3A_365] : memref<3x128xi32, #tpu.memory_space<vmem>> -> memref<1x128xi32, #tpu.memory_space<vmem>>
        %dma_start3A_367 = tpu.memref_squeeze %dma_start3A_366 : memref<1x128xi32, #tpu.memory_space<vmem>> -> memref<128xi32, #tpu.memory_space<vmem>>
        %dma_start3A_368 = arith.constant 0 : i32
        %dma_start3A_369 = arith.constant 0 : i32
        %dma_start3A_370 = tpu.memref_slice %arg2[%dma_start3A_368, %dma_start3A_369] : memref<10000x128xf32, #tpu.memory_space<hbm>> -> memref<10000x128xf32, #tpu.memory_space<hbm>>
        tpu.enqueue_indirect_dma source(%dma_start3A_370 : memref<10000x128xf32, #tpu.memory_space<hbm>>) target(%dma_start3A_364 : memref<128x128xf32, #tpu.memory_space<vmem>>) offsets(%dma_start3A_367 : memref<128xi32, #tpu.memory_space<vmem>>) semaphore(%arg12 : memref<!tpu.dma_semaphore, #tpu.memory_space<semaphore_mem>>)
      } else {
      }
      %add3A_213 = arith.constant 1 : i32
      %add3A_214 = arith.addi %mul3A_147, %add3A_213 : i32
      %dma_wait3A_215 = arith.constant 1 : i32
      %dma_wait3A_216 = arith.constant 1 : i32
      %dma_wait3A_217 = arith.constant 0 : i32
      %dma_wait3A_218 = arith.constant 0 : i32
      %dma_wait3A_219 = tpu.memref_slice %arg9[%dma_wait3A_216, %dma_wait3A_217, %dma_wait3A_218] : memref<3x128x128xf32, #tpu.memory_space<vmem>> -> memref<1x128x128xf32, #tpu.memory_space<vmem>>
      %dma_wait3A_220 = tpu.memref_squeeze %dma_wait3A_219 : memref<1x128x128xf32, #tpu.memory_space<vmem>> -> memref<128x128xf32, #tpu.memory_space<vmem>>
      %dma_wait3A_221 = arith.constant 0 : i32
      %dma_wait3A_222 = tpu.memref_slice %arg7[%dma_wait3A_215, %dma_wait3A_221] : memref<3x128xi32, #tpu.memory_space<vmem>> -> memref<1x128xi32, #tpu.memory_space<vmem>>
      %dma_wait3A_223 = tpu.memref_squeeze %dma_wait3A_222 : memref<1x128xi32, #tpu.memory_space<vmem>> -> memref<128xi32, #tpu.memory_space<vmem>>
      %dma_wait3A_224 = arith.constant 0 : i32
      %dma_wait3A_225 = arith.constant 0 : i32
      %dma_wait3A_226 = tpu.memref_slice %arg2[%dma_wait3A_224, %dma_wait3A_225] : memref<10000x128xf32, #tpu.memory_space<hbm>> -> memref<10000x128xf32, #tpu.memory_space<hbm>>
      tpu.wait_indirect_dma semaphore(%arg11 : memref<!tpu.dma_semaphore, #tpu.memory_space<semaphore_mem>>) src(%dma_wait3A_226 : memref<10000x128xf32, #tpu.memory_space<hbm>>) dst(%dma_wait3A_220 : memref<128x128xf32, #tpu.memory_space<vmem>>)
      %add3A_227 = arith.constant 320000 : i32
      %add3A_228 = arith.addi %add3A_227, %mul3A_2 : i32
      %mul3A_229 = arith.constant 128 : i32
      %mul3A_230 = arith.muli %add3A_214, %mul3A_229 : i32
      %add3A_231 = arith.addi %add3A_228, %mul3A_230 : i32
      %dma_wait3A_232 = arith.constant 1 : i32
      %dma_wait3A_233 = arith.constant 0 : i32
      %dma_wait3A_234 = tpu.memref_slice %arg8[%dma_wait3A_232, %dma_wait3A_233] : memref<3x128xi32, #tpu.memory_space<vmem>> -> memref<1x128xi32, #tpu.memory_space<vmem>>
      %dma_wait3A_235 = tpu.memref_squeeze %dma_wait3A_234 : memref<1x128xi32, #tpu.memory_space<vmem>> -> memref<128xi32, #tpu.memory_space<vmem>>
      %dma_wait3A_236 = tpu.memref_slice %arg4[%add3A_231] : memref<640000xi32, #tpu.memory_space<hbm>> -> memref<128xi32, #tpu.memory_space<hbm>>
      %dma_wait3A_237 = arith.constant 0 : i32
      %dma_wait3A_238 = tpu.memref_slice %arg8[%dma_wait3A_232, %dma_wait3A_237] : memref<3x128xi32, #tpu.memory_space<vmem>> -> memref<1x128xi32, #tpu.memory_space<vmem>>
      %dma_wait3A_239 = tpu.memref_squeeze %dma_wait3A_238 : memref<1x128xi32, #tpu.memory_space<vmem>> -> memref<128xi32, #tpu.memory_space<vmem>>
      %dma_wait3A_240 = tpu.memref_slice %arg4[%add3A_231] : memref<640000xi32, #tpu.memory_space<hbm>> -> memref<128xi32, #tpu.memory_space<hbm>>
      tpu.wait_dma2 semaphore(%arg20 : memref<!tpu.dma_semaphore, #tpu.memory_space<semaphore_mem>>) src(%dma_wait3A_240 : memref<128xi32, #tpu.memory_space<hbm>>) dst(%dma_wait3A_239 : memref<128xi32, #tpu.memory_space<vmem>>)
      %dma_start3A_241 = arith.constant 1 : i32
      %dma_start3A_242 = arith.constant 1 : i32
      %dma_start3A_243 = arith.constant 0 : i32
      %dma_start3A_244 = arith.constant 0 : i32
      %dma_start3A_245 = tpu.memref_slice %arg9[%dma_start3A_241, %dma_start3A_243, %dma_start3A_244] : memref<3x128x128xf32, #tpu.memory_space<vmem>> -> memref<1x128x128xf32, #tpu.memory_space<vmem>>
      %dma_start3A_246 = tpu.memref_squeeze %dma_start3A_245 : memref<1x128x128xf32, #tpu.memory_space<vmem>> -> memref<128x128xf32, #tpu.memory_space<vmem>>
      %dma_start3A_247 = arith.constant 0 : i32
      %dma_start3A_248 = tpu.memref_slice %arg8[%dma_start3A_242, %dma_start3A_247] : memref<3x128xi32, #tpu.memory_space<vmem>> -> memref<1x128xi32, #tpu.memory_space<vmem>>
      %dma_start3A_249 = tpu.memref_squeeze %dma_start3A_248 : memref<1x128xi32, #tpu.memory_space<vmem>> -> memref<128xi32, #tpu.memory_space<vmem>>
      %dma_start3A_250 = arith.constant 0 : i32
      %dma_start3A_251 = arith.constant 0 : i32
      %dma_start3A_252 = tpu.memref_slice %arg6[%dma_start3A_250, %dma_start3A_251] : memref<10000x128xf32, #tpu.memory_space<vmem_shared>> -> memref<10000x128xf32, #tpu.memory_space<vmem_shared>>
      tpu.enqueue_indirect_dma source(%dma_start3A_246 : memref<128x128xf32, #tpu.memory_space<vmem>>) target(%dma_start3A_252 : memref<10000x128xf32, #tpu.memory_space<vmem_shared>>) offsets(%dma_start3A_249 : memref<128xi32, #tpu.memory_space<vmem>>) semaphore(%arg14 : memref<!tpu.dma_semaphore, #tpu.memory_space<semaphore_mem>>) {add = true}
      %ge3A_253 = arith.constant 1 : i32
      %ge3A_254 = arith.cmpi sge, %add3A_214, %ge3A_253 : i32
      %convert_element_type3A_255 = arith.extui %ge3A_254 : i1 to i32
      %cond3A_256 = arith.constant 0 : i32
      %cond3A_257 = arith.cmpi ne, %convert_element_type3A_255, %cond3A_256 : i32
      scf.if %cond3A_257 {
        %dma_wait3A_345 = arith.constant 0 : i32
        %dma_wait3A_346 = arith.constant 0 : i32
        %dma_wait3A_347 = arith.constant 0 : i32
        %dma_wait3A_348 = arith.constant 0 : i32
        %dma_wait3A_349 = tpu.memref_slice %arg9[%dma_wait3A_345, %dma_wait3A_347, %dma_wait3A_348] : memref<3x128x128xf32, #tpu.memory_space<vmem>> -> memref<1x128x128xf32, #tpu.memory_space<vmem>>
        %dma_wait3A_350 = tpu.memref_squeeze %dma_wait3A_349 : memref<1x128x128xf32, #tpu.memory_space<vmem>> -> memref<128x128xf32, #tpu.memory_space<vmem>>
        %dma_wait3A_351 = arith.constant 0 : i32
        %dma_wait3A_352 = tpu.memref_slice %arg8[%dma_wait3A_346, %dma_wait3A_351] : memref<3x128xi32, #tpu.memory_space<vmem>> -> memref<1x128xi32, #tpu.memory_space<vmem>>
        %dma_wait3A_353 = tpu.memref_squeeze %dma_wait3A_352 : memref<1x128xi32, #tpu.memory_space<vmem>> -> memref<128xi32, #tpu.memory_space<vmem>>
        %dma_wait3A_354 = arith.constant 0 : i32
        %dma_wait3A_355 = arith.constant 0 : i32
        %dma_wait3A_356 = tpu.memref_slice %arg6[%dma_wait3A_354, %dma_wait3A_355] : memref<10000x128xf32, #tpu.memory_space<vmem_shared>> -> memref<10000x128xf32, #tpu.memory_space<vmem_shared>>
        tpu.wait_indirect_dma semaphore(%arg13 : memref<!tpu.dma_semaphore, #tpu.memory_space<semaphore_mem>>) src(%dma_wait3A_350 : memref<128x128xf32, #tpu.memory_space<vmem>>) dst(%dma_wait3A_356 : memref<10000x128xf32, #tpu.memory_space<vmem_shared>>)
      } else {
      }
      %add3A_258 = arith.constant 2 : i32
      %add3A_259 = arith.addi %add3A_214, %add3A_258 : i32
      %lt3A_260 = arith.constant 78 : i32
      %lt3A_261 = arith.cmpi slt, %add3A_259, %lt3A_260 : i32
      %convert_element_type3A_262 = arith.extui %lt3A_261 : i1 to i32
      %cond3A_263 = arith.constant 0 : i32
      %cond3A_264 = arith.cmpi ne, %convert_element_type3A_262, %cond3A_263 : i32
      scf.if %cond3A_264 {
        %add3A_345 = arith.constant 2 : i32
        %add3A_346 = arith.addi %add3A_214, %add3A_345 : i32
        %add3A_347 = arith.constant 320000 : i32
        %add3A_348 = arith.addi %add3A_347, %mul3A_2 : i32
        %mul3A_349 = arith.constant 128 : i32
        %mul3A_350 = arith.muli %add3A_346, %mul3A_349 : i32
        %add3A_351 = arith.addi %add3A_348, %mul3A_350 : i32
        %dma_start3A_352 = arith.constant 0 : i32
        %dma_start3A_353 = arith.constant 0 : i32
        %dma_start3A_354 = tpu.memref_slice %arg8[%dma_start3A_352, %dma_start3A_353] : memref<3x128xi32, #tpu.memory_space<vmem>> -> memref<1x128xi32, #tpu.memory_space<vmem>>
        %dma_start3A_355 = tpu.memref_squeeze %dma_start3A_354 : memref<1x128xi32, #tpu.memory_space<vmem>> -> memref<128xi32, #tpu.memory_space<vmem>>
        %dma_start3A_356 = tpu.memref_slice %arg4[%add3A_351] : memref<640000xi32, #tpu.memory_space<hbm>> -> memref<128xi32, #tpu.memory_space<hbm>>
        %dma_start3A_357 = arith.constant 0 : i32
        %dma_start3A_358 = tpu.memref_slice %arg8[%dma_start3A_352, %dma_start3A_357] : memref<3x128xi32, #tpu.memory_space<vmem>> -> memref<1x128xi32, #tpu.memory_space<vmem>>
        %dma_start3A_359 = tpu.memref_squeeze %dma_start3A_358 : memref<1x128xi32, #tpu.memory_space<vmem>> -> memref<128xi32, #tpu.memory_space<vmem>>
        %dma_start3A_360 = tpu.memref_slice %arg4[%add3A_351] : memref<640000xi32, #tpu.memory_space<hbm>> -> memref<128xi32, #tpu.memory_space<hbm>>
        tpu.enqueue_dma source(%dma_start3A_360 : memref<128xi32, #tpu.memory_space<hbm>>) target(%dma_start3A_359 : memref<128xi32, #tpu.memory_space<vmem>>) target_semaphore(%arg19 : memref<!tpu.dma_semaphore, #tpu.memory_space<semaphore_mem>>)
      } else {
      }
      %add3A_265 = arith.constant 3 : i32
      %add3A_266 = arith.addi %add3A_214, %add3A_265 : i32
      %lt3A_267 = arith.constant 78 : i32
      %lt3A_268 = arith.cmpi slt, %add3A_266, %lt3A_267 : i32
      %convert_element_type3A_269 = arith.extui %lt3A_268 : i1 to i32
      %cond3A_270 = arith.constant 0 : i32
      %cond3A_271 = arith.cmpi ne, %convert_element_type3A_269, %cond3A_270 : i32
      scf.if %cond3A_271 {
        %add3A_345 = arith.constant 3 : i32
        %add3A_346 = arith.addi %add3A_214, %add3A_345 : i32
        %mul3A_347 = arith.constant 128 : i32
        %mul3A_348 = arith.muli %add3A_346, %mul3A_347 : i32
        %add3A_349 = arith.addi %mul3A_2, %mul3A_348 : i32
        %dma_start3A_350 = arith.constant 1 : i32
        %dma_start3A_351 = arith.constant 0 : i32
        %dma_start3A_352 = tpu.memref_slice %arg7[%dma_start3A_350, %dma_start3A_351] : memref<3x128xi32, #tpu.memory_space<vmem>> -> memref<1x128xi32, #tpu.memory_space<vmem>>
        %dma_start3A_353 = tpu.memref_squeeze %dma_start3A_352 : memref<1x128xi32, #tpu.memory_space<vmem>> -> memref<128xi32, #tpu.memory_space<vmem>>
        %dma_start3A_354 = tpu.memref_slice %arg4[%add3A_349] : memref<640000xi32, #tpu.memory_space<hbm>> -> memref<128xi32, #tpu.memory_space<hbm>>
        %dma_start3A_355 = arith.constant 0 : i32
        %dma_start3A_356 = tpu.memref_slice %arg7[%dma_start3A_350, %dma_start3A_355] : memref<3x128xi32, #tpu.memory_space<vmem>> -> memref<1x128xi32, #tpu.memory_space<vmem>>
        %dma_start3A_357 = tpu.memref_squeeze %dma_start3A_356 : memref<1x128xi32, #tpu.memory_space<vmem>> -> memref<128xi32, #tpu.memory_space<vmem>>
        %dma_start3A_358 = tpu.memref_slice %arg4[%add3A_349] : memref<640000xi32, #tpu.memory_space<hbm>> -> memref<128xi32, #tpu.memory_space<hbm>>
        tpu.enqueue_dma source(%dma_start3A_358 : memref<128xi32, #tpu.memory_space<hbm>>) target(%dma_start3A_357 : memref<128xi32, #tpu.memory_space<vmem>>) target_semaphore(%arg17 : memref<!tpu.dma_semaphore, #tpu.memory_space<semaphore_mem>>)
      } else {
      }
      %add3A_272 = arith.constant 2 : i32
      %add3A_273 = arith.addi %add3A_214, %add3A_272 : i32
      %lt3A_274 = arith.constant 78 : i32
      %lt3A_275 = arith.cmpi slt, %add3A_273, %lt3A_274 : i32
      %convert_element_type3A_276 = arith.extui %lt3A_275 : i1 to i32
      %cond3A_277 = arith.constant 0 : i32
      %cond3A_278 = arith.cmpi ne, %convert_element_type3A_276, %cond3A_277 : i32
      scf.if %cond3A_278 {
        %add3A_345 = arith.constant 2 : i32
        %add3A_346 = arith.addi %add3A_214, %add3A_345 : i32
        %mul3A_347 = arith.constant 128 : i32
        %mul3A_348 = arith.muli %add3A_346, %mul3A_347 : i32
        %add3A_349 = arith.addi %mul3A_2, %mul3A_348 : i32
        %dma_wait3A_350 = arith.constant 0 : i32
        %dma_wait3A_351 = arith.constant 0 : i32
        %dma_wait3A_352 = tpu.memref_slice %arg7[%dma_wait3A_350, %dma_wait3A_351] : memref<3x128xi32, #tpu.memory_space<vmem>> -> memref<1x128xi32, #tpu.memory_space<vmem>>
        %dma_wait3A_353 = tpu.memref_squeeze %dma_wait3A_352 : memref<1x128xi32, #tpu.memory_space<vmem>> -> memref<128xi32, #tpu.memory_space<vmem>>
        %dma_wait3A_354 = tpu.memref_slice %arg4[%add3A_349] : memref<640000xi32, #tpu.memory_space<hbm>> -> memref<128xi32, #tpu.memory_space<hbm>>
        %dma_wait3A_355 = arith.constant 0 : i32
        %dma_wait3A_356 = tpu.memref_slice %arg7[%dma_wait3A_350, %dma_wait3A_355] : memref<3x128xi32, #tpu.memory_space<vmem>> -> memref<1x128xi32, #tpu.memory_space<vmem>>
        %dma_wait3A_357 = tpu.memref_squeeze %dma_wait3A_356 : memref<1x128xi32, #tpu.memory_space<vmem>> -> memref<128xi32, #tpu.memory_space<vmem>>
        %dma_wait3A_358 = tpu.memref_slice %arg4[%add3A_349] : memref<640000xi32, #tpu.memory_space<hbm>> -> memref<128xi32, #tpu.memory_space<hbm>>
        tpu.wait_dma2 semaphore(%arg16 : memref<!tpu.dma_semaphore, #tpu.memory_space<semaphore_mem>>) src(%dma_wait3A_358 : memref<128xi32, #tpu.memory_space<hbm>>) dst(%dma_wait3A_357 : memref<128xi32, #tpu.memory_space<vmem>>)
        %dma_start3A_359 = arith.constant 0 : i32
        %dma_start3A_360 = arith.constant 0 : i32
        %dma_start3A_361 = arith.constant 0 : i32
        %dma_start3A_362 = arith.constant 0 : i32
        %dma_start3A_363 = tpu.memref_slice %arg9[%dma_start3A_360, %dma_start3A_361, %dma_start3A_362] : memref<3x128x128xf32, #tpu.memory_space<vmem>> -> memref<1x128x128xf32, #tpu.memory_space<vmem>>
        %dma_start3A_364 = tpu.memref_squeeze %dma_start3A_363 : memref<1x128x128xf32, #tpu.memory_space<vmem>> -> memref<128x128xf32, #tpu.memory_space<vmem>>
        %dma_start3A_365 = arith.constant 0 : i32
        %dma_start3A_366 = tpu.memref_slice %arg7[%dma_start3A_359, %dma_start3A_365] : memref<3x128xi32, #tpu.memory_space<vmem>> -> memref<1x128xi32, #tpu.memory_space<vmem>>
        %dma_start3A_367 = tpu.memref_squeeze %dma_start3A_366 : memref<1x128xi32, #tpu.memory_space<vmem>> -> memref<128xi32, #tpu.memory_space<vmem>>
        %dma_start3A_368 = arith.constant 0 : i32
        %dma_start3A_369 = arith.constant 0 : i32
        %dma_start3A_370 = tpu.memref_slice %arg2[%dma_start3A_368, %dma_start3A_369] : memref<10000x128xf32, #tpu.memory_space<hbm>> -> memref<10000x128xf32, #tpu.memory_space<hbm>>
        tpu.enqueue_indirect_dma source(%dma_start3A_370 : memref<10000x128xf32, #tpu.memory_space<hbm>>) target(%dma_start3A_364 : memref<128x128xf32, #tpu.memory_space<vmem>>) offsets(%dma_start3A_367 : memref<128xi32, #tpu.memory_space<vmem>>) semaphore(%arg10 : memref<!tpu.dma_semaphore, #tpu.memory_space<semaphore_mem>>)
      } else {
      }
      %add3A_279 = arith.constant 2 : i32
      %add3A_280 = arith.addi %mul3A_147, %add3A_279 : i32
      %dma_wait3A_281 = arith.constant 2 : i32
      %dma_wait3A_282 = arith.constant 2 : i32
      %dma_wait3A_283 = arith.constant 0 : i32
      %dma_wait3A_284 = arith.constant 0 : i32
      %dma_wait3A_285 = tpu.memref_slice %arg9[%dma_wait3A_282, %dma_wait3A_283, %dma_wait3A_284] : memref<3x128x128xf32, #tpu.memory_space<vmem>> -> memref<1x128x128xf32, #tpu.memory_space<vmem>>
      %dma_wait3A_286 = tpu.memref_squeeze %dma_wait3A_285 : memref<1x128x128xf32, #tpu.memory_space<vmem>> -> memref<128x128xf32, #tpu.memory_space<vmem>>
      %dma_wait3A_287 = arith.constant 0 : i32
      %dma_wait3A_288 = tpu.memref_slice %arg7[%dma_wait3A_281, %dma_wait3A_287] : memref<3x128xi32, #tpu.memory_space<vmem>> -> memref<1x128xi32, #tpu.memory_space<vmem>>
      %dma_wait3A_289 = tpu.memref_squeeze %dma_wait3A_288 : memref<1x128xi32, #tpu.memory_space<vmem>> -> memref<128xi32, #tpu.memory_space<vmem>>
      %dma_wait3A_290 = arith.constant 0 : i32
      %dma_wait3A_291 = arith.constant 0 : i32
      %dma_wait3A_292 = tpu.memref_slice %arg2[%dma_wait3A_290, %dma_wait3A_291] : memref<10000x128xf32, #tpu.memory_space<hbm>> -> memref<10000x128xf32, #tpu.memory_space<hbm>>
      tpu.wait_indirect_dma semaphore(%arg12 : memref<!tpu.dma_semaphore, #tpu.memory_space<semaphore_mem>>) src(%dma_wait3A_292 : memref<10000x128xf32, #tpu.memory_space<hbm>>) dst(%dma_wait3A_286 : memref<128x128xf32, #tpu.memory_space<vmem>>)
      %add3A_293 = arith.constant 320000 : i32
      %add3A_294 = arith.addi %add3A_293, %mul3A_2 : i32
      %mul3A_295 = arith.constant 128 : i32
      %mul3A_296 = arith.muli %add3A_280, %mul3A_295 : i32
      %add3A_297 = arith.addi %add3A_294, %mul3A_296 : i32
      %dma_wait3A_298 = arith.constant 2 : i32
      %dma_wait3A_299 = arith.constant 0 : i32
      %dma_wait3A_300 = tpu.memref_slice %arg8[%dma_wait3A_298, %dma_wait3A_299] : memref<3x128xi32, #tpu.memory_space<vmem>> -> memref<1x128xi32, #tpu.memory_space<vmem>>
      %dma_wait3A_301 = tpu.memref_squeeze %dma_wait3A_300 : memref<1x128xi32, #tpu.memory_space<vmem>> -> memref<128xi32, #tpu.memory_space<vmem>>
      %dma_wait3A_302 = tpu.memref_slice %arg4[%add3A_297] : memref<640000xi32, #tpu.memory_space<hbm>> -> memref<128xi32, #tpu.memory_space<hbm>>
      %dma_wait3A_303 = arith.constant 0 : i32
      %dma_wait3A_304 = tpu.memref_slice %arg8[%dma_wait3A_298, %dma_wait3A_303] : memref<3x128xi32, #tpu.memory_space<vmem>> -> memref<1x128xi32, #tpu.memory_space<vmem>>
      %dma_wait3A_305 = tpu.memref_squeeze %dma_wait3A_304 : memref<1x128xi32, #tpu.memory_space<vmem>> -> memref<128xi32, #tpu.memory_space<vmem>>
      %dma_wait3A_306 = tpu.memref_slice %arg4[%add3A_297] : memref<640000xi32, #tpu.memory_space<hbm>> -> memref<128xi32, #tpu.memory_space<hbm>>
      tpu.wait_dma2 semaphore(%arg21 : memref<!tpu.dma_semaphore, #tpu.memory_space<semaphore_mem>>) src(%dma_wait3A_306 : memref<128xi32, #tpu.memory_space<hbm>>) dst(%dma_wait3A_305 : memref<128xi32, #tpu.memory_space<vmem>>)
      %dma_start3A_307 = arith.constant 2 : i32
      %dma_start3A_308 = arith.constant 2 : i32
      %dma_start3A_309 = arith.constant 0 : i32
      %dma_start3A_310 = arith.constant 0 : i32
      %dma_start3A_311 = tpu.memref_slice %arg9[%dma_start3A_307, %dma_start3A_309, %dma_start3A_310] : memref<3x128x128xf32, #tpu.memory_space<vmem>> -> memref<1x128x128xf32, #tpu.memory_space<vmem>>
      %dma_start3A_312 = tpu.memref_squeeze %dma_start3A_311 : memref<1x128x128xf32, #tpu.memory_space<vmem>> -> memref<128x128xf32, #tpu.memory_space<vmem>>
      %dma_start3A_313 = arith.constant 0 : i32
      %dma_start3A_314 = tpu.memref_slice %arg8[%dma_start3A_308, %dma_start3A_313] : memref<3x128xi32, #tpu.memory_space<vmem>> -> memref<1x128xi32, #tpu.memory_space<vmem>>
      %dma_start3A_315 = tpu.memref_squeeze %dma_start3A_314 : memref<1x128xi32, #tpu.memory_space<vmem>> -> memref<128xi32, #tpu.memory_space<vmem>>
      %dma_start3A_316 = arith.constant 0 : i32
      %dma_start3A_317 = arith.constant 0 : i32
      %dma_start3A_318 = tpu.memref_slice %arg6[%dma_start3A_316, %dma_start3A_317] : memref<10000x128xf32, #tpu.memory_space<vmem_shared>> -> memref<10000x128xf32, #tpu.memory_space<vmem_shared>>
      tpu.enqueue_indirect_dma source(%dma_start3A_312 : memref<128x128xf32, #tpu.memory_space<vmem>>) target(%dma_start3A_318 : memref<10000x128xf32, #tpu.memory_space<vmem_shared>>) offsets(%dma_start3A_315 : memref<128xi32, #tpu.memory_space<vmem>>) semaphore(%arg15 : memref<!tpu.dma_semaphore, #tpu.memory_space<semaphore_mem>>) {add = true}
      %ge3A_319 = arith.constant 1 : i32
      %ge3A_320 = arith.cmpi sge, %add3A_280, %ge3A_319 : i32
      %convert_element_type3A_321 = arith.extui %ge3A_320 : i1 to i32
      %cond3A_322 = arith.constant 0 : i32
      %cond3A_323 = arith.cmpi ne, %convert_element_type3A_321, %cond3A_322 : i32
      scf.if %cond3A_323 {
        %dma_wait3A_345 = arith.constant 1 : i32
        %dma_wait3A_346 = arith.constant 1 : i32
        %dma_wait3A_347 = arith.constant 0 : i32
        %dma_wait3A_348 = arith.constant 0 : i32
        %dma_wait3A_349 = tpu.memref_slice %arg9[%dma_wait3A_345, %dma_wait3A_347, %dma_wait3A_348] : memref<3x128x128xf32, #tpu.memory_space<vmem>> -> memref<1x128x128xf32, #tpu.memory_space<vmem>>
        %dma_wait3A_350 = tpu.memref_squeeze %dma_wait3A_349 : memref<1x128x128xf32, #tpu.memory_space<vmem>> -> memref<128x128xf32, #tpu.memory_space<vmem>>
        %dma_wait3A_351 = arith.constant 0 : i32
        %dma_wait3A_352 = tpu.memref_slice %arg8[%dma_wait3A_346, %dma_wait3A_351] : memref<3x128xi32, #tpu.memory_space<vmem>> -> memref<1x128xi32, #tpu.memory_space<vmem>>
        %dma_wait3A_353 = tpu.memref_squeeze %dma_wait3A_352 : memref<1x128xi32, #tpu.memory_space<vmem>> -> memref<128xi32, #tpu.memory_space<vmem>>
        %dma_wait3A_354 = arith.constant 0 : i32
        %dma_wait3A_355 = arith.constant 0 : i32
        %dma_wait3A_356 = tpu.memref_slice %arg6[%dma_wait3A_354, %dma_wait3A_355] : memref<10000x128xf32, #tpu.memory_space<vmem_shared>> -> memref<10000x128xf32, #tpu.memory_space<vmem_shared>>
        tpu.wait_indirect_dma semaphore(%arg14 : memref<!tpu.dma_semaphore, #tpu.memory_space<semaphore_mem>>) src(%dma_wait3A_350 : memref<128x128xf32, #tpu.memory_space<vmem>>) dst(%dma_wait3A_356 : memref<10000x128xf32, #tpu.memory_space<vmem_shared>>)
      } else {
      }
      %add3A_324 = arith.constant 2 : i32
      %add3A_325 = arith.addi %add3A_280, %add3A_324 : i32
      %lt3A_326 = arith.constant 78 : i32
      %lt3A_327 = arith.cmpi slt, %add3A_325, %lt3A_326 : i32
      %convert_element_type3A_328 = arith.extui %lt3A_327 : i1 to i32
      %cond3A_329 = arith.constant 0 : i32
      %cond3A_330 = arith.cmpi ne, %convert_element_type3A_328, %cond3A_329 : i32
      scf.if %cond3A_330 {
        %add3A_345 = arith.constant 2 : i32
        %add3A_346 = arith.addi %add3A_280, %add3A_345 : i32
        %add3A_347 = arith.constant 320000 : i32
        %add3A_348 = arith.addi %add3A_347, %mul3A_2 : i32
        %mul3A_349 = arith.constant 128 : i32
        %mul3A_350 = arith.muli %add3A_346, %mul3A_349 : i32
        %add3A_351 = arith.addi %add3A_348, %mul3A_350 : i32
        %dma_start3A_352 = arith.constant 1 : i32
        %dma_start3A_353 = arith.constant 0 : i32
        %dma_start3A_354 = tpu.memref_slice %arg8[%dma_start3A_352, %dma_start3A_353] : memref<3x128xi32, #tpu.memory_space<vmem>> -> memref<1x128xi32, #tpu.memory_space<vmem>>
        %dma_start3A_355 = tpu.memref_squeeze %dma_start3A_354 : memref<1x128xi32, #tpu.memory_space<vmem>> -> memref<128xi32, #tpu.memory_space<vmem>>
        %dma_start3A_356 = tpu.memref_slice %arg4[%add3A_351] : memref<640000xi32, #tpu.memory_space<hbm>> -> memref<128xi32, #tpu.memory_space<hbm>>
        %dma_start3A_357 = arith.constant 0 : i32
        %dma_start3A_358 = tpu.memref_slice %arg8[%dma_start3A_352, %dma_start3A_357] : memref<3x128xi32, #tpu.memory_space<vmem>> -> memref<1x128xi32, #tpu.memory_space<vmem>>
        %dma_start3A_359 = tpu.memref_squeeze %dma_start3A_358 : memref<1x128xi32, #tpu.memory_space<vmem>> -> memref<128xi32, #tpu.memory_space<vmem>>
        %dma_start3A_360 = tpu.memref_slice %arg4[%add3A_351] : memref<640000xi32, #tpu.memory_space<hbm>> -> memref<128xi32, #tpu.memory_space<hbm>>
        tpu.enqueue_dma source(%dma_start3A_360 : memref<128xi32, #tpu.memory_space<hbm>>) target(%dma_start3A_359 : memref<128xi32, #tpu.memory_space<vmem>>) target_semaphore(%arg20 : memref<!tpu.dma_semaphore, #tpu.memory_space<semaphore_mem>>)
      } else {
      }
      %add3A_331 = arith.constant 3 : i32
      %add3A_332 = arith.addi %add3A_280, %add3A_331 : i32
      %lt3A_333 = arith.constant 78 : i32
      %lt3A_334 = arith.cmpi slt, %add3A_332, %lt3A_333 : i32
      %convert_element_type3A_335 = arith.extui %lt3A_334 : i1 to i32
      %cond3A_336 = arith.constant 0 : i32
      %cond3A_337 = arith.cmpi ne, %convert_element_type3A_335, %cond3A_336 : i32
      scf.if %cond3A_337 {
        %add3A_345 = arith.constant 3 : i32
        %add3A_346 = arith.addi %add3A_280, %add3A_345 : i32
        %mul3A_347 = arith.constant 128 : i32
        %mul3A_348 = arith.muli %add3A_346, %mul3A_347 : i32
        %add3A_349 = arith.addi %mul3A_2, %mul3A_348 : i32
        %dma_start3A_350 = arith.constant 2 : i32
        %dma_start3A_351 = arith.constant 0 : i32
        %dma_start3A_352 = tpu.memref_slice %arg7[%dma_start3A_350, %dma_start3A_351] : memref<3x128xi32, #tpu.memory_space<vmem>> -> memref<1x128xi32, #tpu.memory_space<vmem>>
        %dma_start3A_353 = tpu.memref_squeeze %dma_start3A_352 : memref<1x128xi32, #tpu.memory_space<vmem>> -> memref<128xi32, #tpu.memory_space<vmem>>
        %dma_start3A_354 = tpu.memref_slice %arg4[%add3A_349] : memref<640000xi32, #tpu.memory_space<hbm>> -> memref<128xi32, #tpu.memory_space<hbm>>
        %dma_start3A_355 = arith.constant 0 : i32
        %dma_start3A_356 = tpu.memref_slice %arg7[%dma_start3A_350, %dma_start3A_355] : memref<3x128xi32, #tpu.memory_space<vmem>> -> memref<1x128xi32, #tpu.memory_space<vmem>>
        %dma_start3A_357 = tpu.memref_squeeze %dma_start3A_356 : memref<1x128xi32, #tpu.memory_space<vmem>> -> memref<128xi32, #tpu.memory_space<vmem>>
        %dma_start3A_358 = tpu.memref_slice %arg4[%add3A_349] : memref<640000xi32, #tpu.memory_space<hbm>> -> memref<128xi32, #tpu.memory_space<hbm>>
        tpu.enqueue_dma source(%dma_start3A_358 : memref<128xi32, #tpu.memory_space<hbm>>) target(%dma_start3A_357 : memref<128xi32, #tpu.memory_space<vmem>>) target_semaphore(%arg18 : memref<!tpu.dma_semaphore, #tpu.memory_space<semaphore_mem>>)
      } else {
      }
      %add3A_338 = arith.constant 2 : i32
      %add3A_339 = arith.addi %add3A_280, %add3A_338 : i32
      %lt3A_340 = arith.constant 78 : i32
      %lt3A_341 = arith.cmpi slt, %add3A_339, %lt3A_340 : i32
      %convert_element_type3A_342 = arith.extui %lt3A_341 : i1 to i32
      %cond3A_343 = arith.constant 0 : i32
      %cond3A_344 = arith.cmpi ne, %convert_element_type3A_342, %cond3A_343 : i32
      scf.if %cond3A_344 {
        %add3A_345 = arith.constant 2 : i32
        %add3A_346 = arith.addi %add3A_280, %add3A_345 : i32
        %mul3A_347 = arith.constant 128 : i32
        %mul3A_348 = arith.muli %add3A_346, %mul3A_347 : i32
        %add3A_349 = arith.addi %mul3A_2, %mul3A_348 : i32
        %dma_wait3A_350 = arith.constant 1 : i32
        %dma_wait3A_351 = arith.constant 0 : i32
        %dma_wait3A_352 = tpu.memref_slice %arg7[%dma_wait3A_350, %dma_wait3A_351] : memref<3x128xi32, #tpu.memory_space<vmem>> -> memref<1x128xi32, #tpu.memory_space<vmem>>
        %dma_wait3A_353 = tpu.memref_squeeze %dma_wait3A_352 : memref<1x128xi32, #tpu.memory_space<vmem>> -> memref<128xi32, #tpu.memory_space<vmem>>
        %dma_wait3A_354 = tpu.memref_slice %arg4[%add3A_349] : memref<640000xi32, #tpu.memory_space<hbm>> -> memref<128xi32, #tpu.memory_space<hbm>>
        %dma_wait3A_355 = arith.constant 0 : i32
        %dma_wait3A_356 = tpu.memref_slice %arg7[%dma_wait3A_350, %dma_wait3A_355] : memref<3x128xi32, #tpu.memory_space<vmem>> -> memref<1x128xi32, #tpu.memory_space<vmem>>
        %dma_wait3A_357 = tpu.memref_squeeze %dma_wait3A_356 : memref<1x128xi32, #tpu.memory_space<vmem>> -> memref<128xi32, #tpu.memory_space<vmem>>
        %dma_wait3A_358 = tpu.memref_slice %arg4[%add3A_349] : memref<640000xi32, #tpu.memory_space<hbm>> -> memref<128xi32, #tpu.memory_space<hbm>>
        tpu.wait_dma2 semaphore(%arg17 : memref<!tpu.dma_semaphore, #tpu.memory_space<semaphore_mem>>) src(%dma_wait3A_358 : memref<128xi32, #tpu.memory_space<hbm>>) dst(%dma_wait3A_357 : memref<128xi32, #tpu.memory_space<vmem>>)
        %dma_start3A_359 = arith.constant 1 : i32
        %dma_start3A_360 = arith.constant 1 : i32
        %dma_start3A_361 = arith.constant 0 : i32
        %dma_start3A_362 = arith.constant 0 : i32
        %dma_start3A_363 = tpu.memref_slice %arg9[%dma_start3A_360, %dma_start3A_361, %dma_start3A_362] : memref<3x128x128xf32, #tpu.memory_space<vmem>> -> memref<1x128x128xf32, #tpu.memory_space<vmem>>
        %dma_start3A_364 = tpu.memref_squeeze %dma_start3A_363 : memref<1x128x128xf32, #tpu.memory_space<vmem>> -> memref<128x128xf32, #tpu.memory_space<vmem>>
        %dma_start3A_365 = arith.constant 0 : i32
        %dma_start3A_366 = tpu.memref_slice %arg7[%dma_start3A_359, %dma_start3A_365] : memref<3x128xi32, #tpu.memory_space<vmem>> -> memref<1x128xi32, #tpu.memory_space<vmem>>
        %dma_start3A_367 = tpu.memref_squeeze %dma_start3A_366 : memref<1x128xi32, #tpu.memory_space<vmem>> -> memref<128xi32, #tpu.memory_space<vmem>>
        %dma_start3A_368 = arith.constant 0 : i32
        %dma_start3A_369 = arith.constant 0 : i32
        %dma_start3A_370 = tpu.memref_slice %arg2[%dma_start3A_368, %dma_start3A_369] : memref<10000x128xf32, #tpu.memory_space<hbm>> -> memref<10000x128xf32, #tpu.memory_space<hbm>>
        tpu.enqueue_indirect_dma source(%dma_start3A_370 : memref<10000x128xf32, #tpu.memory_space<hbm>>) target(%dma_start3A_364 : memref<128x128xf32, #tpu.memory_space<vmem>>) offsets(%dma_start3A_367 : memref<128xi32, #tpu.memory_space<vmem>>) semaphore(%arg11 : memref<!tpu.dma_semaphore, #tpu.memory_space<semaphore_mem>>)
      } else {
      }
    }
    %scan3A_116 = arith.constant 26 : i32
    %dma_wait3A_117 = arith.constant 2 : i32
    %dma_wait3A_118 = arith.constant 2 : i32
    %dma_wait3A_119 = arith.constant 0 : i32
    %dma_wait3A_120 = arith.constant 0 : i32
    %dma_wait3A_121 = tpu.memref_slice %arg9[%dma_wait3A_117, %dma_wait3A_119, %dma_wait3A_120] : memref<3x128x128xf32, #tpu.memory_space<vmem>> -> memref<1x128x128xf32, #tpu.memory_space<vmem>>
    %dma_wait3A_122 = tpu.memref_squeeze %dma_wait3A_121 : memref<1x128x128xf32, #tpu.memory_space<vmem>> -> memref<128x128xf32, #tpu.memory_space<vmem>>
    %dma_wait3A_123 = arith.constant 0 : i32
    %dma_wait3A_124 = tpu.memref_slice %arg8[%dma_wait3A_118, %dma_wait3A_123] : memref<3x128xi32, #tpu.memory_space<vmem>> -> memref<1x128xi32, #tpu.memory_space<vmem>>
    %dma_wait3A_125 = tpu.memref_squeeze %dma_wait3A_124 : memref<1x128xi32, #tpu.memory_space<vmem>> -> memref<128xi32, #tpu.memory_space<vmem>>
    %dma_wait3A_126 = arith.constant 0 : i32
    %dma_wait3A_127 = arith.constant 0 : i32
    %dma_wait3A_128 = tpu.memref_slice %arg6[%dma_wait3A_126, %dma_wait3A_127] : memref<10000x128xf32, #tpu.memory_space<vmem_shared>> -> memref<10000x128xf32, #tpu.memory_space<vmem_shared>>
    tpu.wait_indirect_dma semaphore(%arg15 : memref<!tpu.dma_semaphore, #tpu.memory_space<semaphore_mem>>) src(%dma_wait3A_122 : memref<128x128xf32, #tpu.memory_space<vmem>>) dst(%dma_wait3A_128 : memref<10000x128xf32, #tpu.memory_space<vmem_shared>>)
    %lt3A_129 = arith.constant 4 : i32
    %lt3A_130 = arith.cmpi slt, %add3A, %lt3A_129 : i32
    %convert_element_type3A_131 = arith.extui %lt3A_130 : i1 to i32
    %cond3A_132 = arith.constant 0 : i32
    %cond3A_133 = arith.cmpi ne, %convert_element_type3A_131, %cond3A_132 : i32
    scf.if %cond3A_133 {
      %sub3A = arith.constant 319488 : i32
      %sub3A_145 = arith.subi %sub3A, %mul3A_2 : i32
      %jit3A = arith.constant 128 : i32
      %div3A = arith.divsi %sub3A_145, %jit3A : i32
      %sign3A = arith.constant 0 : i32
      %sign3A_146 = arith.cmpi sgt, %sub3A_145, %sign3A : i32
      %sign3A_147 = arith.extui %sign3A_146 : i1 to i32
      %sign3A_148 = arith.constant 0 : i32
      %sign3A_149 = arith.cmpi slt, %sub3A_145, %sign3A_148 : i32
      %sign3A_150 = arith.extui %sign3A_149 : i1 to i32
      %sign3A_151 = arith.subi %sign3A_147, %sign3A_150 : i32
      %sign3A_152 = arith.constant 0 : i32
      %sign3A_153 = arith.cmpi sgt, %jit3A, %sign3A_152 : i32
      %sign3A_154 = arith.extui %sign3A_153 : i1 to i32
      %sign3A_155 = arith.constant 0 : i32
      %sign3A_156 = arith.cmpi slt, %jit3A, %sign3A_155 : i32
      %sign3A_157 = arith.extui %sign3A_156 : i1 to i32
      %sign3A_158 = arith.subi %sign3A_154, %sign3A_157 : i32
      %ne3A = arith.cmpi ne, %sign3A_151, %sign3A_158 : i32
      %rem3A = arith.remsi %sub3A_145, %jit3A : i32
      %ne3A_159 = arith.constant 0 : i32
      %ne3A_160 = arith.cmpi ne, %rem3A, %ne3A_159 : i32
      %and3A = arith.andi %ne3A, %ne3A_160 : i1
      %sub3A_161 = arith.constant 1 : i32
      %sub3A_162 = arith.subi %div3A, %sub3A_161 : i32
      %select_n3A = arith.select %and3A, %sub3A_162, %div3A : i32
      %add3A_163 = arith.addi %select_n3A, %add3A : i32
      %mul3A_164 = arith.constant 128 : i32
      %mul3A_165 = arith.muli %add3A_163, %mul3A_164 : i32
      %add3A_166 = arith.addi %mul3A_2, %mul3A_165 : i32
      %dma_start3A_167 = arith.constant 0 : i32
      %dma_start3A_168 = arith.constant 0 : i32
      %dma_start3A_169 = tpu.memref_slice %arg7[%dma_start3A_167, %dma_start3A_168] : memref<3x128xi32, #tpu.memory_space<vmem>> -> memref<1x128xi32, #tpu.memory_space<vmem>>
      %dma_start3A_170 = tpu.memref_squeeze %dma_start3A_169 : memref<1x128xi32, #tpu.memory_space<vmem>> -> memref<128xi32, #tpu.memory_space<vmem>>
      %dma_start3A_171 = tpu.memref_slice %arg4[%add3A_166] : memref<640000xi32, #tpu.memory_space<hbm>> -> memref<128xi32, #tpu.memory_space<hbm>>
      %dma_start3A_172 = arith.constant 0 : i32
      %dma_start3A_173 = tpu.memref_slice %arg7[%dma_start3A_167, %dma_start3A_172] : memref<3x128xi32, #tpu.memory_space<vmem>> -> memref<1x128xi32, #tpu.memory_space<vmem>>
      %dma_start3A_174 = tpu.memref_squeeze %dma_start3A_173 : memref<1x128xi32, #tpu.memory_space<vmem>> -> memref<128xi32, #tpu.memory_space<vmem>>
      %dma_start3A_175 = tpu.memref_slice %arg4[%add3A_166] : memref<640000xi32, #tpu.memory_space<hbm>> -> memref<128xi32, #tpu.memory_space<hbm>>
      tpu.enqueue_dma source(%dma_start3A_175 : memref<128xi32, #tpu.memory_space<hbm>>) target(%dma_start3A_174 : memref<128xi32, #tpu.memory_space<vmem>>) target_semaphore(%arg16 : memref<!tpu.dma_semaphore, #tpu.memory_space<semaphore_mem>>)
      %add3A_176 = arith.constant 320000 : i32
      %add3A_177 = arith.addi %add3A_176, %mul3A_2 : i32
      %mul3A_178 = arith.constant 128 : i32
      %mul3A_179 = arith.muli %add3A_163, %mul3A_178 : i32
      %add3A_180 = arith.addi %add3A_177, %mul3A_179 : i32
      %dma_start3A_181 = arith.constant 0 : i32
      %dma_start3A_182 = arith.constant 0 : i32
      %dma_start3A_183 = tpu.memref_slice %arg8[%dma_start3A_181, %dma_start3A_182] : memref<3x128xi32, #tpu.memory_space<vmem>> -> memref<1x128xi32, #tpu.memory_space<vmem>>
      %dma_start3A_184 = tpu.memref_squeeze %dma_start3A_183 : memref<1x128xi32, #tpu.memory_space<vmem>> -> memref<128xi32, #tpu.memory_space<vmem>>
      %dma_start3A_185 = tpu.memref_slice %arg4[%add3A_180] : memref<640000xi32, #tpu.memory_space<hbm>> -> memref<128xi32, #tpu.memory_space<hbm>>
      %dma_start3A_186 = arith.constant 0 : i32
      %dma_start3A_187 = tpu.memref_slice %arg8[%dma_start3A_181, %dma_start3A_186] : memref<3x128xi32, #tpu.memory_space<vmem>> -> memref<1x128xi32, #tpu.memory_space<vmem>>
      %dma_start3A_188 = tpu.memref_squeeze %dma_start3A_187 : memref<1x128xi32, #tpu.memory_space<vmem>> -> memref<128xi32, #tpu.memory_space<vmem>>
      %dma_start3A_189 = tpu.memref_slice %arg4[%add3A_180] : memref<640000xi32, #tpu.memory_space<hbm>> -> memref<128xi32, #tpu.memory_space<hbm>>
      tpu.enqueue_dma source(%dma_start3A_189 : memref<128xi32, #tpu.memory_space<hbm>>) target(%dma_start3A_188 : memref<128xi32, #tpu.memory_space<vmem>>) target_semaphore(%arg19 : memref<!tpu.dma_semaphore, #tpu.memory_space<semaphore_mem>>)
      %mul3A_190 = arith.constant 128 : i32
      %mul3A_191 = arith.muli %add3A_163, %mul3A_190 : i32
      %add3A_192 = arith.addi %mul3A_2, %mul3A_191 : i32
      %dma_wait3A_193 = arith.constant 0 : i32
      %dma_wait3A_194 = arith.constant 0 : i32
      %dma_wait3A_195 = tpu.memref_slice %arg7[%dma_wait3A_193, %dma_wait3A_194] : memref<3x128xi32, #tpu.memory_space<vmem>> -> memref<1x128xi32, #tpu.memory_space<vmem>>
      %dma_wait3A_196 = tpu.memref_squeeze %dma_wait3A_195 : memref<1x128xi32, #tpu.memory_space<vmem>> -> memref<128xi32, #tpu.memory_space<vmem>>
      %dma_wait3A_197 = tpu.memref_slice %arg4[%add3A_192] : memref<640000xi32, #tpu.memory_space<hbm>> -> memref<128xi32, #tpu.memory_space<hbm>>
      %dma_wait3A_198 = arith.constant 0 : i32
      %dma_wait3A_199 = tpu.memref_slice %arg7[%dma_wait3A_193, %dma_wait3A_198] : memref<3x128xi32, #tpu.memory_space<vmem>> -> memref<1x128xi32, #tpu.memory_space<vmem>>
      %dma_wait3A_200 = tpu.memref_squeeze %dma_wait3A_199 : memref<1x128xi32, #tpu.memory_space<vmem>> -> memref<128xi32, #tpu.memory_space<vmem>>
      %dma_wait3A_201 = tpu.memref_slice %arg4[%add3A_192] : memref<640000xi32, #tpu.memory_space<hbm>> -> memref<128xi32, #tpu.memory_space<hbm>>
      tpu.wait_dma2 semaphore(%arg16 : memref<!tpu.dma_semaphore, #tpu.memory_space<semaphore_mem>>) src(%dma_wait3A_201 : memref<128xi32, #tpu.memory_space<hbm>>) dst(%dma_wait3A_200 : memref<128xi32, #tpu.memory_space<vmem>>)
      %add3A_202 = arith.constant 320000 : i32
      %add3A_203 = arith.addi %add3A_202, %mul3A_2 : i32
      %mul3A_204 = arith.constant 128 : i32
      %mul3A_205 = arith.muli %add3A_163, %mul3A_204 : i32
      %add3A_206 = arith.addi %add3A_203, %mul3A_205 : i32
      %dma_wait3A_207 = arith.constant 0 : i32
      %dma_wait3A_208 = arith.constant 0 : i32
      %dma_wait3A_209 = tpu.memref_slice %arg8[%dma_wait3A_207, %dma_wait3A_208] : memref<3x128xi32, #tpu.memory_space<vmem>> -> memref<1x128xi32, #tpu.memory_space<vmem>>
      %dma_wait3A_210 = tpu.memref_squeeze %dma_wait3A_209 : memref<1x128xi32, #tpu.memory_space<vmem>> -> memref<128xi32, #tpu.memory_space<vmem>>
      %dma_wait3A_211 = tpu.memref_slice %arg4[%add3A_206] : memref<640000xi32, #tpu.memory_space<hbm>> -> memref<128xi32, #tpu.memory_space<hbm>>
      %dma_wait3A_212 = arith.constant 0 : i32
      %dma_wait3A_213 = tpu.memref_slice %arg8[%dma_wait3A_207, %dma_wait3A_212] : memref<3x128xi32, #tpu.memory_space<vmem>> -> memref<1x128xi32, #tpu.memory_space<vmem>>
      %dma_wait3A_214 = tpu.memref_squeeze %dma_wait3A_213 : memref<1x128xi32, #tpu.memory_space<vmem>> -> memref<128xi32, #tpu.memory_space<vmem>>
      %dma_wait3A_215 = tpu.memref_slice %arg4[%add3A_206] : memref<640000xi32, #tpu.memory_space<hbm>> -> memref<128xi32, #tpu.memory_space<hbm>>
      tpu.wait_dma2 semaphore(%arg19 : memref<!tpu.dma_semaphore, #tpu.memory_space<semaphore_mem>>) src(%dma_wait3A_215 : memref<128xi32, #tpu.memory_space<hbm>>) dst(%dma_wait3A_214 : memref<128xi32, #tpu.memory_space<vmem>>)
      %dma_start3A_216 = arith.constant 0 : i32
      %dma_start3A_217 = arith.constant 0 : i32
      %dma_start3A_218 = arith.constant 0 : i32
      %dma_start3A_219 = arith.constant 0 : i32
      %dma_start3A_220 = tpu.memref_slice %arg9[%dma_start3A_217, %dma_start3A_218, %dma_start3A_219] : memref<3x128x128xf32, #tpu.memory_space<vmem>> -> memref<1x128x128xf32, #tpu.memory_space<vmem>>
      %dma_start3A_221 = tpu.memref_squeeze %dma_start3A_220 : memref<1x128x128xf32, #tpu.memory_space<vmem>> -> memref<128x128xf32, #tpu.memory_space<vmem>>
      %dma_start3A_222 = arith.constant 0 : i32
      %dma_start3A_223 = tpu.memref_slice %arg7[%dma_start3A_216, %dma_start3A_222] : memref<3x128xi32, #tpu.memory_space<vmem>> -> memref<1x128xi32, #tpu.memory_space<vmem>>
      %dma_start3A_224 = tpu.memref_squeeze %dma_start3A_223 : memref<1x128xi32, #tpu.memory_space<vmem>> -> memref<128xi32, #tpu.memory_space<vmem>>
      %dma_start3A_225 = arith.constant 0 : i32
      %dma_start3A_226 = arith.constant 0 : i32
      %dma_start3A_227 = tpu.memref_slice %arg2[%dma_start3A_225, %dma_start3A_226] : memref<10000x128xf32, #tpu.memory_space<hbm>> -> memref<10000x128xf32, #tpu.memory_space<hbm>>
      tpu.enqueue_indirect_dma source(%dma_start3A_227 : memref<10000x128xf32, #tpu.memory_space<hbm>>) target(%dma_start3A_221 : memref<128x128xf32, #tpu.memory_space<vmem>>) offsets(%dma_start3A_224 : memref<128xi32, #tpu.memory_space<vmem>>) semaphore(%arg10 : memref<!tpu.dma_semaphore, #tpu.memory_space<semaphore_mem>>)
      %dma_wait3A_228 = arith.constant 0 : i32
      %dma_wait3A_229 = arith.constant 0 : i32
      %dma_wait3A_230 = arith.constant 0 : i32
      %dma_wait3A_231 = arith.constant 0 : i32
      %dma_wait3A_232 = tpu.memref_slice %arg9[%dma_wait3A_229, %dma_wait3A_230, %dma_wait3A_231] : memref<3x128x128xf32, #tpu.memory_space<vmem>> -> memref<1x128x128xf32, #tpu.memory_space<vmem>>
      %dma_wait3A_233 = tpu.memref_squeeze %dma_wait3A_232 : memref<1x128x128xf32, #tpu.memory_space<vmem>> -> memref<128x128xf32, #tpu.memory_space<vmem>>
      %dma_wait3A_234 = arith.constant 0 : i32
      %dma_wait3A_235 = tpu.memref_slice %arg7[%dma_wait3A_228, %dma_wait3A_234] : memref<3x128xi32, #tpu.memory_space<vmem>> -> memref<1x128xi32, #tpu.memory_space<vmem>>
      %dma_wait3A_236 = tpu.memref_squeeze %dma_wait3A_235 : memref<1x128xi32, #tpu.memory_space<vmem>> -> memref<128xi32, #tpu.memory_space<vmem>>
      %dma_wait3A_237 = arith.constant 0 : i32
      %dma_wait3A_238 = arith.constant 0 : i32
      %dma_wait3A_239 = tpu.memref_slice %arg2[%dma_wait3A_237, %dma_wait3A_238] : memref<10000x128xf32, #tpu.memory_space<hbm>> -> memref<10000x128xf32, #tpu.memory_space<hbm>>
      tpu.wait_indirect_dma semaphore(%arg10 : memref<!tpu.dma_semaphore, #tpu.memory_space<semaphore_mem>>) src(%dma_wait3A_239 : memref<10000x128xf32, #tpu.memory_space<hbm>>) dst(%dma_wait3A_233 : memref<128x128xf32, #tpu.memory_space<vmem>>)
      %run_scoped3A = arith.constant 0 : i32
      %run_scoped3A_240 = arith.constant 0 : i32
      "tpu.region"() ({
        %run_scoped3A_241 = tpu.sem_alloc : memref<!tpu.dma_semaphore, #tpu.memory_space<semaphore_mem>>
        %dma_start3A_242 = arith.constant 0 : i32
        %dma_start3A_243 = arith.constant 0 : i32
        %dma_start3A_244 = tpu.memref_slice %arg9[%run_scoped3A, %dma_start3A_242, %dma_start3A_243] : memref<3x128x128xf32, #tpu.memory_space<vmem>> -> memref<1x128x128xf32, #tpu.memory_space<vmem>>
        %dma_start3A_245 = tpu.memref_squeeze %dma_start3A_244 : memref<1x128x128xf32, #tpu.memory_space<vmem>> -> memref<128x128xf32, #tpu.memory_space<vmem>>
        %dma_start3A_246 = arith.constant 0 : i32
        %dma_start3A_247 = tpu.memref_slice %arg8[%run_scoped3A_240, %dma_start3A_246] : memref<3x128xi32, #tpu.memory_space<vmem>> -> memref<1x128xi32, #tpu.memory_space<vmem>>
        %dma_start3A_248 = tpu.memref_squeeze %dma_start3A_247 : memref<1x128xi32, #tpu.memory_space<vmem>> -> memref<128xi32, #tpu.memory_space<vmem>>
        %dma_start3A_249 = arith.constant 0 : i32
        %dma_start3A_250 = arith.constant 0 : i32
        %dma_start3A_251 = tpu.memref_slice %arg6[%dma_start3A_249, %dma_start3A_250] : memref<10000x128xf32, #tpu.memory_space<vmem_shared>> -> memref<10000x128xf32, #tpu.memory_space<vmem_shared>>
        tpu.enqueue_indirect_dma source(%dma_start3A_245 : memref<128x128xf32, #tpu.memory_space<vmem>>) target(%dma_start3A_251 : memref<10000x128xf32, #tpu.memory_space<vmem_shared>>) offsets(%dma_start3A_248 : memref<128xi32, #tpu.memory_space<vmem>>) semaphore(%run_scoped3A_241 : memref<!tpu.dma_semaphore, #tpu.memory_space<semaphore_mem>>) {add = true}
        %dma_wait3A_252 = arith.constant 0 : i32
        %dma_wait3A_253 = arith.constant 0 : i32
        %dma_wait3A_254 = tpu.memref_slice %arg9[%run_scoped3A, %dma_wait3A_252, %dma_wait3A_253] : memref<3x128x128xf32, #tpu.memory_space<vmem>> -> memref<1x128x128xf32, #tpu.memory_space<vmem>>
        %dma_wait3A_255 = tpu.memref_squeeze %dma_wait3A_254 : memref<1x128x128xf32, #tpu.memory_space<vmem>> -> memref<128x128xf32, #tpu.memory_space<vmem>>
        %dma_wait3A_256 = arith.constant 0 : i32
        %dma_wait3A_257 = tpu.memref_slice %arg8[%run_scoped3A_240, %dma_wait3A_256] : memref<3x128xi32, #tpu.memory_space<vmem>> -> memref<1x128xi32, #tpu.memory_space<vmem>>
        %dma_wait3A_258 = tpu.memref_squeeze %dma_wait3A_257 : memref<1x128xi32, #tpu.memory_space<vmem>> -> memref<128xi32, #tpu.memory_space<vmem>>
        %dma_wait3A_259 = arith.constant 0 : i32
        %dma_wait3A_260 = arith.constant 0 : i32
        %dma_wait3A_261 = tpu.memref_slice %arg6[%dma_wait3A_259, %dma_wait3A_260] : memref<10000x128xf32, #tpu.memory_space<vmem_shared>> -> memref<10000x128xf32, #tpu.memory_space<vmem_shared>>
        tpu.wait_indirect_dma semaphore(%run_scoped3A_241 : memref<!tpu.dma_semaphore, #tpu.memory_space<semaphore_mem>>) src(%dma_wait3A_255 : memref<128x128xf32, #tpu.memory_space<vmem>>) dst(%dma_wait3A_261 : memref<10000x128xf32, #tpu.memory_space<vmem_shared>>)
        tpu.yield
      }) : () -> ()
    } else {
    }
    %barrier3A_134 = arith.constant 0 : index
    tpu.barrier barrier_id(%barrier3A_134)
    %lt3A_135 = arith.constant 15 : i32
    %lt3A_136 = arith.cmpi slt, %arg1, %lt3A_135 : i32
    %convert_element_type3A_137 = arith.extui %lt3A_136 : i1 to i32
    %cond3A_138 = arith.constant 0 : i32
    %cond3A_139 = arith.cmpi ne, %convert_element_type3A_137, %cond3A_138 : i32
    scf.if %cond3A_139 {
      %mul3A_145 = arith.constant 624 : i32
      %mul3A_146 = arith.muli %arg1, %mul3A_145 : i32
      "tpu.region"() ({
        %run_scoped3A = tpu.sem_alloc : memref<!tpu.dma_semaphore, #tpu.memory_space<semaphore_mem>>
        %dma_start3A_147 = arith.constant 0 : i32
        %dma_start3A_148 = tpu.memref_slice %arg5[%arg0, %mul3A_146, %dma_start3A_147] : memref<2x10000x128xf32, #tpu.memory_space<hbm>> -> memref<1x624x128xf32, #tpu.memory_space<hbm>>
        %dma_start3A_149 = tpu.memref_squeeze %dma_start3A_148 : memref<1x624x128xf32, #tpu.memory_space<hbm>> -> memref<624x128xf32, #tpu.memory_space<hbm>>
        %dma_start3A_150 = arith.constant 0 : i32
        %dma_start3A_151 = tpu.memref_slice %arg6[%mul3A_146, %dma_start3A_150] : memref<10000x128xf32, #tpu.memory_space<vmem_shared>> -> memref<624x128xf32, #tpu.memory_space<vmem_shared>>
        tpu.enqueue_dma source(%dma_start3A_151 : memref<624x128xf32, #tpu.memory_space<vmem_shared>>) target(%dma_start3A_149 : memref<624x128xf32, #tpu.memory_space<hbm>>) target_semaphore(%run_scoped3A : memref<!tpu.dma_semaphore, #tpu.memory_space<semaphore_mem>>)
        %dma_wait3A_152 = arith.constant 0 : i32
        %dma_wait3A_153 = tpu.memref_slice %arg5[%arg0, %mul3A_146, %dma_wait3A_152] : memref<2x10000x128xf32, #tpu.memory_space<hbm>> -> memref<1x624x128xf32, #tpu.memory_space<hbm>>
        %dma_wait3A_154 = tpu.memref_squeeze %dma_wait3A_153 : memref<1x624x128xf32, #tpu.memory_space<hbm>> -> memref<624x128xf32, #tpu.memory_space<hbm>>
        %dma_wait3A_155 = arith.constant 0 : i32
        %dma_wait3A_156 = tpu.memref_slice %arg6[%mul3A_146, %dma_wait3A_155] : memref<10000x128xf32, #tpu.memory_space<vmem_shared>> -> memref<624x128xf32, #tpu.memory_space<vmem_shared>>
        tpu.wait_dma2 semaphore(%run_scoped3A : memref<!tpu.dma_semaphore, #tpu.memory_space<semaphore_mem>>) src(%dma_wait3A_156 : memref<624x128xf32, #tpu.memory_space<vmem_shared>>) dst(%dma_wait3A_154 : memref<624x128xf32, #tpu.memory_space<hbm>>)
        tpu.yield
      }) : () -> ()
    } else {
    }
    %eq3A_140 = arith.constant 15 : i32
    %eq3A_141 = arith.cmpi eq, %arg1, %eq3A_140 : i32
    %convert_element_type3A_142 = arith.extui %eq3A_141 : i1 to i32
    %cond3A_143 = arith.constant 0 : i32
    %cond3A_144 = arith.cmpi ne, %convert_element_type3A_142, %cond3A_143 : i32
    scf.if %cond3A_144 {
      "tpu.region"() ({
        %run_scoped3A = tpu.sem_alloc : memref<!tpu.dma_semaphore, #tpu.memory_space<semaphore_mem>>
        %dma_start3A_145 = arith.constant 9360 : i32
        %dma_start3A_146 = arith.constant 0 : i32
        %dma_start3A_147 = tpu.memref_slice %arg5[%arg0, %dma_start3A_145, %dma_start3A_146] : memref<2x10000x128xf32, #tpu.memory_space<hbm>> -> memref<1x640x128xf32, #tpu.memory_space<hbm>>
        %dma_start3A_148 = tpu.memref_squeeze %dma_start3A_147 : memref<1x640x128xf32, #tpu.memory_space<hbm>> -> memref<640x128xf32, #tpu.memory_space<hbm>>
        %dma_start3A_149 = arith.constant 9360 : i32
        %dma_start3A_150 = arith.constant 0 : i32
        %dma_start3A_151 = tpu.memref_slice %arg6[%dma_start3A_149, %dma_start3A_150] : memref<10000x128xf32, #tpu.memory_space<vmem_shared>> -> memref<640x128xf32, #tpu.memory_space<vmem_shared>>
        tpu.enqueue_dma source(%dma_start3A_151 : memref<640x128xf32, #tpu.memory_space<vmem_shared>>) target(%dma_start3A_148 : memref<640x128xf32, #tpu.memory_space<hbm>>) target_semaphore(%run_scoped3A : memref<!tpu.dma_semaphore, #tpu.memory_space<semaphore_mem>>)
        %dma_wait3A_152 = arith.constant 9360 : i32
        %dma_wait3A_153 = arith.constant 0 : i32
        %dma_wait3A_154 = tpu.memref_slice %arg5[%arg0, %dma_wait3A_152, %dma_wait3A_153] : memref<2x10000x128xf32, #tpu.memory_space<hbm>> -> memref<1x640x128xf32, #tpu.memory_space<hbm>>
        %dma_wait3A_155 = tpu.memref_squeeze %dma_wait3A_154 : memref<1x640x128xf32, #tpu.memory_space<hbm>> -> memref<640x128xf32, #tpu.memory_space<hbm>>
        %dma_wait3A_156 = arith.constant 9360 : i32
        %dma_wait3A_157 = arith.constant 0 : i32
        %dma_wait3A_158 = tpu.memref_slice %arg6[%dma_wait3A_156, %dma_wait3A_157] : memref<10000x128xf32, #tpu.memory_space<vmem_shared>> -> memref<640x128xf32, #tpu.memory_space<vmem_shared>>
        tpu.wait_dma2 semaphore(%run_scoped3A : memref<!tpu.dma_semaphore, #tpu.memory_space<semaphore_mem>>) src(%dma_wait3A_158 : memref<640x128xf32, #tpu.memory_space<vmem_shared>>) dst(%dma_wait3A_155 : memref<640x128xf32, #tpu.memory_space<hbm>>)
        tpu.yield
      }) : () -> ()
    } else {
    }
    return
  }
}

#map = affine_map<(d0, d1) -> (0)>
#map1 = affine_map<(d0, d1) -> (0, 0)>
module attributes {stable_mosaic.version = 14 : i64} {
  func.func @deg_kernel(%arg0: i32, %arg1: i32, %arg2: memref<640000xi32, #tpu.memory_space<hbm>>, %arg3: memref<32x10000xf32, #tpu.memory_space<hbm>>, %arg4: memref<10000xf32, #tpu.memory_space<vmem>>, %arg5: memref<2000xi32, #tpu.memory_space<vmem>>) attributes {dimension_semantics = [#tpu.dimension_semantics<core_parallel>, #tpu.dimension_semantics<subcore_parallel>], iteration_bounds = array<i64: 2, 16>, scalar_prefetch = 0 : i64, scratch_operands = 2 : i64, tpu.core_type = #tpu.core_type<sc_vector_subcore>, window_params = [{transform_indices = #map}, {transform_indices = #map1}]} {
    %mul3A = arith.constant 16 : i32
    %mul3A_0 = arith.muli %arg0, %mul3A : i32
    %add3A = arith.addi %mul3A_0, %arg1 : i32
    %scan3A = arith.constant 0 : i32
    %scan3A_1 = arith.constant 0 : i32
    %scan3A_2 = arith.constant 625 : i32
    %scan3A_3 = arith.addi %scan3A_1, %scan3A_2 : i32
    %scan3A_4 = arith.constant 1 : i32
    scf.for %scan3A_15 = %scan3A_1 to %scan3A_3 step %scan3A_4  : i32 {
      %broadcast_in_dim3A_16 = arith.constant 0.000000e+00 : f32
      %broadcast_in_dim3A_17 = vector.broadcast %broadcast_in_dim3A_16 : f32 to vector<16xf32>
      %mul3A_18 = arith.constant 16 : i32
      %mul3A_19 = arith.muli %scan3A_15, %mul3A_18 : i32
      %swap3A = arith.index_cast %mul3A_19 : i32 to index
      %swap3A_20 = tpu.vector_load %arg4[%swap3A] {strides = array<i32>} : memref<10000xf32, #tpu.memory_space<vmem>>, vector<16xf32>,
      tpu.vector_store %arg4[%swap3A], %broadcast_in_dim3A_17 {strides = array<i32>} : memref<10000xf32, #tpu.memory_space<vmem>>, vector<16xf32>,
    }
    %scan3A_5 = arith.constant 625 : i32
    %mul3A_6 = arith.constant 10000 : i32
    %mul3A_7 = arith.muli %add3A, %mul3A_6 : i32
    %broadcast_in_dim3A = arith.constant 1.000000e+00 : f32
    %broadcast_in_dim3A_8 = vector.broadcast %broadcast_in_dim3A : f32 to vector<16xf32>
    %scan3A_9 = arith.constant 0 : i32
    %scan3A_10 = arith.constant 0 : i32
    %scan3A_11 = arith.constant 5 : i32
    %scan3A_12 = arith.addi %scan3A_10, %scan3A_11 : i32
    %scan3A_13 = arith.constant 1 : i32
    scf.for %scan3A_15 = %scan3A_10 to %scan3A_12 step %scan3A_13  : i32 {
      %add3A_16 = arith.constant 320000 : i32
      %add3A_17 = arith.addi %add3A_16, %mul3A_7 : i32
      %mul3A_18 = arith.constant 2000 : i32
      %mul3A_19 = arith.muli %scan3A_15, %mul3A_18 : i32
      %add3A_20 = arith.addi %add3A_17, %mul3A_19 : i32
      "tpu.region"() ({
        %run_scoped3A = tpu.sem_alloc : memref<!tpu.dma_semaphore, #tpu.memory_space<semaphore_mem>>
        %dma_start3A = tpu.memref_slice %arg2[%add3A_20] : memref<640000xi32, #tpu.memory_space<hbm>> -> memref<2000xi32, #tpu.memory_space<hbm>>
        %dma_start3A_27 = tpu.memref_slice %arg2[%add3A_20] : memref<640000xi32, #tpu.memory_space<hbm>> -> memref<2000xi32, #tpu.memory_space<hbm>>
        tpu.enqueue_dma source(%dma_start3A_27 : memref<2000xi32, #tpu.memory_space<hbm>>) target(%arg5 : memref<2000xi32, #tpu.memory_space<vmem>>) target_semaphore(%run_scoped3A : memref<!tpu.dma_semaphore, #tpu.memory_space<semaphore_mem>>)
        %dma_wait3A = tpu.memref_slice %arg2[%add3A_20] : memref<640000xi32, #tpu.memory_space<hbm>> -> memref<2000xi32, #tpu.memory_space<hbm>>
        %dma_wait3A_28 = tpu.memref_slice %arg2[%add3A_20] : memref<640000xi32, #tpu.memory_space<hbm>> -> memref<2000xi32, #tpu.memory_space<hbm>>
        tpu.wait_dma2 semaphore(%run_scoped3A : memref<!tpu.dma_semaphore, #tpu.memory_space<semaphore_mem>>) src(%dma_wait3A_28 : memref<2000xi32, #tpu.memory_space<hbm>>) dst(%arg5 : memref<2000xi32, #tpu.memory_space<vmem>>)
        tpu.yield
      }) : () -> ()
      %scan3A_21 = arith.constant 0 : i32
      %scan3A_22 = arith.constant 0 : i32
      %scan3A_23 = arith.constant 125 : i32
      %scan3A_24 = arith.addi %scan3A_22, %scan3A_23 : i32
      %scan3A_25 = arith.constant 1 : i32
      scf.for %scan3A_27 = %scan3A_22 to %scan3A_24 step %scan3A_25  : i32 {
        %mul3A_28 = arith.constant 16 : i32
        %mul3A_29 = arith.muli %scan3A_27, %mul3A_28 : i32
        %get3A = arith.index_cast %mul3A_29 : i32 to index
        %get3A_30 = tpu.vector_load %arg5[%get3A] {strides = array<i32>} : memref<2000xi32, #tpu.memory_space<vmem>>, vector<16xi32>,
        tpu.vector_store_idx %arg4[%get3A_30], %broadcast_in_dim3A_8 {add = true} : memref<10000xf32, #tpu.memory_space<vmem>>[vector<16xi32>], vector<16xf32>,
      }
      %scan3A_26 = arith.constant 125 : i32
    }
    %scan3A_14 = arith.constant 5 : i32
    "tpu.region"() ({
      %run_scoped3A = tpu.sem_alloc : memref<!tpu.dma_semaphore, #tpu.memory_space<semaphore_mem>>
      %dma_start3A = arith.constant 0 : i32
      %dma_start3A_15 = tpu.memref_slice %arg3[%add3A, %dma_start3A] : memref<32x10000xf32, #tpu.memory_space<hbm>> -> memref<1x10000xf32, #tpu.memory_space<hbm>>
      %dma_start3A_16 = tpu.memref_squeeze %dma_start3A_15 : memref<1x10000xf32, #tpu.memory_space<hbm>> -> memref<10000xf32, #tpu.memory_space<hbm>>
      %dma_start3A_17 = arith.constant 0 : i32
      %dma_start3A_18 = tpu.memref_slice %arg3[%add3A, %dma_start3A_17] : memref<32x10000xf32, #tpu.memory_space<hbm>> -> memref<1x10000xf32, #tpu.memory_space<hbm>>
      %dma_start3A_19 = tpu.memref_squeeze %dma_start3A_18 : memref<1x10000xf32, #tpu.memory_space<hbm>> -> memref<10000xf32, #tpu.memory_space<hbm>>
      tpu.enqueue_dma source(%arg4 : memref<10000xf32, #tpu.memory_space<vmem>>) target(%dma_start3A_19 : memref<10000xf32, #tpu.memory_space<hbm>>) target_semaphore(%run_scoped3A : memref<!tpu.dma_semaphore, #tpu.memory_space<semaphore_mem>>)
      %dma_wait3A = arith.constant 0 : i32
      %dma_wait3A_20 = tpu.memref_slice %arg3[%add3A, %dma_wait3A] : memref<32x10000xf32, #tpu.memory_space<hbm>> -> memref<1x10000xf32, #tpu.memory_space<hbm>>
      %dma_wait3A_21 = tpu.memref_squeeze %dma_wait3A_20 : memref<1x10000xf32, #tpu.memory_space<hbm>> -> memref<10000xf32, #tpu.memory_space<hbm>>
      %dma_wait3A_22 = arith.constant 0 : i32
      %dma_wait3A_23 = tpu.memref_slice %arg3[%add3A, %dma_wait3A_22] : memref<32x10000xf32, #tpu.memory_space<hbm>> -> memref<1x10000xf32, #tpu.memory_space<hbm>>
      %dma_wait3A_24 = tpu.memref_squeeze %dma_wait3A_23 : memref<1x10000xf32, #tpu.memory_space<hbm>> -> memref<10000xf32, #tpu.memory_space<hbm>>
      tpu.wait_dma2 semaphore(%run_scoped3A : memref<!tpu.dma_semaphore, #tpu.memory_space<semaphore_mem>>) src(%arg4 : memref<10000xf32, #tpu.memory_space<vmem>>) dst(%dma_wait3A_24 : memref<10000xf32, #tpu.memory_space<hbm>>)
      tpu.yield
    }) : () -> ()
    return
  }
}

module attributes {stable_mosaic.version = 14 : i64} {
  func.func @_dinv_body(%arg0: i32, %arg1: memref<32x10000xf32, #tpu.memory_space<vmem>>, %arg2: memref<10000x1xf32, #tpu.memory_space<vmem>>) attributes {dimension_semantics = [#tpu.dimension_semantics<arbitrary>], iteration_bounds = array<i64: 1>, scalar_prefetch = 0 : i64, scratch_operands = 0 : i64, tpu.core_type = #tpu.core_type<tc>, window_params = [{pipeline_mode = #tpu.pipeline_mode<synchronous>, transform_indices = @transform_0, window_bounds = array<i64: 32, 10000>}, {pipeline_mode = #tpu.pipeline_mode<synchronous>, transform_indices = @transform_1, window_bounds = array<i64: 10000, 1>}]} {
    %get3A = arith.constant 0 : index
    %get3A_0 = arith.constant 0 : index
    %get3A_1 = vector.load %arg1[%get3A, %get3A_0] : memref<32x10000xf32, #tpu.memory_space<vmem>>, vector<32x10000xf32>
    %reduce_sum3A = arith.constant dense<0.000000e+00> : vector<10000xf32>
    %reduce_sum3A_2 = vector.multi_reduction <add>, %get3A_1, %reduce_sum3A [0] : vector<32x10000xf32> to vector<10000xf32>
    %add3A = arith.constant 1.000000e+00 : f32
    %add3A_3 = vector.broadcast %add3A : f32 to vector<10000xf32>
    %add3A_4 = arith.addf %reduce_sum3A_2, %add3A_3 : vector<10000xf32>
    %rsqrt3A = math.rsqrt %add3A_4 : vector<10000xf32>
    %broadcast_in_dim3A = vector.shape_cast %rsqrt3A : vector<10000xf32> to vector<10000x1xf32>
    %swap3A = arith.constant 0 : index
    %swap3A_5 = arith.constant 0 : index
    %swap3A_6 = vector.load %arg2[%swap3A, %swap3A_5] : memref<10000x1xf32, #tpu.memory_space<vmem>>, vector<10000x1xf32>
    tpu.vector_store %arg2[%swap3A, %swap3A_5], %broadcast_in_dim3A {strides = array<i32>} : memref<10000x1xf32, #tpu.memory_space<vmem>>, vector<10000x1xf32>,
    return
  }
  func.func @transform_0(%arg0: i32) -> (i32, i32) {
    %c0_i32 = arith.constant 0 : i32
    %c0_i32_0 = arith.constant 0 : i32
    %c0_i32_1 = arith.constant 0 : i32
    return %c0_i32, %c0_i32_0 : i32, i32
  }
  func.func @transform_1(%arg0: i32) -> (i32, i32) {
    %c0_i32 = arith.constant 0 : i32
    %c0_i32_0 = arith.constant 0 : i32
    %c0_i32_1 = arith.constant 0 : i32
    return %c0_i32, %c0_i32_0 : i32, i32
  }
}

module attributes {stable_mosaic.version = 14 : i64} {
  func.func @_mm_first_body(%arg0: i32, %arg1: memref<2000x128xf32, #tpu.memory_space<vmem>>, %arg2: memref<128x128xf32, #tpu.memory_space<vmem>>, %arg3: memref<2000x1xf32, #tpu.memory_space<vmem>>, %arg4: memref<2000x128xf32, #tpu.memory_space<vmem>>) attributes {dimension_semantics = [#tpu.dimension_semantics<arbitrary>], iteration_bounds = array<i64: 5>, scalar_prefetch = 0 : i64, scratch_operands = 0 : i64, tpu.core_type = #tpu.core_type<tc>, window_params = [{transform_indices = @transform_0, window_bounds = array<i64: 2000, 128>}, {pipeline_mode = #tpu.pipeline_mode<synchronous>, transform_indices = @transform_1, window_bounds = array<i64: 128, 128>}, {transform_indices = @transform_2, window_bounds = array<i64: 2000, 1>}, {transform_indices = @transform_3, window_bounds = array<i64: 2000, 128>}]} {
    %get3A = arith.constant 0 : index
    %get3A_0 = arith.constant 0 : index
    %get3A_1 = vector.load %arg3[%get3A, %get3A_0] : memref<2000x1xf32, #tpu.memory_space<vmem>>, vector<2000x1xf32>
    %get3A_2 = arith.constant 0 : index
    %get3A_3 = arith.constant 0 : index
    %get3A_4 = vector.load %arg1[%get3A_2, %get3A_3] : memref<2000x128xf32, #tpu.memory_space<vmem>>, vector<2000x128xf32>
    %get3A_5 = arith.constant 0 : index
    %get3A_6 = arith.constant 0 : index
    %get3A_7 = vector.load %arg2[%get3A_5, %get3A_6] : memref<128x128xf32, #tpu.memory_space<vmem>>, vector<128x128xf32>
    %dot_general3A = arith.constant dense<0.000000e+00> : vector<2000x128xf32>
    %dot_general3A_8 = tpu.matmul %get3A_4, %get3A_7, %dot_general3A {dimension_numbers = #tpu.dot_dimension_numbers<[1], [0], [0], [1], [0, 0, 1, 1], [], []>, transpose_lhs_hint = false} : vector<2000x128xf32>, vector<128x128xf32>, vector<2000x128xf32> -> vector<2000x128xf32>
    %mul3A = vector.broadcast %get3A_1 : vector<2000x1xf32> to vector<2000x128xf32>
    %mul3A_9 = arith.mulf %mul3A, %dot_general3A_8 : vector<2000x128xf32>
    %swap3A = arith.constant 0 : index
    %swap3A_10 = arith.constant 0 : index
    %swap3A_11 = vector.load %arg4[%swap3A, %swap3A_10] : memref<2000x128xf32, #tpu.memory_space<vmem>>, vector<2000x128xf32>
    tpu.vector_store %arg4[%swap3A, %swap3A_10], %mul3A_9 {strides = array<i32>} : memref<2000x128xf32, #tpu.memory_space<vmem>>, vector<2000x128xf32>,
    return
  }
  func.func @transform_0(%arg0: i32) -> (i32, i32) {
    %c0_i32 = arith.constant 0 : i32
    %c0_i32_0 = arith.constant 0 : i32
    return %arg0, %c0_i32 : i32, i32
  }
  func.func @transform_1(%arg0: i32) -> (i32, i32) {
    %c0_i32 = arith.constant 0 : i32
    %c0_i32_0 = arith.constant 0 : i32
    %c0_i32_1 = arith.constant 0 : i32
    return %c0_i32, %c0_i32_0 : i32, i32
  }
  func.func @transform_2(%arg0: i32) -> (i32, i32) {
    %c0_i32 = arith.constant 0 : i32
    %c0_i32_0 = arith.constant 0 : i32
    return %arg0, %c0_i32 : i32, i32
  }
  func.func @transform_3(%arg0: i32) -> (i32, i32) {
    %c0_i32 = arith.constant 0 : i32
    %c0_i32_0 = arith.constant 0 : i32
    return %arg0, %c0_i32 : i32, i32
  }
}

module attributes {stable_mosaic.version = 14 : i64} {
  func.func @_mm_mid_body(%arg0: i32, %arg1: memref<2x2000x128xf32, #tpu.memory_space<vmem>>, %arg2: memref<2000x1xf32, #tpu.memory_space<vmem>>, %arg3: memref<1x128xf32, #tpu.memory_space<vmem>>, %arg4: memref<128x128xf32, #tpu.memory_space<vmem>>, %arg5: memref<2000x128xf32, #tpu.memory_space<vmem>>) attributes {dimension_semantics = [#tpu.dimension_semantics<arbitrary>], iteration_bounds = array<i64: 5>, scalar_prefetch = 0 : i64, scratch_operands = 0 : i64, tpu.core_type = #tpu.core_type<tc>, window_params = [{transform_indices = @transform_0, window_bounds = array<i64: 2, 2000, 128>}, {transform_indices = @transform_1, window_bounds = array<i64: 2000, 1>}, {pipeline_mode = #tpu.pipeline_mode<synchronous>, transform_indices = @transform_2, window_bounds = array<i64: 1, 128>}, {pipeline_mode = #tpu.pipeline_mode<synchronous>, transform_indices = @transform_3, window_bounds = array<i64: 128, 128>}, {transform_indices = @transform_4, window_bounds = array<i64: 2000, 128>}]} {
    %get3A = arith.constant 0 : index
    %get3A_0 = arith.constant 0 : index
    %get3A_1 = vector.load %arg2[%get3A, %get3A_0] : memref<2000x1xf32, #tpu.memory_space<vmem>>, vector<2000x1xf32>
    %get3A_2 = arith.constant 0 : index
    %get3A_3 = arith.constant 0 : index
    %get3A_4 = arith.constant 0 : index
    %get3A_5 = vector.load %arg1[%get3A_2, %get3A_3, %get3A_4] : memref<2x2000x128xf32, #tpu.memory_space<vmem>>, vector<1x2000x128xf32>
    %get3A_6 = vector.shape_cast %get3A_5 : vector<1x2000x128xf32> to vector<2000x128xf32>
    %get3A_7 = arith.constant 1 : index
    %get3A_8 = arith.constant 0 : index
    %get3A_9 = arith.constant 0 : index
    %get3A_10 = vector.load %arg1[%get3A_7, %get3A_8, %get3A_9] : memref<2x2000x128xf32, #tpu.memory_space<vmem>>, vector<1x2000x128xf32>
    %get3A_11 = vector.shape_cast %get3A_10 : vector<1x2000x128xf32> to vector<2000x128xf32>
    %add3A = arith.addf %get3A_6, %get3A_11 : vector<2000x128xf32>
    %mul3A = vector.broadcast %get3A_1 : vector<2000x1xf32> to vector<2000x128xf32>
    %mul3A_12 = arith.mulf %mul3A, %add3A : vector<2000x128xf32>
    %get3A_13 = arith.constant 0 : index
    %get3A_14 = arith.constant 0 : index
    %get3A_15 = vector.load %arg3[%get3A_13, %get3A_14] : memref<1x128xf32, #tpu.memory_space<vmem>>, vector<1x128xf32>
    %add3A_16 = vector.broadcast %get3A_15 : vector<1x128xf32> to vector<2000x128xf32>
    %add3A_17 = arith.addf %mul3A_12, %add3A_16 : vector<2000x128xf32>
    %max3A = arith.constant 0.000000e+00 : f32
    %max3A_18 = vector.broadcast %max3A : f32 to vector<2000x128xf32>
    %max3A_19 = arith.maximumf %add3A_17, %max3A_18 : vector<2000x128xf32>
    %get3A_20 = arith.constant 0 : index
    %get3A_21 = arith.constant 0 : index
    %get3A_22 = vector.load %arg4[%get3A_20, %get3A_21] : memref<128x128xf32, #tpu.memory_space<vmem>>, vector<128x128xf32>
    %dot_general3A = arith.constant dense<0.000000e+00> : vector<2000x128xf32>
    %dot_general3A_23 = tpu.matmul %max3A_19, %get3A_22, %dot_general3A {dimension_numbers = #tpu.dot_dimension_numbers<[1], [0], [0], [1], [0, 0, 1, 1], [], []>, transpose_lhs_hint = false} : vector<2000x128xf32>, vector<128x128xf32>, vector<2000x128xf32> -> vector<2000x128xf32>
    %mul3A_24 = vector.broadcast %get3A_1 : vector<2000x1xf32> to vector<2000x128xf32>
    %mul3A_25 = arith.mulf %mul3A_24, %dot_general3A_23 : vector<2000x128xf32>
    %swap3A = arith.constant 0 : index
    %swap3A_26 = arith.constant 0 : index
    %swap3A_27 = vector.load %arg5[%swap3A, %swap3A_26] : memref<2000x128xf32, #tpu.memory_space<vmem>>, vector<2000x128xf32>
    tpu.vector_store %arg5[%swap3A, %swap3A_26], %mul3A_25 {strides = array<i32>} : memref<2000x128xf32, #tpu.memory_space<vmem>>, vector<2000x128xf32>,
    return
  }
  func.func @transform_0(%arg0: i32) -> (i32, i32, i32) {
    %c0_i32 = arith.constant 0 : i32
    %c0_i32_0 = arith.constant 0 : i32
    %c0_i32_1 = arith.constant 0 : i32
    return %c0_i32, %arg0, %c0_i32_0 : i32, i32, i32
  }
  func.func @transform_1(%arg0: i32) -> (i32, i32) {
    %c0_i32 = arith.constant 0 : i32
    %c0_i32_0 = arith.constant 0 : i32
    return %arg0, %c0_i32 : i32, i32
  }
  func.func @transform_2(%arg0: i32) -> (i32, i32) {
    %c0_i32 = arith.constant 0 : i32
    %c0_i32_0 = arith.constant 0 : i32
    %c0_i32_1 = arith.constant 0 : i32
    return %c0_i32, %c0_i32_0 : i32, i32
  }
  func.func @transform_3(%arg0: i32) -> (i32, i32) {
    %c0_i32 = arith.constant 0 : i32
    %c0_i32_0 = arith.constant 0 : i32
    %c0_i32_1 = arith.constant 0 : i32
    return %c0_i32, %c0_i32_0 : i32, i32
  }
  func.func @transform_4(%arg0: i32) -> (i32, i32) {
    %c0_i32 = arith.constant 0 : i32
    %c0_i32_0 = arith.constant 0 : i32
    return %arg0, %c0_i32 : i32, i32
  }
}

module attributes {stable_mosaic.version = 14 : i64} {
  func.func @_mm_mid_body(%arg0: i32, %arg1: memref<2x2000x128xf32, #tpu.memory_space<vmem>>, %arg2: memref<2000x1xf32, #tpu.memory_space<vmem>>, %arg3: memref<1x128xf32, #tpu.memory_space<vmem>>, %arg4: memref<128x16xf32, #tpu.memory_space<vmem>>, %arg5: memref<2000x16xf32, #tpu.memory_space<vmem>>) attributes {dimension_semantics = [#tpu.dimension_semantics<arbitrary>], iteration_bounds = array<i64: 5>, scalar_prefetch = 0 : i64, scratch_operands = 0 : i64, tpu.core_type = #tpu.core_type<tc>, window_params = [{transform_indices = @transform_0, window_bounds = array<i64: 2, 2000, 128>}, {transform_indices = @transform_1, window_bounds = array<i64: 2000, 1>}, {pipeline_mode = #tpu.pipeline_mode<synchronous>, transform_indices = @transform_2, window_bounds = array<i64: 1, 128>}, {pipeline_mode = #tpu.pipeline_mode<synchronous>, transform_indices = @transform_3, window_bounds = array<i64: 128, 16>}, {transform_indices = @transform_4, window_bounds = array<i64: 2000, 16>}]} {
    %get3A = arith.constant 0 : index
    %get3A_0 = arith.constant 0 : index
    %get3A_1 = vector.load %arg2[%get3A, %get3A_0] : memref<2000x1xf32, #tpu.memory_space<vmem>>, vector<2000x1xf32>
    %get3A_2 = arith.constant 0 : index
    %get3A_3 = arith.constant 0 : index
    %get3A_4 = arith.constant 0 : index
    %get3A_5 = vector.load %arg1[%get3A_2, %get3A_3, %get3A_4] : memref<2x2000x128xf32, #tpu.memory_space<vmem>>, vector<1x2000x128xf32>
    %get3A_6 = vector.shape_cast %get3A_5 : vector<1x2000x128xf32> to vector<2000x128xf32>
    %get3A_7 = arith.constant 1 : index
    %get3A_8 = arith.constant 0 : index
    %get3A_9 = arith.constant 0 : index
    %get3A_10 = vector.load %arg1[%get3A_7, %get3A_8, %get3A_9] : memref<2x2000x128xf32, #tpu.memory_space<vmem>>, vector<1x2000x128xf32>
    %get3A_11 = vector.shape_cast %get3A_10 : vector<1x2000x128xf32> to vector<2000x128xf32>
    %add3A = arith.addf %get3A_6, %get3A_11 : vector<2000x128xf32>
    %mul3A = vector.broadcast %get3A_1 : vector<2000x1xf32> to vector<2000x128xf32>
    %mul3A_12 = arith.mulf %mul3A, %add3A : vector<2000x128xf32>
    %get3A_13 = arith.constant 0 : index
    %get3A_14 = arith.constant 0 : index
    %get3A_15 = vector.load %arg3[%get3A_13, %get3A_14] : memref<1x128xf32, #tpu.memory_space<vmem>>, vector<1x128xf32>
    %add3A_16 = vector.broadcast %get3A_15 : vector<1x128xf32> to vector<2000x128xf32>
    %add3A_17 = arith.addf %mul3A_12, %add3A_16 : vector<2000x128xf32>
    %max3A = arith.constant 0.000000e+00 : f32
    %max3A_18 = vector.broadcast %max3A : f32 to vector<2000x128xf32>
    %max3A_19 = arith.maximumf %add3A_17, %max3A_18 : vector<2000x128xf32>
    %get3A_20 = arith.constant 0 : index
    %get3A_21 = arith.constant 0 : index
    %get3A_22 = vector.load %arg4[%get3A_20, %get3A_21] : memref<128x16xf32, #tpu.memory_space<vmem>>, vector<128x16xf32>
    %dot_general3A = arith.constant dense<0.000000e+00> : vector<2000x16xf32>
    %dot_general3A_23 = tpu.matmul %max3A_19, %get3A_22, %dot_general3A {dimension_numbers = #tpu.dot_dimension_numbers<[1], [0], [0], [1], [0, 0, 1, 1], [], []>, transpose_lhs_hint = false} : vector<2000x128xf32>, vector<128x16xf32>, vector<2000x16xf32> -> vector<2000x16xf32>
    %mul3A_24 = vector.broadcast %get3A_1 : vector<2000x1xf32> to vector<2000x16xf32>
    %mul3A_25 = arith.mulf %mul3A_24, %dot_general3A_23 : vector<2000x16xf32>
    %swap3A = arith.constant 0 : index
    %swap3A_26 = arith.constant 0 : index
    %swap3A_27 = vector.load %arg5[%swap3A, %swap3A_26] : memref<2000x16xf32, #tpu.memory_space<vmem>>, vector<2000x16xf32>
    tpu.vector_store %arg5[%swap3A, %swap3A_26], %mul3A_25 {strides = array<i32>} : memref<2000x16xf32, #tpu.memory_space<vmem>>, vector<2000x16xf32>,
    return
  }
  func.func @transform_0(%arg0: i32) -> (i32, i32, i32) {
    %c0_i32 = arith.constant 0 : i32
    %c0_i32_0 = arith.constant 0 : i32
    %c0_i32_1 = arith.constant 0 : i32
    return %c0_i32, %arg0, %c0_i32_0 : i32, i32, i32
  }
  func.func @transform_1(%arg0: i32) -> (i32, i32) {
    %c0_i32 = arith.constant 0 : i32
    %c0_i32_0 = arith.constant 0 : i32
    return %arg0, %c0_i32 : i32, i32
  }
  func.func @transform_2(%arg0: i32) -> (i32, i32) {
    %c0_i32 = arith.constant 0 : i32
    %c0_i32_0 = arith.constant 0 : i32
    %c0_i32_1 = arith.constant 0 : i32
    return %c0_i32, %c0_i32_0 : i32, i32
  }
  func.func @transform_3(%arg0: i32) -> (i32, i32) {
    %c0_i32 = arith.constant 0 : i32
    %c0_i32_0 = arith.constant 0 : i32
    %c0_i32_1 = arith.constant 0 : i32
    return %c0_i32, %c0_i32_0 : i32, i32
  }
  func.func @transform_4(%arg0: i32) -> (i32, i32) {
    %c0_i32 = arith.constant 0 : i32
    %c0_i32_0 = arith.constant 0 : i32
    return %arg0, %c0_i32 : i32, i32
  }
}

module attributes {stable_mosaic.version = 14 : i64} {
  func.func @_final_body(%arg0: i32, %arg1: memref<2x2000x16xf32, #tpu.memory_space<vmem>>, %arg2: memref<2000x1xf32, #tpu.memory_space<vmem>>, %arg3: memref<1x16xf32, #tpu.memory_space<vmem>>, %arg4: memref<2000x16xf32, #tpu.memory_space<vmem>>) attributes {dimension_semantics = [#tpu.dimension_semantics<arbitrary>], iteration_bounds = array<i64: 5>, scalar_prefetch = 0 : i64, scratch_operands = 0 : i64, tpu.core_type = #tpu.core_type<tc>, window_params = [{transform_indices = @transform_0, window_bounds = array<i64: 2, 2000, 16>}, {transform_indices = @transform_1, window_bounds = array<i64: 2000, 1>}, {pipeline_mode = #tpu.pipeline_mode<synchronous>, transform_indices = @transform_2, window_bounds = array<i64: 1, 16>}, {transform_indices = @transform_3, window_bounds = array<i64: 2000, 16>}]} {
    %get3A = arith.constant 0 : index
    %get3A_0 = arith.constant 0 : index
    %get3A_1 = vector.load %arg2[%get3A, %get3A_0] : memref<2000x1xf32, #tpu.memory_space<vmem>>, vector<2000x1xf32>
    %get3A_2 = arith.constant 0 : index
    %get3A_3 = arith.constant 0 : index
    %get3A_4 = arith.constant 0 : index
    %get3A_5 = vector.load %arg1[%get3A_2, %get3A_3, %get3A_4] : memref<2x2000x16xf32, #tpu.memory_space<vmem>>, vector<1x2000x16xf32>
    %get3A_6 = vector.shape_cast %get3A_5 : vector<1x2000x16xf32> to vector<2000x16xf32>
    %get3A_7 = arith.constant 1 : index
    %get3A_8 = arith.constant 0 : index
    %get3A_9 = arith.constant 0 : index
    %get3A_10 = vector.load %arg1[%get3A_7, %get3A_8, %get3A_9] : memref<2x2000x16xf32, #tpu.memory_space<vmem>>, vector<1x2000x16xf32>
    %get3A_11 = vector.shape_cast %get3A_10 : vector<1x2000x16xf32> to vector<2000x16xf32>
    %add3A = arith.addf %get3A_6, %get3A_11 : vector<2000x16xf32>
    %mul3A = vector.broadcast %get3A_1 : vector<2000x1xf32> to vector<2000x16xf32>
    %mul3A_12 = arith.mulf %mul3A, %add3A : vector<2000x16xf32>
    %get3A_13 = arith.constant 0 : index
    %get3A_14 = arith.constant 0 : index
    %get3A_15 = vector.load %arg3[%get3A_13, %get3A_14] : memref<1x16xf32, #tpu.memory_space<vmem>>, vector<1x16xf32>
    %add3A_16 = vector.broadcast %get3A_15 : vector<1x16xf32> to vector<2000x16xf32>
    %add3A_17 = arith.addf %mul3A_12, %add3A_16 : vector<2000x16xf32>
    %max3A = arith.constant 0.000000e+00 : f32
    %max3A_18 = vector.broadcast %max3A : f32 to vector<2000x16xf32>
    %max3A_19 = arith.maximumf %add3A_17, %max3A_18 : vector<2000x16xf32>
    %swap3A = arith.constant 0 : index
    %swap3A_20 = arith.constant 0 : index
    %swap3A_21 = vector.load %arg4[%swap3A, %swap3A_20] : memref<2000x16xf32, #tpu.memory_space<vmem>>, vector<2000x16xf32>
    tpu.vector_store %arg4[%swap3A, %swap3A_20], %max3A_19 {strides = array<i32>} : memref<2000x16xf32, #tpu.memory_space<vmem>>, vector<2000x16xf32>,
    return
  }
  func.func @transform_0(%arg0: i32) -> (i32, i32, i32) {
    %c0_i32 = arith.constant 0 : i32
    %c0_i32_0 = arith.constant 0 : i32
    %c0_i32_1 = arith.constant 0 : i32
    return %c0_i32, %arg0, %c0_i32_0 : i32, i32, i32
  }
  func.func @transform_1(%arg0: i32) -> (i32, i32) {
    %c0_i32 = arith.constant 0 : i32
    %c0_i32_0 = arith.constant 0 : i32
    return %arg0, %c0_i32 : i32, i32
  }
  func.func @transform_2(%arg0: i32) -> (i32, i32) {
    %c0_i32 = arith.constant 0 : i32
    %c0_i32_0 = arith.constant 0 : i32
    %c0_i32_1 = arith.constant 0 : i32
    return %c0_i32, %c0_i32_0 : i32, i32
  }
  func.func @transform_3(%arg0: i32) -> (i32, i32) {
    %c0_i32 = arith.constant 0 : i32
    %c0_i32_0 = arith.constant 0 : i32
    return %arg0, %c0_i32 : i32, i32
  }
}

</mosaic_0001>

<sc_bundles>
// kernel: kernel.11.cloned.1.call-start
scs
__scs_entry_jumppad:
0x0: {  	(pc) =	sbr.rel $0x88, $3  }
0x1: {  	(tag) =	ssettag $0x0;
	lr =	simm.s32 $0x1  }
0x2: {  	[smem:$0x3F99] =	sst lr;
	_ =	strace $0xD0000000  }
0x3: {  	_ = 	snop  }
0x4: {  	_ = 	snop  }
0x5: {  	_ = 	snop  }
0x6: {  	_ = 	snop  }
0x7: {  	_ = 	snop  }
__scs_overlays_trampoline_lowered:
0x8: {  	[smem:$0x3FA8] =	sst s0  }
0x9: {  	[smem:$0x3FA9] =	sst s1  }
0xa: {  	[smem:$0x3FAA] =	sst s2  }
0xb: {  	[smem:$0x3FAB] =	sst s3  }
0xc: {  	[smem:$0x3FAC] =	sst s4  }
0xd: {  	[smem:$0x3FAD] =	sst s5  }
0xe: {  	[smem:$0x3FAE] =	sst s6  }
0xf: {  	[smem:$0x3FAF] =	sst s7  }
0x10: {  	[smem:$0x3FB0] =	sst s8  }
0x11: {  	[smem:$0x3FB1] =	sst s9;
	s0 =	simm.s32 @!p0 $0x0  }
0x12: {  	s1 =	sld [smem:$0x3F97];
	s0 =	simm.s32 @p0 $0x1  }
0x13: {  	[smem:$0x3FB2] =	sst s0;
	s0 =	simm.s32 @!p1 $0x0  }
0x14: {  	s2 =	sld [smem:$0x3F96];
	s0 =	simm.s32 @p1 $0x1  }
0x15: {  	[smem:$0x3FB3] =	sst s0;
	s0 =	simm.s32 @!p2 $0x0  }
0x16: {  	s3 =	sld [smem:$0x3FDB];
	s0 =	simm.s32 @p2 $0x1  }
0x17: {  	s4 =	simm.s32 $0x1BF5;
	[smem:$0x3FB5] =	sst s0  }
0x18: {  	s0 =	sld [smem:$0x3F98];
	_ =	swait.ge [sflag:s4], $0x0  }
0x19: {  	s7 =	sld [smem:$0x3F99]  }
0x1a: {  	s8 =	sadd.s32 $0xFFFFE003, lr  }
0x1b: {  	s9 =	sadd.s32 $0xFFFFFEF7, lr;
	s5 =	simm.s32 $0xFFFFFFFF;
	p2 =	slt.u32 s8, $0xFFFFF086  }
0x1c: {  	p1 =	slt.u32 s9, $0xF7A;
	s5 =	simm.s32 @!p2 $0x0  }
0x1d: {  	s5 =	simm.s32 @p1 $0x1;
	p0 =	seq.s32 s7, s2  }
0x1e: {  	s7 =	smul.u32 @!p0 $0xF7A, s2;
	p2 =	seq.s32 @!p0 s5, $0x0  }
0x1f: {  	s9 =	smul.u32 $0xF7A, s1;
	s8 =	simm.s32 @!p0 $0x1BF5;
	p2 =	por !p2, p0  }
0x20: {  	[sflag:s8] =	ssyncset.s32 @!p0 $0xFFFFF086;
	s6 =	sadd.s32 @!p0 s3, s7;
	s7 =	simm.s32 @!p0 $0x108  }
0x21: {  	s3 =	sadd.s32 s3, s9;
	s6 =	sadd.s32 @!p0 $0x88, s6;
	s7 =	simm.s32 @p2 $0x1082  }
0x22: {  	[simem:s7], [sflag:s8] =	dma.local @!p0 [hbm:s6], $0xF7A  }
0x23: {  	s9 =	sor.u32 $0xD0000000, s2;
	s6 =	simm.s32 $0x108;
	_ =	swait.ge @!p0 [sflag:s8], $0x0  }
0x24: {  	s3 =	sadd.s32 $0x88, s3;
	s6 =	simm.s32 @!p1 $0x1082;
	[sflag:s4] =	ssyncset.s32 $0xFFFFF086  }
0x25: {  	[simem:s6], [sflag:s4] =	dma.local [hbm:s3], $0xF7A  }
0x26: {  	[smem:$0x3F99] =	sst s1;
	(tag) =	ssettag s2;
	_ =	strace s9  }
0x27: {  	s1 =	sld [smem:$0x3FA9]  }
0x28: {  	s2 =	sld [smem:$0x3FAA]  }
0x29: {  	s4 =	sld [smem:$0x3FAC]  }
0x2a: {  	p0 =	seq.s32 s5, $0x0;
	s5 =	sld [smem:$0x3FAD]  }
0x2b: {  	s6 =	sld [smem:$0x3FAE]  }
0x2c: {  	s7 =	sld [smem:$0x3FAF]  }
0x2d: {  	s3 =	simm.s32 $0x108;
	s8 =	sld [smem:$0x3FB0]  }
0x2e: {  	s3 =	simm.s32 @!p0 $0x1082;
	s9 =	sld [smem:$0x3FB1]  }
0x2f: {  	lr =	sadd.s32 s0, s3;
	s0 =	sld [smem:$0x3FA8]  }
0x30: {  	s3 =	sld [smem:$0x3FAB]  }
0x31: {  	[smem:$0x3FB4] =	sst s10  }
0x32: {  	s10 =	sld [smem:$0x3FB2];
	_ =	sdelay $0x3  }
0x33: {  	p0 =	seq.s32 s10, $0x1;
	s10 =	sld [smem:$0x3FB4];
	_ =	sdelay $0x3  }
0x34: {  	[smem:$0x3FB4] =	sst s10  }
0x35: {  	s10 =	sld [smem:$0x3FB3];
	_ =	sdelay $0x3  }
0x36: {  	p1 =	seq.s32 s10, $0x1;
	s10 =	sld [smem:$0x3FB4];
	_ =	sdelay $0x3  }
0x37: {  	[smem:$0x3FB4] =	sst s10  }
0x38: {  	s10 =	sld [smem:$0x3FB5]  }
0x39: {  	_ = 	snop;
	(pc) =	sbr.ind lr, $3  }
0x3a: {  	_ = 	snop  }
0x3b: {  	_ = 	snop  }
0x3c: {  	p2 =	seq.s32 s10, $0x1;
	s10 =	sld [smem:$0x3FB4]  }
0x3d: {  	_ =	shalt  }
0x3e: {  	_ =	shalt  }
0x3f: {  	_ =	shalt  }
0x40: {  	_ =	shalt  }
0x41: {  	_ =	shalt  }
0x42: {  	_ =	shalt  }
0x43: {  	_ =	shalt  }
0x44: {  	_ =	shalt  }
0x45: {  	_ =	shalt  }
0x46: {  	_ =	shalt  }
0x47: {  	_ =	shalt  }
0x48: {  	_ =	shalt  }
0x49: {  	_ =	shalt  }
0x4a: {  	_ =	shalt  }
0x4b: {  	_ =	shalt  }
0x4c: {  	_ =	shalt  }
0x4d: {  	_ =	shalt  }
0x4e: {  	_ =	shalt  }
0x4f: {  	_ =	shalt  }
0x50: {  	_ =	shalt  }
0x51: {  	_ =	shalt  }
0x52: {  	_ =	shalt  }
0x53: {  	_ =	shalt  }
0x54: {  	_ =	shalt  }
0x55: {  	_ =	shalt  }
0x56: {  	_ =	shalt  }
0x57: {  	_ =	shalt  }
0x58: {  	_ =	shalt  }
0x59: {  	_ =	shalt  }
0x5a: {  	_ =	shalt  }
0x5b: {  	_ =	shalt  }
0x5c: {  	_ =	shalt  }
0x5d: {  	_ =	shalt  }
0x5e: {  	_ =	shalt  }
0x5f: {  	_ =	shalt  }
0x60: {  	_ =	shalt  }
0x61: {  	_ =	shalt  }
0x62: {  	_ =	shalt  }
0x63: {  	_ =	shalt  }
0x64: {  	_ =	shalt  }
0x65: {  	_ =	shalt  }
0x66: {  	_ =	shalt  }
0x67: {  	_ =	shalt  }
0x68: {  	_ =	shalt  }
0x69: {  	_ =	shalt  }
0x6a: {  	_ =	shalt  }
0x6b: {  	_ =	shalt  }
0x6c: {  	_ =	shalt  }
0x6d: {  	_ =	shalt  }
0x6e: {  	_ =	shalt  }
0x6f: {  	_ =	shalt  }
0x70: {  	_ =	shalt  }
0x71: {  	_ =	shalt  }
0x72: {  	_ =	shalt  }
0x73: {  	_ =	shalt  }
0x74: {  	_ =	shalt  }
0x75: {  	_ =	shalt  }
0x76: {  	_ =	shalt  }
0x77: {  	_ =	shalt  }
0x78: {  	_ =	shalt  }
0x79: {  	_ =	shalt  }
0x7a: {  	_ =	shalt  }
0x7b: {  	_ =	shalt  }
0x7c: {  	_ =	shalt  }
0x7d: {  	_ =	shalt  }
0x7e: {  	_ =	shalt  }
0x7f: {  	_ =	shalt  }
0x80: {  	_ =	shalt  }
0x81: {  	_ =	shalt  }
0x82: {  	_ =	shalt  }
0x83: {  	_ =	shalt  }
0x84: {  	_ =	shalt  }
0x85: {  	_ =	shalt  }
0x86: {  	_ =	shalt  }
0x87: {  	_ =	shalt  }
.Lfunc_end0:
.L_simem_size_0:
called_computation_lowered:
.L_overlay_start_0:
0x88: {  	s2 =	sld [smem:$0x3FD9]  }
0x89: {  	s3 =	sld [smem:$0x3FFE];
	_ =	sdelay $0x1  }
0x8a: {  	s1 =	srdreg.scid  }
0x8b: {  	s0 =	sand.u32 $0x1, s1  }
0x8c: {  	s16 =	sshll.u32 s0, $0xA;
	s2 =	sadd.s32 s3, s2  }
0x8d: {  	s2 =	sadd.s32 s2, s16  }
0x8e: {  	[smem:$0x3FC0] =	sst s2  }
0x8f: {  	_ = 	snop  }
0x90: {  	(tm) =	ssettm $0x1  }
0x91: {  	s17 =	sld [smem:$0x3FFB];
	_ =	sdelay $0x3  }
0x92: {  	_ =	strace s17  }
0x93: {  	s2 =	sld [smem:$0x3FFC];
	_ =	sdelay $0x3  }
0x94: {  	_ =	strace s2  }
0x95: {  	s2 =	sld [smem:$0x3FFD];
	_ =	sdelay $0x3  }
0x96: {  	_ =	strace s2  }
0x97: {  	_ =	strace $0x8FFFFFFF  }
0x98: {  	s18 =	sld [smem:$0x3FDB];
	_ =	sdelay $0x1  }
0x99: {  	s19 =	simm.s32 $_scs_section_size  }
0x9a: {  	s4 =	simm.s32 $_size__tile_overlayer_lowered;
	s5 =	simm.s32 $_tile_overlayer_lowered  }
0x9b: {  	s22 =	simm.s32 $0x1BFF;
	s21 =	sshll.u32 s5, $0x1;
	s2 =	sadd.s32 s19, s18  }
0x9c: {  	s6 =	simm.s32 $0x0;
	s20 =	sshll.u32 s4, $0x1;
	s4 =	sadd.s32 s21, s2  }
0x9d: {  	[timem:s6], [sflag:s22] =	dma.local [hbm:s4], s20  }
0x9e: {  	_ =	swait.ge [sflag:s22], s20  }
0x9f: {  	s3 =	ssub.s32 $0x0, s20;
	[sflag:s22] =	ssyncset.done $0x0  }
0xa0: {  	[sflag:s22] =	ssyncadd.s32 s3;
	_ =	sdelay $0x1  }
0xa1: {  	s23 =	simm.s32 $0x1B8B  }
0xa2: {  	_ =	swait.ge [sflag:s23], $0x1  }
0xa3: {  	[sflag:s23] =	ssyncset.done $0x0  }
0xa4: {  	s25 =	simm.s32 $0x1B8E;
	s24 =	sld [smem:$0x3FFE];
	[sflag:s23] =	ssyncadd.s32 $0xFFFFFFFF  }
0xa5: {  	s26 =	simm.s32 $execute0_lowered;
	[smem:$0x3FD2] =	sst s25  }
0xa6: {  	s4 =	sshll.u32 s26, $0x1;
	_ =	strace $0x80000046;
	[dreg:$0x1] =	wrdreg $0xFFFFFFFF  }
0xa7: {  	s28 =	simm.s32 $_size_execute0_lowered;
	s2 =	sadd.s32 s2, s4;
	[dreg:$0x0] =	wrdreg $0x0  }
0xa8: {  	s4 =	sshll.u32 s28, $0x1;
	[dreg:$0x2] =	wrdreg s2  }
0xa9: {  	[dreg:$0x3] =	wrdreg s4  }
0xaa: {  	[dreg:$0x4] =	wrdreg $0xC0  }
0xab: {  	_ =	task [dreg:s6], $0x5FFFF  }
0xac: {  	[dreg:$0x1] =	wrdreg $0xFFFFFFFF  }
0xad: {  	[dreg:$0x0] =	wrdreg $0x60  }
0xae: {  	[dreg:$0x2] =	wrdreg s24  }
0xaf: {  	[dreg:$0x3] =	wrdreg $0x9  }
0xb0: {  	_ =	task.clear_ibuf [dreg:s6], $0x4FFFF;
	_ =	strace $0x90000046  }
0xb1: {  	s29 =	simm.s32 $0x9;
	_ =	strace $0x80000048  }
0xb2: {  	_ =	swait.ge [sflag:s29], $0x1  }
0xb3: {  	[sflag:s29] =	ssyncadd.s32 $0xFFFFFFFF  }
0xb4: {  	_ =	strace $0x90000048  }
0xb5: {  	_ =	sfence  }
0xb6: {  	s30 =	sld [smem:$0x0];
	_ =	sdelay $0x2  }
0xb7: {  	s31 =	sshll.u32 s1, $0xD;
	s1 =	sshrl.u32 s1, $0x2  }
0xb8: {  	s3 =	sand.u32 $0x4000, s31;
	s1 =	sadd.s32 s1, s30  }
0xb9: {  	s0 =	sor.u32 s3, s0;
	s1 =	sshll.u32 s1, $0x11  }
0xba: {  	s0 =	sor.u32 s1, s0  }
0xbb: {  	s0 =	sadd.s32 $0x8F2B, s0  }
0xbc: {  	[sflag:s0] =	ssyncadd.remote.s32 $0x1  }
0xbd: {  	_ =	sfence.sel $0xFFFF  }
0xbe: {  	[dreg:$0x0] =	wrdreg $0xFFFFFFFF;
	(pc) =	sbr.abs _section_cstart, $3  }
0xbf: {  	[dreg:$0x1] =	wrdreg $0xFFFFFFFF  }
0xc0: {  	_ =	task.clear_ibuf [dreg:s6], $0x2FFFF;
	_ =	strace $0x9FFFFFFF  }
0xc1: {  	(tm) =	ssettm $0x7FFFFFFF  }
tec
execute0_lowered:
.L_overlay_start_1:
0x0: {  	(tag) =	ssettag $0x1  }
0x1: {  	s0 =	srdreg.scid;
	s4 =	rddreg [dreg:$0x0]  }
0x2: {  	s2 =	simm.s32 $0x0;
	s10 =	simm.s32 $0x2780;
	s11 =	simm.s32 $0x1  }
0x3: {  	s12 =	simm.s32 $0x80;
	s13 =	simm.s32 $0x400;
	s3 =	sand.u32 $0x1, s0  }
0x4: {  	s14 =	simm.s32 $0x0;
	s0 =	stileid.u32;
	s1 =	sshll.u32 s3, $0x4  }
0x5: {  	[smem:$0x7FF] =	sst s2;
	s7 =	sshll.u32 s0, $0x7;
	s5 =	sor.u32 s0, s1  }
0x6: {  	s3 =	ssub.s32 $0x2, s3;
	s6 =	sshrl.u32 s5, $0x3;
	s5 =	smul.u32 $0x2710, s5  }
0x7: {  	s1 =	rddreg [dreg:$0x1];
	s7 =	sand.u32 $0x380, s7;
	s6 =	smul.u32 $0x13C00, s6  }
0x8: {  	_ =	strace $0x80000047;
	s30 =	sshrl.u32 s3, $0x1;
	s5 =	sshrl.u32 s5, $0x3  }
0x9: {  	s31 =	ssub.s32 s3, s30;
	s6 =	sor.u32 s7, s6;
	s9 =	sadd.s32 s5, s4  }
0xa: {  	s6 =	sshrl.u32 s6, $0x3;
	s5 =	sadd.s32 $0xCA40, s9;
	s7 =	sadd.s32 $0xCC34, s9  }
0xb: {  	s8 =	sadd.s32 $0xCD2E, s9;
	s4 =	sadd.s32 s6, s4;
	s6 =	sadd.s32 $0xCB3A, s9  }
0xc: {  	v0 =	vimm.f32 $0.0e+00;
	v1 =	vimm.f32 $1.000000000e+00;
	s9 =	sadd.s32 $0xCE28, s9;
	s3 =	sadd.s32 $0x16800, s4;
	s4 =	smax.u32 s31, $0x1  }
.LBB2_1:
0xd: {  	s15 =	simm.s32 $0x40;
	s16 =	simm.s32 $0x0  }
.LBB2_2:
0xe: {  	p0 =	sne.s32 s15, $0x9C00;
	[tilespmem:s16+$0x0] =	vst v0;
	s16 =	smov.u32 s15;
	s15 =	sadd.s32 $0x40, s15  }
.Ltmp0:
0xf: {  	(pc) =	sbr.rel @p0 .LBB2_2-.Ltmp0, $2  }
0x10: {  	_ =	sdelay $0x2  }
0x11: {  	s16 =	sshra.s32 s16, $0x2  }
0x12: {  	[tilespmem:s16+$0x0] =	vst v0;
	s15 =	simm.s32 $0x0  }
0x13: {  	[tilespmem:s10], [sflag:$0x1] =	stream.linear.gather [hbm4b:s5+s15], $0x7D0, $0x38;
	[tilespmem:$0x2F80] =	vst v63  }
0x14: {  	_ =	swait.ge [sflag:s11], $0x7D0  }
0x15: {  	[sflag:s11] =	ssyncset.done $0x0  }
0x16: {  	s16 =	simm.s32 $0x0;
	s15 =	simm.s32 $0x40;
	[sflag:s11] =	ssyncadd.s32 $0xFFFFF830  }
.LBB2_4:
0x17: {  	p0 =	sne.s32 s15, $0x1F00;
	v2 =	vld [tilespmem:s16+$0x2780];
	_ =	sdelay $0x3  }
.Ltmp1:
0x18: {  	(pc) =	sbr.rel @p0 .LBB2_4-.Ltmp1, $2  }
0x19: {  	_ =	sdelay $0x2  }
0x1a: {  	s16 =	sshra.s32 s15, $0x2;
	s15 =	sadd.s32 $0x40, s15;
	[tilespmem:v2+s2+$0x0] =	vst.idx.add.f32.msk $0xffff, v1  }
0x1b: {  	v2 =	vld [tilespmem:s16+$0x2780];
	_ =	sdelay $0x7  }
0x1c: {  	s15 =	simm.s32 $0x0;
	[tilespmem:v2+s2+$0x0] =	vst.idx.add.f32.msk $0xffff, v1  }
0x1d: {  	[tilespmem:s10], [sflag:$0x1] =	stream.linear.gather [hbm4b:s6+s15], $0x7D0, $0x38;
	[tilespmem:$0x2F80] =	vst v63  }
0x1e: {  	_ =	swait.ge [sflag:s11], $0x7D0  }
0x1f: {  	[sflag:s11] =	ssyncset.done $0x0  }
0x20: {  	s16 =	simm.s32 $0x0;
	s15 =	simm.s32 $0x40;
	[sflag:s11] =	ssyncadd.s32 $0xFFFFF830  }
.LBB2_6:
0x21: {  	p0 =	sne.s32 s15, $0x1F00;
	v2 =	vld [tilespmem:s16+$0x2780];
	_ =	sdelay $0x3  }
.Ltmp2:
0x22: {  	(pc) =	sbr.rel @p0 .LBB2_6-.Ltmp2, $2  }
0x23: {  	_ =	sdelay $0x2  }
0x24: {  	s16 =	sshra.s32 s15, $0x2;
	s15 =	sadd.s32 $0x40, s15;
	[tilespmem:v2+s2+$0x0] =	vst.idx.add.f32.msk $0xffff, v1  }
0x25: {  	v2 =	vld [tilespmem:s16+$0x2780];
	_ =	sdelay $0x7  }
0x26: {  	s15 =	simm.s32 $0x0;
	[tilespmem:v2+s2+$0x0] =	vst.idx.add.f32.msk $0xffff, v1  }
0x27: {  	[tilespmem:s10], [sflag:$0x1] =	stream.linear.gather [hbm4b:s7+s15], $0x7D0, $0x38;
	[tilespmem:$0x2F80] =	vst v63  }
0x28: {  	_ =	swait.ge [sflag:s11], $0x7D0  }
0x29: {  	[sflag:s11] =	ssyncset.done $0x0  }
0x2a: {  	s16 =	simm.s32 $0x0;
	s15 =	simm.s32 $0x40;
	[sflag:s11] =	ssyncadd.s32 $0xFFFFF830  }
.LBB2_8:
0x2b: {  	p0 =	sne.s32 s15, $0x1F00;
	v2 =	vld [tilespmem:s16+$0x2780];
	_ =	sdelay $0x3  }
.Ltmp3:
0x2c: {  	(pc) =	sbr.rel @p0 .LBB2_8-.Ltmp3, $2  }
0x2d: {  	_ =	sdelay $0x2  }
0x2e: {  	s16 =	sshra.s32 s15, $0x2;
	s15 =	sadd.s32 $0x40, s15;
	[tilespmem:v2+s2+$0x0] =	vst.idx.add.f32.msk $0xffff, v1  }
0x2f: {  	v2 =	vld [tilespmem:s16+$0x2780];
	_ =	sdelay $0x7  }
0x30: {  	s15 =	simm.s32 $0x0;
	[tilespmem:v2+s2+$0x0] =	vst.idx.add.f32.msk $0xffff, v1  }
0x31: {  	[tilespmem:s10], [sflag:$0x1] =	stream.linear.gather [hbm4b:s8+s15], $0x7D0, $0x38;
	[tilespmem:$0x2F80] =	vst v63  }
0x32: {  	_ =	swait.ge [sflag:s11], $0x7D0  }
0x33: {  	[sflag:s11] =	ssyncset.done $0x0  }
0x34: {  	s16 =	simm.s32 $0x0;
	s15 =	simm.s32 $0x40;
	[sflag:s11] =	ssyncadd.s32 $0xFFFFF830  }
.LBB2_10:
0x35: {  	p0 =	sne.s32 s15, $0x1F00;
	v2 =	vld [tilespmem:s16+$0x2780];
	_ =	sdelay $0x3  }
.Ltmp4:
0x36: {  	(pc) =	sbr.rel @p0 .LBB2_10-.Ltmp4, $2  }
0x37: {  	_ =	sdelay $0x2  }
0x38: {  	s16 =	sshra.s32 s15, $0x2;
	s15 =	sadd.s32 $0x40, s15;
	[tilespmem:v2+s2+$0x0] =	vst.idx.add.f32.msk $0xffff, v1  }
0x39: {  	v2 =	vld [tilespmem:s16+$0x2780];
	_ =	sdelay $0x7  }
0x3a: {  	s15 =	simm.s32 $0x0;
	[tilespmem:v2+s2+$0x0] =	vst.idx.add.f32.msk $0xffff, v1  }
0x3b: {  	[tilespmem:s10], [sflag:$0x1] =	stream.linear.gather [hbm4b:s9+s15], $0x7D0, $0x38;
	[tilespmem:$0x2F80] =	vst v63  }
0x3c: {  	_ =	swait.ge [sflag:s11], $0x7D0  }
0x3d: {  	[sflag:s11] =	ssyncset.done $0x0  }
0x3e: {  	s16 =	simm.s32 $0x0;
	s15 =	simm.s32 $0x40;
	[sflag:s11] =	ssyncadd.s32 $0xFFFFF830  }
.LBB2_12:
0x3f: {  	p0 =	sne.s32 s15, $0x1F00;
	v2 =	vld [tilespmem:s16+$0x2780];
	_ =	sdelay $0x3  }
.Ltmp5:
0x40: {  	(pc) =	sbr.rel @p0 .LBB2_12-.Ltmp5, $2  }
0x41: {  	_ =	sdelay $0x2  }
0x42: {  	s16 =	sshra.s32 s15, $0x2;
	s15 =	sadd.s32 $0x40, s15;
	[tilespmem:v2+s2+$0x0] =	vst.idx.add.f32.msk $0xffff, v1  }
0x43: {  	v2 =	vld [tilespmem:s16+$0x2780];
	_ =	sdelay $0x5  }
0x44: {  	s14 =	sadd.s32 $0x1, s14  }
0x45: {  	p0 =	sne.s32 s14, s4  }
.Ltmp6:
0x46: {  	[tilespmem:v2+s2+$0x0] =	vst.idx.add.f32.msk $0xffff, v1;
	(pc) =	sbr.rel @p0 .LBB2_1-.Ltmp6, $4  }
0x47: {  	[hbm4b:s3+s12] =	stream.strided.scatter [tilespmem:s2], [sflag:$0x1], $0x2780, s13, s12, $0x38;
	[tilespmem:$0x2F80] =	vst v63  }
0x48: {  	_ =	swait.ge [sflag:s11], $0x2780  }
0x49: {  	[sflag:s11] =	ssyncset.done $0x0  }
0x4a: {  	[sflag:s11] =	ssyncadd.s32 $0xFFFFD880  }
0x4b: {  	_ =	sfence.sel $0x180000  }
0x4c: {  	[bflag:$0x0] =	sbarrier.arrive $0xFFFF  }
0x4d: {  	p0 =	sne.s32 s0, $0x0;
	_ =	strace $0x90000047  }
0x4e: {  	s0 =	sadd.s32 @!p0 $0x100000, s1;
	[bflag:$0x2] =	sbarrier.arrive $0xFFFF  }
0x4f: {  	[sflag:s0] =	ssyncadd.tile.s32 @!p0 $0x1;
	_ =	shalt  }
.Lfunc_end2:
_tile_overlayer_lowered:
.L_overlay_start_2:
0x50: {  	(tag) =	ssettag $0x2  }
0x51: {  	s0 =	rddreg [dreg:$0x0];
	s2 =	stileid.u32  }
0x52: {  	s1 =	rddreg [dreg:$0x1];
	p0 =	sne.s32 s2, $0x0  }
0x53: {  	s3 =	rddreg [dreg:$0x2];
	[bflag:$0x3] =	sbarrier.arrive $0xFFFF;
	s2 =	simm.s32 @!p0 $0x1C01  }
0x54: {  	[timem:s3], [sflag:s2] =	dma.local @!p0 [hbm:s0], s1  }
0x55: {  	s0 =	simm.s32 @!p0 $0x1  }
0x56: {  	_ =	swait.ge @!p0 [sflag:s0], s1  }
0x57: {  	s1 =	ssub.s32 @!p0 $0x0, s1;
	[sflag:s0] =	ssyncset.done @!p0 $0x0  }
0x58: {  	[sflag:s0] =	ssyncadd.s32 @!p0 s1  }
0x59: {  	[bflag:$0x3] =	sbarrier.arrive $0xFFFF  }
0x5a: {  	_ =	shalt  }

// kernel: kernel.14.cloned.1.call-start
scs
__scs_entry_jumppad:
0x0: {  	(pc) =	sbr.rel $0x88, $3  }
0x1: {  	(tag) =	ssettag $0x0;
	lr =	simm.s32 $0x1  }
0x2: {  	[smem:$0x3F99] =	sst lr;
	_ =	strace $0xD0000000  }
0x3: {  	_ = 	snop  }
0x4: {  	_ = 	snop  }
0x5: {  	_ = 	snop  }
0x6: {  	_ = 	snop  }
0x7: {  	_ = 	snop  }
__scs_overlays_trampoline_lowered:
0x8: {  	[smem:$0x3FA8] =	sst s0  }
0x9: {  	[smem:$0x3FA9] =	sst s1  }
0xa: {  	[smem:$0x3FAA] =	sst s2  }
0xb: {  	[smem:$0x3FAB] =	sst s3  }
0xc: {  	[smem:$0x3FAC] =	sst s4  }
0xd: {  	[smem:$0x3FAD] =	sst s5  }
0xe: {  	[smem:$0x3FAE] =	sst s6  }
0xf: {  	[smem:$0x3FAF] =	sst s7  }
0x10: {  	[smem:$0x3FB0] =	sst s8  }
0x11: {  	[smem:$0x3FB1] =	sst s9;
	s0 =	simm.s32 @!p0 $0x0  }
0x12: {  	s1 =	sld [smem:$0x3F97];
	s0 =	simm.s32 @p0 $0x1  }
0x13: {  	[smem:$0x3FB2] =	sst s0;
	s0 =	simm.s32 @!p1 $0x0  }
0x14: {  	s2 =	sld [smem:$0x3F96];
	s0 =	simm.s32 @p1 $0x1  }
0x15: {  	[smem:$0x3FB3] =	sst s0;
	s0 =	simm.s32 @!p2 $0x0  }
0x16: {  	s3 =	sld [smem:$0x3FDB];
	s0 =	simm.s32 @p2 $0x1  }
0x17: {  	s4 =	simm.s32 $0x1BF5;
	[smem:$0x3FB5] =	sst s0  }
0x18: {  	s0 =	sld [smem:$0x3F98];
	_ =	swait.ge [sflag:s4], $0x0  }
0x19: {  	s7 =	sld [smem:$0x3F99]  }
0x1a: {  	s8 =	sadd.s32 $0xFFFFE003, lr  }
0x1b: {  	s9 =	sadd.s32 $0xFFFFFEF7, lr;
	s5 =	simm.s32 $0xFFFFFFFF;
	p2 =	slt.u32 s8, $0xFFFFF086  }
0x1c: {  	p1 =	slt.u32 s9, $0xF7A;
	s5 =	simm.s32 @!p2 $0x0  }
0x1d: {  	s5 =	simm.s32 @p1 $0x1;
	p0 =	seq.s32 s7, s2  }
0x1e: {  	s7 =	smul.u32 @!p0 $0xF7A, s2;
	p2 =	seq.s32 @!p0 s5, $0x0  }
0x1f: {  	s9 =	smul.u32 $0xF7A, s1;
	s8 =	simm.s32 @!p0 $0x1BF5;
	p2 =	por !p2, p0  }
0x20: {  	[sflag:s8] =	ssyncset.s32 @!p0 $0xFFFFF086;
	s6 =	sadd.s32 @!p0 s3, s7;
	s7 =	simm.s32 @!p0 $0x108  }
0x21: {  	s3 =	sadd.s32 s3, s9;
	s6 =	sadd.s32 @!p0 $0x88, s6;
	s7 =	simm.s32 @p2 $0x1082  }
0x22: {  	[simem:s7], [sflag:s8] =	dma.local @!p0 [hbm:s6], $0xF7A  }
0x23: {  	s9 =	sor.u32 $0xD0000000, s2;
	s6 =	simm.s32 $0x108;
	_ =	swait.ge @!p0 [sflag:s8], $0x0  }
0x24: {  	s3 =	sadd.s32 $0x88, s3;
	s6 =	simm.s32 @!p1 $0x1082;
	[sflag:s4] =	ssyncset.s32 $0xFFFFF086  }
0x25: {  	[simem:s6], [sflag:s4] =	dma.local [hbm:s3], $0xF7A  }
0x26: {  	[smem:$0x3F99] =	sst s1;
	(tag) =	ssettag s2;
	_ =	strace s9  }
0x27: {  	s1 =	sld [smem:$0x3FA9]  }
0x28: {  	s2 =	sld [smem:$0x3FAA]  }
0x29: {  	s4 =	sld [smem:$0x3FAC]  }
0x2a: {  	p0 =	seq.s32 s5, $0x0;
	s5 =	sld [smem:$0x3FAD]  }
0x2b: {  	s6 =	sld [smem:$0x3FAE]  }
0x2c: {  	s7 =	sld [smem:$0x3FAF]  }
0x2d: {  	s3 =	simm.s32 $0x108;
	s8 =	sld [smem:$0x3FB0]  }
0x2e: {  	s3 =	simm.s32 @!p0 $0x1082;
	s9 =	sld [smem:$0x3FB1]  }
0x2f: {  	lr =	sadd.s32 s0, s3;
	s0 =	sld [smem:$0x3FA8]  }
0x30: {  	s3 =	sld [smem:$0x3FAB]  }
0x31: {  	[smem:$0x3FB4] =	sst s10  }
0x32: {  	s10 =	sld [smem:$0x3FB2];
	_ =	sdelay $0x3  }
0x33: {  	p0 =	seq.s32 s10, $0x1;
	s10 =	sld [smem:$0x3FB4];
	_ =	sdelay $0x3  }
0x34: {  	[smem:$0x3FB4] =	sst s10  }
0x35: {  	s10 =	sld [smem:$0x3FB3];
	_ =	sdelay $0x3  }
0x36: {  	p1 =	seq.s32 s10, $0x1;
	s10 =	sld [smem:$0x3FB4];
	_ =	sdelay $0x3  }
0x37: {  	[smem:$0x3FB4] =	sst s10  }
0x38: {  	s10 =	sld [smem:$0x3FB5]  }
0x39: {  	_ = 	snop;
	(pc) =	sbr.ind lr, $3  }
0x3a: {  	_ = 	snop  }
0x3b: {  	_ = 	snop  }
0x3c: {  	p2 =	seq.s32 s10, $0x1;
	s10 =	sld [smem:$0x3FB4]  }
0x3d: {  	_ =	shalt  }
0x3e: {  	_ =	shalt  }
0x3f: {  	_ =	shalt  }
0x40: {  	_ =	shalt  }
0x41: {  	_ =	shalt  }
0x42: {  	_ =	shalt  }
0x43: {  	_ =	shalt  }
0x44: {  	_ =	shalt  }
0x45: {  	_ =	shalt  }
0x46: {  	_ =	shalt  }
0x47: {  	_ =	shalt  }
0x48: {  	_ =	shalt  }
0x49: {  	_ =	shalt  }
0x4a: {  	_ =	shalt  }
0x4b: {  	_ =	shalt  }
0x4c: {  	_ =	shalt  }
0x4d: {  	_ =	shalt  }
0x4e: {  	_ =	shalt  }
0x4f: {  	_ =	shalt  }
0x50: {  	_ =	shalt  }
0x51: {  	_ =	shalt  }
0x52: {  	_ =	shalt  }
0x53: {  	_ =	shalt  }
0x54: {  	_ =	shalt  }
0x55: {  	_ =	shalt  }
0x56: {  	_ =	shalt  }
0x57: {  	_ =	shalt  }
0x58: {  	_ =	shalt  }
0x59: {  	_ =	shalt  }
0x5a: {  	_ =	shalt  }
0x5b: {  	_ =	shalt  }
0x5c: {  	_ =	shalt  }
0x5d: {  	_ =	shalt  }
0x5e: {  	_ =	shalt  }
0x5f: {  	_ =	shalt  }
0x60: {  	_ =	shalt  }
0x61: {  	_ =	shalt  }
0x62: {  	_ =	shalt  }
0x63: {  	_ =	shalt  }
0x64: {  	_ =	shalt  }
0x65: {  	_ =	shalt  }
0x66: {  	_ =	shalt  }
0x67: {  	_ =	shalt  }
0x68: {  	_ =	shalt  }
0x69: {  	_ =	shalt  }
0x6a: {  	_ =	shalt  }
0x6b: {  	_ =	shalt  }
0x6c: {  	_ =	shalt  }
0x6d: {  	_ =	shalt  }
0x6e: {  	_ =	shalt  }
0x6f: {  	_ =	shalt  }
0x70: {  	_ =	shalt  }
0x71: {  	_ =	shalt  }
0x72: {  	_ =	shalt  }
0x73: {  	_ =	shalt  }
0x74: {  	_ =	shalt  }
0x75: {  	_ =	shalt  }
0x76: {  	_ =	shalt  }
0x77: {  	_ =	shalt  }
0x78: {  	_ =	shalt  }
0x79: {  	_ =	shalt  }
0x7a: {  	_ =	shalt  }
0x7b: {  	_ =	shalt  }
0x7c: {  	_ =	shalt  }
0x7d: {  	_ =	shalt  }
0x7e: {  	_ =	shalt  }
0x7f: {  	_ =	shalt  }
0x80: {  	_ =	shalt  }
0x81: {  	_ =	shalt  }
0x82: {  	_ =	shalt  }
0x83: {  	_ =	shalt  }
0x84: {  	_ =	shalt  }
0x85: {  	_ =	shalt  }
0x86: {  	_ =	shalt  }
0x87: {  	_ =	shalt  }
.Lfunc_end0:
.L_simem_size_0:
called_computation.1_lowered:
.L_overlay_start_0:
0x88: {  	s2 =	sld [smem:$0x3FD9]  }
0x89: {  	s3 =	sld [smem:$0x3FFE];
	_ =	sdelay $0x1  }
0x8a: {  	s1 =	srdreg.scid  }
0x8b: {  	s0 =	sand.u32 $0x1, s1  }
0x8c: {  	s16 =	sshll.u32 s0, $0xA;
	s2 =	sadd.s32 s3, s2  }
0x8d: {  	s2 =	sadd.s32 s2, s16  }
0x8e: {  	[smem:$0x3FC0] =	sst s2  }
0x8f: {  	_ = 	snop  }
0x90: {  	(tm) =	ssettm $0x1  }
0x91: {  	s17 =	sld [smem:$0x3FFB];
	_ =	sdelay $0x3  }
0x92: {  	_ =	strace s17  }
0x93: {  	s2 =	sld [smem:$0x3FFC];
	_ =	sdelay $0x3  }
0x94: {  	_ =	strace s2  }
0x95: {  	s2 =	sld [smem:$0x3FFD];
	_ =	sdelay $0x3  }
0x96: {  	_ =	strace s2  }
0x97: {  	_ =	strace $0x8FFFFFFF  }
0x98: {  	s18 =	sld [smem:$0x3FDB];
	_ =	sdelay $0x1  }
0x99: {  	s19 =	simm.s32 $_scs_section_size  }
0x9a: {  	s4 =	simm.s32 $_size__tile_overlayer_lowered;
	s5 =	simm.s32 $_tile_overlayer_lowered  }
0x9b: {  	s22 =	simm.s32 $0x1BFF;
	s21 =	sshll.u32 s5, $0x1;
	s2 =	sadd.s32 s19, s18  }
0x9c: {  	s6 =	simm.s32 $0x0;
	s20 =	sshll.u32 s4, $0x1;
	s4 =	sadd.s32 s21, s2  }
0x9d: {  	[timem:s6], [sflag:s22] =	dma.local [hbm:s4], s20  }
0x9e: {  	_ =	swait.ge [sflag:s22], s20  }
0x9f: {  	s3 =	ssub.s32 $0x0, s20;
	[sflag:s22] =	ssyncset.done $0x0  }
0xa0: {  	[sflag:s22] =	ssyncadd.s32 s3;
	_ =	sdelay $0x1  }
0xa1: {  	s23 =	simm.s32 $0x1B8B  }
0xa2: {  	_ =	swait.ge [sflag:s23], $0x1  }
0xa3: {  	[sflag:s23] =	ssyncset.done $0x0  }
0xa4: {  	s25 =	simm.s32 $0x1B8E;
	s24 =	sld [smem:$0x3FFE];
	[sflag:s23] =	ssyncadd.s32 $0xFFFFFFFF  }
0xa5: {  	s26 =	simm.s32 $execute0_lowered;
	[smem:$0x3FD2] =	sst s25  }
0xa6: {  	s4 =	sshll.u32 s26, $0x1;
	_ =	strace $0x80000049;
	[dreg:$0x1] =	wrdreg $0xFFFFFFFF  }
0xa7: {  	s28 =	simm.s32 $_size_execute0_lowered;
	s2 =	sadd.s32 s2, s4;
	[dreg:$0x0] =	wrdreg $0x0  }
0xa8: {  	s4 =	sshll.u32 s28, $0x1;
	[dreg:$0x2] =	wrdreg s2  }
0xa9: {  	[dreg:$0x3] =	wrdreg s4  }
0xaa: {  	[dreg:$0x4] =	wrdreg $0xC0  }
0xab: {  	_ =	task [dreg:s6], $0x5FFFF  }
0xac: {  	[dreg:$0x1] =	wrdreg $0xFFFFFFFF  }
0xad: {  	[dreg:$0x0] =	wrdreg $0x60  }
0xae: {  	[dreg:$0x2] =	wrdreg s24  }
0xaf: {  	[dreg:$0x3] =	wrdreg $0x0  }
0xb0: {  	[dreg:$0x4] =	wrdreg $0x9  }
0xb1: {  	_ =	task.clear_ibuf [dreg:s6], $0x5FFFF;
	_ =	strace $0x90000049  }
0xb2: {  	s29 =	simm.s32 $0x9;
	_ =	strace $0x8000004B  }
0xb3: {  	_ =	swait.ge [sflag:s29], $0x1  }
0xb4: {  	[sflag:s29] =	ssyncadd.s32 $0xFFFFFFFF  }
0xb5: {  	_ =	strace $0x9000004B  }
0xb6: {  	_ =	sfence  }
0xb7: {  	s30 =	sld [smem:$0x0];
	_ =	sdelay $0x2  }
0xb8: {  	s31 =	sshll.u32 s1, $0xD;
	s1 =	sshrl.u32 s1, $0x2  }
0xb9: {  	s3 =	sand.u32 $0x4000, s31;
	s1 =	sadd.s32 s1, s30  }
0xba: {  	s0 =	sor.u32 s3, s0;
	s1 =	sshll.u32 s1, $0x11  }
0xbb: {  	s0 =	sor.u32 s1, s0  }
0xbc: {  	s0 =	sadd.s32 $0x8F2B, s0  }
0xbd: {  	[sflag:s0] =	ssyncadd.remote.s32 $0x1  }
0xbe: {  	_ =	sfence.sel $0xFFFF  }
0xbf: {  	[dreg:$0x0] =	wrdreg $0xFFFFFFFF;
	(pc) =	sbr.abs _section_cstart, $3  }
0xc0: {  	[dreg:$0x1] =	wrdreg $0xFFFFFFFF  }
0xc1: {  	_ =	task.clear_ibuf [dreg:s6], $0x2FFFF;
	_ =	strace $0x9FFFFFFF  }
0xc2: {  	(tm) =	ssettm $0x7FFFFFFF  }
0xc3: {  	_ =	shalt  }
tec
execute0_lowered:
.L_overlay_start_1:
0x0: {  	(tag) =	ssettag $0x1  }
0x1: {  	s0 =	rddreg [dreg:$0x0]  }
0x2: {  	s2 =	rddreg [dreg:$0x1]  }
0x3: {  	s15 =	stileid.u32;
	s3 =	simm.s32 $0x0;
	s5 =	srdreg.scid  }
0x4: {  	s30 =	simm.s32 $0x13900;
	s31 =	simm.s32 $0x13980;
	s28 =	simm.s32 $0x3  }
0x5: {  	s1 =	smul.u32 $0x13800, s15;
	[smem:$0x7FF] =	sst s3;
	s4 =	sadd.s32 $0x16800, s0  }
0x6: {  	s8 =	sand.u32 $0x1, s5;
	s5 =	sadd.s32 $0x2E00, s0;
	s11 =	sadd.s32 $0x64C00, s0  }
0x7: {  	s17 =	sadd.s32 $0x124800, s2;
	s18 =	sadd.s32 $0x62300, s0;
	s26 =	smul.u32 $0x2700, s15  }
0x8: {  	p0 =	seq.s32 s15, $0xF;
	_ =	strace $0x8000004A;
	[dreg:$0x6] =	wrdreg s17  }
0x9: {  	s9 =	ssub.s32 $0x2, s8;
	s10 =	sshll.u32 s8, $0x4;
	[dreg:$0x7] =	wrdreg s18  }
0xa: {  	s20 =	smul.u32 $0x138800, s8;
	p3 =	sne.s32 @p0 s8, $0x0;
	p5 =	sne.s32 @!p0 s8, $0x0  }
0xb: {  	s6 =	sshrl.u32 s1, $0x3;
	s12 =	sshrl.u32 s9, $0x1;
	s10 =	sor.u32 s15, s10  }
0xc: {  	s13 =	sadd.s32 s1, s2;
	p2 =	por !p3, !p0;
	p3 =	por p3, !p0  }
0xd: {  	p4 =	por !p5, p0;
	p5 =	por p5, p0;
	s15 =	simm.s32 $0x13A80  }
0xe: {  	s7 =	sadd.s32 s6, s0;
	s9 =	ssub.s32 s9, s12;
	s14 =	smul.u32 $0x2700, s10  }
0xf: {  	[dreg:$0x3] =	wrdreg s13;
	s6 =	sadd.s32 s4, s6;
	s22 =	smul.u32 $0xFFFFD980, s10  }
0x10: {  	s0 =	sadd.s32 $0x3B100, s0;
	s25 =	sshrl.u32 s20, $0x3;
	p1 =	sgt.u32 s10, $0x3  }
0x11: {  	s10 =	simm.s32 $0x1;
	s7 =	sadd.s32 $0x3DA00, s7;
	[dreg:$0x5] =	wrdreg s6  }
0x12: {  	[dreg:$0x9] =	wrdreg s0;
	s17 =	smax.u32 s9, $0x1;
	s9 =	simm.s32 $0x5  }
0x13: {  	[dreg:$0x4] =	wrdreg s7;
	s19 =	sshrl.u32 s14, $0x3;
	s21 =	sadd.s32 $0x4E200, s14  }
0x14: {  	s13 =	sadd.s32 $0x4E000, s22;
	s7 =	sadd.s32 s1, s20;
	[dreg:$0x10] =	wrdreg s17  }
0x15: {  	s17 =	simm.s32 $0x80;
	s16 =	sadd.s32 s5, s19;
	s24 =	sshrl.u32 s21, $0x3  }
0x16: {  	s12 =	sadd.s32 s14, s13;
	s14 =	smul.u32 $0x27000, s8;
	s6 =	sadd.s32 s13, s21  }
0x17: {  	s8 =	simm.s32 $0x17B80;
	s23 =	sadd.s32 $0x10, s16;
	[dreg:$0x8] =	wrdreg s16  }
0x18: {  	s0 =	sadd.s32 s5, s24;
	s12 =	sshrl.u32 s12, $0x3;
	[dreg:$0xa] =	wrdreg s23  }
0x19: {  	[dreg:$0xb] =	wrdreg s0;
	s0 =	sadd.s32 s11, s25;
	s29 =	sadd.s32 s5, s12  }
0x1a: {  	s12 =	sshrl.u32 s6, $0x3;
	s13 =	sadd.s32 s26, s14;
	s26 =	sadd.s32 $0x20, s16  }
0x1b: {  	s0 =	sadd.s32 $0x24900, s0;
	[dreg:$0xd] =	wrdreg s29;
	s1 =	sadd.s32 s5, s12  }
0x1c: {  	s14 =	sadd.s32 $0x4E380, s13;
	s18 =	sadd.s32 $0x200, s13;
	s20 =	sadd.s32 $0x4E400, s13  }
0x1d: {  	s21 =	sadd.s32 $0x180, s13;
	s23 =	sadd.s32 $0x280, s13;
	s6 =	sadd.s32 $0x4E300, s13  }
0x1e: {  	[dreg:$0x15] =	wrdreg s26;
	s29 =	sadd.s32 $0x9C50, s16;
	s16 =	simm.s32 $0x7  }
0x1f: {  	s12 =	simm.s32 $0xA;
	s13 =	simm.s32 $0x13B00;
	[dreg:$0xc] =	wrdreg s0  }
0x20: {  	s26 =	simm.s32 $0x4;
	s0 =	sshrl.u32 s7, $0x3;
	[dreg:$0xe] =	wrdreg s1  }
0x21: {  	s19 =	sshrl.u32 s18, $0x3;
	[dreg:$0x12] =	wrdreg s21;
	s22 =	sshrl.u32 s20, $0x3  }
0x22: {  	s24 =	sshrl.u32 s23, $0x3;
	s25 =	sshrl.u32 s6, $0x3;
	s23 =	smov.u32 s5  }
0x23: {  	[dreg:$0x16] =	wrdreg s29;
	s18 =	simm.s32 $0x13B80;
	s7 =	simm.s32 $0x8  }
0x24: {  	s21 =	simm.s32 $0xB;
	s1 =	simm.s32 $0xC;
	s0 =	sadd.s32 s11, s0  }
0x25: {  	s6 =	simm.s32 $0x0;
	[dreg:$0xf] =	wrdreg s0;
	s0 =	sshrl.u32 s14, $0x3  }
.Ltmp0:
0x26: {  	s25 =	sadd.s32 s25, s5;
	s0 =	sadd.s32 s0, s5;
	(pc) =	sbr.rel .LBB2_1-.Ltmp0, $4  }
0x27: {  	s11 =	simm.s32 $0x1BB80;
	[dreg:$0x11] =	wrdreg s0;
	s0 =	sadd.s32 s19, s5  }
0x28: {  	s14 =	simm.s32 $0x9;
	[dreg:$0x13] =	wrdreg s0;
	s0 =	sadd.s32 s22, s5  }
0x29: {  	s19 =	simm.s32 $0x2;
	[dreg:$0x14] =	wrdreg s0;
	s0 =	sadd.s32 s24, s5  }
0x2a: {  	s24 =	simm.s32 $0x13880;
	[dreg:$0x17] =	wrdreg s0;
	s0 =	simm.s32 $0x13A00  }
.LBB2_8:
0x2b: {  	s5 =	rddreg [dreg:$0x6]  }
0x2c: {  	s6 =	rddreg [dreg:$0xc];
	s20 =	simm.s32 $0x1FCD;
	s5 =	sshrl.u32 s5, $0x3  }
0x2d: {  	[hbm:s6], [sflag:s20] =	dma.local [spmem:s5], $0x2800  }
0x2e: {  	_ =	swait.ge [sflag:s22], $0x2800  }
0x2f: {  	[sflag:s22] =	ssyncset.done $0x0  }
0x30: {  	s6 =	rddreg [dreg:$0x18];
	[sflag:s22] =	ssyncadd.s32 $0xFFFFD800  }
.LBB2_9:
0x31: {  	s6 =	sadd.s32 $0x1, s6;
	s5 =	rddreg [dreg:$0x10]  }
0x32: {  	p6 =	sne.s32 s6, s5  }
.Ltmp1:
0x33: {  	_ = 	snop;
	(pc) =	sbr.rel @!p6 .LBB2_10-.Ltmp1, $1  }
0x34: {  	_ =	sdelay $0x3  }
.LBB2_1:
0x35: {  	[dreg:$0x18] =	wrdreg s6  }
0x36: {  	s5 =	rddreg [dreg:$0x6]  }
0x37: {  	s29 =	simm.s32 @!p2 $0x1FCD;
	s20 =	rddreg [dreg:$0x7];
	s6 =	sshrl.u32 @!p2 s5, $0x3  }
0x38: {  	[spmem:s6], [sflag:s29] =	dma.local @!p2 [hbm:s20], $0x2800  }
0x39: {  	s6 =	simm.s32 @!p2 $0xD  }
0x3a: {  	_ =	swait.ge @!p2 [sflag:s6], $0x2800  }
0x3b: {  	s29 =	simm.s32 @!p3 $0x1FCD;
	[sflag:s6] =	ssyncset.done @!p2 $0x0  }
0x3c: {  	[sflag:s6] =	ssyncadd.s32 @!p2 $0xFFFFD800;
	s6 =	sshrl.u32 @!p3 s5, $0x3;
	s5 =	rddreg [dreg:$0x9]  }
0x3d: {  	[spmem:s6], [sflag:s29] =	dma.local @!p3 [hbm:s5], $0x2800  }
0x3e: {  	s6 =	simm.s32 @!p3 $0xD  }
0x3f: {  	_ =	swait.ge @!p3 [sflag:s6], $0x2800  }
0x40: {  	s5 =	stileid.u32;
	s20 =	rddreg [dreg:$0x3]  }
0x41: {  	s29 =	sshll.u32 @!p4 s5, $0x6;
	[sflag:s6] =	ssyncset.done @!p3 $0x0;
	s22 =	rddreg [dreg:$0x4]  }
0x42: {  	[sflag:s6] =	ssyncadd.s32 @!p3 $0xFFFFD800;
	s6 =	sor.u32 @!p4 $0x1C0D, s29;
	s29 =	sshrl.u32 @!p4 s20, $0x3  }
0x43: {  	[spmem:s29], [sflag:s6] =	dma.local @!p4 [hbm:s22], $0x2700  }
0x44: {  	s6 =	simm.s32 @!p4 $0xD  }
0x45: {  	_ =	swait.ge @!p4 [sflag:s6], $0x2700  }
0x46: {  	s29 =	sshll.u32 @!p5 s5, $0x6;
	[sflag:s6] =	ssyncset.done @!p4 $0x0;
	s5 =	rddreg [dreg:$0x5]  }
0x47: {  	[sflag:s6] =	ssyncadd.s32 @!p4 $0xFFFFD900;
	s6 =	sor.u32 @!p5 $0x1C0D, s29;
	s29 =	sshrl.u32 @!p5 s20, $0x3  }
0x48: {  	[spmem:s29], [sflag:s6] =	dma.local @!p5 [hbm:s5], $0x2700  }
0x49: {  	s6 =	simm.s32 @!p5 $0xD  }
0x4a: {  	_ =	swait.ge @!p5 [sflag:s6], $0x2700  }
0x4b: {  	[sflag:s6] =	ssyncset.done @!p5 $0x0  }
0x4c: {  	[sflag:s6] =	ssyncadd.s32 @!p5 $0xFFFFD900  }
0x4d: {  	[bflag:$0x0] =	sbarrier.arrive $0xFFFF  }
0x4e: {  	s6 =	simm.s32 $0x13880;
	s22 =	rddreg [dreg:$0x8]  }
0x4f: {  	[tilespmem:s6], [sflag:$0x7] =	stream.linear.gather [hbm4b:s22+s3], $0x80, $0x38;
	[tilespmem:$0x1FB80] =	vst v63  }
0x50: {  	s20 =	rddreg [dreg:$0xa]  }
0x51: {  	[tilespmem:s30], [sflag:$0x8] =	stream.linear.gather [hbm4b:s20+s3], $0x80, $0x38;
	[tilespmem:$0x1FB80] =	vst v63  }
0x52: {  	s22 =	rddreg [dreg:$0x15]  }
0x53: {  	[tilespmem:s31], [sflag:$0x9] =	stream.linear.gather [hbm4b:s22+s3], $0x80, $0x38;
	[tilespmem:$0x1FB80] =	vst v63  }
0x54: {  	s20 =	rddreg [dreg:$0xb]  }
0x55: {  	[tilespmem:s0], [sflag:$0xA] =	stream.linear.gather [hbm4b:s20+s3], $0x80, $0x38;
	[tilespmem:$0x1FB80] =	vst v63  }
0x56: {  	s22 =	rddreg [dreg:$0x16]  }
0x57: {  	[tilespmem:s15], [sflag:$0xB] =	stream.linear.gather [hbm4b:s22+s3], $0x80, $0x38;
	[tilespmem:$0x1FB80] =	vst v63  }
0x58: {  	_ =	swait.ge [sflag:s16], $0x80  }
0x59: {  	[sflag:s16] =	ssyncset.done $0x0  }
0x5a: {  	[sflag:s16] =	ssyncadd.s32 $0xFFFFFF80  }
0x5b: {  	[tilespmem:s18], [sflag:$0x1] =	stream.indirect.gather [hbm4b:s4+s17], $0x80, s6, s17, $0xb8;
	[tilespmem:$0x1FB80] =	vst v63  }
0x5c: {  	_ =	swait.ge [sflag:s7], $0x80  }
0x5d: {  	[sflag:s7] =	ssyncset.done $0x0  }
0x5e: {  	s29 =	simm.s32 $0x0;
	s6 =	rddreg [dreg:$0x12];
	[sflag:s7] =	ssyncadd.s32 $0xFFFFFF80  }
0x5f: {  	[tilespmem:s8], [sflag:$0x2] =	stream.indirect.gather [hbm4b:s4+s17], $0x80, s30, s17, $0xb8;
	[tilespmem:$0x1FB80] =	vst v63  }
.LBB2_2:
0x60: {  	_ =	swait.ge [sflag:s10], $0x4000  }
0x61: {  	[sflag:s10] =	ssyncset.done $0x0  }
0x62: {  	[sflag:s10] =	ssyncadd.s32 $0xFFFFC000  }
0x63: {  	_ =	swait.ge [sflag:s12], $0x80  }
0x64: {  	p6 =	seq.s32 s29, $0x0;
	[sflag:s12] =	ssyncset.done $0x0  }
0x65: {  	s5 =	simm.s32 @!p6 $0x6;
	[sflag:s12] =	ssyncadd.s32 $0xFFFFFF80  }
0x66: {  	[spmem:s2] =	stream.indirect.scatter.add.f32 [tilespmem:s18], [sflag:$0x4], $0x80, s0, s17, $0xb8;
	[tilespmem:$0x1FB80] =	vst v63  }
0x67: {  	_ =	swait.ge @!p6 [sflag:s5], $0x4000  }
0x68: {  	[sflag:s5] =	ssyncset.done @!p6 $0x0  }
0x69: {  	s22 =	sadd.s32 s29, s25;
	[sflag:s5] =	ssyncadd.s32 @!p6 $0xFFFFC000;
	p6 =	seq.s32 s29, $0x4B0  }
0x6a: {  	[tilespmem:s13], [sflag:$0xC] =	stream.linear.gather [hbm4b:s22+s3], $0x80, $0x38;
	[tilespmem:$0x1FB80] =	vst v63  }
0x6b: {  	s5 =	sshrl.u32 @!p6 s6, $0x3  }
0x6c: {  	s20 =	simm.s32 @!p6 $0x0;
	s22 =	simm.s32 @!p6 $0x13880;
	s5 =	sadd.s32 @!p6 s23, s5  }
0x6d: {  	[tilespmem:s22], [sflag:$0x7] =	stream.linear.gather @!p6 [hbm4b:s5+s20], $0x80, $0x38;
	[tilespmem:$0x1FB80] =	vst v63  }
0x6e: {  	_ =	swait.ge [sflag:s14], $0x80  }
0x6f: {  	[sflag:s14] =	ssyncset.done $0x0  }
0x70: {  	[sflag:s14] =	ssyncadd.s32 $0xFFFFFF80  }
0x71: {  	[tilespmem:s11], [sflag:$0x3] =	stream.indirect.gather [hbm4b:s4+s17], $0x80, s31, s17, $0xb8;
	[tilespmem:$0x1FB80] =	vst v63  }
0x72: {  	_ =	swait.ge [sflag:s19], $0x4000  }
0x73: {  	[sflag:s19] =	ssyncset.done $0x0  }
0x74: {  	[sflag:s19] =	ssyncadd.s32 $0xFFFFC000  }
0x75: {  	_ =	swait.ge [sflag:s21], $0x80  }
0x76: {  	[sflag:s21] =	ssyncset.done $0x0  }
.Ltmp2:
0x77: {  	[sflag:s21] =	ssyncadd.s32 $0xFFFFFF80;
	(pc) =	sbr.rel @p6 .LBB2_4-.Ltmp2, $4  }
0x78: {  	[spmem:s2] =	stream.indirect.scatter.add.f32 [tilespmem:s8], [sflag:$0x5], $0x80, s15, s17, $0xb8;
	[tilespmem:$0x1FB80] =	vst v63  }
0x79: {  	_ =	swait.ge [sflag:s26], $0x4000  }
0x7a: {  	[sflag:s26] =	ssyncset.done $0x0  }
0x7b: {  	[sflag:s26] =	ssyncadd.s32 $0xFFFFC000  }
0x7c: {  	s5 =	rddreg [dreg:$0x11]  }
0x7d: {  	s22 =	rddreg [dreg:$0x13];
	s5 =	sadd.s32 s29, s5  }
0x7e: {  	[tilespmem:s0], [sflag:$0xA] =	stream.linear.gather [hbm4b:s5+s3], $0x80, $0x38;
	[tilespmem:$0x1FB80] =	vst v63  }
0x7f: {  	s5 =	sadd.s32 s29, s22  }
0x80: {  	[tilespmem:s30], [sflag:$0x8] =	stream.linear.gather [hbm4b:s5+s3], $0x80, $0x38;
	[tilespmem:$0x1FB80] =	vst v63  }
0x81: {  	_ =	swait.ge [sflag:s16], $0x80  }
0x82: {  	[sflag:s16] =	ssyncset.done $0x0  }
0x83: {  	[sflag:s16] =	ssyncadd.s32 $0xFFFFFF80  }
0x84: {  	[tilespmem:s18], [sflag:$0x1] =	stream.indirect.gather [hbm4b:s4+s17], $0x80, s24, s17, $0xb8;
	[tilespmem:$0x1FB80] =	vst v63  }
0x85: {  	_ =	swait.ge [sflag:s28], $0x4000  }
0x86: {  	[sflag:s28] =	ssyncset.done $0x0  }
0x87: {  	[sflag:s28] =	ssyncadd.s32 $0xFFFFC000  }
0x88: {  	_ =	swait.ge [sflag:s1], $0x80  }
0x89: {  	[sflag:s1] =	ssyncset.done $0x0  }
0x8a: {  	[sflag:s1] =	ssyncadd.s32 $0xFFFFFF80  }
0x8b: {  	[spmem:s2] =	stream.indirect.scatter.add.f32 [tilespmem:s11], [sflag:$0x6], $0x80, s13, s17, $0xb8;
	[tilespmem:$0x1FB80] =	vst v63  }
0x8c: {  	_ =	swait.ge [sflag:s9], $0x4000  }
0x8d: {  	[sflag:s9] =	ssyncset.done $0x0;
	s20 =	rddreg [dreg:$0x14]  }
0x8e: {  	s22 =	rddreg [dreg:$0x17];
	[sflag:s9] =	ssyncadd.s32 $0xFFFFC000;
	s5 =	sadd.s32 s29, s20  }
0x8f: {  	[tilespmem:s15], [sflag:$0xB] =	stream.linear.gather [hbm4b:s5+s3], $0x80, $0x38;
	[tilespmem:$0x1FB80] =	vst v63  }
0x90: {  	s5 =	sadd.s32 s29, s22  }
0x91: {  	[tilespmem:s31], [sflag:$0x9] =	stream.linear.gather [hbm4b:s5+s3], $0x80, $0x38;
	[tilespmem:$0x1FB80] =	vst v63  }
.Ltmp3:
0x92: {  	_ = 	snop;
	(pc) =	sbr.rel .LBB2_2-.Ltmp3, $4  }
0x93: {  	_ =	swait.ge [sflag:s7], $0x80  }
0x94: {  	[sflag:s7] =	ssyncset.done $0x0  }
0x95: {  	s6 =	sadd.s32 $0x180, s6;
	s29 =	sadd.s32 $0x30, s29;
	[sflag:s7] =	ssyncadd.s32 $0xFFFFFF80  }
0x96: {  	[tilespmem:s8], [sflag:$0x2] =	stream.indirect.gather [hbm4b:s4+s17], $0x80, s30, s17, $0xb8;
	[tilespmem:$0x1FB80] =	vst v63  }
.LBB2_4:
0x97: {  	_ =	swait.ge [sflag:s28], $0x4000  }
0x98: {  	[sflag:s28] =	ssyncset.done $0x0  }
0x99: {  	[sflag:s28] =	ssyncadd.s32 $0xFFFFC000  }
0x9a: {  	_ =	swait.ge [sflag:s1], $0x80  }
0x9b: {  	[sflag:s1] =	ssyncset.done $0x0  }
0x9c: {  	[sflag:s1] =	ssyncadd.s32 $0xFFFFFF80  }
0x9d: {  	[spmem:s2] =	stream.indirect.scatter.add.f32 [tilespmem:s11], [sflag:$0x6], $0x80, s13, s17, $0xb8;
	[tilespmem:$0x1FB80] =	vst v63  }
0x9e: {  	_ =	swait.ge [sflag:s9], $0x4000  }
.Ltmp4:
0x9f: {  	[sflag:s9] =	ssyncset.done $0x0;
	(pc) =	sbr.rel @p1 .LBB2_6-.Ltmp4, $4  }
0xa0: {  	s5 =	simm.s32 $0x6;
	[sflag:s9] =	ssyncadd.s32 $0xFFFFC000  }
0xa1: {  	_ =	swait.ge [sflag:s5], $0x4000  }
0xa2: {  	[sflag:s5] =	ssyncset.done $0x0  }
0xa3: {  	[sflag:s5] =	ssyncadd.s32 $0xFFFFC000  }
0xa4: {  	s5 =	rddreg [dreg:$0xd];
	s6 =	simm.s32 $0x13880  }
0xa5: {  	[tilespmem:s6], [sflag:$0x7] =	stream.linear.gather [hbm4b:s5+s3], $0x80, $0x38;
	[tilespmem:$0x1FB80] =	vst v63  }
0xa6: {  	s29 =	rddreg [dreg:$0xe]  }
0xa7: {  	[tilespmem:s0], [sflag:$0xA] =	stream.linear.gather [hbm4b:s29+s3], $0x80, $0x38;
	[tilespmem:$0x1FB80] =	vst v63  }
0xa8: {  	_ =	swait.ge [sflag:s16], $0x80  }
0xa9: {  	[sflag:s16] =	ssyncset.done $0x0  }
0xaa: {  	[sflag:s16] =	ssyncadd.s32 $0xFFFFFF80  }
0xab: {  	_ =	swait.ge [sflag:s12], $0x80  }
0xac: {  	[sflag:s12] =	ssyncset.done $0x0  }
0xad: {  	[sflag:s12] =	ssyncadd.s32 $0xFFFFFF80  }
0xae: {  	[tilespmem:s18], [sflag:$0x1] =	stream.indirect.gather [hbm4b:s4+s17], $0x80, s6, s17, $0xb8;
	[tilespmem:$0x1FB80] =	vst v63  }
0xaf: {  	_ =	swait.ge [sflag:s10], $0x4000  }
0xb0: {  	[sflag:s10] =	ssyncset.done $0x0  }
0xb1: {  	s22 =	simm.s32 $0xD;
	[sflag:s10] =	ssyncadd.s32 $0xFFFFC000  }
0xb2: {  	[spmem:s2] =	stream.indirect.scatter.add.f32 [tilespmem:s18], [sflag:$0xD], $0x80, s0, s17, $0xb8;
	[tilespmem:$0x1FB80] =	vst v63  }
.Ltmp5:
0xb3: {  	_ =	swait.ge [sflag:s22], $0x4000;
	(pc) =	sbr.rel .LBB2_7-.Ltmp5, $3  }
0xb4: {  	[sflag:s22] =	ssyncset.done $0x0  }
0xb5: {  	[sflag:s22] =	ssyncadd.s32 $0xFFFFC000  }
0xb6: {  	[bflag:$0x0] =	sbarrier.arrive $0xFFFF;
	_ =	sdelay $0x1  }
.LBB2_6:
.Ltmp6:
0xb7: {  	(pc) =	sbr.rel @p0 .LBB2_8-.Ltmp6, $3  }
0xb8: {  	_ =	sdelay $0x1  }
0xb9: {  	[bflag:$0x0] =	sbarrier.arrive $0xFFFF  }
0xba: {  	s22 =	simm.s32 $0xD  }
.LBB2_7:
0xbb: {  	s5 =	stileid.u32;
	s6 =	rddreg [dreg:$0x3]  }
0xbc: {  	s20 =	rddreg [dreg:$0xf];
	s5 =	sshll.u32 s5, $0x6  }
.Ltmp7:
0xbd: {  	s6 =	sshrl.u32 s6, $0x3;
	s5 =	sor.u32 $0x1C0D, s5;
	(pc) =	sbr.rel .LBB2_9-.Ltmp7, $4  }
0xbe: {  	[hbm:s20], [sflag:s5] =	dma.local [spmem:s6], $0x2700  }
0xbf: {  	_ =	swait.ge [sflag:s22], $0x2700  }
0xc0: {  	[sflag:s22] =	ssyncset.done $0x0  }
0xc1: {  	s6 =	rddreg [dreg:$0x18];
	[sflag:s22] =	ssyncadd.s32 $0xFFFFD900  }
.LBB2_10:
0xc2: {  	_ =	sfence.sel $0x180000  }
0xc3: {  	[bflag:$0x0] =	sbarrier.arrive $0xFFFF  }
0xc4: {  	_ =	strace $0x9000004A  }
0xc5: {  	s0 =	stileid.u32;
	[bflag:$0x2] =	sbarrier.arrive $0xFFFF  }
0xc6: {  	p0 =	sne.s32 s0, $0x0;
	s0 =	rddreg [dreg:$0x2]  }
0xc7: {  	s0 =	sadd.s32 @!p0 $0x100000, s0  }
0xc8: {  	[sflag:s0] =	ssyncadd.tile.s32 @!p0 $0x1;
	_ =	shalt  }
.Lfunc_end2:
_tile_overlayer_lowered:
.L_overlay_start_2:
0xc9: {  	(tag) =	ssettag $0x2  }
0xca: {  	s0 =	rddreg [dreg:$0x0];
	s2 =	stileid.u32  }
0xcb: {  	s1 =	rddreg [dreg:$0x1];
	p0 =	sne.s32 s2, $0x0  }
0xcc: {  	s3 =	rddreg [dreg:$0x2];
	[bflag:$0x3] =	sbarrier.arrive $0xFFFF;
	s2 =	simm.s32 @!p0 $0x1C0D  }
0xcd: {  	[timem:s3], [sflag:s2] =	dma.local @!p0 [hbm:s0], s1  }
0xce: {  	s0 =	simm.s32 @!p0 $0xD  }
0xcf: {  	_ =	swait.ge @!p0 [sflag:s0], s1  }
0xd0: {  	s1 =	ssub.s32 @!p0 $0x0, s1;
	[sflag:s0] =	ssyncset.done @!p0 $0x0  }
0xd1: {  	[sflag:s0] =	ssyncadd.s32 @!p0 s1  }
0xd2: {  	[bflag:$0x3] =	sbarrier.arrive $0xFFFF  }
0xd3: {  	_ =	shalt  }

// kernel: kernel.17.cloned.1.call-start
scs
__scs_entry_jumppad:
0x0: {  	(pc) =	sbr.rel $0x88, $3  }
0x1: {  	(tag) =	ssettag $0x0;
	lr =	simm.s32 $0x1  }
0x2: {  	[smem:$0x3F99] =	sst lr;
	_ =	strace $0xD0000000  }
0x3: {  	_ = 	snop  }
0x4: {  	_ = 	snop  }
0x5: {  	_ = 	snop  }
0x6: {  	_ = 	snop  }
0x7: {  	_ = 	snop  }
__scs_overlays_trampoline_lowered:
0x8: {  	[smem:$0x3FA8] =	sst s0  }
0x9: {  	[smem:$0x3FA9] =	sst s1  }
0xa: {  	[smem:$0x3FAA] =	sst s2  }
0xb: {  	[smem:$0x3FAB] =	sst s3  }
0xc: {  	[smem:$0x3FAC] =	sst s4  }
0xd: {  	[smem:$0x3FAD] =	sst s5  }
0xe: {  	[smem:$0x3FAE] =	sst s6  }
0xf: {  	[smem:$0x3FAF] =	sst s7  }
0x10: {  	[smem:$0x3FB0] =	sst s8  }
0x11: {  	[smem:$0x3FB1] =	sst s9;
	s0 =	simm.s32 @!p0 $0x0  }
0x12: {  	s1 =	sld [smem:$0x3F97];
	s0 =	simm.s32 @p0 $0x1  }
0x13: {  	[smem:$0x3FB2] =	sst s0;
	s0 =	simm.s32 @!p1 $0x0  }
0x14: {  	s2 =	sld [smem:$0x3F96];
	s0 =	simm.s32 @p1 $0x1  }
0x15: {  	[smem:$0x3FB3] =	sst s0;
	s0 =	simm.s32 @!p2 $0x0  }
0x16: {  	s3 =	sld [smem:$0x3FDB];
	s0 =	simm.s32 @p2 $0x1  }
0x17: {  	s4 =	simm.s32 $0x1BF5;
	[smem:$0x3FB5] =	sst s0  }
0x18: {  	s0 =	sld [smem:$0x3F98];
	_ =	swait.ge [sflag:s4], $0x0  }
0x19: {  	s7 =	sld [smem:$0x3F99]  }
0x1a: {  	s8 =	sadd.s32 $0xFFFFE003, lr  }
0x1b: {  	s9 =	sadd.s32 $0xFFFFFEF7, lr;
	s5 =	simm.s32 $0xFFFFFFFF;
	p2 =	slt.u32 s8, $0xFFFFF086  }
0x1c: {  	p1 =	slt.u32 s9, $0xF7A;
	s5 =	simm.s32 @!p2 $0x0  }
0x1d: {  	s5 =	simm.s32 @p1 $0x1;
	p0 =	seq.s32 s7, s2  }
0x1e: {  	s7 =	smul.u32 @!p0 $0xF7A, s2;
	p2 =	seq.s32 @!p0 s5, $0x0  }
0x1f: {  	s9 =	smul.u32 $0xF7A, s1;
	s8 =	simm.s32 @!p0 $0x1BF5;
	p2 =	por !p2, p0  }
0x20: {  	[sflag:s8] =	ssyncset.s32 @!p0 $0xFFFFF086;
	s6 =	sadd.s32 @!p0 s3, s7;
	s7 =	simm.s32 @!p0 $0x108  }
0x21: {  	s3 =	sadd.s32 s3, s9;
	s6 =	sadd.s32 @!p0 $0x88, s6;
	s7 =	simm.s32 @p2 $0x1082  }
0x22: {  	[simem:s7], [sflag:s8] =	dma.local @!p0 [hbm:s6], $0xF7A  }
0x23: {  	s9 =	sor.u32 $0xD0000000, s2;
	s6 =	simm.s32 $0x108;
	_ =	swait.ge @!p0 [sflag:s8], $0x0  }
0x24: {  	s3 =	sadd.s32 $0x88, s3;
	s6 =	simm.s32 @!p1 $0x1082;
	[sflag:s4] =	ssyncset.s32 $0xFFFFF086  }
0x25: {  	[simem:s6], [sflag:s4] =	dma.local [hbm:s3], $0xF7A  }
0x26: {  	[smem:$0x3F99] =	sst s1;
	(tag) =	ssettag s2;
	_ =	strace s9  }
0x27: {  	s1 =	sld [smem:$0x3FA9]  }
0x28: {  	s2 =	sld [smem:$0x3FAA]  }
0x29: {  	s4 =	sld [smem:$0x3FAC]  }
0x2a: {  	p0 =	seq.s32 s5, $0x0;
	s5 =	sld [smem:$0x3FAD]  }
0x2b: {  	s6 =	sld [smem:$0x3FAE]  }
0x2c: {  	s7 =	sld [smem:$0x3FAF]  }
0x2d: {  	s3 =	simm.s32 $0x108;
	s8 =	sld [smem:$0x3FB0]  }
0x2e: {  	s3 =	simm.s32 @!p0 $0x1082;
	s9 =	sld [smem:$0x3FB1]  }
0x2f: {  	lr =	sadd.s32 s0, s3;
	s0 =	sld [smem:$0x3FA8]  }
0x30: {  	s3 =	sld [smem:$0x3FAB]  }
0x31: {  	[smem:$0x3FB4] =	sst s10  }
0x32: {  	s10 =	sld [smem:$0x3FB2];
	_ =	sdelay $0x3  }
0x33: {  	p0 =	seq.s32 s10, $0x1;
	s10 =	sld [smem:$0x3FB4];
	_ =	sdelay $0x3  }
0x34: {  	[smem:$0x3FB4] =	sst s10  }
0x35: {  	s10 =	sld [smem:$0x3FB3];
	_ =	sdelay $0x3  }
0x36: {  	p1 =	seq.s32 s10, $0x1;
	s10 =	sld [smem:$0x3FB4];
	_ =	sdelay $0x3  }
0x37: {  	[smem:$0x3FB4] =	sst s10  }
0x38: {  	s10 =	sld [smem:$0x3FB5]  }
0x39: {  	_ = 	snop;
	(pc) =	sbr.ind lr, $3  }
0x3a: {  	_ = 	snop  }
0x3b: {  	_ = 	snop  }
0x3c: {  	p2 =	seq.s32 s10, $0x1;
	s10 =	sld [smem:$0x3FB4]  }
0x3d: {  	_ =	shalt  }
0x3e: {  	_ =	shalt  }
0x3f: {  	_ =	shalt  }
0x40: {  	_ =	shalt  }
0x41: {  	_ =	shalt  }
0x42: {  	_ =	shalt  }
0x43: {  	_ =	shalt  }
0x44: {  	_ =	shalt  }
0x45: {  	_ =	shalt  }
0x46: {  	_ =	shalt  }
0x47: {  	_ =	shalt  }
0x48: {  	_ =	shalt  }
0x49: {  	_ =	shalt  }
0x4a: {  	_ =	shalt  }
0x4b: {  	_ =	shalt  }
0x4c: {  	_ =	shalt  }
0x4d: {  	_ =	shalt  }
0x4e: {  	_ =	shalt  }
0x4f: {  	_ =	shalt  }
0x50: {  	_ =	shalt  }
0x51: {  	_ =	shalt  }
0x52: {  	_ =	shalt  }
0x53: {  	_ =	shalt  }
0x54: {  	_ =	shalt  }
0x55: {  	_ =	shalt  }
0x56: {  	_ =	shalt  }
0x57: {  	_ =	shalt  }
0x58: {  	_ =	shalt  }
0x59: {  	_ =	shalt  }
0x5a: {  	_ =	shalt  }
0x5b: {  	_ =	shalt  }
0x5c: {  	_ =	shalt  }
0x5d: {  	_ =	shalt  }
0x5e: {  	_ =	shalt  }
0x5f: {  	_ =	shalt  }
0x60: {  	_ =	shalt  }
0x61: {  	_ =	shalt  }
0x62: {  	_ =	shalt  }
0x63: {  	_ =	shalt  }
0x64: {  	_ =	shalt  }
0x65: {  	_ =	shalt  }
0x66: {  	_ =	shalt  }
0x67: {  	_ =	shalt  }
0x68: {  	_ =	shalt  }
0x69: {  	_ =	shalt  }
0x6a: {  	_ =	shalt  }
0x6b: {  	_ =	shalt  }
0x6c: {  	_ =	shalt  }
0x6d: {  	_ =	shalt  }
0x6e: {  	_ =	shalt  }
0x6f: {  	_ =	shalt  }
0x70: {  	_ =	shalt  }
0x71: {  	_ =	shalt  }
0x72: {  	_ =	shalt  }
0x73: {  	_ =	shalt  }
0x74: {  	_ =	shalt  }
0x75: {  	_ =	shalt  }
0x76: {  	_ =	shalt  }
0x77: {  	_ =	shalt  }
0x78: {  	_ =	shalt  }
0x79: {  	_ =	shalt  }
0x7a: {  	_ =	shalt  }
0x7b: {  	_ =	shalt  }
0x7c: {  	_ =	shalt  }
0x7d: {  	_ =	shalt  }
0x7e: {  	_ =	shalt  }
0x7f: {  	_ =	shalt  }
0x80: {  	_ =	shalt  }
0x81: {  	_ =	shalt  }
0x82: {  	_ =	shalt  }
0x83: {  	_ =	shalt  }
0x84: {  	_ =	shalt  }
0x85: {  	_ =	shalt  }
0x86: {  	_ =	shalt  }
0x87: {  	_ =	shalt  }
.Lfunc_end0:
.L_simem_size_0:
called_computation.2_lowered:
.L_overlay_start_0:
0x88: {  	s2 =	sld [smem:$0x3FD9]  }
0x89: {  	s3 =	sld [smem:$0x3FFE];
	_ =	sdelay $0x1  }
0x8a: {  	s1 =	srdreg.scid  }
0x8b: {  	s0 =	sand.u32 $0x1, s1  }
0x8c: {  	s16 =	sshll.u32 s0, $0xA;
	s2 =	sadd.s32 s3, s2  }
0x8d: {  	s2 =	sadd.s32 s2, s16  }
0x8e: {  	[smem:$0x3FC0] =	sst s2  }
0x8f: {  	_ = 	snop  }
0x90: {  	(tm) =	ssettm $0x1  }
0x91: {  	s17 =	sld [smem:$0x3FFB];
	_ =	sdelay $0x3  }
0x92: {  	_ =	strace s17  }
0x93: {  	s2 =	sld [smem:$0x3FFC];
	_ =	sdelay $0x3  }
0x94: {  	_ =	strace s2  }
0x95: {  	s2 =	sld [smem:$0x3FFD];
	_ =	sdelay $0x3  }
0x96: {  	_ =	strace s2  }
0x97: {  	_ =	strace $0x8FFFFFFF  }
0x98: {  	s18 =	sld [smem:$0x3FDB];
	_ =	sdelay $0x1  }
0x99: {  	s19 =	simm.s32 $_scs_section_size  }
0x9a: {  	s4 =	simm.s32 $_size__tile_overlayer_lowered;
	s5 =	simm.s32 $_tile_overlayer_lowered  }
0x9b: {  	s22 =	simm.s32 $0x1BFF;
	s21 =	sshll.u32 s5, $0x1;
	s2 =	sadd.s32 s19, s18  }
0x9c: {  	s6 =	simm.s32 $0x0;
	s20 =	sshll.u32 s4, $0x1;
	s4 =	sadd.s32 s21, s2  }
0x9d: {  	[timem:s6], [sflag:s22] =	dma.local [hbm:s4], s20  }
0x9e: {  	_ =	swait.ge [sflag:s22], s20  }
0x9f: {  	s3 =	ssub.s32 $0x0, s20;
	[sflag:s22] =	ssyncset.done $0x0  }
0xa0: {  	[sflag:s22] =	ssyncadd.s32 s3;
	_ =	sdelay $0x1  }
0xa1: {  	s23 =	simm.s32 $0x1B8B  }
0xa2: {  	_ =	swait.ge [sflag:s23], $0x1  }
0xa3: {  	[sflag:s23] =	ssyncset.done $0x0  }
0xa4: {  	s25 =	simm.s32 $0x1B8E;
	s24 =	sld [smem:$0x3FFE];
	[sflag:s23] =	ssyncadd.s32 $0xFFFFFFFF  }
0xa5: {  	s26 =	simm.s32 $execute0_lowered;
	[smem:$0x3FD2] =	sst s25  }
0xa6: {  	s4 =	sshll.u32 s26, $0x1;
	_ =	strace $0x8000004C;
	[dreg:$0x1] =	wrdreg $0xFFFFFFFF  }
0xa7: {  	s28 =	simm.s32 $_size_execute0_lowered;
	s2 =	sadd.s32 s2, s4;
	[dreg:$0x0] =	wrdreg $0x0  }
0xa8: {  	s4 =	sshll.u32 s28, $0x1;
	[dreg:$0x2] =	wrdreg s2  }
0xa9: {  	[dreg:$0x3] =	wrdreg s4  }
0xaa: {  	[dreg:$0x4] =	wrdreg $0xC0  }
0xab: {  	_ =	task [dreg:s6], $0x5FFFF  }
0xac: {  	[dreg:$0x1] =	wrdreg $0xFFFFFFFF  }
0xad: {  	[dreg:$0x0] =	wrdreg $0x60  }
0xae: {  	[dreg:$0x2] =	wrdreg s24  }
0xaf: {  	[dreg:$0x3] =	wrdreg $0x0  }
0xb0: {  	[dreg:$0x4] =	wrdreg $0x9  }
0xb1: {  	_ =	task.clear_ibuf [dreg:s6], $0x5FFFF;
	_ =	strace $0x9000004C  }
0xb2: {  	s29 =	simm.s32 $0x9;
	_ =	strace $0x8000004E  }
0xb3: {  	_ =	swait.ge [sflag:s29], $0x1  }
0xb4: {  	[sflag:s29] =	ssyncadd.s32 $0xFFFFFFFF  }
0xb5: {  	_ =	strace $0x9000004E  }
0xb6: {  	_ =	sfence  }
0xb7: {  	s30 =	sld [smem:$0x0];
	_ =	sdelay $0x2  }
0xb8: {  	s31 =	sshll.u32 s1, $0xD;
	s1 =	sshrl.u32 s1, $0x2  }
0xb9: {  	s3 =	sand.u32 $0x4000, s31;
	s1 =	sadd.s32 s1, s30  }
0xba: {  	s0 =	sor.u32 s3, s0;
	s1 =	sshll.u32 s1, $0x11  }
0xbb: {  	s0 =	sor.u32 s1, s0  }
0xbc: {  	s0 =	sadd.s32 $0x8F2B, s0  }
0xbd: {  	[sflag:s0] =	ssyncadd.remote.s32 $0x1  }
0xbe: {  	_ =	sfence.sel $0xFFFF  }
0xbf: {  	[dreg:$0x0] =	wrdreg $0xFFFFFFFF;
	(pc) =	sbr.abs _section_cstart, $3  }
0xc0: {  	[dreg:$0x1] =	wrdreg $0xFFFFFFFF  }
0xc1: {  	_ =	task.clear_ibuf [dreg:s6], $0x2FFFF;
	_ =	strace $0x9FFFFFFF  }
0xc2: {  	(tm) =	ssettm $0x7FFFFFFF  }
0xc3: {  	_ =	shalt  }
tec
execute0_lowered:
.L_overlay_start_1:
0x0: {  	(tag) =	ssettag $0x1  }
0x1: {  	s0 =	rddreg [dreg:$0x0]  }
0x2: {  	s2 =	rddreg [dreg:$0x1]  }
0x3: {  	s15 =	stileid.u32;
	s3 =	simm.s32 $0x0;
	s5 =	srdreg.scid  }
0x4: {  	s30 =	simm.s32 $0x13900;
	s31 =	simm.s32 $0x13980;
	s28 =	simm.s32 $0x3  }
0x5: {  	s1 =	smul.u32 $0x13800, s15;
	[smem:$0x7FF] =	sst s3;
	s4 =	sadd.s32 $0x16800, s0  }
0x6: {  	s8 =	sand.u32 $0x1, s5;
	s5 =	sadd.s32 $0x2E00, s0;
	s11 =	sadd.s32 $0x64C00, s0  }
0x7: {  	s17 =	sadd.s32 $0x124800, s2;
	s18 =	sadd.s32 $0x62300, s0;
	s26 =	smul.u32 $0x2700, s15  }
0x8: {  	p0 =	seq.s32 s15, $0xF;
	_ =	strace $0x8000004D;
	[dreg:$0x6] =	wrdreg s17  }
0x9: {  	s9 =	ssub.s32 $0x2, s8;
	s10 =	sshll.u32 s8, $0x4;
	[dreg:$0x7] =	wrdreg s18  }
0xa: {  	s20 =	smul.u32 $0x138800, s8;
	p3 =	sne.s32 @p0 s8, $0x0;
	p5 =	sne.s32 @!p0 s8, $0x0  }
0xb: {  	s6 =	sshrl.u32 s1, $0x3;
	s12 =	sshrl.u32 s9, $0x1;
	s10 =	sor.u32 s15, s10  }
0xc: {  	s13 =	sadd.s32 s1, s2;
	p2 =	por !p3, !p0;
	p3 =	por p3, !p0  }
0xd: {  	p4 =	por !p5, p0;
	p5 =	por p5, p0;
	s15 =	simm.s32 $0x13A80  }
0xe: {  	s7 =	sadd.s32 s6, s0;
	s9 =	ssub.s32 s9, s12;
	s14 =	smul.u32 $0x2700, s10  }
0xf: {  	[dreg:$0x3] =	wrdreg s13;
	s6 =	sadd.s32 s4, s6;
	s22 =	smul.u32 $0xFFFFD980, s10  }
0x10: {  	s0 =	sadd.s32 $0x3B100, s0;
	s25 =	sshrl.u32 s20, $0x3;
	p1 =	sgt.u32 s10, $0x3  }
0x11: {  	s10 =	simm.s32 $0x1;
	s7 =	sadd.s32 $0x3DA00, s7;
	[dreg:$0x5] =	wrdreg s6  }
0x12: {  	[dreg:$0x9] =	wrdreg s0;
	s17 =	smax.u32 s9, $0x1;
	s9 =	simm.s32 $0x5  }
0x13: {  	[dreg:$0x4] =	wrdreg s7;
	s19 =	sshrl.u32 s14, $0x3;
	s21 =	sadd.s32 $0x4E200, s14  }
0x14: {  	s13 =	sadd.s32 $0x4E000, s22;
	s7 =	sadd.s32 s1, s20;
	[dreg:$0x10] =	wrdreg s17  }
0x15: {  	s17 =	simm.s32 $0x80;
	s16 =	sadd.s32 s5, s19;
	s24 =	sshrl.u32 s21, $0x3  }
0x16: {  	s12 =	sadd.s32 s14, s13;
	s14 =	smul.u32 $0x27000, s8;
	s6 =	sadd.s32 s13, s21  }
0x17: {  	s8 =	simm.s32 $0x17B80;
	s23 =	sadd.s32 $0x10, s16;
	[dreg:$0x8] =	wrdreg s16  }
0x18: {  	s0 =	sadd.s32 s5, s24;
	s12 =	sshrl.u32 s12, $0x3;
	[dreg:$0xa] =	wrdreg s23  }
0x19: {  	[dreg:$0xb] =	wrdreg s0;
	s0 =	sadd.s32 s11, s25;
	s29 =	sadd.s32 s5, s12  }
0x1a: {  	s12 =	sshrl.u32 s6, $0x3;
	s13 =	sadd.s32 s26, s14;
	s26 =	sadd.s32 $0x20, s16  }
0x1b: {  	s0 =	sadd.s32 $0x24900, s0;
	[dreg:$0xd] =	wrdreg s29;
	s1 =	sadd.s32 s5, s12  }
0x1c: {  	s14 =	sadd.s32 $0x4E380, s13;
	s18 =	sadd.s32 $0x200, s13;
	s20 =	sadd.s32 $0x4E400, s13  }
0x1d: {  	s21 =	sadd.s32 $0x180, s13;
	s23 =	sadd.s32 $0x280, s13;
	s6 =	sadd.s32 $0x4E300, s13  }
0x1e: {  	[dreg:$0x15] =	wrdreg s26;
	s29 =	sadd.s32 $0x9C50, s16;
	s16 =	simm.s32 $0x7  }
0x1f: {  	s12 =	simm.s32 $0xA;
	s13 =	simm.s32 $0x13B00;
	[dreg:$0xc] =	wrdreg s0  }
0x20: {  	s26 =	simm.s32 $0x4;
	s0 =	sshrl.u32 s7, $0x3;
	[dreg:$0xe] =	wrdreg s1  }
0x21: {  	s19 =	sshrl.u32 s18, $0x3;
	[dreg:$0x12] =	wrdreg s21;
	s22 =	sshrl.u32 s20, $0x3  }
0x22: {  	s24 =	sshrl.u32 s23, $0x3;
	s25 =	sshrl.u32 s6, $0x3;
	s23 =	smov.u32 s5  }
0x23: {  	[dreg:$0x16] =	wrdreg s29;
	s18 =	simm.s32 $0x13B80;
	s7 =	simm.s32 $0x8  }
0x24: {  	s21 =	simm.s32 $0xB;
	s1 =	simm.s32 $0xC;
	s0 =	sadd.s32 s11, s0  }
0x25: {  	s6 =	simm.s32 $0x0;
	[dreg:$0xf] =	wrdreg s0;
	s0 =	sshrl.u32 s14, $0x3  }
.Ltmp0:
0x26: {  	s25 =	sadd.s32 s25, s5;
	s0 =	sadd.s32 s0, s5;
	(pc) =	sbr.rel .LBB2_1-.Ltmp0, $4  }
0x27: {  	s11 =	simm.s32 $0x1BB80;
	[dreg:$0x11] =	wrdreg s0;
	s0 =	sadd.s32 s19, s5  }
0x28: {  	s14 =	simm.s32 $0x9;
	[dreg:$0x13] =	wrdreg s0;
	s0 =	sadd.s32 s22, s5  }
0x29: {  	s19 =	simm.s32 $0x2;
	[dreg:$0x14] =	wrdreg s0;
	s0 =	sadd.s32 s24, s5  }
0x2a: {  	s24 =	simm.s32 $0x13880;
	[dreg:$0x17] =	wrdreg s0;
	s0 =	simm.s32 $0x13A00  }
.LBB2_8:
0x2b: {  	s5 =	rddreg [dreg:$0x6]  }
0x2c: {  	s6 =	rddreg [dreg:$0xc];
	s20 =	simm.s32 $0x1FCD;
	s5 =	sshrl.u32 s5, $0x3  }
0x2d: {  	[hbm:s6], [sflag:s20] =	dma.local [spmem:s5], $0x2800  }
0x2e: {  	_ =	swait.ge [sflag:s22], $0x2800  }
0x2f: {  	[sflag:s22] =	ssyncset.done $0x0  }
0x30: {  	s6 =	rddreg [dreg:$0x18];
	[sflag:s22] =	ssyncadd.s32 $0xFFFFD800  }
.LBB2_9:
0x31: {  	s6 =	sadd.s32 $0x1, s6;
	s5 =	rddreg [dreg:$0x10]  }
0x32: {  	p6 =	sne.s32 s6, s5  }
.Ltmp1:
0x33: {  	_ = 	snop;
	(pc) =	sbr.rel @!p6 .LBB2_10-.Ltmp1, $1  }
0x34: {  	_ =	sdelay $0x3  }
.LBB2_1:
0x35: {  	[dreg:$0x18] =	wrdreg s6  }
0x36: {  	s5 =	rddreg [dreg:$0x6]  }
0x37: {  	s29 =	simm.s32 @!p2 $0x1FCD;
	s20 =	rddreg [dreg:$0x7];
	s6 =	sshrl.u32 @!p2 s5, $0x3  }
0x38: {  	[spmem:s6], [sflag:s29] =	dma.local @!p2 [hbm:s20], $0x2800  }
0x39: {  	s6 =	simm.s32 @!p2 $0xD  }
0x3a: {  	_ =	swait.ge @!p2 [sflag:s6], $0x2800  }
0x3b: {  	s29 =	simm.s32 @!p3 $0x1FCD;
	[sflag:s6] =	ssyncset.done @!p2 $0x0  }
0x3c: {  	[sflag:s6] =	ssyncadd.s32 @!p2 $0xFFFFD800;
	s6 =	sshrl.u32 @!p3 s5, $0x3;
	s5 =	rddreg [dreg:$0x9]  }
0x3d: {  	[spmem:s6], [sflag:s29] =	dma.local @!p3 [hbm:s5], $0x2800  }
0x3e: {  	s6 =	simm.s32 @!p3 $0xD  }
0x3f: {  	_ =	swait.ge @!p3 [sflag:s6], $0x2800  }
0x40: {  	s5 =	stileid.u32;
	s20 =	rddreg [dreg:$0x3]  }
0x41: {  	s29 =	sshll.u32 @!p4 s5, $0x6;
	[sflag:s6] =	ssyncset.done @!p3 $0x0;
	s22 =	rddreg [dreg:$0x4]  }
0x42: {  	[sflag:s6] =	ssyncadd.s32 @!p3 $0xFFFFD800;
	s6 =	sor.u32 @!p4 $0x1C0D, s29;
	s29 =	sshrl.u32 @!p4 s20, $0x3  }
0x43: {  	[spmem:s29], [sflag:s6] =	dma.local @!p4 [hbm:s22], $0x2700  }
0x44: {  	s6 =	simm.s32 @!p4 $0xD  }
0x45: {  	_ =	swait.ge @!p4 [sflag:s6], $0x2700  }
0x46: {  	s29 =	sshll.u32 @!p5 s5, $0x6;
	[sflag:s6] =	ssyncset.done @!p4 $0x0;
	s5 =	rddreg [dreg:$0x5]  }
0x47: {  	[sflag:s6] =	ssyncadd.s32 @!p4 $0xFFFFD900;
	s6 =	sor.u32 @!p5 $0x1C0D, s29;
	s29 =	sshrl.u32 @!p5 s20, $0x3  }
0x48: {  	[spmem:s29], [sflag:s6] =	dma.local @!p5 [hbm:s5], $0x2700  }
0x49: {  	s6 =	simm.s32 @!p5 $0xD  }
0x4a: {  	_ =	swait.ge @!p5 [sflag:s6], $0x2700  }
0x4b: {  	[sflag:s6] =	ssyncset.done @!p5 $0x0  }
0x4c: {  	[sflag:s6] =	ssyncadd.s32 @!p5 $0xFFFFD900  }
0x4d: {  	[bflag:$0x0] =	sbarrier.arrive $0xFFFF  }
0x4e: {  	s6 =	simm.s32 $0x13880;
	s22 =	rddreg [dreg:$0x8]  }
0x4f: {  	[tilespmem:s6], [sflag:$0x7] =	stream.linear.gather [hbm4b:s22+s3], $0x80, $0x38;
	[tilespmem:$0x1FB80] =	vst v63  }
0x50: {  	s20 =	rddreg [dreg:$0xa]  }
0x51: {  	[tilespmem:s30], [sflag:$0x8] =	stream.linear.gather [hbm4b:s20+s3], $0x80, $0x38;
	[tilespmem:$0x1FB80] =	vst v63  }
0x52: {  	s22 =	rddreg [dreg:$0x15]  }
0x53: {  	[tilespmem:s31], [sflag:$0x9] =	stream.linear.gather [hbm4b:s22+s3], $0x80, $0x38;
	[tilespmem:$0x1FB80] =	vst v63  }
0x54: {  	s20 =	rddreg [dreg:$0xb]  }
0x55: {  	[tilespmem:s0], [sflag:$0xA] =	stream.linear.gather [hbm4b:s20+s3], $0x80, $0x38;
	[tilespmem:$0x1FB80] =	vst v63  }
0x56: {  	s22 =	rddreg [dreg:$0x16]  }
0x57: {  	[tilespmem:s15], [sflag:$0xB] =	stream.linear.gather [hbm4b:s22+s3], $0x80, $0x38;
	[tilespmem:$0x1FB80] =	vst v63  }
0x58: {  	_ =	swait.ge [sflag:s16], $0x80  }
0x59: {  	[sflag:s16] =	ssyncset.done $0x0  }
0x5a: {  	[sflag:s16] =	ssyncadd.s32 $0xFFFFFF80  }
0x5b: {  	[tilespmem:s18], [sflag:$0x1] =	stream.indirect.gather [hbm4b:s4+s17], $0x80, s6, s17, $0xb8;
	[tilespmem:$0x1FB80] =	vst v63  }
0x5c: {  	_ =	swait.ge [sflag:s7], $0x80  }
0x5d: {  	[sflag:s7] =	ssyncset.done $0x0  }
0x5e: {  	s29 =	simm.s32 $0x0;
	s6 =	rddreg [dreg:$0x12];
	[sflag:s7] =	ssyncadd.s32 $0xFFFFFF80  }
0x5f: {  	[tilespmem:s8], [sflag:$0x2] =	stream.indirect.gather [hbm4b:s4+s17], $0x80, s30, s17, $0xb8;
	[tilespmem:$0x1FB80] =	vst v63  }
.LBB2_2:
0x60: {  	_ =	swait.ge [sflag:s10], $0x4000  }
0x61: {  	[sflag:s10] =	ssyncset.done $0x0  }
0x62: {  	[sflag:s10] =	ssyncadd.s32 $0xFFFFC000  }
0x63: {  	_ =	swait.ge [sflag:s12], $0x80  }
0x64: {  	p6 =	seq.s32 s29, $0x0;
	[sflag:s12] =	ssyncset.done $0x0  }
0x65: {  	s5 =	simm.s32 @!p6 $0x6;
	[sflag:s12] =	ssyncadd.s32 $0xFFFFFF80  }
0x66: {  	[spmem:s2] =	stream.indirect.scatter.add.f32 [tilespmem:s18], [sflag:$0x4], $0x80, s0, s17, $0xb8;
	[tilespmem:$0x1FB80] =	vst v63  }
0x67: {  	_ =	swait.ge @!p6 [sflag:s5], $0x4000  }
0x68: {  	[sflag:s5] =	ssyncset.done @!p6 $0x0  }
0x69: {  	s22 =	sadd.s32 s29, s25;
	[sflag:s5] =	ssyncadd.s32 @!p6 $0xFFFFC000;
	p6 =	seq.s32 s29, $0x4B0  }
0x6a: {  	[tilespmem:s13], [sflag:$0xC] =	stream.linear.gather [hbm4b:s22+s3], $0x80, $0x38;
	[tilespmem:$0x1FB80] =	vst v63  }
0x6b: {  	s5 =	sshrl.u32 @!p6 s6, $0x3  }
0x6c: {  	s20 =	simm.s32 @!p6 $0x0;
	s22 =	simm.s32 @!p6 $0x13880;
	s5 =	sadd.s32 @!p6 s23, s5  }
0x6d: {  	[tilespmem:s22], [sflag:$0x7] =	stream.linear.gather @!p6 [hbm4b:s5+s20], $0x80, $0x38;
	[tilespmem:$0x1FB80] =	vst v63  }
0x6e: {  	_ =	swait.ge [sflag:s14], $0x80  }
0x6f: {  	[sflag:s14] =	ssyncset.done $0x0  }
0x70: {  	[sflag:s14] =	ssyncadd.s32 $0xFFFFFF80  }
0x71: {  	[tilespmem:s11], [sflag:$0x3] =	stream.indirect.gather [hbm4b:s4+s17], $0x80, s31, s17, $0xb8;
	[tilespmem:$0x1FB80] =	vst v63  }
0x72: {  	_ =	swait.ge [sflag:s19], $0x4000  }
0x73: {  	[sflag:s19] =	ssyncset.done $0x0  }
0x74: {  	[sflag:s19] =	ssyncadd.s32 $0xFFFFC000  }
0x75: {  	_ =	swait.ge [sflag:s21], $0x80  }
0x76: {  	[sflag:s21] =	ssyncset.done $0x0  }
.Ltmp2:
0x77: {  	[sflag:s21] =	ssyncadd.s32 $0xFFFFFF80;
	(pc) =	sbr.rel @p6 .LBB2_4-.Ltmp2, $4  }
0x78: {  	[spmem:s2] =	stream.indirect.scatter.add.f32 [tilespmem:s8], [sflag:$0x5], $0x80, s15, s17, $0xb8;
	[tilespmem:$0x1FB80] =	vst v63  }
0x79: {  	_ =	swait.ge [sflag:s26], $0x4000  }
0x7a: {  	[sflag:s26] =	ssyncset.done $0x0  }
0x7b: {  	[sflag:s26] =	ssyncadd.s32 $0xFFFFC000  }
0x7c: {  	s5 =	rddreg [dreg:$0x11]  }
0x7d: {  	s22 =	rddreg [dreg:$0x13];
	s5 =	sadd.s32 s29, s5  }
0x7e: {  	[tilespmem:s0], [sflag:$0xA] =	stream.linear.gather [hbm4b:s5+s3], $0x80, $0x38;
	[tilespmem:$0x1FB80] =	vst v63  }
0x7f: {  	s5 =	sadd.s32 s29, s22  }
0x80: {  	[tilespmem:s30], [sflag:$0x8] =	stream.linear.gather [hbm4b:s5+s3], $0x80, $0x38;
	[tilespmem:$0x1FB80] =	vst v63  }
0x81: {  	_ =	swait.ge [sflag:s16], $0x80  }
0x82: {  	[sflag:s16] =	ssyncset.done $0x0  }
0x83: {  	[sflag:s16] =	ssyncadd.s32 $0xFFFFFF80  }
0x84: {  	[tilespmem:s18], [sflag:$0x1] =	stream.indirect.gather [hbm4b:s4+s17], $0x80, s24, s17, $0xb8;
	[tilespmem:$0x1FB80] =	vst v63  }
0x85: {  	_ =	swait.ge [sflag:s28], $0x4000  }
0x86: {  	[sflag:s28] =	ssyncset.done $0x0  }
0x87: {  	[sflag:s28] =	ssyncadd.s32 $0xFFFFC000  }
0x88: {  	_ =	swait.ge [sflag:s1], $0x80  }
0x89: {  	[sflag:s1] =	ssyncset.done $0x0  }
0x8a: {  	[sflag:s1] =	ssyncadd.s32 $0xFFFFFF80  }
0x8b: {  	[spmem:s2] =	stream.indirect.scatter.add.f32 [tilespmem:s11], [sflag:$0x6], $0x80, s13, s17, $0xb8;
	[tilespmem:$0x1FB80] =	vst v63  }
0x8c: {  	_ =	swait.ge [sflag:s9], $0x4000  }
0x8d: {  	[sflag:s9] =	ssyncset.done $0x0;
	s20 =	rddreg [dreg:$0x14]  }
0x8e: {  	s22 =	rddreg [dreg:$0x17];
	[sflag:s9] =	ssyncadd.s32 $0xFFFFC000;
	s5 =	sadd.s32 s29, s20  }
0x8f: {  	[tilespmem:s15], [sflag:$0xB] =	stream.linear.gather [hbm4b:s5+s3], $0x80, $0x38;
	[tilespmem:$0x1FB80] =	vst v63  }
0x90: {  	s5 =	sadd.s32 s29, s22  }
0x91: {  	[tilespmem:s31], [sflag:$0x9] =	stream.linear.gather [hbm4b:s5+s3], $0x80, $0x38;
	[tilespmem:$0x1FB80] =	vst v63  }
.Ltmp3:
0x92: {  	_ = 	snop;
	(pc) =	sbr.rel .LBB2_2-.Ltmp3, $4  }
0x93: {  	_ =	swait.ge [sflag:s7], $0x80  }
0x94: {  	[sflag:s7] =	ssyncset.done $0x0  }
0x95: {  	s6 =	sadd.s32 $0x180, s6;
	s29 =	sadd.s32 $0x30, s29;
	[sflag:s7] =	ssyncadd.s32 $0xFFFFFF80  }
0x96: {  	[tilespmem:s8], [sflag:$0x2] =	stream.indirect.gather [hbm4b:s4+s17], $0x80, s30, s17, $0xb8;
	[tilespmem:$0x1FB80] =	vst v63  }
.LBB2_4:
0x97: {  	_ =	swait.ge [sflag:s28], $0x4000  }
0x98: {  	[sflag:s28] =	ssyncset.done $0x0  }
0x99: {  	[sflag:s28] =	ssyncadd.s32 $0xFFFFC000  }
0x9a: {  	_ =	swait.ge [sflag:s1], $0x80  }
0x9b: {  	[sflag:s1] =	ssyncset.done $0x0  }
0x9c: {  	[sflag:s1] =	ssyncadd.s32 $0xFFFFFF80  }
0x9d: {  	[spmem:s2] =	stream.indirect.scatter.add.f32 [tilespmem:s11], [sflag:$0x6], $0x80, s13, s17, $0xb8;
	[tilespmem:$0x1FB80] =	vst v63  }
0x9e: {  	_ =	swait.ge [sflag:s9], $0x4000  }
.Ltmp4:
0x9f: {  	[sflag:s9] =	ssyncset.done $0x0;
	(pc) =	sbr.rel @p1 .LBB2_6-.Ltmp4, $4  }
0xa0: {  	s5 =	simm.s32 $0x6;
	[sflag:s9] =	ssyncadd.s32 $0xFFFFC000  }
0xa1: {  	_ =	swait.ge [sflag:s5], $0x4000  }
0xa2: {  	[sflag:s5] =	ssyncset.done $0x0  }
0xa3: {  	[sflag:s5] =	ssyncadd.s32 $0xFFFFC000  }
0xa4: {  	s5 =	rddreg [dreg:$0xd];
	s6 =	simm.s32 $0x13880  }
0xa5: {  	[tilespmem:s6], [sflag:$0x7] =	stream.linear.gather [hbm4b:s5+s3], $0x80, $0x38;
	[tilespmem:$0x1FB80] =	vst v63  }
0xa6: {  	s29 =	rddreg [dreg:$0xe]  }
0xa7: {  	[tilespmem:s0], [sflag:$0xA] =	stream.linear.gather [hbm4b:s29+s3], $0x80, $0x38;
	[tilespmem:$0x1FB80] =	vst v63  }
0xa8: {  	_ =	swait.ge [sflag:s16], $0x80  }
0xa9: {  	[sflag:s16] =	ssyncset.done $0x0  }
0xaa: {  	[sflag:s16] =	ssyncadd.s32 $0xFFFFFF80  }
0xab: {  	_ =	swait.ge [sflag:s12], $0x80  }
0xac: {  	[sflag:s12] =	ssyncset.done $0x0  }
0xad: {  	[sflag:s12] =	ssyncadd.s32 $0xFFFFFF80  }
0xae: {  	[tilespmem:s18], [sflag:$0x1] =	stream.indirect.gather [hbm4b:s4+s17], $0x80, s6, s17, $0xb8;
	[tilespmem:$0x1FB80] =	vst v63  }
0xaf: {  	_ =	swait.ge [sflag:s10], $0x4000  }
0xb0: {  	[sflag:s10] =	ssyncset.done $0x0  }
0xb1: {  	s22 =	simm.s32 $0xD;
	[sflag:s10] =	ssyncadd.s32 $0xFFFFC000  }
0xb2: {  	[spmem:s2] =	stream.indirect.scatter.add.f32 [tilespmem:s18], [sflag:$0xD], $0x80, s0, s17, $0xb8;
	[tilespmem:$0x1FB80] =	vst v63  }
.Ltmp5:
0xb3: {  	_ =	swait.ge [sflag:s22], $0x4000;
	(pc) =	sbr.rel .LBB2_7-.Ltmp5, $3  }
0xb4: {  	[sflag:s22] =	ssyncset.done $0x0  }
0xb5: {  	[sflag:s22] =	ssyncadd.s32 $0xFFFFC000  }
0xb6: {  	[bflag:$0x0] =	sbarrier.arrive $0xFFFF;
	_ =	sdelay $0x1  }
.LBB2_6:
.Ltmp6:
0xb7: {  	(pc) =	sbr.rel @p0 .LBB2_8-.Ltmp6, $3  }
0xb8: {  	_ =	sdelay $0x1  }
0xb9: {  	[bflag:$0x0] =	sbarrier.arrive $0xFFFF  }
0xba: {  	s22 =	simm.s32 $0xD  }
.LBB2_7:
0xbb: {  	s5 =	stileid.u32;
	s6 =	rddreg [dreg:$0x3]  }
0xbc: {  	s20 =	rddreg [dreg:$0xf];
	s5 =	sshll.u32 s5, $0x6  }
.Ltmp7:
0xbd: {  	s6 =	sshrl.u32 s6, $0x3;
	s5 =	sor.u32 $0x1C0D, s5;
	(pc) =	sbr.rel .LBB2_9-.Ltmp7, $4  }
0xbe: {  	[hbm:s20], [sflag:s5] =	dma.local [spmem:s6], $0x2700  }
0xbf: {  	_ =	swait.ge [sflag:s22], $0x2700  }
0xc0: {  	[sflag:s22] =	ssyncset.done $0x0  }
0xc1: {  	s6 =	rddreg [dreg:$0x18];
	[sflag:s22] =	ssyncadd.s32 $0xFFFFD900  }
.LBB2_10:
0xc2: {  	_ =	sfence.sel $0x180000  }
0xc3: {  	[bflag:$0x0] =	sbarrier.arrive $0xFFFF  }
0xc4: {  	_ =	strace $0x9000004D  }
0xc5: {  	s0 =	stileid.u32;
	[bflag:$0x2] =	sbarrier.arrive $0xFFFF  }
0xc6: {  	p0 =	sne.s32 s0, $0x0;
	s0 =	rddreg [dreg:$0x2]  }
0xc7: {  	s0 =	sadd.s32 @!p0 $0x100000, s0  }
0xc8: {  	[sflag:s0] =	ssyncadd.tile.s32 @!p0 $0x1;
	_ =	shalt  }
.Lfunc_end2:
_tile_overlayer_lowered:
.L_overlay_start_2:
0xc9: {  	(tag) =	ssettag $0x2  }
0xca: {  	s0 =	rddreg [dreg:$0x0];
	s2 =	stileid.u32  }
0xcb: {  	s1 =	rddreg [dreg:$0x1];
	p0 =	sne.s32 s2, $0x0  }
0xcc: {  	s3 =	rddreg [dreg:$0x2];
	[bflag:$0x3] =	sbarrier.arrive $0xFFFF;
	s2 =	simm.s32 @!p0 $0x1C0D  }
0xcd: {  	[timem:s3], [sflag:s2] =	dma.local @!p0 [hbm:s0], s1  }
0xce: {  	s0 =	simm.s32 @!p0 $0xD  }
0xcf: {  	_ =	swait.ge @!p0 [sflag:s0], s1  }
0xd0: {  	s1 =	ssub.s32 @!p0 $0x0, s1;
	[sflag:s0] =	ssyncset.done @!p0 $0x0  }
0xd1: {  	[sflag:s0] =	ssyncadd.s32 @!p0 s1  }
0xd2: {  	[bflag:$0x3] =	sbarrier.arrive $0xFFFF  }
0xd3: {  	_ =	shalt  }

// kernel: kernel.20.cloned.1.call-start
scs
__scs_entry_jumppad:
0x0: {  	(pc) =	sbr.rel $0x88, $3  }
0x1: {  	(tag) =	ssettag $0x0;
	lr =	simm.s32 $0x1  }
0x2: {  	[smem:$0x3F99] =	sst lr;
	_ =	strace $0xD0000000  }
0x3: {  	_ = 	snop  }
0x4: {  	_ = 	snop  }
0x5: {  	_ = 	snop  }
0x6: {  	_ = 	snop  }
0x7: {  	_ = 	snop  }
__scs_overlays_trampoline_lowered:
0x8: {  	[smem:$0x3FA8] =	sst s0  }
0x9: {  	[smem:$0x3FA9] =	sst s1  }
0xa: {  	[smem:$0x3FAA] =	sst s2  }
0xb: {  	[smem:$0x3FAB] =	sst s3  }
0xc: {  	[smem:$0x3FAC] =	sst s4  }
0xd: {  	[smem:$0x3FAD] =	sst s5  }
0xe: {  	[smem:$0x3FAE] =	sst s6  }
0xf: {  	[smem:$0x3FAF] =	sst s7  }
0x10: {  	[smem:$0x3FB0] =	sst s8  }
0x11: {  	[smem:$0x3FB1] =	sst s9;
	s0 =	simm.s32 @!p0 $0x0  }
0x12: {  	s1 =	sld [smem:$0x3F97];
	s0 =	simm.s32 @p0 $0x1  }
0x13: {  	[smem:$0x3FB2] =	sst s0;
	s0 =	simm.s32 @!p1 $0x0  }
0x14: {  	s2 =	sld [smem:$0x3F96];
	s0 =	simm.s32 @p1 $0x1  }
0x15: {  	[smem:$0x3FB3] =	sst s0;
	s0 =	simm.s32 @!p2 $0x0  }
0x16: {  	s3 =	sld [smem:$0x3FDB];
	s0 =	simm.s32 @p2 $0x1  }
0x17: {  	s4 =	simm.s32 $0x1BF5;
	[smem:$0x3FB5] =	sst s0  }
0x18: {  	s0 =	sld [smem:$0x3F98];
	_ =	swait.ge [sflag:s4], $0x0  }
0x19: {  	s7 =	sld [smem:$0x3F99]  }
0x1a: {  	s8 =	sadd.s32 $0xFFFFE003, lr  }
0x1b: {  	s9 =	sadd.s32 $0xFFFFFEF7, lr;
	s5 =	simm.s32 $0xFFFFFFFF;
	p2 =	slt.u32 s8, $0xFFFFF086  }
0x1c: {  	p1 =	slt.u32 s9, $0xF7A;
	s5 =	simm.s32 @!p2 $0x0  }
0x1d: {  	s5 =	simm.s32 @p1 $0x1;
	p0 =	seq.s32 s7, s2  }
0x1e: {  	s7 =	smul.u32 @!p0 $0xF7A, s2;
	p2 =	seq.s32 @!p0 s5, $0x0  }
0x1f: {  	s9 =	smul.u32 $0xF7A, s1;
	s8 =	simm.s32 @!p0 $0x1BF5;
	p2 =	por !p2, p0  }
0x20: {  	[sflag:s8] =	ssyncset.s32 @!p0 $0xFFFFF086;
	s6 =	sadd.s32 @!p0 s3, s7;
	s7 =	simm.s32 @!p0 $0x108  }
0x21: {  	s3 =	sadd.s32 s3, s9;
	s6 =	sadd.s32 @!p0 $0x88, s6;
	s7 =	simm.s32 @p2 $0x1082  }
0x22: {  	[simem:s7], [sflag:s8] =	dma.local @!p0 [hbm:s6], $0xF7A  }
0x23: {  	s9 =	sor.u32 $0xD0000000, s2;
	s6 =	simm.s32 $0x108;
	_ =	swait.ge @!p0 [sflag:s8], $0x0  }
0x24: {  	s3 =	sadd.s32 $0x88, s3;
	s6 =	simm.s32 @!p1 $0x1082;
	[sflag:s4] =	ssyncset.s32 $0xFFFFF086  }
0x25: {  	[simem:s6], [sflag:s4] =	dma.local [hbm:s3], $0xF7A  }
0x26: {  	[smem:$0x3F99] =	sst s1;
	(tag) =	ssettag s2;
	_ =	strace s9  }
0x27: {  	s1 =	sld [smem:$0x3FA9]  }
0x28: {  	s2 =	sld [smem:$0x3FAA]  }
0x29: {  	s4 =	sld [smem:$0x3FAC]  }
0x2a: {  	p0 =	seq.s32 s5, $0x0;
	s5 =	sld [smem:$0x3FAD]  }
0x2b: {  	s6 =	sld [smem:$0x3FAE]  }
0x2c: {  	s7 =	sld [smem:$0x3FAF]  }
0x2d: {  	s3 =	simm.s32 $0x108;
	s8 =	sld [smem:$0x3FB0]  }
0x2e: {  	s3 =	simm.s32 @!p0 $0x1082;
	s9 =	sld [smem:$0x3FB1]  }
0x2f: {  	lr =	sadd.s32 s0, s3;
	s0 =	sld [smem:$0x3FA8]  }
0x30: {  	s3 =	sld [smem:$0x3FAB]  }
0x31: {  	[smem:$0x3FB4] =	sst s10  }
0x32: {  	s10 =	sld [smem:$0x3FB2];
	_ =	sdelay $0x3  }
0x33: {  	p0 =	seq.s32 s10, $0x1;
	s10 =	sld [smem:$0x3FB4];
	_ =	sdelay $0x3  }
0x34: {  	[smem:$0x3FB4] =	sst s10  }
0x35: {  	s10 =	sld [smem:$0x3FB3];
	_ =	sdelay $0x3  }
0x36: {  	p1 =	seq.s32 s10, $0x1;
	s10 =	sld [smem:$0x3FB4];
	_ =	sdelay $0x3  }
0x37: {  	[smem:$0x3FB4] =	sst s10  }
0x38: {  	s10 =	sld [smem:$0x3FB5]  }
0x39: {  	_ = 	snop;
	(pc) =	sbr.ind lr, $3  }
0x3a: {  	_ = 	snop  }
0x3b: {  	_ = 	snop  }
0x3c: {  	p2 =	seq.s32 s10, $0x1;
	s10 =	sld [smem:$0x3FB4]  }
0x3d: {  	_ =	shalt  }
0x3e: {  	_ =	shalt  }
0x3f: {  	_ =	shalt  }
0x40: {  	_ =	shalt  }
0x41: {  	_ =	shalt  }
0x42: {  	_ =	shalt  }
0x43: {  	_ =	shalt  }
0x44: {  	_ =	shalt  }
0x45: {  	_ =	shalt  }
0x46: {  	_ =	shalt  }
0x47: {  	_ =	shalt  }
0x48: {  	_ =	shalt  }
0x49: {  	_ =	shalt  }
0x4a: {  	_ =	shalt  }
0x4b: {  	_ =	shalt  }
0x4c: {  	_ =	shalt  }
0x4d: {  	_ =	shalt  }
0x4e: {  	_ =	shalt  }
0x4f: {  	_ =	shalt  }
0x50: {  	_ =	shalt  }
0x51: {  	_ =	shalt  }
0x52: {  	_ =	shalt  }
0x53: {  	_ =	shalt  }
0x54: {  	_ =	shalt  }
0x55: {  	_ =	shalt  }
0x56: {  	_ =	shalt  }
0x57: {  	_ =	shalt  }
0x58: {  	_ =	shalt  }
0x59: {  	_ =	shalt  }
0x5a: {  	_ =	shalt  }
0x5b: {  	_ =	shalt  }
0x5c: {  	_ =	shalt  }
0x5d: {  	_ =	shalt  }
0x5e: {  	_ =	shalt  }
0x5f: {  	_ =	shalt  }
0x60: {  	_ =	shalt  }
0x61: {  	_ =	shalt  }
0x62: {  	_ =	shalt  }
0x63: {  	_ =	shalt  }
0x64: {  	_ =	shalt  }
0x65: {  	_ =	shalt  }
0x66: {  	_ =	shalt  }
0x67: {  	_ =	shalt  }
0x68: {  	_ =	shalt  }
0x69: {  	_ =	shalt  }
0x6a: {  	_ =	shalt  }
0x6b: {  	_ =	shalt  }
0x6c: {  	_ =	shalt  }
0x6d: {  	_ =	shalt  }
0x6e: {  	_ =	shalt  }
0x6f: {  	_ =	shalt  }
0x70: {  	_ =	shalt  }
0x71: {  	_ =	shalt  }
0x72: {  	_ =	shalt  }
0x73: {  	_ =	shalt  }
0x74: {  	_ =	shalt  }
0x75: {  	_ =	shalt  }
0x76: {  	_ =	shalt  }
0x77: {  	_ =	shalt  }
0x78: {  	_ =	shalt  }
0x79: {  	_ =	shalt  }
0x7a: {  	_ =	shalt  }
0x7b: {  	_ =	shalt  }
0x7c: {  	_ =	shalt  }
0x7d: {  	_ =	shalt  }
0x7e: {  	_ =	shalt  }
0x7f: {  	_ =	shalt  }
0x80: {  	_ =	shalt  }
0x81: {  	_ =	shalt  }
0x82: {  	_ =	shalt  }
0x83: {  	_ =	shalt  }
0x84: {  	_ =	shalt  }
0x85: {  	_ =	shalt  }
0x86: {  	_ =	shalt  }
0x87: {  	_ =	shalt  }
.Lfunc_end0:
.L_simem_size_0:
called_computation.3_lowered:
.L_overlay_start_0:
0x88: {  	s2 =	sld [smem:$0x3FD9]  }
0x89: {  	s3 =	sld [smem:$0x3FFE];
	_ =	sdelay $0x1  }
0x8a: {  	s1 =	srdreg.scid  }
0x8b: {  	s0 =	sand.u32 $0x1, s1  }
0x8c: {  	s17 =	sshll.u32 s0, $0xA;
	s2 =	sadd.s32 s3, s2  }
0x8d: {  	s2 =	sadd.s32 s2, s17  }
0x8e: {  	[smem:$0x3FC0] =	sst s2  }
0x8f: {  	_ = 	snop  }
0x90: {  	s2 =	sld [smem:$0x3FD0];
	(tm) =	ssettm $0x1  }
0x91: {  	s18 =	sld [smem:$0x3FFB];
	_ =	sdelay $0x3  }
0x92: {  	_ =	strace s18  }
0x93: {  	s3 =	sld [smem:$0x3FFC];
	_ =	sdelay $0x3  }
0x94: {  	_ =	strace s3  }
0x95: {  	s3 =	sld [smem:$0x3FFD];
	_ =	sdelay $0x3  }
0x96: {  	_ =	strace s3  }
0x97: {  	_ =	strace $0x8FFFFFFF  }
0x98: {  	s19 =	sld [smem:$0x3FDB];
	_ =	sdelay $0x1  }
0x99: {  	s4 =	simm.s32 $_scs_section_size  }
0x9a: {  	s5 =	simm.s32 $_size__tile_overlayer_lowered;
	s6 =	simm.s32 $_tile_overlayer_lowered  }
0x9b: {  	s22 =	simm.s32 $0x1BFF;
	s21 =	sshll.u32 s6, $0x1;
	s3 =	sadd.s32 s4, s19  }
0x9c: {  	s7 =	simm.s32 $0x0;
	s20 =	sshll.u32 s5, $0x1;
	s5 =	sadd.s32 s21, s3  }
0x9d: {  	[timem:s7], [sflag:s22] =	dma.local [hbm:s5], s20  }
0x9e: {  	_ =	swait.ge [sflag:s22], s20  }
0x9f: {  	s4 =	ssub.s32 $0x0, s20;
	[sflag:s22] =	ssyncset.done $0x0  }
0xa0: {  	[sflag:s22] =	ssyncadd.s32 s4;
	_ =	sdelay $0x1  }
0xa1: {  	s23 =	simm.s32 $0x1B8B  }
0xa2: {  	_ =	swait.ge [sflag:s23], $0x1  }
0xa3: {  	[sflag:s23] =	ssyncset.done $0x0  }
0xa4: {  	s25 =	simm.s32 $0x1B8E;
	s24 =	sld [smem:$0x3FFE];
	[sflag:s23] =	ssyncadd.s32 $0xFFFFFFFF  }
0xa5: {  	s26 =	simm.s32 $execute0_lowered;
	[smem:$0x3FD2] =	sst s25  }
0xa6: {  	s5 =	sshll.u32 s26, $0x1;
	_ =	strace $0x8000004F;
	[dreg:$0x1] =	wrdreg $0xFFFFFFFF  }
0xa7: {  	s28 =	simm.s32 $_size_execute0_lowered;
	s3 =	sadd.s32 s3, s5;
	[dreg:$0x0] =	wrdreg $0x0  }
0xa8: {  	s5 =	sshll.u32 s28, $0x1;
	[dreg:$0x2] =	wrdreg s3  }
0xa9: {  	[dreg:$0x3] =	wrdreg s5  }
0xaa: {  	[dreg:$0x4] =	wrdreg $0xC0  }
0xab: {  	_ =	task [dreg:s7], $0x5FFFF  }
0xac: {  	[dreg:$0x1] =	wrdreg $0xFFFFFFFF  }
0xad: {  	[dreg:$0x0] =	wrdreg $0x60  }
0xae: {  	[dreg:$0x2] =	wrdreg s2  }
0xaf: {  	[dreg:$0x3] =	wrdreg s24  }
0xb0: {  	[dreg:$0x4] =	wrdreg $0x0  }
0xb1: {  	[dreg:$0x5] =	wrdreg $0x9  }
0xb2: {  	_ =	task.clear_ibuf [dreg:s7], $0x6FFFF;
	_ =	strace $0x9000004F  }
0xb3: {  	s29 =	simm.s32 $0x9;
	_ =	strace $0x80000051  }
0xb4: {  	_ =	swait.ge [sflag:s29], $0x1  }
0xb5: {  	[sflag:s29] =	ssyncadd.s32 $0xFFFFFFFF  }
0xb6: {  	_ =	strace $0x90000051  }
0xb7: {  	_ =	sfence  }
0xb8: {  	s30 =	sld [smem:$0x0];
	_ =	sdelay $0x2  }
0xb9: {  	s31 =	sshll.u32 s1, $0xD;
	s1 =	sshrl.u32 s1, $0x2  }
0xba: {  	s3 =	sand.u32 $0x4000, s31;
	s1 =	sadd.s32 s1, s30  }
0xbb: {  	s0 =	sor.u32 s3, s0;
	s1 =	sshll.u32 s1, $0x11  }
0xbc: {  	s0 =	sor.u32 s1, s0  }
0xbd: {  	s0 =	sadd.s32 $0x8F2B, s0  }
0xbe: {  	[sflag:s0] =	ssyncadd.remote.s32 $0x1  }
0xbf: {  	_ =	sfence.sel $0xFFFF  }
0xc0: {  	[dreg:$0x0] =	wrdreg $0xFFFFFFFF;
	(pc) =	sbr.abs _section_cstart, $3  }
0xc1: {  	[dreg:$0x1] =	wrdreg $0xFFFFFFFF  }
0xc2: {  	_ =	task.clear_ibuf [dreg:s7], $0x2FFFF;
	_ =	strace $0x9FFFFFFF  }
0xc3: {  	(tm) =	ssettm $0x7FFFFFFF  }
tec
execute0_lowered:
.L_overlay_start_1:
0x0: {  	(tag) =	ssettag $0x1  }
0x1: {  	s1 =	rddreg [dreg:$0x0]  }
0x2: {  	s0 =	rddreg [dreg:$0x1]  }
0x3: {  	s2 =	srdreg.scid;
	s3 =	rddreg [dreg:$0x2]  }
0x4: {  	s4 =	simm.s32 $0x0;
	s21 =	simm.s32 $0x1;
	s29 =	simm.s32 $0x9710  }
0x5: {  	s31 =	simm.s32 $0x4;
	s28 =	simm.s32 $0x6;
	s30 =	simm.s32 $0x0  }
0x6: {  	s13 =	sand.u32 $0x1, s2;
	s2 =	stileid.u32;
	[smem:$0x7FF] =	sst s4  }
0x7: {  	s16 =	sadd.s32 $0x2E00, s0;
	s17 =	sadd.s32 $0x1B800, s0;
	s10 =	sadd.s32 $0x24900, s3  }
0x8: {  	s11 =	sadd.s32 $0x1B120, s0;
	s12 =	sadd.s32 $0x4920, s1;
	s5 =	sshll.u32 s13, $0x4  }
0x9: {  	s14 =	smul.u32 $0x2700, s2;
	_ =	strace $0x80000050;
	s6 =	ssub.s32 $0x2, s13  }
0xa: {  	s19 =	smul.u32 $0x27100, s13;
	s20 =	sshll.u32 s2, $0x5;
	p0 =	seq.s32 s2, $0xF  }
0xb: {  	s15 =	sor.u32 s2, s5;
	s7 =	sshrl.u32 s6, $0x1;
	p2 =	sne.s32 @p0 s13, $0x0  }
0xc: {  	p4 =	sne.s32 @!p0 s13, $0x0;
	s13 =	simm.s32 $0x3;
	s5 =	smul.u32 $0x2700, s15  }
0xd: {  	s9 =	sshrl.u32 s14, $0x3;
	s18 =	ssub.s32 s6, s7;
	s7 =	sadd.s32 s14, s3  }
0xe: {  	s23 =	sshrl.u32 s19, $0x3;
	s14 =	sadd.s32 s14, s19;
	s19 =	simm.s32 $0x4E10  }
0xf: {  	p1 =	por !p2, !p0;
	p2 =	por p2, !p0;
	p3 =	por !p4, p0  }
0x10: {  	p4 =	por p4, p0;
	p5 =	sgt.u32 s15, $0x1;
	s15 =	simm.s32 $0x5  }
0x11: {  	s8 =	sadd.s32 s9, s0;
	s9 =	sadd.s32 s1, s9;
	s0 =	sadd.s32 s17, s23  }
0x12: {  	s25 =	sshrl.u32 s14, $0x3;
	s23 =	simm.s32 $0x100;
	s5 =	sshrl.u32 s5, $0x3  }
0x13: {  	s8 =	sadd.s32 $0x16800, s8;
	s0 =	sadd.s32 $0x4920, s0;
	s5 =	sadd.s32 s16, s5  }
0x14: {  	s16 =	sadd.s32 s20, s16;
	[dreg:$0x5] =	wrdreg s0;
	s0 =	sadd.s32 s17, s25  }
.Ltmp0:
0x15: {  	s22 =	sadd.s32 $0x9C40, s5;
	[dreg:$0x8] =	wrdreg s0;
	(pc) =	sbr.rel .LBB2_1-.Ltmp0, $4  }
0x16: {  	s17 =	smax.u32 s18, $0x1;
	s24 =	sadd.s32 $0x9C00, s16;
	[dreg:$0x4] =	wrdreg s22  }
0x17: {  	s18 =	simm.s32 $0x2710;
	s26 =	sadd.s32 $0x13840, s16;
	[dreg:$0x6] =	wrdreg s24  }
0x18: {  	s20 =	sshrl.u32 @!p1 s10, $0x3;
	s0 =	simm.s32 $0x8;
	[dreg:$0x7] =	wrdreg s26  }
0x19: {  	s22 =	simm.s32 $0x2;
	s24 =	simm.s32 $0x7710;
	s26 =	simm.s32 $0x8710  }
.LBB2_8:
0x1a: {  	s6 =	sshrl.u32 s10, $0x3;
	s14 =	rddreg [dreg:$0x5];
	s16 =	simm.s32 $0x1FC8  }
0x1b: {  	[hbm:s14], [sflag:s16] =	dma.local [spmem:s6], $0x500  }
0x1c: {  	_ =	swait.ge [sflag:s0], $0x500  }
0x1d: {  	[sflag:s0] =	ssyncset.done $0x0  }
0x1e: {  	[sflag:s0] =	ssyncadd.s32 $0xFFFFFB00  }
.LBB2_9:
0x1f: {  	s30 =	sadd.s32 $0x1, s30  }
0x20: {  	p6 =	sne.s32 s30, s17  }
.Ltmp1:
0x21: {  	_ = 	snop;
	(pc) =	sbr.rel @!p6 .LBB2_10-.Ltmp1, $1  }
0x22: {  	_ =	sdelay $0x3  }
.LBB2_1:
0x23: {  	[tilespmem:s18], [sflag:$0x1] =	stream.linear.gather [hbm4b:s5+s4], $0x2700, $0x38;
	[tilespmem:$0xA710] =	vst v63  }
0x24: {  	s6 =	rddreg [dreg:$0x4];
	s14 =	simm.s32 @!p1 $0x1FC8  }
0x25: {  	[tilespmem:s19], [sflag:$0x2] =	stream.linear.gather [hbm4b:s6+s4], $0x2700, $0x38;
	[tilespmem:$0xA710] =	vst v63  }
0x26: {  	[spmem:s20], [sflag:s14] =	dma.local @!p1 [hbm:s11], $0x500  }
0x27: {  	s14 =	simm.s32 @!p1 $0x8  }
0x28: {  	_ =	swait.ge @!p1 [sflag:s14], $0x500  }
0x29: {  	[sflag:s14] =	ssyncset.done @!p1 $0x0  }
0x2a: {  	s16 =	simm.s32 @!p2 $0x1FC8;
	[sflag:s14] =	ssyncadd.s32 @!p1 $0xFFFFFB00;
	s14 =	sshrl.u32 @!p2 s10, $0x3  }
0x2b: {  	[spmem:s14], [sflag:s16] =	dma.local @!p2 [hbm:s12], $0x500  }
0x2c: {  	s14 =	simm.s32 @!p2 $0x8  }
0x2d: {  	_ =	swait.ge @!p2 [sflag:s14], $0x500  }
0x2e: {  	s16 =	sshll.u32 @!p3 s2, $0x6;
	[sflag:s14] =	ssyncset.done @!p2 $0x0  }
0x2f: {  	[sflag:s14] =	ssyncadd.s32 @!p2 $0xFFFFFB00;
	s14 =	sor.u32 @!p3 $0x1C08, s16;
	s16 =	sshrl.u32 @!p3 s7, $0x3  }
0x30: {  	[spmem:s16], [sflag:s14] =	dma.local @!p3 [hbm:s8], $0x4E0  }
0x31: {  	s14 =	simm.s32 @!p3 $0x8  }
0x32: {  	_ =	swait.ge @!p3 [sflag:s14], $0x4E0  }
0x33: {  	s16 =	sshll.u32 @!p4 s2, $0x6;
	[sflag:s14] =	ssyncset.done @!p3 $0x0  }
0x34: {  	[sflag:s14] =	ssyncadd.s32 @!p3 $0xFFFFFB20;
	s14 =	sor.u32 @!p4 $0x1C08, s16;
	s16 =	sshrl.u32 @!p4 s7, $0x3  }
0x35: {  	[spmem:s16], [sflag:s14] =	dma.local @!p4 [hbm:s9], $0x4E0  }
0x36: {  	s14 =	simm.s32 @!p4 $0x8  }
0x37: {  	_ =	swait.ge @!p4 [sflag:s14], $0x4E0  }
0x38: {  	[sflag:s14] =	ssyncset.done @!p4 $0x0  }
0x39: {  	[sflag:s14] =	ssyncadd.s32 @!p4 $0xFFFFFB20  }
0x3a: {  	_ =	swait.ge [sflag:s21], $0x2700  }
0x3b: {  	[sflag:s21] =	ssyncset.done $0x0  }
0x3c: {  	[sflag:s21] =	ssyncadd.s32 $0xFFFFD900  }
0x3d: {  	_ =	swait.ge [sflag:s22], $0x2700  }
0x3e: {  	[sflag:s22] =	ssyncset.done $0x0  }
0x3f: {  	[sflag:s22] =	ssyncadd.s32 $0xFFFFD900  }
0x40: {  	[bflag:$0x0] =	sbarrier.arrive $0xFFFF  }
0x41: {  	[tilespmem:s24], [sflag:$0x1] =	stream.indirect.gather [hbm4b:s1+s23], $0x10, s18, s23, $0xb8;
	[tilespmem:$0xA710] =	vst v63  }
0x42: {  	s14 =	simm.s32 $0x2810  }
0x43: {  	[tilespmem:s26], [sflag:$0x2] =	stream.indirect.gather [hbm4b:s1+s23], $0x10, s14, s23, $0xb8;
	[tilespmem:$0xA710] =	vst v63  }
0x44: {  	_ =	swait.ge [sflag:s21], $0x1000  }
0x45: {  	[sflag:s21] =	ssyncset.done $0x0  }
0x46: {  	[sflag:s21] =	ssyncadd.s32 $0xFFFFF000  }
0x47: {  	[spmem:s3] =	stream.indirect.scatter.add.f32 [tilespmem:s24], [sflag:$0x4], $0x10, s19, s23, $0xb8;
	[tilespmem:$0xA710] =	vst v63  }
0x48: {  	s16 =	simm.s32 $0x2910  }
0x49: {  	[tilespmem:s29], [sflag:$0x3] =	stream.indirect.gather [hbm4b:s1+s23], $0x10, s16, s23, $0xb8;
	[tilespmem:$0xA710] =	vst v63  }
0x4a: {  	_ =	swait.ge [sflag:s22], $0x1000  }
0x4b: {  	[sflag:s22] =	ssyncset.done $0x0  }
0x4c: {  	s25 =	simm.s32 $0x4F10;
	[sflag:s22] =	ssyncadd.s32 $0xFFFFF000  }
0x4d: {  	[spmem:s3] =	stream.indirect.scatter.add.f32 [tilespmem:s26], [sflag:$0x5], $0x10, s25, s23, $0xb8;
	[tilespmem:$0xA710] =	vst v63  }
0x4e: {  	_ =	swait.ge [sflag:s31], $0x1000  }
0x4f: {  	[sflag:s31] =	ssyncset.done $0x0  }
0x50: {  	s14 =	simm.s32 $0x2A10;
	[sflag:s31] =	ssyncadd.s32 $0xFFFFF000  }
0x51: {  	[tilespmem:s24], [sflag:$0x1] =	stream.indirect.gather [hbm4b:s1+s23], $0x10, s14, s23, $0xb8;
	[tilespmem:$0xA710] =	vst v63  }
0x52: {  	_ =	swait.ge [sflag:s13], $0x1000  }
0x53: {  	[sflag:s13] =	ssyncset.done $0x0  }
0x54: {  	s16 =	simm.s32 $0x5010;
	[sflag:s13] =	ssyncadd.s32 $0xFFFFF000  }
0x55: {  	[spmem:s3] =	stream.indirect.scatter.add.f32 [tilespmem:s29], [sflag:$0x6], $0x10, s16, s23, $0xb8;
	[tilespmem:$0xA710] =	vst v63  }
0x56: {  	_ =	swait.ge [sflag:s15], $0x1000  }
0x57: {  	[sflag:s15] =	ssyncset.done $0x0  }
0x58: {  	s25 =	simm.s32 $0x2B10;
	s14 =	simm.s32 $0x0;
	[sflag:s15] =	ssyncadd.s32 $0xFFFFF000  }
0x59: {  	[tilespmem:s26], [sflag:$0x2] =	stream.indirect.gather [hbm4b:s1+s23], $0x10, s25, s23, $0xb8;
	[tilespmem:$0xA710] =	vst v63  }
.LBB2_2:
0x5a: {  	_ =	swait.ge [sflag:s21], $0x1000  }
0x5b: {  	s16 =	sshra.s32 s14, $0x2;
	[sflag:s21] =	ssyncset.done $0x0  }
0x5c: {  	s25 =	sadd.s32 $0x5110, s16;
	[sflag:s21] =	ssyncadd.s32 $0xFFFFF000  }
0x5d: {  	[spmem:s3] =	stream.indirect.scatter.add.f32 [tilespmem:s24], [sflag:$0x4], $0x10, s25, s23, $0xb8;
	[tilespmem:$0xA710] =	vst v63  }
0x5e: {  	_ =	swait.ge [sflag:s28], $0x1000  }
0x5f: {  	[sflag:s28] =	ssyncset.done $0x0  }
0x60: {  	s6 =	sadd.s32 $0x2C10, s16;
	[sflag:s28] =	ssyncadd.s32 $0xFFFFF000  }
0x61: {  	[tilespmem:s29], [sflag:$0x3] =	stream.indirect.gather [hbm4b:s1+s23], $0x10, s6, s23, $0xb8;
	[tilespmem:$0xA710] =	vst v63  }
0x62: {  	_ =	swait.ge [sflag:s22], $0x1000  }
0x63: {  	p6 =	seq.s32 s14, $0x8400;
	[sflag:s22] =	ssyncset.done $0x0  }
.Ltmp2:
0x64: {  	s6 =	sadd.s32 $0x5210, s16;
	[sflag:s22] =	ssyncadd.s32 $0xFFFFF000;
	(pc) =	sbr.rel @p6 .LBB2_4-.Ltmp2, $4  }
0x65: {  	[spmem:s3] =	stream.indirect.scatter.add.f32 [tilespmem:s26], [sflag:$0x5], $0x10, s6, s23, $0xb8;
	[tilespmem:$0xA710] =	vst v63  }
0x66: {  	_ =	swait.ge [sflag:s31], $0x1000  }
0x67: {  	[sflag:s31] =	ssyncset.done $0x0  }
0x68: {  	s25 =	sadd.s32 $0x5310, s16;
	[sflag:s31] =	ssyncadd.s32 $0xFFFFF000  }
0x69: {  	s6 =	sadd.s32 $0x2D10, s16  }
0x6a: {  	[tilespmem:s24], [sflag:$0x1] =	stream.indirect.gather [hbm4b:s1+s23], $0x10, s6, s23, $0xb8;
	[tilespmem:$0xA710] =	vst v63  }
0x6b: {  	_ =	swait.ge [sflag:s13], $0x1000  }
0x6c: {  	[sflag:s13] =	ssyncset.done $0x0  }
0x6d: {  	[sflag:s13] =	ssyncadd.s32 $0xFFFFF000  }
0x6e: {  	[spmem:s3] =	stream.indirect.scatter.add.f32 [tilespmem:s29], [sflag:$0x6], $0x10, s25, s23, $0xb8;
	[tilespmem:$0xA710] =	vst v63  }
.Ltmp3:
0x6f: {  	_ = 	snop;
	(pc) =	sbr.rel .LBB2_2-.Ltmp3, $4  }
0x70: {  	_ =	swait.ge [sflag:s15], $0x1000  }
0x71: {  	[sflag:s15] =	ssyncset.done $0x0  }
0x72: {  	s14 =	sadd.s32 $0xC00, s14;
	s25 =	sadd.s32 $0x2E10, s16;
	[sflag:s15] =	ssyncadd.s32 $0xFFFFF000  }
0x73: {  	[tilespmem:s26], [sflag:$0x2] =	stream.indirect.gather [hbm4b:s1+s23], $0x10, s25, s23, $0xb8;
	[tilespmem:$0xA710] =	vst v63  }
.LBB2_4:
0x74: {  	_ =	swait.ge [sflag:s13], $0x1000  }
0x75: {  	[sflag:s13] =	ssyncset.done $0x0  }
0x76: {  	[sflag:s13] =	ssyncadd.s32 $0xFFFFF000  }
0x77: {  	[spmem:s3] =	stream.indirect.scatter.add.f32 [tilespmem:s29], [sflag:$0x6], $0x10, s25, s23, $0xb8;
	[tilespmem:$0xA710] =	vst v63  }
0x78: {  	_ =	swait.ge [sflag:s15], $0x1000  }
.Ltmp4:
0x79: {  	[sflag:s15] =	ssyncset.done $0x0;
	(pc) =	sbr.rel @p5 .LBB2_6-.Ltmp4, $4  }
0x7a: {  	[sflag:s15] =	ssyncadd.s32 $0xFFFFF000  }
0x7b: {  	_ =	swait.ge [sflag:s28], $0x1000  }
0x7c: {  	[sflag:s28] =	ssyncset.done $0x0  }
0x7d: {  	[sflag:s28] =	ssyncadd.s32 $0xFFFFF000  }
0x7e: {  	s6 =	rddreg [dreg:$0x6];
	s14 =	simm.s32 $0x7510  }
0x7f: {  	[tilespmem:s14], [sflag:$0x8] =	stream.linear.gather [hbm4b:s6+s4], $0x100, $0x38;
	[tilespmem:$0xA710] =	vst v63  }
0x80: {  	_ =	swait.ge [sflag:s0], $0x100  }
0x81: {  	[sflag:s0] =	ssyncset.done $0x0  }
0x82: {  	s16 =	simm.s32 $0x7610;
	s25 =	rddreg [dreg:$0x7];
	[sflag:s0] =	ssyncadd.s32 $0xFFFFFF00  }
0x83: {  	[tilespmem:s16], [sflag:$0x8] =	stream.linear.gather [hbm4b:s25+s4], $0x100, $0x38;
	[tilespmem:$0xA710] =	vst v63  }
0x84: {  	_ =	swait.ge [sflag:s0], $0x100  }
0x85: {  	[sflag:s0] =	ssyncset.done $0x0  }
0x86: {  	s25 =	simm.s32 $0x7;
	[sflag:s0] =	ssyncadd.s32 $0xFFFFFF00  }
0x87: {  	[tilespmem:s24], [sflag:$0x7] =	stream.indirect.gather [hbm4b:s1+s23], $0x10, s14, s23, $0xb8;
	[tilespmem:$0xA710] =	vst v63  }
0x88: {  	_ =	swait.ge [sflag:s25], $0x1000  }
0x89: {  	[sflag:s25] =	ssyncset.done $0x0  }
0x8a: {  	[sflag:s25] =	ssyncadd.s32 $0xFFFFF000  }
0x8b: {  	[spmem:s3] =	stream.indirect.scatter.add.f32 [tilespmem:s24], [sflag:$0x8], $0x10, s16, s23, $0xb8;
	[tilespmem:$0xA710] =	vst v63  }
.Ltmp5:
0x8c: {  	_ =	swait.ge [sflag:s0], $0x1000;
	(pc) =	sbr.rel .LBB2_7-.Ltmp5, $3  }
0x8d: {  	[sflag:s0] =	ssyncset.done $0x0  }
0x8e: {  	[sflag:s0] =	ssyncadd.s32 $0xFFFFF000  }
0x8f: {  	[bflag:$0x0] =	sbarrier.arrive $0xFFFF;
	_ =	sdelay $0x1  }
.LBB2_6:
.Ltmp6:
0x90: {  	(pc) =	sbr.rel @p0 .LBB2_8-.Ltmp6, $2  }
0x91: {  	_ =	sdelay $0x1  }
0x92: {  	[bflag:$0x0] =	sbarrier.arrive $0xFFFF;
	_ =	sdelay $0x1  }
.LBB2_7:
0x93: {  	s6 =	sshll.u32 s2, $0x6;
	s14 =	sshrl.u32 s7, $0x3  }
.Ltmp7:
0x94: {  	s16 =	rddreg [dreg:$0x8];
	s6 =	sor.u32 $0x1C08, s6;
	(pc) =	sbr.rel .LBB2_9-.Ltmp7, $4  }
0x95: {  	[hbm:s16], [sflag:s6] =	dma.local [spmem:s14], $0x4E0  }
0x96: {  	_ =	swait.ge [sflag:s0], $0x4E0  }
0x97: {  	[sflag:s0] =	ssyncset.done $0x0  }
0x98: {  	[sflag:s0] =	ssyncadd.s32 $0xFFFFFB20  }
.LBB2_10:
0x99: {  	_ =	sfence.sel $0x180000  }
0x9a: {  	[bflag:$0x0] =	sbarrier.arrive $0xFFFF  }
0x9b: {  	_ =	strace $0x90000050  }
0x9c: {  	[bflag:$0x2] =	sbarrier.arrive $0xFFFF  }
0x9d: {  	p0 =	sne.s32 s2, $0x0;
	s0 =	rddreg [dreg:$0x3]  }
0x9e: {  	s0 =	sadd.s32 @!p0 $0x100000, s0  }
0x9f: {  	[sflag:s0] =	ssyncadd.tile.s32 @!p0 $0x1;
	_ =	shalt  }
.Lfunc_end2:
_tile_overlayer_lowered:
.L_overlay_start_2:
0xa0: {  	(tag) =	ssettag $0x2  }
0xa1: {  	s0 =	rddreg [dreg:$0x0];
	s2 =	stileid.u32  }
0xa2: {  	s1 =	rddreg [dreg:$0x1];
	p0 =	sne.s32 s2, $0x0  }
0xa3: {  	s3 =	rddreg [dreg:$0x2];
	[bflag:$0x3] =	sbarrier.arrive $0xFFFF;
	s2 =	simm.s32 @!p0 $0x1C08  }
0xa4: {  	[timem:s3], [sflag:s2] =	dma.local @!p0 [hbm:s0], s1  }
0xa5: {  	s0 =	simm.s32 @!p0 $0x8  }
0xa6: {  	_ =	swait.ge @!p0 [sflag:s0], s1  }
0xa7: {  	s1 =	ssub.s32 @!p0 $0x0, s1;
	[sflag:s0] =	ssyncset.done @!p0 $0x0  }
0xa8: {  	[sflag:s0] =	ssyncadd.s32 @!p0 s1  }
0xa9: {  	[bflag:$0x3] =	sbarrier.arrive $0xFFFF  }
0xaa: {  	_ =	shalt  }

</sc_bundles>
